<compile_context>
chip_gen: v7x
topology: tpu7x:2x2x1
jax: 0.10.2.dev20260603
libtpu: 0.0.44.dev20260713+nightly
codegen_flags: <defaults>
</compile_context>

<pallas_src>
import functools

import jax
import jax.numpy as jnp
from jax import lax
from jax.experimental import pallas as pl
from jax.experimental.pallas import tpu as pltpu
from jax.experimental.pallas import tpu_sc as plsc

VOCAB = 1000000
EMBED_DIM = 64
BATCH = 4096
SEQ_LEN = 200

NUM_CORES = 2
NUM_SUBCORES = 16
NW = NUM_CORES * NUM_SUBCORES

TCH = 512
NFULL = VOCAB // TCH
TAILW = VOCAB - NFULL * TCH
BT = BATCH // NW
NUNIT = SEQ_LEN
GN = 4


def _sc_mesh():
    return plsc.VectorSubcoreMesh(
        core_axis_name="c", subcore_axis_name="s",
        num_cores=NUM_CORES, num_subcores=NUM_SUBCORES)


@jax.jit
def _embed(text_t, tab_t, tail_t):
    @functools.partial(
        pl.kernel,
        mesh=_sc_mesh(),
        out_type=jax.ShapeDtypeStruct((VOCAB // 2, 128), jnp.float32),
        scratch_types=[
            pltpu.VMEM((2, EMBED_DIM, TCH), jnp.float32),
            pltpu.VMEM((TCH // 2, 128), jnp.float32),
            pltpu.VMEM((EMBED_DIM, 128), jnp.float32),
            pltpu.SemaphoreType.DMA((2,)),
            pltpu.SemaphoreType.DMA,
        ],
        compiler_params=pltpu.CompilerParams(
            use_tc_tiling_on_sc=True, needs_layout_passes=False),
    )
    def k1(tab_hbm, tail_hbm, out_hbm, tin, tout, ttail, rsem, wsem):
        wid = lax.axis_index("s") * NUM_CORES + lax.axis_index("c")
        nw_chunks = (NFULL - wid + NW - 1) // NW
        iota = lax.iota(jnp.int32, 16)
        NJ = TCH // 16
        pvecs = [lax.shift_right_logical(iota + 16 * j, 1) for j in range(NJ)]
        ovecs = [lax.shift_left(lax.bitwise_and(iota + 16 * j, 1), 6)
                 for j in range(NJ)]

        def lo_of(t):
            return pl.multiple_of((wid + NW * t) * TCH, TCH)

        def read_start(t, h):
            pltpu.async_copy(tab_hbm.at[:, pl.ds(lo_of(t), TCH)],
                             tin.at[h], rsem.at[h])

        def read_wait(h):
            pltpu.make_async_copy(tab_hbm.at[:, pl.ds(0, TCH)],
                                  tin.at[h], rsem.at[h]).wait()

        def write_start(t):
            dst = pl.ds(pl.multiple_of(lo_of(t) // 2, TCH // 2), TCH // 2)
            pltpu.async_copy(tout, out_hbm.at[dst], wsem)

        def write_wait():
            pltpu.make_async_copy(tout, out_hbm.at[pl.ds(0, TCH // 2)],
                                  wsem).wait()

        def transpose(h):
            def jbody(j, carry):
                jb = j * 16
                colv = iota + jb
                pvec = lax.shift_right_logical(colv, 1)
                ovec = lax.shift_left(lax.bitwise_and(colv, 1), 6)
                for db in range(0, EMBED_DIM, 16):
                    vals = [tin[h, db + r, pl.ds(jb, 16)] for r in range(16)]
                    for r in range(16):
                        plsc.store_scatter(tout, [pvec, ovec + (db + r)],
                                           vals[r])
                return carry
            lax.fori_loop(0, NJ, jbody, 0)

        def do_chunk(t, h, first):
            read_wait(h)
            if not first:
                write_wait()
            transpose(h)
            write_start(t)

            @pl.when(t + 2 < nw_chunks)
            def _():
                read_start(t + 2, h)

        read_start(0, 0)
        read_start(1, 1)

        def body(p, carry):
            t0 = 2 * p

            @pl.when(t0 < nw_chunks)
            def _():
                do_chunk(t0, 0, False)

            @pl.when(t0 + 1 < nw_chunks)
            def _():
                do_chunk(t0 + 1, 1, False)

            return carry

        do_chunk(0, 0, True)
        do_chunk(1, 1, False)
        lax.fori_loop(1, (NFULL // NW + 2) // 2, body, 0)
        write_wait()

        @pl.when(wid == 0)
        def _():
            lo = NFULL * TCH
            pltpu.sync_copy(tail_hbm, ttail)

            def tbody(d, carry):
                for j in range(4):
                    v = ttail[d, pl.ds(16 * j, 16)]
                    plsc.store_scatter(tout, [pvecs[j], ovecs[j] + d], v)
                return carry
            lax.fori_loop(0, EMBED_DIM, tbody, 0)
            pltpu.sync_copy(tout.at[pl.ds(0, 32)],
                            out_hbm.at[pl.ds(lo // 2, 32)])

    packed = k1(tab_t, tail_t).reshape(VOCAB, EMBED_DIM)

    @functools.partial(
        pl.kernel,
        mesh=_sc_mesh(),
        out_type=jax.ShapeDtypeStruct((SEQ_LEN, BATCH, EMBED_DIM),
                                      jnp.float32),
        scratch_types=[
            pltpu.VMEM((NUNIT, BT), jnp.int32),
            pltpu.VMEM((GN, BT, EMBED_DIM), jnp.float32),
            pltpu.SemaphoreType.DMA((GN,)),
            pltpu.SemaphoreType.DMA((GN,)),
        ],
        compiler_params=pltpu.CompilerParams(
            use_tc_tiling_on_sc=False, needs_layout_passes=False),
    )
    def k2(text_hbm, tab_hbm, out_hbm, idx_v, grows, gsem, wsem):
        wid = lax.axis_index("s") * NUM_CORES + lax.axis_index("c")
        b0 = wid * BT

        pltpu.sync_copy(text_hbm.at[:, pl.ds(b0, BT)], idx_v)

        def gather_start(u, h):
            pltpu.async_copy(tab_hbm.at[idx_v.at[u]], grows.at[h],
                             gsem.at[h])

        def gather_wait(h):
            pltpu.make_async_copy(tab_hbm.at[idx_v.at[0]], grows.at[h],
                                  gsem.at[h]).wait()

        def write_start(u, h):
            pltpu.async_copy(grows.at[h],
                             out_hbm.at[u, pl.ds(b0, BT)],
                             wsem.at[h])

        def write_wait(h):
            pltpu.make_async_copy(grows.at[h],
                                  out_hbm.at[0, pl.ds(b0, BT)],
                                  wsem.at[h]).wait()

        for h in range(GN):
            gather_start(h, h)

        def body(p, carry):
            for h in range(GN):
                u = GN * p + h
                hp = (h - 1) % GN
                gather_wait(h)

                @pl.when(u >= 1)
                def _():
                    write_wait(hp)

                    @pl.when(u + GN - 1 < NUNIT)
                    def _():
                        gather_start(u + GN - 1, hp)

                write_start(u, h)

            return carry

        lax.fori_loop(0, NUNIT // GN, body, 0)
        write_wait((NUNIT - 1) % GN)

    return k2(text_t, packed)


def kernel(text, table):
    tail_t = jnp.pad(table[VOCAB - TAILW:, :].T, ((0, 0), (0, 128 - TAILW)))
    return _embed(text.T, table.T, tail_t).transpose(1, 0, 2)

# --- scband reference (transcript-rebuilt; emitter-appended) ---
"""Pipeline reference for scband-embedding-18056042512594 (READ-ONLY COPY).

The authoritative reference and input builder live on the scoring server;
editing this copy changes nothing except your own understanding.
"""

import jax, jax.numpy as jnp
import numpy as np

VOCAB = 1000000
EMBED_DIM = 64
BATCH = 4096
SEQ_LEN = 200
PADDING_IDX = 0


def setup_inputs(seed: int = 0) -> dict:
    key = jax.random.key(seed)
    k_idx, k_tab = jax.random.split(key)
    text = jax.random.randint(k_idx, (BATCH, SEQ_LEN), 0, VOCAB, dtype=jnp.int64 if jax.config.jax_enable_x64 else jnp.int32).astype(jnp.int32)
    table = jax.random.normal(k_tab, (VOCAB, EMBED_DIM), dtype=jnp.float32)
    # emulate padding_idx: row at padding_idx is zero (as nn.Embedding.from_pretrained with padding_idx keeps the row but zeroes its grad; here we keep the pretrained row values as-is, matching torch semantics which does NOT zero the row when loading from_pretrained)
    return {"text": text, "table": table}


def reference(text, table):
    # nn.Embedding lookup -> gather rows
    embedded = jnp.take(table, text, axis=0)  # [B, S, D]
    # dropout with p=0.0 in eval/identity -> no-op; .float() -> float32 cast
    return embedded.astype(jnp.float32)

if __name__ == "__main__":
    import jax
    _d = setup_inputs()
    print(jax.jit(kernel)(*tuple(_d.values())))

</pallas_src>

<mosaic_0001>
#map = affine_map<(d0, d1) -> (0, 0)>
module attributes {stable_mosaic.version = 14 : i64} {
  func.func @k1(%arg0: i32, %arg1: i32, %arg2: memref<64x1000000xf32, #tpu.memory_space<hbm>>, %arg3: memref<64x128xf32, #tpu.memory_space<hbm>>, %arg4: memref<500000x128xf32, #tpu.memory_space<hbm>>, %arg5: memref<2x64x512xf32, #tpu.memory_space<vmem>>, %arg6: memref<256x128xf32, #tpu.memory_space<vmem>>, %arg7: memref<64x128xf32, #tpu.memory_space<vmem>>, %arg8: memref<2x!tpu.dma_semaphore, #tpu.memory_space<semaphore_mem>>, %arg9: memref<!tpu.dma_semaphore, #tpu.memory_space<semaphore_mem>>) attributes {dimension_semantics = [#tpu.dimension_semantics<core_parallel>, #tpu.dimension_semantics<subcore_parallel>], iteration_bounds = array<i64: 2, 16>, scalar_prefetch = 0 : i64, scratch_operands = 5 : i64, tpu.core_type = #tpu.core_type<sc_vector_subcore>, window_params = [{transform_indices = #map}, {transform_indices = #map}, {transform_indices = #map}]} {
    %mul3A = arith.constant 2 : i32
    %mul3A_0 = arith.muli %arg1, %mul3A : i32
    %add3A = arith.addi %mul3A_0, %arg0 : i32
    %sub3A = arith.constant 1953 : i32
    %sub3A_1 = arith.subi %sub3A, %add3A : i32
    %add3A_2 = arith.constant 32 : i32
    %add3A_3 = arith.addi %sub3A_1, %add3A_2 : i32
    %sub3A_4 = arith.constant 1 : i32
    %sub3A_5 = arith.subi %add3A_3, %sub3A_4 : i32
    %jit3A = arith.constant 32 : i32
    %div3A = arith.divsi %sub3A_5, %jit3A : i32
    %sign3A = arith.constant 0 : i32
    %sign3A_6 = arith.cmpi sgt, %sub3A_5, %sign3A : i32
    %sign3A_7 = arith.extui %sign3A_6 : i1 to i32
    %sign3A_8 = arith.constant 0 : i32
    %sign3A_9 = arith.cmpi slt, %sub3A_5, %sign3A_8 : i32
    %sign3A_10 = arith.extui %sign3A_9 : i1 to i32
    %sign3A_11 = arith.subi %sign3A_7, %sign3A_10 : i32
    %sign3A_12 = arith.constant 0 : i32
    %sign3A_13 = arith.cmpi sgt, %jit3A, %sign3A_12 : i32
    %sign3A_14 = arith.extui %sign3A_13 : i1 to i32
    %sign3A_15 = arith.constant 0 : i32
    %sign3A_16 = arith.cmpi slt, %jit3A, %sign3A_15 : i32
    %sign3A_17 = arith.extui %sign3A_16 : i1 to i32
    %sign3A_18 = arith.subi %sign3A_14, %sign3A_17 : i32
    %ne3A = arith.cmpi ne, %sign3A_11, %sign3A_18 : i32
    %rem3A = arith.remsi %sub3A_5, %jit3A : i32
    %ne3A_19 = arith.constant 0 : i32
    %ne3A_20 = arith.cmpi ne, %rem3A, %ne3A_19 : i32
    %and3A = arith.andi %ne3A, %ne3A_20 : i1
    %sub3A_21 = arith.constant 1 : i32
    %sub3A_22 = arith.subi %div3A, %sub3A_21 : i32
    %select_n3A = arith.select %and3A, %sub3A_22, %div3A : i32
    %iota3A = tpu.iota {dimensions = array<i32: 0>} : vector<16xi32>
    %add3A_23 = arith.constant 0 : i32
    %add3A_24 = vector.broadcast %add3A_23 : i32 to vector<16xi32>
    %add3A_25 = arith.addi %iota3A, %add3A_24 : vector<16xi32>
    %shift_right_logical3A = arith.constant 1 : i32
    %shift_right_logical3A_26 = vector.broadcast %shift_right_logical3A : i32 to vector<16xi32>
    %shift_right_logical3A_27 = arith.shrui %add3A_25, %shift_right_logical3A_26 : vector<16xi32>
    %add3A_28 = arith.constant 16 : i32
    %add3A_29 = vector.broadcast %add3A_28 : i32 to vector<16xi32>
    %add3A_30 = arith.addi %iota3A, %add3A_29 : vector<16xi32>
    %shift_right_logical3A_31 = arith.constant 1 : i32
    %shift_right_logical3A_32 = vector.broadcast %shift_right_logical3A_31 : i32 to vector<16xi32>
    %shift_right_logical3A_33 = arith.shrui %add3A_30, %shift_right_logical3A_32 : vector<16xi32>
    %add3A_34 = arith.constant 32 : i32
    %add3A_35 = vector.broadcast %add3A_34 : i32 to vector<16xi32>
    %add3A_36 = arith.addi %iota3A, %add3A_35 : vector<16xi32>
    %shift_right_logical3A_37 = arith.constant 1 : i32
    %shift_right_logical3A_38 = vector.broadcast %shift_right_logical3A_37 : i32 to vector<16xi32>
    %shift_right_logical3A_39 = arith.shrui %add3A_36, %shift_right_logical3A_38 : vector<16xi32>
    %add3A_40 = arith.constant 48 : i32
    %add3A_41 = vector.broadcast %add3A_40 : i32 to vector<16xi32>
    %add3A_42 = arith.addi %iota3A, %add3A_41 : vector<16xi32>
    %shift_right_logical3A_43 = arith.constant 1 : i32
    %shift_right_logical3A_44 = vector.broadcast %shift_right_logical3A_43 : i32 to vector<16xi32>
    %shift_right_logical3A_45 = arith.shrui %add3A_42, %shift_right_logical3A_44 : vector<16xi32>
    %add3A_46 = arith.constant 64 : i32
    %add3A_47 = vector.broadcast %add3A_46 : i32 to vector<16xi32>
    %add3A_48 = arith.addi %iota3A, %add3A_47 : vector<16xi32>
    %shift_right_logical3A_49 = arith.constant 1 : i32
    %shift_right_logical3A_50 = vector.broadcast %shift_right_logical3A_49 : i32 to vector<16xi32>
    %shift_right_logical3A_51 = arith.shrui %add3A_48, %shift_right_logical3A_50 : vector<16xi32>
    %add3A_52 = arith.constant 80 : i32
    %add3A_53 = vector.broadcast %add3A_52 : i32 to vector<16xi32>
    %add3A_54 = arith.addi %iota3A, %add3A_53 : vector<16xi32>
    %shift_right_logical3A_55 = arith.constant 1 : i32
    %shift_right_logical3A_56 = vector.broadcast %shift_right_logical3A_55 : i32 to vector<16xi32>
    %shift_right_logical3A_57 = arith.shrui %add3A_54, %shift_right_logical3A_56 : vector<16xi32>
    %add3A_58 = arith.constant 96 : i32
    %add3A_59 = vector.broadcast %add3A_58 : i32 to vector<16xi32>
    %add3A_60 = arith.addi %iota3A, %add3A_59 : vector<16xi32>
    %shift_right_logical3A_61 = arith.constant 1 : i32
    %shift_right_logical3A_62 = vector.broadcast %shift_right_logical3A_61 : i32 to vector<16xi32>
    %shift_right_logical3A_63 = arith.shrui %add3A_60, %shift_right_logical3A_62 : vector<16xi32>
    %add3A_64 = arith.constant 112 : i32
    %add3A_65 = vector.broadcast %add3A_64 : i32 to vector<16xi32>
    %add3A_66 = arith.addi %iota3A, %add3A_65 : vector<16xi32>
    %shift_right_logical3A_67 = arith.constant 1 : i32
    %shift_right_logical3A_68 = vector.broadcast %shift_right_logical3A_67 : i32 to vector<16xi32>
    %shift_right_logical3A_69 = arith.shrui %add3A_66, %shift_right_logical3A_68 : vector<16xi32>
    %add3A_70 = arith.constant 128 : i32
    %add3A_71 = vector.broadcast %add3A_70 : i32 to vector<16xi32>
    %add3A_72 = arith.addi %iota3A, %add3A_71 : vector<16xi32>
    %shift_right_logical3A_73 = arith.constant 1 : i32
    %shift_right_logical3A_74 = vector.broadcast %shift_right_logical3A_73 : i32 to vector<16xi32>
    %shift_right_logical3A_75 = arith.shrui %add3A_72, %shift_right_logical3A_74 : vector<16xi32>
    %add3A_76 = arith.constant 144 : i32
    %add3A_77 = vector.broadcast %add3A_76 : i32 to vector<16xi32>
    %add3A_78 = arith.addi %iota3A, %add3A_77 : vector<16xi32>
    %shift_right_logical3A_79 = arith.constant 1 : i32
    %shift_right_logical3A_80 = vector.broadcast %shift_right_logical3A_79 : i32 to vector<16xi32>
    %shift_right_logical3A_81 = arith.shrui %add3A_78, %shift_right_logical3A_80 : vector<16xi32>
    %add3A_82 = arith.constant 160 : i32
    %add3A_83 = vector.broadcast %add3A_82 : i32 to vector<16xi32>
    %add3A_84 = arith.addi %iota3A, %add3A_83 : vector<16xi32>
    %shift_right_logical3A_85 = arith.constant 1 : i32
    %shift_right_logical3A_86 = vector.broadcast %shift_right_logical3A_85 : i32 to vector<16xi32>
    %shift_right_logical3A_87 = arith.shrui %add3A_84, %shift_right_logical3A_86 : vector<16xi32>
    %add3A_88 = arith.constant 176 : i32
    %add3A_89 = vector.broadcast %add3A_88 : i32 to vector<16xi32>
    %add3A_90 = arith.addi %iota3A, %add3A_89 : vector<16xi32>
    %shift_right_logical3A_91 = arith.constant 1 : i32
    %shift_right_logical3A_92 = vector.broadcast %shift_right_logical3A_91 : i32 to vector<16xi32>
    %shift_right_logical3A_93 = arith.shrui %add3A_90, %shift_right_logical3A_92 : vector<16xi32>
    %add3A_94 = arith.constant 192 : i32
    %add3A_95 = vector.broadcast %add3A_94 : i32 to vector<16xi32>
    %add3A_96 = arith.addi %iota3A, %add3A_95 : vector<16xi32>
    %shift_right_logical3A_97 = arith.constant 1 : i32
    %shift_right_logical3A_98 = vector.broadcast %shift_right_logical3A_97 : i32 to vector<16xi32>
    %shift_right_logical3A_99 = arith.shrui %add3A_96, %shift_right_logical3A_98 : vector<16xi32>
    %add3A_100 = arith.constant 208 : i32
    %add3A_101 = vector.broadcast %add3A_100 : i32 to vector<16xi32>
    %add3A_102 = arith.addi %iota3A, %add3A_101 : vector<16xi32>
    %shift_right_logical3A_103 = arith.constant 1 : i32
    %shift_right_logical3A_104 = vector.broadcast %shift_right_logical3A_103 : i32 to vector<16xi32>
    %shift_right_logical3A_105 = arith.shrui %add3A_102, %shift_right_logical3A_104 : vector<16xi32>
    %add3A_106 = arith.constant 224 : i32
    %add3A_107 = vector.broadcast %add3A_106 : i32 to vector<16xi32>
    %add3A_108 = arith.addi %iota3A, %add3A_107 : vector<16xi32>
    %shift_right_logical3A_109 = arith.constant 1 : i32
    %shift_right_logical3A_110 = vector.broadcast %shift_right_logical3A_109 : i32 to vector<16xi32>
    %shift_right_logical3A_111 = arith.shrui %add3A_108, %shift_right_logical3A_110 : vector<16xi32>
    %add3A_112 = arith.constant 240 : i32
    %add3A_113 = vector.broadcast %add3A_112 : i32 to vector<16xi32>
    %add3A_114 = arith.addi %iota3A, %add3A_113 : vector<16xi32>
    %shift_right_logical3A_115 = arith.constant 1 : i32
    %shift_right_logical3A_116 = vector.broadcast %shift_right_logical3A_115 : i32 to vector<16xi32>
    %shift_right_logical3A_117 = arith.shrui %add3A_114, %shift_right_logical3A_116 : vector<16xi32>
    %add3A_118 = arith.constant 256 : i32
    %add3A_119 = vector.broadcast %add3A_118 : i32 to vector<16xi32>
    %add3A_120 = arith.addi %iota3A, %add3A_119 : vector<16xi32>
    %shift_right_logical3A_121 = arith.constant 1 : i32
    %shift_right_logical3A_122 = vector.broadcast %shift_right_logical3A_121 : i32 to vector<16xi32>
    %shift_right_logical3A_123 = arith.shrui %add3A_120, %shift_right_logical3A_122 : vector<16xi32>
    %add3A_124 = arith.constant 272 : i32
    %add3A_125 = vector.broadcast %add3A_124 : i32 to vector<16xi32>
    %add3A_126 = arith.addi %iota3A, %add3A_125 : vector<16xi32>
    %shift_right_logical3A_127 = arith.constant 1 : i32
    %shift_right_logical3A_128 = vector.broadcast %shift_right_logical3A_127 : i32 to vector<16xi32>
    %shift_right_logical3A_129 = arith.shrui %add3A_126, %shift_right_logical3A_128 : vector<16xi32>
    %add3A_130 = arith.constant 288 : i32
    %add3A_131 = vector.broadcast %add3A_130 : i32 to vector<16xi32>
    %add3A_132 = arith.addi %iota3A, %add3A_131 : vector<16xi32>
    %shift_right_logical3A_133 = arith.constant 1 : i32
    %shift_right_logical3A_134 = vector.broadcast %shift_right_logical3A_133 : i32 to vector<16xi32>
    %shift_right_logical3A_135 = arith.shrui %add3A_132, %shift_right_logical3A_134 : vector<16xi32>
    %add3A_136 = arith.constant 304 : i32
    %add3A_137 = vector.broadcast %add3A_136 : i32 to vector<16xi32>
    %add3A_138 = arith.addi %iota3A, %add3A_137 : vector<16xi32>
    %shift_right_logical3A_139 = arith.constant 1 : i32
    %shift_right_logical3A_140 = vector.broadcast %shift_right_logical3A_139 : i32 to vector<16xi32>
    %shift_right_logical3A_141 = arith.shrui %add3A_138, %shift_right_logical3A_140 : vector<16xi32>
    %add3A_142 = arith.constant 320 : i32
    %add3A_143 = vector.broadcast %add3A_142 : i32 to vector<16xi32>
    %add3A_144 = arith.addi %iota3A, %add3A_143 : vector<16xi32>
    %shift_right_logical3A_145 = arith.constant 1 : i32
    %shift_right_logical3A_146 = vector.broadcast %shift_right_logical3A_145 : i32 to vector<16xi32>
    %shift_right_logical3A_147 = arith.shrui %add3A_144, %shift_right_logical3A_146 : vector<16xi32>
    %add3A_148 = arith.constant 336 : i32
    %add3A_149 = vector.broadcast %add3A_148 : i32 to vector<16xi32>
    %add3A_150 = arith.addi %iota3A, %add3A_149 : vector<16xi32>
    %shift_right_logical3A_151 = arith.constant 1 : i32
    %shift_right_logical3A_152 = vector.broadcast %shift_right_logical3A_151 : i32 to vector<16xi32>
    %shift_right_logical3A_153 = arith.shrui %add3A_150, %shift_right_logical3A_152 : vector<16xi32>
    %add3A_154 = arith.constant 352 : i32
    %add3A_155 = vector.broadcast %add3A_154 : i32 to vector<16xi32>
    %add3A_156 = arith.addi %iota3A, %add3A_155 : vector<16xi32>
    %shift_right_logical3A_157 = arith.constant 1 : i32
    %shift_right_logical3A_158 = vector.broadcast %shift_right_logical3A_157 : i32 to vector<16xi32>
    %shift_right_logical3A_159 = arith.shrui %add3A_156, %shift_right_logical3A_158 : vector<16xi32>
    %add3A_160 = arith.constant 368 : i32
    %add3A_161 = vector.broadcast %add3A_160 : i32 to vector<16xi32>
    %add3A_162 = arith.addi %iota3A, %add3A_161 : vector<16xi32>
    %shift_right_logical3A_163 = arith.constant 1 : i32
    %shift_right_logical3A_164 = vector.broadcast %shift_right_logical3A_163 : i32 to vector<16xi32>
    %shift_right_logical3A_165 = arith.shrui %add3A_162, %shift_right_logical3A_164 : vector<16xi32>
    %add3A_166 = arith.constant 384 : i32
    %add3A_167 = vector.broadcast %add3A_166 : i32 to vector<16xi32>
    %add3A_168 = arith.addi %iota3A, %add3A_167 : vector<16xi32>
    %shift_right_logical3A_169 = arith.constant 1 : i32
    %shift_right_logical3A_170 = vector.broadcast %shift_right_logical3A_169 : i32 to vector<16xi32>
    %shift_right_logical3A_171 = arith.shrui %add3A_168, %shift_right_logical3A_170 : vector<16xi32>
    %add3A_172 = arith.constant 400 : i32
    %add3A_173 = vector.broadcast %add3A_172 : i32 to vector<16xi32>
    %add3A_174 = arith.addi %iota3A, %add3A_173 : vector<16xi32>
    %shift_right_logical3A_175 = arith.constant 1 : i32
    %shift_right_logical3A_176 = vector.broadcast %shift_right_logical3A_175 : i32 to vector<16xi32>
    %shift_right_logical3A_177 = arith.shrui %add3A_174, %shift_right_logical3A_176 : vector<16xi32>
    %add3A_178 = arith.constant 416 : i32
    %add3A_179 = vector.broadcast %add3A_178 : i32 to vector<16xi32>
    %add3A_180 = arith.addi %iota3A, %add3A_179 : vector<16xi32>
    %shift_right_logical3A_181 = arith.constant 1 : i32
    %shift_right_logical3A_182 = vector.broadcast %shift_right_logical3A_181 : i32 to vector<16xi32>
    %shift_right_logical3A_183 = arith.shrui %add3A_180, %shift_right_logical3A_182 : vector<16xi32>
    %add3A_184 = arith.constant 432 : i32
    %add3A_185 = vector.broadcast %add3A_184 : i32 to vector<16xi32>
    %add3A_186 = arith.addi %iota3A, %add3A_185 : vector<16xi32>
    %shift_right_logical3A_187 = arith.constant 1 : i32
    %shift_right_logical3A_188 = vector.broadcast %shift_right_logical3A_187 : i32 to vector<16xi32>
    %shift_right_logical3A_189 = arith.shrui %add3A_186, %shift_right_logical3A_188 : vector<16xi32>
    %add3A_190 = arith.constant 448 : i32
    %add3A_191 = vector.broadcast %add3A_190 : i32 to vector<16xi32>
    %add3A_192 = arith.addi %iota3A, %add3A_191 : vector<16xi32>
    %shift_right_logical3A_193 = arith.constant 1 : i32
    %shift_right_logical3A_194 = vector.broadcast %shift_right_logical3A_193 : i32 to vector<16xi32>
    %shift_right_logical3A_195 = arith.shrui %add3A_192, %shift_right_logical3A_194 : vector<16xi32>
    %add3A_196 = arith.constant 464 : i32
    %add3A_197 = vector.broadcast %add3A_196 : i32 to vector<16xi32>
    %add3A_198 = arith.addi %iota3A, %add3A_197 : vector<16xi32>
    %shift_right_logical3A_199 = arith.constant 1 : i32
    %shift_right_logical3A_200 = vector.broadcast %shift_right_logical3A_199 : i32 to vector<16xi32>
    %shift_right_logical3A_201 = arith.shrui %add3A_198, %shift_right_logical3A_200 : vector<16xi32>
    %add3A_202 = arith.constant 480 : i32
    %add3A_203 = vector.broadcast %add3A_202 : i32 to vector<16xi32>
    %add3A_204 = arith.addi %iota3A, %add3A_203 : vector<16xi32>
    %shift_right_logical3A_205 = arith.constant 1 : i32
    %shift_right_logical3A_206 = vector.broadcast %shift_right_logical3A_205 : i32 to vector<16xi32>
    %shift_right_logical3A_207 = arith.shrui %add3A_204, %shift_right_logical3A_206 : vector<16xi32>
    %add3A_208 = arith.constant 496 : i32
    %add3A_209 = vector.broadcast %add3A_208 : i32 to vector<16xi32>
    %add3A_210 = arith.addi %iota3A, %add3A_209 : vector<16xi32>
    %shift_right_logical3A_211 = arith.constant 1 : i32
    %shift_right_logical3A_212 = vector.broadcast %shift_right_logical3A_211 : i32 to vector<16xi32>
    %shift_right_logical3A_213 = arith.shrui %add3A_210, %shift_right_logical3A_212 : vector<16xi32>
    %add3A_214 = arith.constant 0 : i32
    %add3A_215 = vector.broadcast %add3A_214 : i32 to vector<16xi32>
    %add3A_216 = arith.addi %iota3A, %add3A_215 : vector<16xi32>
    %and3A_217 = arith.constant 1 : i32
    %and3A_218 = vector.broadcast %and3A_217 : i32 to vector<16xi32>
    %and3A_219 = arith.andi %add3A_216, %and3A_218 : vector<16xi32>
    %shift_left3A = arith.constant 6 : i32
    %shift_left3A_220 = vector.broadcast %shift_left3A : i32 to vector<16xi32>
    %shift_left3A_221 = arith.shli %and3A_219, %shift_left3A_220 : vector<16xi32>
    %add3A_222 = arith.constant 16 : i32
    %add3A_223 = vector.broadcast %add3A_222 : i32 to vector<16xi32>
    %add3A_224 = arith.addi %iota3A, %add3A_223 : vector<16xi32>
    %and3A_225 = arith.constant 1 : i32
    %and3A_226 = vector.broadcast %and3A_225 : i32 to vector<16xi32>
    %and3A_227 = arith.andi %add3A_224, %and3A_226 : vector<16xi32>
    %shift_left3A_228 = arith.constant 6 : i32
    %shift_left3A_229 = vector.broadcast %shift_left3A_228 : i32 to vector<16xi32>
    %shift_left3A_230 = arith.shli %and3A_227, %shift_left3A_229 : vector<16xi32>
    %add3A_231 = arith.constant 32 : i32
    %add3A_232 = vector.broadcast %add3A_231 : i32 to vector<16xi32>
    %add3A_233 = arith.addi %iota3A, %add3A_232 : vector<16xi32>
    %and3A_234 = arith.constant 1 : i32
    %and3A_235 = vector.broadcast %and3A_234 : i32 to vector<16xi32>
    %and3A_236 = arith.andi %add3A_233, %and3A_235 : vector<16xi32>
    %shift_left3A_237 = arith.constant 6 : i32
    %shift_left3A_238 = vector.broadcast %shift_left3A_237 : i32 to vector<16xi32>
    %shift_left3A_239 = arith.shli %and3A_236, %shift_left3A_238 : vector<16xi32>
    %add3A_240 = arith.constant 48 : i32
    %add3A_241 = vector.broadcast %add3A_240 : i32 to vector<16xi32>
    %add3A_242 = arith.addi %iota3A, %add3A_241 : vector<16xi32>
    %and3A_243 = arith.constant 1 : i32
    %and3A_244 = vector.broadcast %and3A_243 : i32 to vector<16xi32>
    %and3A_245 = arith.andi %add3A_242, %and3A_244 : vector<16xi32>
    %shift_left3A_246 = arith.constant 6 : i32
    %shift_left3A_247 = vector.broadcast %shift_left3A_246 : i32 to vector<16xi32>
    %shift_left3A_248 = arith.shli %and3A_245, %shift_left3A_247 : vector<16xi32>
    %add3A_249 = arith.constant 64 : i32
    %add3A_250 = vector.broadcast %add3A_249 : i32 to vector<16xi32>
    %add3A_251 = arith.addi %iota3A, %add3A_250 : vector<16xi32>
    %and3A_252 = arith.constant 1 : i32
    %and3A_253 = vector.broadcast %and3A_252 : i32 to vector<16xi32>
    %and3A_254 = arith.andi %add3A_251, %and3A_253 : vector<16xi32>
    %shift_left3A_255 = arith.constant 6 : i32
    %shift_left3A_256 = vector.broadcast %shift_left3A_255 : i32 to vector<16xi32>
    %shift_left3A_257 = arith.shli %and3A_254, %shift_left3A_256 : vector<16xi32>
    %add3A_258 = arith.constant 80 : i32
    %add3A_259 = vector.broadcast %add3A_258 : i32 to vector<16xi32>
    %add3A_260 = arith.addi %iota3A, %add3A_259 : vector<16xi32>
    %and3A_261 = arith.constant 1 : i32
    %and3A_262 = vector.broadcast %and3A_261 : i32 to vector<16xi32>
    %and3A_263 = arith.andi %add3A_260, %and3A_262 : vector<16xi32>
    %shift_left3A_264 = arith.constant 6 : i32
    %shift_left3A_265 = vector.broadcast %shift_left3A_264 : i32 to vector<16xi32>
    %shift_left3A_266 = arith.shli %and3A_263, %shift_left3A_265 : vector<16xi32>
    %add3A_267 = arith.constant 96 : i32
    %add3A_268 = vector.broadcast %add3A_267 : i32 to vector<16xi32>
    %add3A_269 = arith.addi %iota3A, %add3A_268 : vector<16xi32>
    %and3A_270 = arith.constant 1 : i32
    %and3A_271 = vector.broadcast %and3A_270 : i32 to vector<16xi32>
    %and3A_272 = arith.andi %add3A_269, %and3A_271 : vector<16xi32>
    %shift_left3A_273 = arith.constant 6 : i32
    %shift_left3A_274 = vector.broadcast %shift_left3A_273 : i32 to vector<16xi32>
    %shift_left3A_275 = arith.shli %and3A_272, %shift_left3A_274 : vector<16xi32>
    %add3A_276 = arith.constant 112 : i32
    %add3A_277 = vector.broadcast %add3A_276 : i32 to vector<16xi32>
    %add3A_278 = arith.addi %iota3A, %add3A_277 : vector<16xi32>
    %and3A_279 = arith.constant 1 : i32
    %and3A_280 = vector.broadcast %and3A_279 : i32 to vector<16xi32>
    %and3A_281 = arith.andi %add3A_278, %and3A_280 : vector<16xi32>
    %shift_left3A_282 = arith.constant 6 : i32
    %shift_left3A_283 = vector.broadcast %shift_left3A_282 : i32 to vector<16xi32>
    %shift_left3A_284 = arith.shli %and3A_281, %shift_left3A_283 : vector<16xi32>
    %add3A_285 = arith.constant 128 : i32
    %add3A_286 = vector.broadcast %add3A_285 : i32 to vector<16xi32>
    %add3A_287 = arith.addi %iota3A, %add3A_286 : vector<16xi32>
    %and3A_288 = arith.constant 1 : i32
    %and3A_289 = vector.broadcast %and3A_288 : i32 to vector<16xi32>
    %and3A_290 = arith.andi %add3A_287, %and3A_289 : vector<16xi32>
    %shift_left3A_291 = arith.constant 6 : i32
    %shift_left3A_292 = vector.broadcast %shift_left3A_291 : i32 to vector<16xi32>
    %shift_left3A_293 = arith.shli %and3A_290, %shift_left3A_292 : vector<16xi32>
    %add3A_294 = arith.constant 144 : i32
    %add3A_295 = vector.broadcast %add3A_294 : i32 to vector<16xi32>
    %add3A_296 = arith.addi %iota3A, %add3A_295 : vector<16xi32>
    %and3A_297 = arith.constant 1 : i32
    %and3A_298 = vector.broadcast %and3A_297 : i32 to vector<16xi32>
    %and3A_299 = arith.andi %add3A_296, %and3A_298 : vector<16xi32>
    %shift_left3A_300 = arith.constant 6 : i32
    %shift_left3A_301 = vector.broadcast %shift_left3A_300 : i32 to vector<16xi32>
    %shift_left3A_302 = arith.shli %and3A_299, %shift_left3A_301 : vector<16xi32>
    %add3A_303 = arith.constant 160 : i32
    %add3A_304 = vector.broadcast %add3A_303 : i32 to vector<16xi32>
    %add3A_305 = arith.addi %iota3A, %add3A_304 : vector<16xi32>
    %and3A_306 = arith.constant 1 : i32
    %and3A_307 = vector.broadcast %and3A_306 : i32 to vector<16xi32>
    %and3A_308 = arith.andi %add3A_305, %and3A_307 : vector<16xi32>
    %shift_left3A_309 = arith.constant 6 : i32
    %shift_left3A_310 = vector.broadcast %shift_left3A_309 : i32 to vector<16xi32>
    %shift_left3A_311 = arith.shli %and3A_308, %shift_left3A_310 : vector<16xi32>
    %add3A_312 = arith.constant 176 : i32
    %add3A_313 = vector.broadcast %add3A_312 : i32 to vector<16xi32>
    %add3A_314 = arith.addi %iota3A, %add3A_313 : vector<16xi32>
    %and3A_315 = arith.constant 1 : i32
    %and3A_316 = vector.broadcast %and3A_315 : i32 to vector<16xi32>
    %and3A_317 = arith.andi %add3A_314, %and3A_316 : vector<16xi32>
    %shift_left3A_318 = arith.constant 6 : i32
    %shift_left3A_319 = vector.broadcast %shift_left3A_318 : i32 to vector<16xi32>
    %shift_left3A_320 = arith.shli %and3A_317, %shift_left3A_319 : vector<16xi32>
    %add3A_321 = arith.constant 192 : i32
    %add3A_322 = vector.broadcast %add3A_321 : i32 to vector<16xi32>
    %add3A_323 = arith.addi %iota3A, %add3A_322 : vector<16xi32>
    %and3A_324 = arith.constant 1 : i32
    %and3A_325 = vector.broadcast %and3A_324 : i32 to vector<16xi32>
    %and3A_326 = arith.andi %add3A_323, %and3A_325 : vector<16xi32>
    %shift_left3A_327 = arith.constant 6 : i32
    %shift_left3A_328 = vector.broadcast %shift_left3A_327 : i32 to vector<16xi32>
    %shift_left3A_329 = arith.shli %and3A_326, %shift_left3A_328 : vector<16xi32>
    %add3A_330 = arith.constant 208 : i32
    %add3A_331 = vector.broadcast %add3A_330 : i32 to vector<16xi32>
    %add3A_332 = arith.addi %iota3A, %add3A_331 : vector<16xi32>
    %and3A_333 = arith.constant 1 : i32
    %and3A_334 = vector.broadcast %and3A_333 : i32 to vector<16xi32>
    %and3A_335 = arith.andi %add3A_332, %and3A_334 : vector<16xi32>
    %shift_left3A_336 = arith.constant 6 : i32
    %shift_left3A_337 = vector.broadcast %shift_left3A_336 : i32 to vector<16xi32>
    %shift_left3A_338 = arith.shli %and3A_335, %shift_left3A_337 : vector<16xi32>
    %add3A_339 = arith.constant 224 : i32
    %add3A_340 = vector.broadcast %add3A_339 : i32 to vector<16xi32>
    %add3A_341 = arith.addi %iota3A, %add3A_340 : vector<16xi32>
    %and3A_342 = arith.constant 1 : i32
    %and3A_343 = vector.broadcast %and3A_342 : i32 to vector<16xi32>
    %and3A_344 = arith.andi %add3A_341, %and3A_343 : vector<16xi32>
    %shift_left3A_345 = arith.constant 6 : i32
    %shift_left3A_346 = vector.broadcast %shift_left3A_345 : i32 to vector<16xi32>
    %shift_left3A_347 = arith.shli %and3A_344, %shift_left3A_346 : vector<16xi32>
    %add3A_348 = arith.constant 240 : i32
    %add3A_349 = vector.broadcast %add3A_348 : i32 to vector<16xi32>
    %add3A_350 = arith.addi %iota3A, %add3A_349 : vector<16xi32>
    %and3A_351 = arith.constant 1 : i32
    %and3A_352 = vector.broadcast %and3A_351 : i32 to vector<16xi32>
    %and3A_353 = arith.andi %add3A_350, %and3A_352 : vector<16xi32>
    %shift_left3A_354 = arith.constant 6 : i32
    %shift_left3A_355 = vector.broadcast %shift_left3A_354 : i32 to vector<16xi32>
    %shift_left3A_356 = arith.shli %and3A_353, %shift_left3A_355 : vector<16xi32>
    %add3A_357 = arith.constant 256 : i32
    %add3A_358 = vector.broadcast %add3A_357 : i32 to vector<16xi32>
    %add3A_359 = arith.addi %iota3A, %add3A_358 : vector<16xi32>
    %and3A_360 = arith.constant 1 : i32
    %and3A_361 = vector.broadcast %and3A_360 : i32 to vector<16xi32>
    %and3A_362 = arith.andi %add3A_359, %and3A_361 : vector<16xi32>
    %shift_left3A_363 = arith.constant 6 : i32
    %shift_left3A_364 = vector.broadcast %shift_left3A_363 : i32 to vector<16xi32>
    %shift_left3A_365 = arith.shli %and3A_362, %shift_left3A_364 : vector<16xi32>
    %add3A_366 = arith.constant 272 : i32
    %add3A_367 = vector.broadcast %add3A_366 : i32 to vector<16xi32>
    %add3A_368 = arith.addi %iota3A, %add3A_367 : vector<16xi32>
    %and3A_369 = arith.constant 1 : i32
    %and3A_370 = vector.broadcast %and3A_369 : i32 to vector<16xi32>
    %and3A_371 = arith.andi %add3A_368, %and3A_370 : vector<16xi32>
    %shift_left3A_372 = arith.constant 6 : i32
    %shift_left3A_373 = vector.broadcast %shift_left3A_372 : i32 to vector<16xi32>
    %shift_left3A_374 = arith.shli %and3A_371, %shift_left3A_373 : vector<16xi32>
    %add3A_375 = arith.constant 288 : i32
    %add3A_376 = vector.broadcast %add3A_375 : i32 to vector<16xi32>
    %add3A_377 = arith.addi %iota3A, %add3A_376 : vector<16xi32>
    %and3A_378 = arith.constant 1 : i32
    %and3A_379 = vector.broadcast %and3A_378 : i32 to vector<16xi32>
    %and3A_380 = arith.andi %add3A_377, %and3A_379 : vector<16xi32>
    %shift_left3A_381 = arith.constant 6 : i32
    %shift_left3A_382 = vector.broadcast %shift_left3A_381 : i32 to vector<16xi32>
    %shift_left3A_383 = arith.shli %and3A_380, %shift_left3A_382 : vector<16xi32>
    %add3A_384 = arith.constant 304 : i32
    %add3A_385 = vector.broadcast %add3A_384 : i32 to vector<16xi32>
    %add3A_386 = arith.addi %iota3A, %add3A_385 : vector<16xi32>
    %and3A_387 = arith.constant 1 : i32
    %and3A_388 = vector.broadcast %and3A_387 : i32 to vector<16xi32>
    %and3A_389 = arith.andi %add3A_386, %and3A_388 : vector<16xi32>
    %shift_left3A_390 = arith.constant 6 : i32
    %shift_left3A_391 = vector.broadcast %shift_left3A_390 : i32 to vector<16xi32>
    %shift_left3A_392 = arith.shli %and3A_389, %shift_left3A_391 : vector<16xi32>
    %add3A_393 = arith.constant 320 : i32
    %add3A_394 = vector.broadcast %add3A_393 : i32 to vector<16xi32>
    %add3A_395 = arith.addi %iota3A, %add3A_394 : vector<16xi32>
    %and3A_396 = arith.constant 1 : i32
    %and3A_397 = vector.broadcast %and3A_396 : i32 to vector<16xi32>
    %and3A_398 = arith.andi %add3A_395, %and3A_397 : vector<16xi32>
    %shift_left3A_399 = arith.constant 6 : i32
    %shift_left3A_400 = vector.broadcast %shift_left3A_399 : i32 to vector<16xi32>
    %shift_left3A_401 = arith.shli %and3A_398, %shift_left3A_400 : vector<16xi32>
    %add3A_402 = arith.constant 336 : i32
    %add3A_403 = vector.broadcast %add3A_402 : i32 to vector<16xi32>
    %add3A_404 = arith.addi %iota3A, %add3A_403 : vector<16xi32>
    %and3A_405 = arith.constant 1 : i32
    %and3A_406 = vector.broadcast %and3A_405 : i32 to vector<16xi32>
    %and3A_407 = arith.andi %add3A_404, %and3A_406 : vector<16xi32>
    %shift_left3A_408 = arith.constant 6 : i32
    %shift_left3A_409 = vector.broadcast %shift_left3A_408 : i32 to vector<16xi32>
    %shift_left3A_410 = arith.shli %and3A_407, %shift_left3A_409 : vector<16xi32>
    %add3A_411 = arith.constant 352 : i32
    %add3A_412 = vector.broadcast %add3A_411 : i32 to vector<16xi32>
    %add3A_413 = arith.addi %iota3A, %add3A_412 : vector<16xi32>
    %and3A_414 = arith.constant 1 : i32
    %and3A_415 = vector.broadcast %and3A_414 : i32 to vector<16xi32>
    %and3A_416 = arith.andi %add3A_413, %and3A_415 : vector<16xi32>
    %shift_left3A_417 = arith.constant 6 : i32
    %shift_left3A_418 = vector.broadcast %shift_left3A_417 : i32 to vector<16xi32>
    %shift_left3A_419 = arith.shli %and3A_416, %shift_left3A_418 : vector<16xi32>
    %add3A_420 = arith.constant 368 : i32
    %add3A_421 = vector.broadcast %add3A_420 : i32 to vector<16xi32>
    %add3A_422 = arith.addi %iota3A, %add3A_421 : vector<16xi32>
    %and3A_423 = arith.constant 1 : i32
    %and3A_424 = vector.broadcast %and3A_423 : i32 to vector<16xi32>
    %and3A_425 = arith.andi %add3A_422, %and3A_424 : vector<16xi32>
    %shift_left3A_426 = arith.constant 6 : i32
    %shift_left3A_427 = vector.broadcast %shift_left3A_426 : i32 to vector<16xi32>
    %shift_left3A_428 = arith.shli %and3A_425, %shift_left3A_427 : vector<16xi32>
    %add3A_429 = arith.constant 384 : i32
    %add3A_430 = vector.broadcast %add3A_429 : i32 to vector<16xi32>
    %add3A_431 = arith.addi %iota3A, %add3A_430 : vector<16xi32>
    %and3A_432 = arith.constant 1 : i32
    %and3A_433 = vector.broadcast %and3A_432 : i32 to vector<16xi32>
    %and3A_434 = arith.andi %add3A_431, %and3A_433 : vector<16xi32>
    %shift_left3A_435 = arith.constant 6 : i32
    %shift_left3A_436 = vector.broadcast %shift_left3A_435 : i32 to vector<16xi32>
    %shift_left3A_437 = arith.shli %and3A_434, %shift_left3A_436 : vector<16xi32>
    %add3A_438 = arith.constant 400 : i32
    %add3A_439 = vector.broadcast %add3A_438 : i32 to vector<16xi32>
    %add3A_440 = arith.addi %iota3A, %add3A_439 : vector<16xi32>
    %and3A_441 = arith.constant 1 : i32
    %and3A_442 = vector.broadcast %and3A_441 : i32 to vector<16xi32>
    %and3A_443 = arith.andi %add3A_440, %and3A_442 : vector<16xi32>
    %shift_left3A_444 = arith.constant 6 : i32
    %shift_left3A_445 = vector.broadcast %shift_left3A_444 : i32 to vector<16xi32>
    %shift_left3A_446 = arith.shli %and3A_443, %shift_left3A_445 : vector<16xi32>
    %add3A_447 = arith.constant 416 : i32
    %add3A_448 = vector.broadcast %add3A_447 : i32 to vector<16xi32>
    %add3A_449 = arith.addi %iota3A, %add3A_448 : vector<16xi32>
    %and3A_450 = arith.constant 1 : i32
    %and3A_451 = vector.broadcast %and3A_450 : i32 to vector<16xi32>
    %and3A_452 = arith.andi %add3A_449, %and3A_451 : vector<16xi32>
    %shift_left3A_453 = arith.constant 6 : i32
    %shift_left3A_454 = vector.broadcast %shift_left3A_453 : i32 to vector<16xi32>
    %shift_left3A_455 = arith.shli %and3A_452, %shift_left3A_454 : vector<16xi32>
    %add3A_456 = arith.constant 432 : i32
    %add3A_457 = vector.broadcast %add3A_456 : i32 to vector<16xi32>
    %add3A_458 = arith.addi %iota3A, %add3A_457 : vector<16xi32>
    %and3A_459 = arith.constant 1 : i32
    %and3A_460 = vector.broadcast %and3A_459 : i32 to vector<16xi32>
    %and3A_461 = arith.andi %add3A_458, %and3A_460 : vector<16xi32>
    %shift_left3A_462 = arith.constant 6 : i32
    %shift_left3A_463 = vector.broadcast %shift_left3A_462 : i32 to vector<16xi32>
    %shift_left3A_464 = arith.shli %and3A_461, %shift_left3A_463 : vector<16xi32>
    %add3A_465 = arith.constant 448 : i32
    %add3A_466 = vector.broadcast %add3A_465 : i32 to vector<16xi32>
    %add3A_467 = arith.addi %iota3A, %add3A_466 : vector<16xi32>
    %and3A_468 = arith.constant 1 : i32
    %and3A_469 = vector.broadcast %and3A_468 : i32 to vector<16xi32>
    %and3A_470 = arith.andi %add3A_467, %and3A_469 : vector<16xi32>
    %shift_left3A_471 = arith.constant 6 : i32
    %shift_left3A_472 = vector.broadcast %shift_left3A_471 : i32 to vector<16xi32>
    %shift_left3A_473 = arith.shli %and3A_470, %shift_left3A_472 : vector<16xi32>
    %add3A_474 = arith.constant 464 : i32
    %add3A_475 = vector.broadcast %add3A_474 : i32 to vector<16xi32>
    %add3A_476 = arith.addi %iota3A, %add3A_475 : vector<16xi32>
    %and3A_477 = arith.constant 1 : i32
    %and3A_478 = vector.broadcast %and3A_477 : i32 to vector<16xi32>
    %and3A_479 = arith.andi %add3A_476, %and3A_478 : vector<16xi32>
    %shift_left3A_480 = arith.constant 6 : i32
    %shift_left3A_481 = vector.broadcast %shift_left3A_480 : i32 to vector<16xi32>
    %shift_left3A_482 = arith.shli %and3A_479, %shift_left3A_481 : vector<16xi32>
    %add3A_483 = arith.constant 480 : i32
    %add3A_484 = vector.broadcast %add3A_483 : i32 to vector<16xi32>
    %add3A_485 = arith.addi %iota3A, %add3A_484 : vector<16xi32>
    %and3A_486 = arith.constant 1 : i32
    %and3A_487 = vector.broadcast %and3A_486 : i32 to vector<16xi32>
    %and3A_488 = arith.andi %add3A_485, %and3A_487 : vector<16xi32>
    %shift_left3A_489 = arith.constant 6 : i32
    %shift_left3A_490 = vector.broadcast %shift_left3A_489 : i32 to vector<16xi32>
    %shift_left3A_491 = arith.shli %and3A_488, %shift_left3A_490 : vector<16xi32>
    %add3A_492 = arith.constant 496 : i32
    %add3A_493 = vector.broadcast %add3A_492 : i32 to vector<16xi32>
    %add3A_494 = arith.addi %iota3A, %add3A_493 : vector<16xi32>
    %and3A_495 = arith.constant 1 : i32
    %and3A_496 = vector.broadcast %and3A_495 : i32 to vector<16xi32>
    %and3A_497 = arith.andi %add3A_494, %and3A_496 : vector<16xi32>
    %shift_left3A_498 = arith.constant 6 : i32
    %shift_left3A_499 = vector.broadcast %shift_left3A_498 : i32 to vector<16xi32>
    %shift_left3A_500 = arith.shli %and3A_497, %shift_left3A_499 : vector<16xi32>
    %add3A_501 = arith.constant 0 : i32
    %add3A_502 = arith.addi %add3A, %add3A_501 : i32
    %mul3A_503 = arith.constant 512 : i32
    %mul3A_504 = arith.muli %add3A_502, %mul3A_503 : i32
    %multiple_of3A = tpu.assume_multiple %mul3A_504, 512 : i32
    %dma_start3A = arith.constant 0 : i32
    %dma_start3A_505 = arith.constant 0 : i32
    %dma_start3A_506 = arith.constant 0 : i32
    %dma_start3A_507 = arith.constant 0 : i32
    %dma_start3A_508 = tpu.memref_slice %arg5[%dma_start3A, %dma_start3A_506, %dma_start3A_507] : memref<2x64x512xf32, #tpu.memory_space<vmem>> -> memref<1x64x512xf32, #tpu.memory_space<vmem>>
    %dma_start3A_509 = tpu.memref_squeeze %dma_start3A_508 : memref<1x64x512xf32, #tpu.memory_space<vmem>> -> memref<64x512xf32, #tpu.memory_space<vmem>>
    %dma_start3A_510 = arith.constant 0 : i32
    %dma_start3A_511 = tpu.memref_slice %arg2[%dma_start3A_510, %multiple_of3A] : memref<64x1000000xf32, #tpu.memory_space<hbm>> -> memref<64x512xf32, #tpu.memory_space<hbm>>
    %dma_start3A_512 = tpu.memref_slice %arg8[%dma_start3A_505] : memref<2x!tpu.dma_semaphore, #tpu.memory_space<semaphore_mem>> -> memref<1x!tpu.dma_semaphore, #tpu.memory_space<semaphore_mem>>
    %dma_start3A_513 = tpu.memref_squeeze %dma_start3A_512 : memref<1x!tpu.dma_semaphore, #tpu.memory_space<semaphore_mem>> -> memref<!tpu.dma_semaphore, #tpu.memory_space<semaphore_mem>>
    %dma_start3A_514 = arith.constant 0 : i32
    %dma_start3A_515 = arith.constant 0 : i32
    %dma_start3A_516 = tpu.memref_slice %arg5[%dma_start3A, %dma_start3A_514, %dma_start3A_515] : memref<2x64x512xf32, #tpu.memory_space<vmem>> -> memref<1x64x512xf32, #tpu.memory_space<vmem>>
    %dma_start3A_517 = tpu.memref_squeeze %dma_start3A_516 : memref<1x64x512xf32, #tpu.memory_space<vmem>> -> memref<64x512xf32, #tpu.memory_space<vmem>>
    %dma_start3A_518 = arith.constant 0 : i32
    %dma_start3A_519 = tpu.memref_slice %arg2[%dma_start3A_518, %multiple_of3A] : memref<64x1000000xf32, #tpu.memory_space<hbm>> -> memref<64x512xf32, #tpu.memory_space<hbm>>
    tpu.enqueue_dma source(%dma_start3A_519 : memref<64x512xf32, #tpu.memory_space<hbm>>) target(%dma_start3A_517 : memref<64x512xf32, #tpu.memory_space<vmem>>) target_semaphore(%dma_start3A_513 : memref<!tpu.dma_semaphore, #tpu.memory_space<semaphore_mem>>)
    %add3A_520 = arith.constant 32 : i32
    %add3A_521 = arith.addi %add3A, %add3A_520 : i32
    %mul3A_522 = arith.constant 512 : i32
    %mul3A_523 = arith.muli %add3A_521, %mul3A_522 : i32
    %multiple_of3A_524 = tpu.assume_multiple %mul3A_523, 512 : i32
    %dma_start3A_525 = arith.constant 1 : i32
    %dma_start3A_526 = arith.constant 1 : i32
    %dma_start3A_527 = arith.constant 0 : i32
    %dma_start3A_528 = arith.constant 0 : i32
    %dma_start3A_529 = tpu.memref_slice %arg5[%dma_start3A_525, %dma_start3A_527, %dma_start3A_528] : memref<2x64x512xf32, #tpu.memory_space<vmem>> -> memref<1x64x512xf32, #tpu.memory_space<vmem>>
    %dma_start3A_530 = tpu.memref_squeeze %dma_start3A_529 : memref<1x64x512xf32, #tpu.memory_space<vmem>> -> memref<64x512xf32, #tpu.memory_space<vmem>>
    %dma_start3A_531 = arith.constant 0 : i32
    %dma_start3A_532 = tpu.memref_slice %arg2[%dma_start3A_531, %multiple_of3A_524] : memref<64x1000000xf32, #tpu.memory_space<hbm>> -> memref<64x512xf32, #tpu.memory_space<hbm>>
    %dma_start3A_533 = tpu.memref_slice %arg8[%dma_start3A_526] : memref<2x!tpu.dma_semaphore, #tpu.memory_space<semaphore_mem>> -> memref<1x!tpu.dma_semaphore, #tpu.memory_space<semaphore_mem>>
    %dma_start3A_534 = tpu.memref_squeeze %dma_start3A_533 : memref<1x!tpu.dma_semaphore, #tpu.memory_space<semaphore_mem>> -> memref<!tpu.dma_semaphore, #tpu.memory_space<semaphore_mem>>
    %dma_start3A_535 = arith.constant 0 : i32
    %dma_start3A_536 = arith.constant 0 : i32
    %dma_start3A_537 = tpu.memref_slice %arg5[%dma_start3A_525, %dma_start3A_535, %dma_start3A_536] : memref<2x64x512xf32, #tpu.memory_space<vmem>> -> memref<1x64x512xf32, #tpu.memory_space<vmem>>
    %dma_start3A_538 = tpu.memref_squeeze %dma_start3A_537 : memref<1x64x512xf32, #tpu.memory_space<vmem>> -> memref<64x512xf32, #tpu.memory_space<vmem>>
    %dma_start3A_539 = arith.constant 0 : i32
    %dma_start3A_540 = tpu.memref_slice %arg2[%dma_start3A_539, %multiple_of3A_524] : memref<64x1000000xf32, #tpu.memory_space<hbm>> -> memref<64x512xf32, #tpu.memory_space<hbm>>
    tpu.enqueue_dma source(%dma_start3A_540 : memref<64x512xf32, #tpu.memory_space<hbm>>) target(%dma_start3A_538 : memref<64x512xf32, #tpu.memory_space<vmem>>) target_semaphore(%dma_start3A_534 : memref<!tpu.dma_semaphore, #tpu.memory_space<semaphore_mem>>)
    %dma_wait3A = arith.constant 0 : i32
    %dma_wait3A_541 = arith.constant 0 : i32
    %dma_wait3A_542 = arith.constant 0 : i32
    %dma_wait3A_543 = arith.constant 0 : i32
    %dma_wait3A_544 = tpu.memref_slice %arg5[%dma_wait3A, %dma_wait3A_542, %dma_wait3A_543] : memref<2x64x512xf32, #tpu.memory_space<vmem>> -> memref<1x64x512xf32, #tpu.memory_space<vmem>>
    %dma_wait3A_545 = tpu.memref_squeeze %dma_wait3A_544 : memref<1x64x512xf32, #tpu.memory_space<vmem>> -> memref<64x512xf32, #tpu.memory_space<vmem>>
    %dma_wait3A_546 = arith.constant 0 : i32
    %dma_wait3A_547 = arith.constant 0 : i32
    %dma_wait3A_548 = tpu.memref_slice %arg2[%dma_wait3A_546, %dma_wait3A_547] : memref<64x1000000xf32, #tpu.memory_space<hbm>> -> memref<64x512xf32, #tpu.memory_space<hbm>>
    %dma_wait3A_549 = tpu.memref_slice %arg8[%dma_wait3A_541] : memref<2x!tpu.dma_semaphore, #tpu.memory_space<semaphore_mem>> -> memref<1x!tpu.dma_semaphore, #tpu.memory_space<semaphore_mem>>
    %dma_wait3A_550 = tpu.memref_squeeze %dma_wait3A_549 : memref<1x!tpu.dma_semaphore, #tpu.memory_space<semaphore_mem>> -> memref<!tpu.dma_semaphore, #tpu.memory_space<semaphore_mem>>
    %dma_wait3A_551 = arith.constant 0 : i32
    %dma_wait3A_552 = arith.constant 0 : i32
    %dma_wait3A_553 = tpu.memref_slice %arg5[%dma_wait3A, %dma_wait3A_551, %dma_wait3A_552] : memref<2x64x512xf32, #tpu.memory_space<vmem>> -> memref<1x64x512xf32, #tpu.memory_space<vmem>>
    %dma_wait3A_554 = tpu.memref_squeeze %dma_wait3A_553 : memref<1x64x512xf32, #tpu.memory_space<vmem>> -> memref<64x512xf32, #tpu.memory_space<vmem>>
    %dma_wait3A_555 = arith.constant 0 : i32
    %dma_wait3A_556 = arith.constant 0 : i32
    %dma_wait3A_557 = tpu.memref_slice %arg2[%dma_wait3A_555, %dma_wait3A_556] : memref<64x1000000xf32, #tpu.memory_space<hbm>> -> memref<64x512xf32, #tpu.memory_space<hbm>>
    tpu.wait_dma2 semaphore(%dma_wait3A_550 : memref<!tpu.dma_semaphore, #tpu.memory_space<semaphore_mem>>) src(%dma_wait3A_557 : memref<64x512xf32, #tpu.memory_space<hbm>>) dst(%dma_wait3A_554 : memref<64x512xf32, #tpu.memory_space<vmem>>)
    %scan3A = arith.constant 0 : i32
    %scan3A_558 = arith.constant 0 : i32
    %scan3A_559 = arith.constant 32 : i32
    %scan3A_560 = arith.addi %scan3A_558, %scan3A_559 : i32
    %scan3A_561 = arith.constant 1 : i32
    scf.for %scan3A_684 = %scan3A_558 to %scan3A_560 step %scan3A_561  : i32 {
      %mul3A_685 = arith.constant 16 : i32
      %mul3A_686 = arith.muli %scan3A_684, %mul3A_685 : i32
      %add3A_687 = vector.broadcast %mul3A_686 : i32 to vector<16xi32>
      %add3A_688 = arith.addi %iota3A, %add3A_687 : vector<16xi32>
      %shift_right_logical3A_689 = arith.constant 1 : i32
      %shift_right_logical3A_690 = vector.broadcast %shift_right_logical3A_689 : i32 to vector<16xi32>
      %shift_right_logical3A_691 = arith.shrui %add3A_688, %shift_right_logical3A_690 : vector<16xi32>
      %and3A_692 = arith.constant 1 : i32
      %and3A_693 = vector.broadcast %and3A_692 : i32 to vector<16xi32>
      %and3A_694 = arith.andi %add3A_688, %and3A_693 : vector<16xi32>
      %shift_left3A_695 = arith.constant 6 : i32
      %shift_left3A_696 = vector.broadcast %shift_left3A_695 : i32 to vector<16xi32>
      %shift_left3A_697 = arith.shli %and3A_694, %shift_left3A_696 : vector<16xi32>
      %get3A = arith.constant 0 : i32
      %get3A_698 = arith.constant 0 : i32
      %get3A_699 = arith.index_cast %get3A : i32 to index
      %get3A_700 = arith.index_cast %get3A_698 : i32 to index
      %get3A_701 = arith.index_cast %mul3A_686 : i32 to index
      %get3A_702 = tpu.vector_load %arg5[%get3A_699, %get3A_700, %get3A_701] {strides = array<i32>} : memref<2x64x512xf32, #tpu.memory_space<vmem>>, vector<16xf32>,
      %get3A_703 = arith.constant 0 : i32
      %get3A_704 = arith.constant 1 : i32
      %get3A_705 = arith.index_cast %get3A_703 : i32 to index
      %get3A_706 = arith.index_cast %get3A_704 : i32 to index
      %get3A_707 = arith.index_cast %mul3A_686 : i32 to index
      %get3A_708 = tpu.vector_load %arg5[%get3A_705, %get3A_706, %get3A_707] {strides = array<i32>} : memref<2x64x512xf32, #tpu.memory_space<vmem>>, vector<16xf32>,
      %get3A_709 = arith.constant 0 : i32
      %get3A_710 = arith.constant 2 : i32
      %get3A_711 = arith.index_cast %get3A_709 : i32 to index
      %get3A_712 = arith.index_cast %get3A_710 : i32 to index
      %get3A_713 = arith.index_cast %mul3A_686 : i32 to index
      %get3A_714 = tpu.vector_load %arg5[%get3A_711, %get3A_712, %get3A_713] {strides = array<i32>} : memref<2x64x512xf32, #tpu.memory_space<vmem>>, vector<16xf32>,
      %get3A_715 = arith.constant 0 : i32
      %get3A_716 = arith.constant 3 : i32
      %get3A_717 = arith.index_cast %get3A_715 : i32 to index
      %get3A_718 = arith.index_cast %get3A_716 : i32 to index
      %get3A_719 = arith.index_cast %mul3A_686 : i32 to index
      %get3A_720 = tpu.vector_load %arg5[%get3A_717, %get3A_718, %get3A_719] {strides = array<i32>} : memref<2x64x512xf32, #tpu.memory_space<vmem>>, vector<16xf32>,
      %get3A_721 = arith.constant 0 : i32
      %get3A_722 = arith.constant 4 : i32
      %get3A_723 = arith.index_cast %get3A_721 : i32 to index
      %get3A_724 = arith.index_cast %get3A_722 : i32 to index
      %get3A_725 = arith.index_cast %mul3A_686 : i32 to index
      %get3A_726 = tpu.vector_load %arg5[%get3A_723, %get3A_724, %get3A_725] {strides = array<i32>} : memref<2x64x512xf32, #tpu.memory_space<vmem>>, vector<16xf32>,
      %get3A_727 = arith.constant 0 : i32
      %get3A_728 = arith.constant 5 : i32
      %get3A_729 = arith.index_cast %get3A_727 : i32 to index
      %get3A_730 = arith.index_cast %get3A_728 : i32 to index
      %get3A_731 = arith.index_cast %mul3A_686 : i32 to index
      %get3A_732 = tpu.vector_load %arg5[%get3A_729, %get3A_730, %get3A_731] {strides = array<i32>} : memref<2x64x512xf32, #tpu.memory_space<vmem>>, vector<16xf32>,
      %get3A_733 = arith.constant 0 : i32
      %get3A_734 = arith.constant 6 : i32
      %get3A_735 = arith.index_cast %get3A_733 : i32 to index
      %get3A_736 = arith.index_cast %get3A_734 : i32 to index
      %get3A_737 = arith.index_cast %mul3A_686 : i32 to index
      %get3A_738 = tpu.vector_load %arg5[%get3A_735, %get3A_736, %get3A_737] {strides = array<i32>} : memref<2x64x512xf32, #tpu.memory_space<vmem>>, vector<16xf32>,
      %get3A_739 = arith.constant 0 : i32
      %get3A_740 = arith.constant 7 : i32
      %get3A_741 = arith.index_cast %get3A_739 : i32 to index
      %get3A_742 = arith.index_cast %get3A_740 : i32 to index
      %get3A_743 = arith.index_cast %mul3A_686 : i32 to index
      %get3A_744 = tpu.vector_load %arg5[%get3A_741, %get3A_742, %get3A_743] {strides = array<i32>} : memref<2x64x512xf32, #tpu.memory_space<vmem>>, vector<16xf32>,
      %get3A_745 = arith.constant 0 : i32
      %get3A_746 = arith.constant 8 : i32
      %get3A_747 = arith.index_cast %get3A_745 : i32 to index
      %get3A_748 = arith.index_cast %get3A_746 : i32 to index
      %get3A_749 = arith.index_cast %mul3A_686 : i32 to index
      %get3A_750 = tpu.vector_load %arg5[%get3A_747, %get3A_748, %get3A_749] {strides = array<i32>} : memref<2x64x512xf32, #tpu.memory_space<vmem>>, vector<16xf32>,
      %get3A_751 = arith.constant 0 : i32
      %get3A_752 = arith.constant 9 : i32
      %get3A_753 = arith.index_cast %get3A_751 : i32 to index
      %get3A_754 = arith.index_cast %get3A_752 : i32 to index
      %get3A_755 = arith.index_cast %mul3A_686 : i32 to index
      %get3A_756 = tpu.vector_load %arg5[%get3A_753, %get3A_754, %get3A_755] {strides = array<i32>} : memref<2x64x512xf32, #tpu.memory_space<vmem>>, vector<16xf32>,
      %get3A_757 = arith.constant 0 : i32
      %get3A_758 = arith.constant 10 : i32
      %get3A_759 = arith.index_cast %get3A_757 : i32 to index
      %get3A_760 = arith.index_cast %get3A_758 : i32 to index
      %get3A_761 = arith.index_cast %mul3A_686 : i32 to index
      %get3A_762 = tpu.vector_load %arg5[%get3A_759, %get3A_760, %get3A_761] {strides = array<i32>} : memref<2x64x512xf32, #tpu.memory_space<vmem>>, vector<16xf32>,
      %get3A_763 = arith.constant 0 : i32
      %get3A_764 = arith.constant 11 : i32
      %get3A_765 = arith.index_cast %get3A_763 : i32 to index
      %get3A_766 = arith.index_cast %get3A_764 : i32 to index
      %get3A_767 = arith.index_cast %mul3A_686 : i32 to index
      %get3A_768 = tpu.vector_load %arg5[%get3A_765, %get3A_766, %get3A_767] {strides = array<i32>} : memref<2x64x512xf32, #tpu.memory_space<vmem>>, vector<16xf32>,
      %get3A_769 = arith.constant 0 : i32
      %get3A_770 = arith.constant 12 : i32
      %get3A_771 = arith.index_cast %get3A_769 : i32 to index
      %get3A_772 = arith.index_cast %get3A_770 : i32 to index
      %get3A_773 = arith.index_cast %mul3A_686 : i32 to index
      %get3A_774 = tpu.vector_load %arg5[%get3A_771, %get3A_772, %get3A_773] {strides = array<i32>} : memref<2x64x512xf32, #tpu.memory_space<vmem>>, vector<16xf32>,
      %get3A_775 = arith.constant 0 : i32
      %get3A_776 = arith.constant 13 : i32
      %get3A_777 = arith.index_cast %get3A_775 : i32 to index
      %get3A_778 = arith.index_cast %get3A_776 : i32 to index
      %get3A_779 = arith.index_cast %mul3A_686 : i32 to index
      %get3A_780 = tpu.vector_load %arg5[%get3A_777, %get3A_778, %get3A_779] {strides = array<i32>} : memref<2x64x512xf32, #tpu.memory_space<vmem>>, vector<16xf32>,
      %get3A_781 = arith.constant 0 : i32
      %get3A_782 = arith.constant 14 : i32
      %get3A_783 = arith.index_cast %get3A_781 : i32 to index
      %get3A_784 = arith.index_cast %get3A_782 : i32 to index
      %get3A_785 = arith.index_cast %mul3A_686 : i32 to index
      %get3A_786 = tpu.vector_load %arg5[%get3A_783, %get3A_784, %get3A_785] {strides = array<i32>} : memref<2x64x512xf32, #tpu.memory_space<vmem>>, vector<16xf32>,
      %get3A_787 = arith.constant 0 : i32
      %get3A_788 = arith.constant 15 : i32
      %get3A_789 = arith.index_cast %get3A_787 : i32 to index
      %get3A_790 = arith.index_cast %get3A_788 : i32 to index
      %get3A_791 = arith.index_cast %mul3A_686 : i32 to index
      %get3A_792 = tpu.vector_load %arg5[%get3A_789, %get3A_790, %get3A_791] {strides = array<i32>} : memref<2x64x512xf32, #tpu.memory_space<vmem>>, vector<16xf32>,
      %add3A_793 = arith.constant 0 : i32
      %add3A_794 = vector.broadcast %add3A_793 : i32 to vector<16xi32>
      %add3A_795 = arith.addi %shift_left3A_697, %add3A_794 : vector<16xi32>
      tpu.vector_store_idx %arg6[%shift_right_logical3A_691, %add3A_795], %get3A_702 : memref<256x128xf32, #tpu.memory_space<vmem>>[vector<16xi32>, vector<16xi32>], vector<16xf32>,
      %add3A_796 = arith.constant 1 : i32
      %add3A_797 = vector.broadcast %add3A_796 : i32 to vector<16xi32>
      %add3A_798 = arith.addi %shift_left3A_697, %add3A_797 : vector<16xi32>
      tpu.vector_store_idx %arg6[%shift_right_logical3A_691, %add3A_798], %get3A_708 : memref<256x128xf32, #tpu.memory_space<vmem>>[vector<16xi32>, vector<16xi32>], vector<16xf32>,
      %add3A_799 = arith.constant 2 : i32
      %add3A_800 = vector.broadcast %add3A_799 : i32 to vector<16xi32>
      %add3A_801 = arith.addi %shift_left3A_697, %add3A_800 : vector<16xi32>
      tpu.vector_store_idx %arg6[%shift_right_logical3A_691, %add3A_801], %get3A_714 : memref<256x128xf32, #tpu.memory_space<vmem>>[vector<16xi32>, vector<16xi32>], vector<16xf32>,
      %add3A_802 = arith.constant 3 : i32
      %add3A_803 = vector.broadcast %add3A_802 : i32 to vector<16xi32>
      %add3A_804 = arith.addi %shift_left3A_697, %add3A_803 : vector<16xi32>
      tpu.vector_store_idx %arg6[%shift_right_logical3A_691, %add3A_804], %get3A_720 : memref<256x128xf32, #tpu.memory_space<vmem>>[vector<16xi32>, vector<16xi32>], vector<16xf32>,
      %add3A_805 = arith.constant 4 : i32
      %add3A_806 = vector.broadcast %add3A_805 : i32 to vector<16xi32>
      %add3A_807 = arith.addi %shift_left3A_697, %add3A_806 : vector<16xi32>
      tpu.vector_store_idx %arg6[%shift_right_logical3A_691, %add3A_807], %get3A_726 : memref<256x128xf32, #tpu.memory_space<vmem>>[vector<16xi32>, vector<16xi32>], vector<16xf32>,
      %add3A_808 = arith.constant 5 : i32
      %add3A_809 = vector.broadcast %add3A_808 : i32 to vector<16xi32>
      %add3A_810 = arith.addi %shift_left3A_697, %add3A_809 : vector<16xi32>
      tpu.vector_store_idx %arg6[%shift_right_logical3A_691, %add3A_810], %get3A_732 : memref<256x128xf32, #tpu.memory_space<vmem>>[vector<16xi32>, vector<16xi32>], vector<16xf32>,
      %add3A_811 = arith.constant 6 : i32
      %add3A_812 = vector.broadcast %add3A_811 : i32 to vector<16xi32>
      %add3A_813 = arith.addi %shift_left3A_697, %add3A_812 : vector<16xi32>
      tpu.vector_store_idx %arg6[%shift_right_logical3A_691, %add3A_813], %get3A_738 : memref<256x128xf32, #tpu.memory_space<vmem>>[vector<16xi32>, vector<16xi32>], vector<16xf32>,
      %add3A_814 = arith.constant 7 : i32
      %add3A_815 = vector.broadcast %add3A_814 : i32 to vector<16xi32>
      %add3A_816 = arith.addi %shift_left3A_697, %add3A_815 : vector<16xi32>
      tpu.vector_store_idx %arg6[%shift_right_logical3A_691, %add3A_816], %get3A_744 : memref<256x128xf32, #tpu.memory_space<vmem>>[vector<16xi32>, vector<16xi32>], vector<16xf32>,
      %add3A_817 = arith.constant 8 : i32
      %add3A_818 = vector.broadcast %add3A_817 : i32 to vector<16xi32>
      %add3A_819 = arith.addi %shift_left3A_697, %add3A_818 : vector<16xi32>
      tpu.vector_store_idx %arg6[%shift_right_logical3A_691, %add3A_819], %get3A_750 : memref<256x128xf32, #tpu.memory_space<vmem>>[vector<16xi32>, vector<16xi32>], vector<16xf32>,
      %add3A_820 = arith.constant 9 : i32
      %add3A_821 = vector.broadcast %add3A_820 : i32 to vector<16xi32>
      %add3A_822 = arith.addi %shift_left3A_697, %add3A_821 : vector<16xi32>
      tpu.vector_store_idx %arg6[%shift_right_logical3A_691, %add3A_822], %get3A_756 : memref<256x128xf32, #tpu.memory_space<vmem>>[vector<16xi32>, vector<16xi32>], vector<16xf32>,
      %add3A_823 = arith.constant 10 : i32
      %add3A_824 = vector.broadcast %add3A_823 : i32 to vector<16xi32>
      %add3A_825 = arith.addi %shift_left3A_697, %add3A_824 : vector<16xi32>
      tpu.vector_store_idx %arg6[%shift_right_logical3A_691, %add3A_825], %get3A_762 : memref<256x128xf32, #tpu.memory_space<vmem>>[vector<16xi32>, vector<16xi32>], vector<16xf32>,
      %add3A_826 = arith.constant 11 : i32
      %add3A_827 = vector.broadcast %add3A_826 : i32 to vector<16xi32>
      %add3A_828 = arith.addi %shift_left3A_697, %add3A_827 : vector<16xi32>
      tpu.vector_store_idx %arg6[%shift_right_logical3A_691, %add3A_828], %get3A_768 : memref<256x128xf32, #tpu.memory_space<vmem>>[vector<16xi32>, vector<16xi32>], vector<16xf32>,
      %add3A_829 = arith.constant 12 : i32
      %add3A_830 = vector.broadcast %add3A_829 : i32 to vector<16xi32>
      %add3A_831 = arith.addi %shift_left3A_697, %add3A_830 : vector<16xi32>
      tpu.vector_store_idx %arg6[%shift_right_logical3A_691, %add3A_831], %get3A_774 : memref<256x128xf32, #tpu.memory_space<vmem>>[vector<16xi32>, vector<16xi32>], vector<16xf32>,
      %add3A_832 = arith.constant 13 : i32
      %add3A_833 = vector.broadcast %add3A_832 : i32 to vector<16xi32>
      %add3A_834 = arith.addi %shift_left3A_697, %add3A_833 : vector<16xi32>
      tpu.vector_store_idx %arg6[%shift_right_logical3A_691, %add3A_834], %get3A_780 : memref<256x128xf32, #tpu.memory_space<vmem>>[vector<16xi32>, vector<16xi32>], vector<16xf32>,
      %add3A_835 = arith.constant 14 : i32
      %add3A_836 = vector.broadcast %add3A_835 : i32 to vector<16xi32>
      %add3A_837 = arith.addi %shift_left3A_697, %add3A_836 : vector<16xi32>
      tpu.vector_store_idx %arg6[%shift_right_logical3A_691, %add3A_837], %get3A_786 : memref<256x128xf32, #tpu.memory_space<vmem>>[vector<16xi32>, vector<16xi32>], vector<16xf32>,
      %add3A_838 = arith.constant 15 : i32
      %add3A_839 = vector.broadcast %add3A_838 : i32 to vector<16xi32>
      %add3A_840 = arith.addi %shift_left3A_697, %add3A_839 : vector<16xi32>
      tpu.vector_store_idx %arg6[%shift_right_logical3A_691, %add3A_840], %get3A_792 : memref<256x128xf32, #tpu.memory_space<vmem>>[vector<16xi32>, vector<16xi32>], vector<16xf32>,
      %get3A_841 = arith.constant 0 : i32
      %get3A_842 = arith.constant 16 : i32
      %get3A_843 = arith.index_cast %get3A_841 : i32 to index
      %get3A_844 = arith.index_cast %get3A_842 : i32 to index
      %get3A_845 = arith.index_cast %mul3A_686 : i32 to index
      %get3A_846 = tpu.vector_load %arg5[%get3A_843, %get3A_844, %get3A_845] {strides = array<i32>} : memref<2x64x512xf32, #tpu.memory_space<vmem>>, vector<16xf32>,
      %get3A_847 = arith.constant 0 : i32
      %get3A_848 = arith.constant 17 : i32
      %get3A_849 = arith.index_cast %get3A_847 : i32 to index
      %get3A_850 = arith.index_cast %get3A_848 : i32 to index
      %get3A_851 = arith.index_cast %mul3A_686 : i32 to index
      %get3A_852 = tpu.vector_load %arg5[%get3A_849, %get3A_850, %get3A_851] {strides = array<i32>} : memref<2x64x512xf32, #tpu.memory_space<vmem>>, vector<16xf32>,
      %get3A_853 = arith.constant 0 : i32
      %get3A_854 = arith.constant 18 : i32
      %get3A_855 = arith.index_cast %get3A_853 : i32 to index
      %get3A_856 = arith.index_cast %get3A_854 : i32 to index
      %get3A_857 = arith.index_cast %mul3A_686 : i32 to index
      %get3A_858 = tpu.vector_load %arg5[%get3A_855, %get3A_856, %get3A_857] {strides = array<i32>} : memref<2x64x512xf32, #tpu.memory_space<vmem>>, vector<16xf32>,
      %get3A_859 = arith.constant 0 : i32
      %get3A_860 = arith.constant 19 : i32
      %get3A_861 = arith.index_cast %get3A_859 : i32 to index
      %get3A_862 = arith.index_cast %get3A_860 : i32 to index
      %get3A_863 = arith.index_cast %mul3A_686 : i32 to index
      %get3A_864 = tpu.vector_load %arg5[%get3A_861, %get3A_862, %get3A_863] {strides = array<i32>} : memref<2x64x512xf32, #tpu.memory_space<vmem>>, vector<16xf32>,
      %get3A_865 = arith.constant 0 : i32
      %get3A_866 = arith.constant 20 : i32
      %get3A_867 = arith.index_cast %get3A_865 : i32 to index
      %get3A_868 = arith.index_cast %get3A_866 : i32 to index
      %get3A_869 = arith.index_cast %mul3A_686 : i32 to index
      %get3A_870 = tpu.vector_load %arg5[%get3A_867, %get3A_868, %get3A_869] {strides = array<i32>} : memref<2x64x512xf32, #tpu.memory_space<vmem>>, vector<16xf32>,
      %get3A_871 = arith.constant 0 : i32
      %get3A_872 = arith.constant 21 : i32
      %get3A_873 = arith.index_cast %get3A_871 : i32 to index
      %get3A_874 = arith.index_cast %get3A_872 : i32 to index
      %get3A_875 = arith.index_cast %mul3A_686 : i32 to index
      %get3A_876 = tpu.vector_load %arg5[%get3A_873, %get3A_874, %get3A_875] {strides = array<i32>} : memref<2x64x512xf32, #tpu.memory_space<vmem>>, vector<16xf32>,
      %get3A_877 = arith.constant 0 : i32
      %get3A_878 = arith.constant 22 : i32
      %get3A_879 = arith.index_cast %get3A_877 : i32 to index
      %get3A_880 = arith.index_cast %get3A_878 : i32 to index
      %get3A_881 = arith.index_cast %mul3A_686 : i32 to index
      %get3A_882 = tpu.vector_load %arg5[%get3A_879, %get3A_880, %get3A_881] {strides = array<i32>} : memref<2x64x512xf32, #tpu.memory_space<vmem>>, vector<16xf32>,
      %get3A_883 = arith.constant 0 : i32
      %get3A_884 = arith.constant 23 : i32
      %get3A_885 = arith.index_cast %get3A_883 : i32 to index
      %get3A_886 = arith.index_cast %get3A_884 : i32 to index
      %get3A_887 = arith.index_cast %mul3A_686 : i32 to index
      %get3A_888 = tpu.vector_load %arg5[%get3A_885, %get3A_886, %get3A_887] {strides = array<i32>} : memref<2x64x512xf32, #tpu.memory_space<vmem>>, vector<16xf32>,
      %get3A_889 = arith.constant 0 : i32
      %get3A_890 = arith.constant 24 : i32
      %get3A_891 = arith.index_cast %get3A_889 : i32 to index
      %get3A_892 = arith.index_cast %get3A_890 : i32 to index
      %get3A_893 = arith.index_cast %mul3A_686 : i32 to index
      %get3A_894 = tpu.vector_load %arg5[%get3A_891, %get3A_892, %get3A_893] {strides = array<i32>} : memref<2x64x512xf32, #tpu.memory_space<vmem>>, vector<16xf32>,
      %get3A_895 = arith.constant 0 : i32
      %get3A_896 = arith.constant 25 : i32
      %get3A_897 = arith.index_cast %get3A_895 : i32 to index
      %get3A_898 = arith.index_cast %get3A_896 : i32 to index
      %get3A_899 = arith.index_cast %mul3A_686 : i32 to index
      %get3A_900 = tpu.vector_load %arg5[%get3A_897, %get3A_898, %get3A_899] {strides = array<i32>} : memref<2x64x512xf32, #tpu.memory_space<vmem>>, vector<16xf32>,
      %get3A_901 = arith.constant 0 : i32
      %get3A_902 = arith.constant 26 : i32
      %get3A_903 = arith.index_cast %get3A_901 : i32 to index
      %get3A_904 = arith.index_cast %get3A_902 : i32 to index
      %get3A_905 = arith.index_cast %mul3A_686 : i32 to index
      %get3A_906 = tpu.vector_load %arg5[%get3A_903, %get3A_904, %get3A_905] {strides = array<i32>} : memref<2x64x512xf32, #tpu.memory_space<vmem>>, vector<16xf32>,
      %get3A_907 = arith.constant 0 : i32
      %get3A_908 = arith.constant 27 : i32
      %get3A_909 = arith.index_cast %get3A_907 : i32 to index
      %get3A_910 = arith.index_cast %get3A_908 : i32 to index
      %get3A_911 = arith.index_cast %mul3A_686 : i32 to index
      %get3A_912 = tpu.vector_load %arg5[%get3A_909, %get3A_910, %get3A_911] {strides = array<i32>} : memref<2x64x512xf32, #tpu.memory_space<vmem>>, vector<16xf32>,
      %get3A_913 = arith.constant 0 : i32
      %get3A_914 = arith.constant 28 : i32
      %get3A_915 = arith.index_cast %get3A_913 : i32 to index
      %get3A_916 = arith.index_cast %get3A_914 : i32 to index
      %get3A_917 = arith.index_cast %mul3A_686 : i32 to index
      %get3A_918 = tpu.vector_load %arg5[%get3A_915, %get3A_916, %get3A_917] {strides = array<i32>} : memref<2x64x512xf32, #tpu.memory_space<vmem>>, vector<16xf32>,
      %get3A_919 = arith.constant 0 : i32
      %get3A_920 = arith.constant 29 : i32
      %get3A_921 = arith.index_cast %get3A_919 : i32 to index
      %get3A_922 = arith.index_cast %get3A_920 : i32 to index
      %get3A_923 = arith.index_cast %mul3A_686 : i32 to index
      %get3A_924 = tpu.vector_load %arg5[%get3A_921, %get3A_922, %get3A_923] {strides = array<i32>} : memref<2x64x512xf32, #tpu.memory_space<vmem>>, vector<16xf32>,
      %get3A_925 = arith.constant 0 : i32
      %get3A_926 = arith.constant 30 : i32
      %get3A_927 = arith.index_cast %get3A_925 : i32 to index
      %get3A_928 = arith.index_cast %get3A_926 : i32 to index
      %get3A_929 = arith.index_cast %mul3A_686 : i32 to index
      %get3A_930 = tpu.vector_load %arg5[%get3A_927, %get3A_928, %get3A_929] {strides = array<i32>} : memref<2x64x512xf32, #tpu.memory_space<vmem>>, vector<16xf32>,
      %get3A_931 = arith.constant 0 : i32
      %get3A_932 = arith.constant 31 : i32
      %get3A_933 = arith.index_cast %get3A_931 : i32 to index
      %get3A_934 = arith.index_cast %get3A_932 : i32 to index
      %get3A_935 = arith.index_cast %mul3A_686 : i32 to index
      %get3A_936 = tpu.vector_load %arg5[%get3A_933, %get3A_934, %get3A_935] {strides = array<i32>} : memref<2x64x512xf32, #tpu.memory_space<vmem>>, vector<16xf32>,
      %add3A_937 = arith.constant 16 : i32
      %add3A_938 = vector.broadcast %add3A_937 : i32 to vector<16xi32>
      %add3A_939 = arith.addi %shift_left3A_697, %add3A_938 : vector<16xi32>
      tpu.vector_store_idx %arg6[%shift_right_logical3A_691, %add3A_939], %get3A_846 : memref<256x128xf32, #tpu.memory_space<vmem>>[vector<16xi32>, vector<16xi32>], vector<16xf32>,
      %add3A_940 = arith.constant 17 : i32
      %add3A_941 = vector.broadcast %add3A_940 : i32 to vector<16xi32>
      %add3A_942 = arith.addi %shift_left3A_697, %add3A_941 : vector<16xi32>
      tpu.vector_store_idx %arg6[%shift_right_logical3A_691, %add3A_942], %get3A_852 : memref<256x128xf32, #tpu.memory_space<vmem>>[vector<16xi32>, vector<16xi32>], vector<16xf32>,
      %add3A_943 = arith.constant 18 : i32
      %add3A_944 = vector.broadcast %add3A_943 : i32 to vector<16xi32>
      %add3A_945 = arith.addi %shift_left3A_697, %add3A_944 : vector<16xi32>
      tpu.vector_store_idx %arg6[%shift_right_logical3A_691, %add3A_945], %get3A_858 : memref<256x128xf32, #tpu.memory_space<vmem>>[vector<16xi32>, vector<16xi32>], vector<16xf32>,
      %add3A_946 = arith.constant 19 : i32
      %add3A_947 = vector.broadcast %add3A_946 : i32 to vector<16xi32>
      %add3A_948 = arith.addi %shift_left3A_697, %add3A_947 : vector<16xi32>
      tpu.vector_store_idx %arg6[%shift_right_logical3A_691, %add3A_948], %get3A_864 : memref<256x128xf32, #tpu.memory_space<vmem>>[vector<16xi32>, vector<16xi32>], vector<16xf32>,
      %add3A_949 = arith.constant 20 : i32
      %add3A_950 = vector.broadcast %add3A_949 : i32 to vector<16xi32>
      %add3A_951 = arith.addi %shift_left3A_697, %add3A_950 : vector<16xi32>
      tpu.vector_store_idx %arg6[%shift_right_logical3A_691, %add3A_951], %get3A_870 : memref<256x128xf32, #tpu.memory_space<vmem>>[vector<16xi32>, vector<16xi32>], vector<16xf32>,
      %add3A_952 = arith.constant 21 : i32
      %add3A_953 = vector.broadcast %add3A_952 : i32 to vector<16xi32>
      %add3A_954 = arith.addi %shift_left3A_697, %add3A_953 : vector<16xi32>
      tpu.vector_store_idx %arg6[%shift_right_logical3A_691, %add3A_954], %get3A_876 : memref<256x128xf32, #tpu.memory_space<vmem>>[vector<16xi32>, vector<16xi32>], vector<16xf32>,
      %add3A_955 = arith.constant 22 : i32
      %add3A_956 = vector.broadcast %add3A_955 : i32 to vector<16xi32>
      %add3A_957 = arith.addi %shift_left3A_697, %add3A_956 : vector<16xi32>
      tpu.vector_store_idx %arg6[%shift_right_logical3A_691, %add3A_957], %get3A_882 : memref<256x128xf32, #tpu.memory_space<vmem>>[vector<16xi32>, vector<16xi32>], vector<16xf32>,
      %add3A_958 = arith.constant 23 : i32
      %add3A_959 = vector.broadcast %add3A_958 : i32 to vector<16xi32>
      %add3A_960 = arith.addi %shift_left3A_697, %add3A_959 : vector<16xi32>
      tpu.vector_store_idx %arg6[%shift_right_logical3A_691, %add3A_960], %get3A_888 : memref<256x128xf32, #tpu.memory_space<vmem>>[vector<16xi32>, vector<16xi32>], vector<16xf32>,
      %add3A_961 = arith.constant 24 : i32
      %add3A_962 = vector.broadcast %add3A_961 : i32 to vector<16xi32>
      %add3A_963 = arith.addi %shift_left3A_697, %add3A_962 : vector<16xi32>
      tpu.vector_store_idx %arg6[%shift_right_logical3A_691, %add3A_963], %get3A_894 : memref<256x128xf32, #tpu.memory_space<vmem>>[vector<16xi32>, vector<16xi32>], vector<16xf32>,
      %add3A_964 = arith.constant 25 : i32
      %add3A_965 = vector.broadcast %add3A_964 : i32 to vector<16xi32>
      %add3A_966 = arith.addi %shift_left3A_697, %add3A_965 : vector<16xi32>
      tpu.vector_store_idx %arg6[%shift_right_logical3A_691, %add3A_966], %get3A_900 : memref<256x128xf32, #tpu.memory_space<vmem>>[vector<16xi32>, vector<16xi32>], vector<16xf32>,
      %add3A_967 = arith.constant 26 : i32
      %add3A_968 = vector.broadcast %add3A_967 : i32 to vector<16xi32>
      %add3A_969 = arith.addi %shift_left3A_697, %add3A_968 : vector<16xi32>
      tpu.vector_store_idx %arg6[%shift_right_logical3A_691, %add3A_969], %get3A_906 : memref<256x128xf32, #tpu.memory_space<vmem>>[vector<16xi32>, vector<16xi32>], vector<16xf32>,
      %add3A_970 = arith.constant 27 : i32
      %add3A_971 = vector.broadcast %add3A_970 : i32 to vector<16xi32>
      %add3A_972 = arith.addi %shift_left3A_697, %add3A_971 : vector<16xi32>
      tpu.vector_store_idx %arg6[%shift_right_logical3A_691, %add3A_972], %get3A_912 : memref<256x128xf32, #tpu.memory_space<vmem>>[vector<16xi32>, vector<16xi32>], vector<16xf32>,
      %add3A_973 = arith.constant 28 : i32
      %add3A_974 = vector.broadcast %add3A_973 : i32 to vector<16xi32>
      %add3A_975 = arith.addi %shift_left3A_697, %add3A_974 : vector<16xi32>
      tpu.vector_store_idx %arg6[%shift_right_logical3A_691, %add3A_975], %get3A_918 : memref<256x128xf32, #tpu.memory_space<vmem>>[vector<16xi32>, vector<16xi32>], vector<16xf32>,
      %add3A_976 = arith.constant 29 : i32
      %add3A_977 = vector.broadcast %add3A_976 : i32 to vector<16xi32>
      %add3A_978 = arith.addi %shift_left3A_697, %add3A_977 : vector<16xi32>
      tpu.vector_store_idx %arg6[%shift_right_logical3A_691, %add3A_978], %get3A_924 : memref<256x128xf32, #tpu.memory_space<vmem>>[vector<16xi32>, vector<16xi32>], vector<16xf32>,
      %add3A_979 = arith.constant 30 : i32
      %add3A_980 = vector.broadcast %add3A_979 : i32 to vector<16xi32>
      %add3A_981 = arith.addi %shift_left3A_697, %add3A_980 : vector<16xi32>
      tpu.vector_store_idx %arg6[%shift_right_logical3A_691, %add3A_981], %get3A_930 : memref<256x128xf32, #tpu.memory_space<vmem>>[vector<16xi32>, vector<16xi32>], vector<16xf32>,
      %add3A_982 = arith.constant 31 : i32
      %add3A_983 = vector.broadcast %add3A_982 : i32 to vector<16xi32>
      %add3A_984 = arith.addi %shift_left3A_697, %add3A_983 : vector<16xi32>
      tpu.vector_store_idx %arg6[%shift_right_logical3A_691, %add3A_984], %get3A_936 : memref<256x128xf32, #tpu.memory_space<vmem>>[vector<16xi32>, vector<16xi32>], vector<16xf32>,
      %get3A_985 = arith.constant 0 : i32
      %get3A_986 = arith.constant 32 : i32
      %get3A_987 = arith.index_cast %get3A_985 : i32 to index
      %get3A_988 = arith.index_cast %get3A_986 : i32 to index
      %get3A_989 = arith.index_cast %mul3A_686 : i32 to index
      %get3A_990 = tpu.vector_load %arg5[%get3A_987, %get3A_988, %get3A_989] {strides = array<i32>} : memref<2x64x512xf32, #tpu.memory_space<vmem>>, vector<16xf32>,
      %get3A_991 = arith.constant 0 : i32
      %get3A_992 = arith.constant 33 : i32
      %get3A_993 = arith.index_cast %get3A_991 : i32 to index
      %get3A_994 = arith.index_cast %get3A_992 : i32 to index
      %get3A_995 = arith.index_cast %mul3A_686 : i32 to index
      %get3A_996 = tpu.vector_load %arg5[%get3A_993, %get3A_994, %get3A_995] {strides = array<i32>} : memref<2x64x512xf32, #tpu.memory_space<vmem>>, vector<16xf32>,
      %get3A_997 = arith.constant 0 : i32
      %get3A_998 = arith.constant 34 : i32
      %get3A_999 = arith.index_cast %get3A_997 : i32 to index
      %get3A_1000 = arith.index_cast %get3A_998 : i32 to index
      %get3A_1001 = arith.index_cast %mul3A_686 : i32 to index
      %get3A_1002 = tpu.vector_load %arg5[%get3A_999, %get3A_1000, %get3A_1001] {strides = array<i32>} : memref<2x64x512xf32, #tpu.memory_space<vmem>>, vector<16xf32>,
      %get3A_1003 = arith.constant 0 : i32
      %get3A_1004 = arith.constant 35 : i32
      %get3A_1005 = arith.index_cast %get3A_1003 : i32 to index
      %get3A_1006 = arith.index_cast %get3A_1004 : i32 to index
      %get3A_1007 = arith.index_cast %mul3A_686 : i32 to index
      %get3A_1008 = tpu.vector_load %arg5[%get3A_1005, %get3A_1006, %get3A_1007] {strides = array<i32>} : memref<2x64x512xf32, #tpu.memory_space<vmem>>, vector<16xf32>,
      %get3A_1009 = arith.constant 0 : i32
      %get3A_1010 = arith.constant 36 : i32
      %get3A_1011 = arith.index_cast %get3A_1009 : i32 to index
      %get3A_1012 = arith.index_cast %get3A_1010 : i32 to index
      %get3A_1013 = arith.index_cast %mul3A_686 : i32 to index
      %get3A_1014 = tpu.vector_load %arg5[%get3A_1011, %get3A_1012, %get3A_1013] {strides = array<i32>} : memref<2x64x512xf32, #tpu.memory_space<vmem>>, vector<16xf32>,
      %get3A_1015 = arith.constant 0 : i32
      %get3A_1016 = arith.constant 37 : i32
      %get3A_1017 = arith.index_cast %get3A_1015 : i32 to index
      %get3A_1018 = arith.index_cast %get3A_1016 : i32 to index
      %get3A_1019 = arith.index_cast %mul3A_686 : i32 to index
      %get3A_1020 = tpu.vector_load %arg5[%get3A_1017, %get3A_1018, %get3A_1019] {strides = array<i32>} : memref<2x64x512xf32, #tpu.memory_space<vmem>>, vector<16xf32>,
      %get3A_1021 = arith.constant 0 : i32
      %get3A_1022 = arith.constant 38 : i32
      %get3A_1023 = arith.index_cast %get3A_1021 : i32 to index
      %get3A_1024 = arith.index_cast %get3A_1022 : i32 to index
      %get3A_1025 = arith.index_cast %mul3A_686 : i32 to index
      %get3A_1026 = tpu.vector_load %arg5[%get3A_1023, %get3A_1024, %get3A_1025] {strides = array<i32>} : memref<2x64x512xf32, #tpu.memory_space<vmem>>, vector<16xf32>,
      %get3A_1027 = arith.constant 0 : i32
      %get3A_1028 = arith.constant 39 : i32
      %get3A_1029 = arith.index_cast %get3A_1027 : i32 to index
      %get3A_1030 = arith.index_cast %get3A_1028 : i32 to index
      %get3A_1031 = arith.index_cast %mul3A_686 : i32 to index
      %get3A_1032 = tpu.vector_load %arg5[%get3A_1029, %get3A_1030, %get3A_1031] {strides = array<i32>} : memref<2x64x512xf32, #tpu.memory_space<vmem>>, vector<16xf32>,
      %get3A_1033 = arith.constant 0 : i32
      %get3A_1034 = arith.constant 40 : i32
      %get3A_1035 = arith.index_cast %get3A_1033 : i32 to index
      %get3A_1036 = arith.index_cast %get3A_1034 : i32 to index
      %get3A_1037 = arith.index_cast %mul3A_686 : i32 to index
      %get3A_1038 = tpu.vector_load %arg5[%get3A_1035, %get3A_1036, %get3A_1037] {strides = array<i32>} : memref<2x64x512xf32, #tpu.memory_space<vmem>>, vector<16xf32>,
      %get3A_1039 = arith.constant 0 : i32
      %get3A_1040 = arith.constant 41 : i32
      %get3A_1041 = arith.index_cast %get3A_1039 : i32 to index
      %get3A_1042 = arith.index_cast %get3A_1040 : i32 to index
      %get3A_1043 = arith.index_cast %mul3A_686 : i32 to index
      %get3A_1044 = tpu.vector_load %arg5[%get3A_1041, %get3A_1042, %get3A_1043] {strides = array<i32>} : memref<2x64x512xf32, #tpu.memory_space<vmem>>, vector<16xf32>,
      %get3A_1045 = arith.constant 0 : i32
      %get3A_1046 = arith.constant 42 : i32
      %get3A_1047 = arith.index_cast %get3A_1045 : i32 to index
      %get3A_1048 = arith.index_cast %get3A_1046 : i32 to index
      %get3A_1049 = arith.index_cast %mul3A_686 : i32 to index
      %get3A_1050 = tpu.vector_load %arg5[%get3A_1047, %get3A_1048, %get3A_1049] {strides = array<i32>} : memref<2x64x512xf32, #tpu.memory_space<vmem>>, vector<16xf32>,
      %get3A_1051 = arith.constant 0 : i32
      %get3A_1052 = arith.constant 43 : i32
      %get3A_1053 = arith.index_cast %get3A_1051 : i32 to index
      %get3A_1054 = arith.index_cast %get3A_1052 : i32 to index
      %get3A_1055 = arith.index_cast %mul3A_686 : i32 to index
      %get3A_1056 = tpu.vector_load %arg5[%get3A_1053, %get3A_1054, %get3A_1055] {strides = array<i32>} : memref<2x64x512xf32, #tpu.memory_space<vmem>>, vector<16xf32>,
      %get3A_1057 = arith.constant 0 : i32
      %get3A_1058 = arith.constant 44 : i32
      %get3A_1059 = arith.index_cast %get3A_1057 : i32 to index
      %get3A_1060 = arith.index_cast %get3A_1058 : i32 to index
      %get3A_1061 = arith.index_cast %mul3A_686 : i32 to index
      %get3A_1062 = tpu.vector_load %arg5[%get3A_1059, %get3A_1060, %get3A_1061] {strides = array<i32>} : memref<2x64x512xf32, #tpu.memory_space<vmem>>, vector<16xf32>,
      %get3A_1063 = arith.constant 0 : i32
      %get3A_1064 = arith.constant 45 : i32
      %get3A_1065 = arith.index_cast %get3A_1063 : i32 to index
      %get3A_1066 = arith.index_cast %get3A_1064 : i32 to index
      %get3A_1067 = arith.index_cast %mul3A_686 : i32 to index
      %get3A_1068 = tpu.vector_load %arg5[%get3A_1065, %get3A_1066, %get3A_1067] {strides = array<i32>} : memref<2x64x512xf32, #tpu.memory_space<vmem>>, vector<16xf32>,
      %get3A_1069 = arith.constant 0 : i32
      %get3A_1070 = arith.constant 46 : i32
      %get3A_1071 = arith.index_cast %get3A_1069 : i32 to index
      %get3A_1072 = arith.index_cast %get3A_1070 : i32 to index
      %get3A_1073 = arith.index_cast %mul3A_686 : i32 to index
      %get3A_1074 = tpu.vector_load %arg5[%get3A_1071, %get3A_1072, %get3A_1073] {strides = array<i32>} : memref<2x64x512xf32, #tpu.memory_space<vmem>>, vector<16xf32>,
      %get3A_1075 = arith.constant 0 : i32
      %get3A_1076 = arith.constant 47 : i32
      %get3A_1077 = arith.index_cast %get3A_1075 : i32 to index
      %get3A_1078 = arith.index_cast %get3A_1076 : i32 to index
      %get3A_1079 = arith.index_cast %mul3A_686 : i32 to index
      %get3A_1080 = tpu.vector_load %arg5[%get3A_1077, %get3A_1078, %get3A_1079] {strides = array<i32>} : memref<2x64x512xf32, #tpu.memory_space<vmem>>, vector<16xf32>,
      %add3A_1081 = arith.constant 32 : i32
      %add3A_1082 = vector.broadcast %add3A_1081 : i32 to vector<16xi32>
      %add3A_1083 = arith.addi %shift_left3A_697, %add3A_1082 : vector<16xi32>
      tpu.vector_store_idx %arg6[%shift_right_logical3A_691, %add3A_1083], %get3A_990 : memref<256x128xf32, #tpu.memory_space<vmem>>[vector<16xi32>, vector<16xi32>], vector<16xf32>,
      %add3A_1084 = arith.constant 33 : i32
      %add3A_1085 = vector.broadcast %add3A_1084 : i32 to vector<16xi32>
      %add3A_1086 = arith.addi %shift_left3A_697, %add3A_1085 : vector<16xi32>
      tpu.vector_store_idx %arg6[%shift_right_logical3A_691, %add3A_1086], %get3A_996 : memref<256x128xf32, #tpu.memory_space<vmem>>[vector<16xi32>, vector<16xi32>], vector<16xf32>,
      %add3A_1087 = arith.constant 34 : i32
      %add3A_1088 = vector.broadcast %add3A_1087 : i32 to vector<16xi32>
      %add3A_1089 = arith.addi %shift_left3A_697, %add3A_1088 : vector<16xi32>
      tpu.vector_store_idx %arg6[%shift_right_logical3A_691, %add3A_1089], %get3A_1002 : memref<256x128xf32, #tpu.memory_space<vmem>>[vector<16xi32>, vector<16xi32>], vector<16xf32>,
      %add3A_1090 = arith.constant 35 : i32
      %add3A_1091 = vector.broadcast %add3A_1090 : i32 to vector<16xi32>
      %add3A_1092 = arith.addi %shift_left3A_697, %add3A_1091 : vector<16xi32>
      tpu.vector_store_idx %arg6[%shift_right_logical3A_691, %add3A_1092], %get3A_1008 : memref<256x128xf32, #tpu.memory_space<vmem>>[vector<16xi32>, vector<16xi32>], vector<16xf32>,
      %add3A_1093 = arith.constant 36 : i32
      %add3A_1094 = vector.broadcast %add3A_1093 : i32 to vector<16xi32>
      %add3A_1095 = arith.addi %shift_left3A_697, %add3A_1094 : vector<16xi32>
      tpu.vector_store_idx %arg6[%shift_right_logical3A_691, %add3A_1095], %get3A_1014 : memref<256x128xf32, #tpu.memory_space<vmem>>[vector<16xi32>, vector<16xi32>], vector<16xf32>,
      %add3A_1096 = arith.constant 37 : i32
      %add3A_1097 = vector.broadcast %add3A_1096 : i32 to vector<16xi32>
      %add3A_1098 = arith.addi %shift_left3A_697, %add3A_1097 : vector<16xi32>
      tpu.vector_store_idx %arg6[%shift_right_logical3A_691, %add3A_1098], %get3A_1020 : memref<256x128xf32, #tpu.memory_space<vmem>>[vector<16xi32>, vector<16xi32>], vector<16xf32>,
      %add3A_1099 = arith.constant 38 : i32
      %add3A_1100 = vector.broadcast %add3A_1099 : i32 to vector<16xi32>
      %add3A_1101 = arith.addi %shift_left3A_697, %add3A_1100 : vector<16xi32>
      tpu.vector_store_idx %arg6[%shift_right_logical3A_691, %add3A_1101], %get3A_1026 : memref<256x128xf32, #tpu.memory_space<vmem>>[vector<16xi32>, vector<16xi32>], vector<16xf32>,
      %add3A_1102 = arith.constant 39 : i32
      %add3A_1103 = vector.broadcast %add3A_1102 : i32 to vector<16xi32>
      %add3A_1104 = arith.addi %shift_left3A_697, %add3A_1103 : vector<16xi32>
      tpu.vector_store_idx %arg6[%shift_right_logical3A_691, %add3A_1104], %get3A_1032 : memref<256x128xf32, #tpu.memory_space<vmem>>[vector<16xi32>, vector<16xi32>], vector<16xf32>,
      %add3A_1105 = arith.constant 40 : i32
      %add3A_1106 = vector.broadcast %add3A_1105 : i32 to vector<16xi32>
      %add3A_1107 = arith.addi %shift_left3A_697, %add3A_1106 : vector<16xi32>
      tpu.vector_store_idx %arg6[%shift_right_logical3A_691, %add3A_1107], %get3A_1038 : memref<256x128xf32, #tpu.memory_space<vmem>>[vector<16xi32>, vector<16xi32>], vector<16xf32>,
      %add3A_1108 = arith.constant 41 : i32
      %add3A_1109 = vector.broadcast %add3A_1108 : i32 to vector<16xi32>
      %add3A_1110 = arith.addi %shift_left3A_697, %add3A_1109 : vector<16xi32>
      tpu.vector_store_idx %arg6[%shift_right_logical3A_691, %add3A_1110], %get3A_1044 : memref<256x128xf32, #tpu.memory_space<vmem>>[vector<16xi32>, vector<16xi32>], vector<16xf32>,
      %add3A_1111 = arith.constant 42 : i32
      %add3A_1112 = vector.broadcast %add3A_1111 : i32 to vector<16xi32>
      %add3A_1113 = arith.addi %shift_left3A_697, %add3A_1112 : vector<16xi32>
      tpu.vector_store_idx %arg6[%shift_right_logical3A_691, %add3A_1113], %get3A_1050 : memref<256x128xf32, #tpu.memory_space<vmem>>[vector<16xi32>, vector<16xi32>], vector<16xf32>,
      %add3A_1114 = arith.constant 43 : i32
      %add3A_1115 = vector.broadcast %add3A_1114 : i32 to vector<16xi32>
      %add3A_1116 = arith.addi %shift_left3A_697, %add3A_1115 : vector<16xi32>
      tpu.vector_store_idx %arg6[%shift_right_logical3A_691, %add3A_1116], %get3A_1056 : memref<256x128xf32, #tpu.memory_space<vmem>>[vector<16xi32>, vector<16xi32>], vector<16xf32>,
      %add3A_1117 = arith.constant 44 : i32
      %add3A_1118 = vector.broadcast %add3A_1117 : i32 to vector<16xi32>
      %add3A_1119 = arith.addi %shift_left3A_697, %add3A_1118 : vector<16xi32>
      tpu.vector_store_idx %arg6[%shift_right_logical3A_691, %add3A_1119], %get3A_1062 : memref<256x128xf32, #tpu.memory_space<vmem>>[vector<16xi32>, vector<16xi32>], vector<16xf32>,
      %add3A_1120 = arith.constant 45 : i32
      %add3A_1121 = vector.broadcast %add3A_1120 : i32 to vector<16xi32>
      %add3A_1122 = arith.addi %shift_left3A_697, %add3A_1121 : vector<16xi32>
      tpu.vector_store_idx %arg6[%shift_right_logical3A_691, %add3A_1122], %get3A_1068 : memref<256x128xf32, #tpu.memory_space<vmem>>[vector<16xi32>, vector<16xi32>], vector<16xf32>,
      %add3A_1123 = arith.constant 46 : i32
      %add3A_1124 = vector.broadcast %add3A_1123 : i32 to vector<16xi32>
      %add3A_1125 = arith.addi %shift_left3A_697, %add3A_1124 : vector<16xi32>
      tpu.vector_store_idx %arg6[%shift_right_logical3A_691, %add3A_1125], %get3A_1074 : memref<256x128xf32, #tpu.memory_space<vmem>>[vector<16xi32>, vector<16xi32>], vector<16xf32>,
      %add3A_1126 = arith.constant 47 : i32
      %add3A_1127 = vector.broadcast %add3A_1126 : i32 to vector<16xi32>
      %add3A_1128 = arith.addi %shift_left3A_697, %add3A_1127 : vector<16xi32>
      tpu.vector_store_idx %arg6[%shift_right_logical3A_691, %add3A_1128], %get3A_1080 : memref<256x128xf32, #tpu.memory_space<vmem>>[vector<16xi32>, vector<16xi32>], vector<16xf32>,
      %get3A_1129 = arith.constant 0 : i32
      %get3A_1130 = arith.constant 48 : i32
      %get3A_1131 = arith.index_cast %get3A_1129 : i32 to index
      %get3A_1132 = arith.index_cast %get3A_1130 : i32 to index
      %get3A_1133 = arith.index_cast %mul3A_686 : i32 to index
      %get3A_1134 = tpu.vector_load %arg5[%get3A_1131, %get3A_1132, %get3A_1133] {strides = array<i32>} : memref<2x64x512xf32, #tpu.memory_space<vmem>>, vector<16xf32>,
      %get3A_1135 = arith.constant 0 : i32
      %get3A_1136 = arith.constant 49 : i32
      %get3A_1137 = arith.index_cast %get3A_1135 : i32 to index
      %get3A_1138 = arith.index_cast %get3A_1136 : i32 to index
      %get3A_1139 = arith.index_cast %mul3A_686 : i32 to index
      %get3A_1140 = tpu.vector_load %arg5[%get3A_1137, %get3A_1138, %get3A_1139] {strides = array<i32>} : memref<2x64x512xf32, #tpu.memory_space<vmem>>, vector<16xf32>,
      %get3A_1141 = arith.constant 0 : i32
      %get3A_1142 = arith.constant 50 : i32
      %get3A_1143 = arith.index_cast %get3A_1141 : i32 to index
      %get3A_1144 = arith.index_cast %get3A_1142 : i32 to index
      %get3A_1145 = arith.index_cast %mul3A_686 : i32 to index
      %get3A_1146 = tpu.vector_load %arg5[%get3A_1143, %get3A_1144, %get3A_1145] {strides = array<i32>} : memref<2x64x512xf32, #tpu.memory_space<vmem>>, vector<16xf32>,
      %get3A_1147 = arith.constant 0 : i32
      %get3A_1148 = arith.constant 51 : i32
      %get3A_1149 = arith.index_cast %get3A_1147 : i32 to index
      %get3A_1150 = arith.index_cast %get3A_1148 : i32 to index
      %get3A_1151 = arith.index_cast %mul3A_686 : i32 to index
      %get3A_1152 = tpu.vector_load %arg5[%get3A_1149, %get3A_1150, %get3A_1151] {strides = array<i32>} : memref<2x64x512xf32, #tpu.memory_space<vmem>>, vector<16xf32>,
      %get3A_1153 = arith.constant 0 : i32
      %get3A_1154 = arith.constant 52 : i32
      %get3A_1155 = arith.index_cast %get3A_1153 : i32 to index
      %get3A_1156 = arith.index_cast %get3A_1154 : i32 to index
      %get3A_1157 = arith.index_cast %mul3A_686 : i32 to index
      %get3A_1158 = tpu.vector_load %arg5[%get3A_1155, %get3A_1156, %get3A_1157] {strides = array<i32>} : memref<2x64x512xf32, #tpu.memory_space<vmem>>, vector<16xf32>,
      %get3A_1159 = arith.constant 0 : i32
      %get3A_1160 = arith.constant 53 : i32
      %get3A_1161 = arith.index_cast %get3A_1159 : i32 to index
      %get3A_1162 = arith.index_cast %get3A_1160 : i32 to index
      %get3A_1163 = arith.index_cast %mul3A_686 : i32 to index
      %get3A_1164 = tpu.vector_load %arg5[%get3A_1161, %get3A_1162, %get3A_1163] {strides = array<i32>} : memref<2x64x512xf32, #tpu.memory_space<vmem>>, vector<16xf32>,
      %get3A_1165 = arith.constant 0 : i32
      %get3A_1166 = arith.constant 54 : i32
      %get3A_1167 = arith.index_cast %get3A_1165 : i32 to index
      %get3A_1168 = arith.index_cast %get3A_1166 : i32 to index
      %get3A_1169 = arith.index_cast %mul3A_686 : i32 to index
      %get3A_1170 = tpu.vector_load %arg5[%get3A_1167, %get3A_1168, %get3A_1169] {strides = array<i32>} : memref<2x64x512xf32, #tpu.memory_space<vmem>>, vector<16xf32>,
      %get3A_1171 = arith.constant 0 : i32
      %get3A_1172 = arith.constant 55 : i32
      %get3A_1173 = arith.index_cast %get3A_1171 : i32 to index
      %get3A_1174 = arith.index_cast %get3A_1172 : i32 to index
      %get3A_1175 = arith.index_cast %mul3A_686 : i32 to index
      %get3A_1176 = tpu.vector_load %arg5[%get3A_1173, %get3A_1174, %get3A_1175] {strides = array<i32>} : memref<2x64x512xf32, #tpu.memory_space<vmem>>, vector<16xf32>,
      %get3A_1177 = arith.constant 0 : i32
      %get3A_1178 = arith.constant 56 : i32
      %get3A_1179 = arith.index_cast %get3A_1177 : i32 to index
      %get3A_1180 = arith.index_cast %get3A_1178 : i32 to index
      %get3A_1181 = arith.index_cast %mul3A_686 : i32 to index
      %get3A_1182 = tpu.vector_load %arg5[%get3A_1179, %get3A_1180, %get3A_1181] {strides = array<i32>} : memref<2x64x512xf32, #tpu.memory_space<vmem>>, vector<16xf32>,
      %get3A_1183 = arith.constant 0 : i32
      %get3A_1184 = arith.constant 57 : i32
      %get3A_1185 = arith.index_cast %get3A_1183 : i32 to index
      %get3A_1186 = arith.index_cast %get3A_1184 : i32 to index
      %get3A_1187 = arith.index_cast %mul3A_686 : i32 to index
      %get3A_1188 = tpu.vector_load %arg5[%get3A_1185, %get3A_1186, %get3A_1187] {strides = array<i32>} : memref<2x64x512xf32, #tpu.memory_space<vmem>>, vector<16xf32>,
      %get3A_1189 = arith.constant 0 : i32
      %get3A_1190 = arith.constant 58 : i32
      %get3A_1191 = arith.index_cast %get3A_1189 : i32 to index
      %get3A_1192 = arith.index_cast %get3A_1190 : i32 to index
      %get3A_1193 = arith.index_cast %mul3A_686 : i32 to index
      %get3A_1194 = tpu.vector_load %arg5[%get3A_1191, %get3A_1192, %get3A_1193] {strides = array<i32>} : memref<2x64x512xf32, #tpu.memory_space<vmem>>, vector<16xf32>,
      %get3A_1195 = arith.constant 0 : i32
      %get3A_1196 = arith.constant 59 : i32
      %get3A_1197 = arith.index_cast %get3A_1195 : i32 to index
      %get3A_1198 = arith.index_cast %get3A_1196 : i32 to index
      %get3A_1199 = arith.index_cast %mul3A_686 : i32 to index
      %get3A_1200 = tpu.vector_load %arg5[%get3A_1197, %get3A_1198, %get3A_1199] {strides = array<i32>} : memref<2x64x512xf32, #tpu.memory_space<vmem>>, vector<16xf32>,
      %get3A_1201 = arith.constant 0 : i32
      %get3A_1202 = arith.constant 60 : i32
      %get3A_1203 = arith.index_cast %get3A_1201 : i32 to index
      %get3A_1204 = arith.index_cast %get3A_1202 : i32 to index
      %get3A_1205 = arith.index_cast %mul3A_686 : i32 to index
      %get3A_1206 = tpu.vector_load %arg5[%get3A_1203, %get3A_1204, %get3A_1205] {strides = array<i32>} : memref<2x64x512xf32, #tpu.memory_space<vmem>>, vector<16xf32>,
      %get3A_1207 = arith.constant 0 : i32
      %get3A_1208 = arith.constant 61 : i32
      %get3A_1209 = arith.index_cast %get3A_1207 : i32 to index
      %get3A_1210 = arith.index_cast %get3A_1208 : i32 to index
      %get3A_1211 = arith.index_cast %mul3A_686 : i32 to index
      %get3A_1212 = tpu.vector_load %arg5[%get3A_1209, %get3A_1210, %get3A_1211] {strides = array<i32>} : memref<2x64x512xf32, #tpu.memory_space<vmem>>, vector<16xf32>,
      %get3A_1213 = arith.constant 0 : i32
      %get3A_1214 = arith.constant 62 : i32
      %get3A_1215 = arith.index_cast %get3A_1213 : i32 to index
      %get3A_1216 = arith.index_cast %get3A_1214 : i32 to index
      %get3A_1217 = arith.index_cast %mul3A_686 : i32 to index
      %get3A_1218 = tpu.vector_load %arg5[%get3A_1215, %get3A_1216, %get3A_1217] {strides = array<i32>} : memref<2x64x512xf32, #tpu.memory_space<vmem>>, vector<16xf32>,
      %get3A_1219 = arith.constant 0 : i32
      %get3A_1220 = arith.constant 63 : i32
      %get3A_1221 = arith.index_cast %get3A_1219 : i32 to index
      %get3A_1222 = arith.index_cast %get3A_1220 : i32 to index
      %get3A_1223 = arith.index_cast %mul3A_686 : i32 to index
      %get3A_1224 = tpu.vector_load %arg5[%get3A_1221, %get3A_1222, %get3A_1223] {strides = array<i32>} : memref<2x64x512xf32, #tpu.memory_space<vmem>>, vector<16xf32>,
      %add3A_1225 = arith.constant 48 : i32
      %add3A_1226 = vector.broadcast %add3A_1225 : i32 to vector<16xi32>
      %add3A_1227 = arith.addi %shift_left3A_697, %add3A_1226 : vector<16xi32>
      tpu.vector_store_idx %arg6[%shift_right_logical3A_691, %add3A_1227], %get3A_1134 : memref<256x128xf32, #tpu.memory_space<vmem>>[vector<16xi32>, vector<16xi32>], vector<16xf32>,
      %add3A_1228 = arith.constant 49 : i32
      %add3A_1229 = vector.broadcast %add3A_1228 : i32 to vector<16xi32>
      %add3A_1230 = arith.addi %shift_left3A_697, %add3A_1229 : vector<16xi32>
      tpu.vector_store_idx %arg6[%shift_right_logical3A_691, %add3A_1230], %get3A_1140 : memref<256x128xf32, #tpu.memory_space<vmem>>[vector<16xi32>, vector<16xi32>], vector<16xf32>,
      %add3A_1231 = arith.constant 50 : i32
      %add3A_1232 = vector.broadcast %add3A_1231 : i32 to vector<16xi32>
      %add3A_1233 = arith.addi %shift_left3A_697, %add3A_1232 : vector<16xi32>
      tpu.vector_store_idx %arg6[%shift_right_logical3A_691, %add3A_1233], %get3A_1146 : memref<256x128xf32, #tpu.memory_space<vmem>>[vector<16xi32>, vector<16xi32>], vector<16xf32>,
      %add3A_1234 = arith.constant 51 : i32
      %add3A_1235 = vector.broadcast %add3A_1234 : i32 to vector<16xi32>
      %add3A_1236 = arith.addi %shift_left3A_697, %add3A_1235 : vector<16xi32>
      tpu.vector_store_idx %arg6[%shift_right_logical3A_691, %add3A_1236], %get3A_1152 : memref<256x128xf32, #tpu.memory_space<vmem>>[vector<16xi32>, vector<16xi32>], vector<16xf32>,
      %add3A_1237 = arith.constant 52 : i32
      %add3A_1238 = vector.broadcast %add3A_1237 : i32 to vector<16xi32>
      %add3A_1239 = arith.addi %shift_left3A_697, %add3A_1238 : vector<16xi32>
      tpu.vector_store_idx %arg6[%shift_right_logical3A_691, %add3A_1239], %get3A_1158 : memref<256x128xf32, #tpu.memory_space<vmem>>[vector<16xi32>, vector<16xi32>], vector<16xf32>,
      %add3A_1240 = arith.constant 53 : i32
      %add3A_1241 = vector.broadcast %add3A_1240 : i32 to vector<16xi32>
      %add3A_1242 = arith.addi %shift_left3A_697, %add3A_1241 : vector<16xi32>
      tpu.vector_store_idx %arg6[%shift_right_logical3A_691, %add3A_1242], %get3A_1164 : memref<256x128xf32, #tpu.memory_space<vmem>>[vector<16xi32>, vector<16xi32>], vector<16xf32>,
      %add3A_1243 = arith.constant 54 : i32
      %add3A_1244 = vector.broadcast %add3A_1243 : i32 to vector<16xi32>
      %add3A_1245 = arith.addi %shift_left3A_697, %add3A_1244 : vector<16xi32>
      tpu.vector_store_idx %arg6[%shift_right_logical3A_691, %add3A_1245], %get3A_1170 : memref<256x128xf32, #tpu.memory_space<vmem>>[vector<16xi32>, vector<16xi32>], vector<16xf32>,
      %add3A_1246 = arith.constant 55 : i32
      %add3A_1247 = vector.broadcast %add3A_1246 : i32 to vector<16xi32>
      %add3A_1248 = arith.addi %shift_left3A_697, %add3A_1247 : vector<16xi32>
      tpu.vector_store_idx %arg6[%shift_right_logical3A_691, %add3A_1248], %get3A_1176 : memref<256x128xf32, #tpu.memory_space<vmem>>[vector<16xi32>, vector<16xi32>], vector<16xf32>,
      %add3A_1249 = arith.constant 56 : i32
      %add3A_1250 = vector.broadcast %add3A_1249 : i32 to vector<16xi32>
      %add3A_1251 = arith.addi %shift_left3A_697, %add3A_1250 : vector<16xi32>
      tpu.vector_store_idx %arg6[%shift_right_logical3A_691, %add3A_1251], %get3A_1182 : memref<256x128xf32, #tpu.memory_space<vmem>>[vector<16xi32>, vector<16xi32>], vector<16xf32>,
      %add3A_1252 = arith.constant 57 : i32
      %add3A_1253 = vector.broadcast %add3A_1252 : i32 to vector<16xi32>
      %add3A_1254 = arith.addi %shift_left3A_697, %add3A_1253 : vector<16xi32>
      tpu.vector_store_idx %arg6[%shift_right_logical3A_691, %add3A_1254], %get3A_1188 : memref<256x128xf32, #tpu.memory_space<vmem>>[vector<16xi32>, vector<16xi32>], vector<16xf32>,
      %add3A_1255 = arith.constant 58 : i32
      %add3A_1256 = vector.broadcast %add3A_1255 : i32 to vector<16xi32>
      %add3A_1257 = arith.addi %shift_left3A_697, %add3A_1256 : vector<16xi32>
      tpu.vector_store_idx %arg6[%shift_right_logical3A_691, %add3A_1257], %get3A_1194 : memref<256x128xf32, #tpu.memory_space<vmem>>[vector<16xi32>, vector<16xi32>], vector<16xf32>,
      %add3A_1258 = arith.constant 59 : i32
      %add3A_1259 = vector.broadcast %add3A_1258 : i32 to vector<16xi32>
      %add3A_1260 = arith.addi %shift_left3A_697, %add3A_1259 : vector<16xi32>
      tpu.vector_store_idx %arg6[%shift_right_logical3A_691, %add3A_1260], %get3A_1200 : memref<256x128xf32, #tpu.memory_space<vmem>>[vector<16xi32>, vector<16xi32>], vector<16xf32>,
      %add3A_1261 = arith.constant 60 : i32
      %add3A_1262 = vector.broadcast %add3A_1261 : i32 to vector<16xi32>
      %add3A_1263 = arith.addi %shift_left3A_697, %add3A_1262 : vector<16xi32>
      tpu.vector_store_idx %arg6[%shift_right_logical3A_691, %add3A_1263], %get3A_1206 : memref<256x128xf32, #tpu.memory_space<vmem>>[vector<16xi32>, vector<16xi32>], vector<16xf32>,
      %add3A_1264 = arith.constant 61 : i32
      %add3A_1265 = vector.broadcast %add3A_1264 : i32 to vector<16xi32>
      %add3A_1266 = arith.addi %shift_left3A_697, %add3A_1265 : vector<16xi32>
      tpu.vector_store_idx %arg6[%shift_right_logical3A_691, %add3A_1266], %get3A_1212 : memref<256x128xf32, #tpu.memory_space<vmem>>[vector<16xi32>, vector<16xi32>], vector<16xf32>,
      %add3A_1267 = arith.constant 62 : i32
      %add3A_1268 = vector.broadcast %add3A_1267 : i32 to vector<16xi32>
      %add3A_1269 = arith.addi %shift_left3A_697, %add3A_1268 : vector<16xi32>
      tpu.vector_store_idx %arg6[%shift_right_logical3A_691, %add3A_1269], %get3A_1218 : memref<256x128xf32, #tpu.memory_space<vmem>>[vector<16xi32>, vector<16xi32>], vector<16xf32>,
      %add3A_1270 = arith.constant 63 : i32
      %add3A_1271 = vector.broadcast %add3A_1270 : i32 to vector<16xi32>
      %add3A_1272 = arith.addi %shift_left3A_697, %add3A_1271 : vector<16xi32>
      tpu.vector_store_idx %arg6[%shift_right_logical3A_691, %add3A_1272], %get3A_1224 : memref<256x128xf32, #tpu.memory_space<vmem>>[vector<16xi32>, vector<16xi32>], vector<16xf32>,
    }
    %scan3A_562 = arith.constant 32 : i32
    %add3A_563 = arith.constant 0 : i32
    %add3A_564 = arith.addi %add3A, %add3A_563 : i32
    %mul3A_565 = arith.constant 512 : i32
    %mul3A_566 = arith.muli %add3A_564, %mul3A_565 : i32
    %multiple_of3A_567 = tpu.assume_multiple %mul3A_566, 512 : i32
    %jit3A_568 = arith.constant 2 : i32
    %div3A_569 = arith.divsi %multiple_of3A_567, %jit3A_568 : i32
    %sign3A_570 = arith.constant 0 : i32
    %sign3A_571 = arith.cmpi sgt, %multiple_of3A_567, %sign3A_570 : i32
    %sign3A_572 = arith.extui %sign3A_571 : i1 to i32
    %sign3A_573 = arith.constant 0 : i32
    %sign3A_574 = arith.cmpi slt, %multiple_of3A_567, %sign3A_573 : i32
    %sign3A_575 = arith.extui %sign3A_574 : i1 to i32
    %sign3A_576 = arith.subi %sign3A_572, %sign3A_575 : i32
    %sign3A_577 = arith.constant 0 : i32
    %sign3A_578 = arith.cmpi sgt, %jit3A_568, %sign3A_577 : i32
    %sign3A_579 = arith.extui %sign3A_578 : i1 to i32
    %sign3A_580 = arith.constant 0 : i32
    %sign3A_581 = arith.cmpi slt, %jit3A_568, %sign3A_580 : i32
    %sign3A_582 = arith.extui %sign3A_581 : i1 to i32
    %sign3A_583 = arith.subi %sign3A_579, %sign3A_582 : i32
    %ne3A_584 = arith.cmpi ne, %sign3A_576, %sign3A_583 : i32
    %rem3A_585 = arith.remsi %multiple_of3A_567, %jit3A_568 : i32
    %ne3A_586 = arith.constant 0 : i32
    %ne3A_587 = arith.cmpi ne, %rem3A_585, %ne3A_586 : i32
    %and3A_588 = arith.andi %ne3A_584, %ne3A_587 : i1
    %sub3A_589 = arith.constant 1 : i32
    %sub3A_590 = arith.subi %div3A_569, %sub3A_589 : i32
    %select_n3A_591 = arith.select %and3A_588, %sub3A_590, %div3A_569 : i32
    %multiple_of3A_592 = tpu.assume_multiple %select_n3A_591, 256 : i32
    %dma_start3A_593 = arith.constant 0 : i32
    %dma_start3A_594 = tpu.memref_slice %arg4[%multiple_of3A_592, %dma_start3A_593] : memref<500000x128xf32, #tpu.memory_space<hbm>> -> memref<256x128xf32, #tpu.memory_space<hbm>>
    %dma_start3A_595 = arith.constant 0 : i32
    %dma_start3A_596 = tpu.memref_slice %arg4[%multiple_of3A_592, %dma_start3A_595] : memref<500000x128xf32, #tpu.memory_space<hbm>> -> memref<256x128xf32, #tpu.memory_space<hbm>>
    tpu.enqueue_dma source(%arg6 : memref<256x128xf32, #tpu.memory_space<vmem>>) target(%dma_start3A_596 : memref<256x128xf32, #tpu.memory_space<hbm>>) target_semaphore(%arg9 : memref<!tpu.dma_semaphore, #tpu.memory_space<semaphore_mem>>)
    %gt3A = arith.constant 2 : i32
    %gt3A_597 = arith.cmpi sgt, %select_n3A, %gt3A : i32
    %convert_element_type3A = arith.extui %gt3A_597 : i1 to i32
    %cond3A = arith.constant 0 : i32
    %cond3A_598 = arith.cmpi ne, %convert_element_type3A, %cond3A : i32
    scf.if %cond3A_598 {
      %add3A_684 = arith.constant 64 : i32
      %add3A_685 = arith.addi %add3A, %add3A_684 : i32
      %mul3A_686 = arith.constant 512 : i32
      %mul3A_687 = arith.muli %add3A_685, %mul3A_686 : i32
      %multiple_of3A_688 = tpu.assume_multiple %mul3A_687, 512 : i32
      %dma_start3A_689 = arith.constant 0 : i32
      %dma_start3A_690 = arith.constant 0 : i32
      %dma_start3A_691 = arith.constant 0 : i32
      %dma_start3A_692 = arith.constant 0 : i32
      %dma_start3A_693 = tpu.memref_slice %arg5[%dma_start3A_689, %dma_start3A_691, %dma_start3A_692] : memref<2x64x512xf32, #tpu.memory_space<vmem>> -> memref<1x64x512xf32, #tpu.memory_space<vmem>>
      %dma_start3A_694 = tpu.memref_squeeze %dma_start3A_693 : memref<1x64x512xf32, #tpu.memory_space<vmem>> -> memref<64x512xf32, #tpu.memory_space<vmem>>
      %dma_start3A_695 = arith.constant 0 : i32
      %dma_start3A_696 = tpu.memref_slice %arg2[%dma_start3A_695, %multiple_of3A_688] : memref<64x1000000xf32, #tpu.memory_space<hbm>> -> memref<64x512xf32, #tpu.memory_space<hbm>>
      %dma_start3A_697 = tpu.memref_slice %arg8[%dma_start3A_690] : memref<2x!tpu.dma_semaphore, #tpu.memory_space<semaphore_mem>> -> memref<1x!tpu.dma_semaphore, #tpu.memory_space<semaphore_mem>>
      %dma_start3A_698 = tpu.memref_squeeze %dma_start3A_697 : memref<1x!tpu.dma_semaphore, #tpu.memory_space<semaphore_mem>> -> memref<!tpu.dma_semaphore, #tpu.memory_space<semaphore_mem>>
      %dma_start3A_699 = arith.constant 0 : i32
      %dma_start3A_700 = arith.constant 0 : i32
      %dma_start3A_701 = tpu.memref_slice %arg5[%dma_start3A_689, %dma_start3A_699, %dma_start3A_700] : memref<2x64x512xf32, #tpu.memory_space<vmem>> -> memref<1x64x512xf32, #tpu.memory_space<vmem>>
      %dma_start3A_702 = tpu.memref_squeeze %dma_start3A_701 : memref<1x64x512xf32, #tpu.memory_space<vmem>> -> memref<64x512xf32, #tpu.memory_space<vmem>>
      %dma_start3A_703 = arith.constant 0 : i32
      %dma_start3A_704 = tpu.memref_slice %arg2[%dma_start3A_703, %multiple_of3A_688] : memref<64x1000000xf32, #tpu.memory_space<hbm>> -> memref<64x512xf32, #tpu.memory_space<hbm>>
      tpu.enqueue_dma source(%dma_start3A_704 : memref<64x512xf32, #tpu.memory_space<hbm>>) target(%dma_start3A_702 : memref<64x512xf32, #tpu.memory_space<vmem>>) target_semaphore(%dma_start3A_698 : memref<!tpu.dma_semaphore, #tpu.memory_space<semaphore_mem>>)
    } else {
    }
    %dma_wait3A_599 = arith.constant 1 : i32
    %dma_wait3A_600 = arith.constant 1 : i32
    %dma_wait3A_601 = arith.constant 0 : i32
    %dma_wait3A_602 = arith.constant 0 : i32
    %dma_wait3A_603 = tpu.memref_slice %arg5[%dma_wait3A_599, %dma_wait3A_601, %dma_wait3A_602] : memref<2x64x512xf32, #tpu.memory_space<vmem>> -> memref<1x64x512xf32, #tpu.memory_space<vmem>>
    %dma_wait3A_604 = tpu.memref_squeeze %dma_wait3A_603 : memref<1x64x512xf32, #tpu.memory_space<vmem>> -> memref<64x512xf32, #tpu.memory_space<vmem>>
    %dma_wait3A_605 = arith.constant 0 : i32
    %dma_wait3A_606 = arith.constant 0 : i32
    %dma_wait3A_607 = tpu.memref_slice %arg2[%dma_wait3A_605, %dma_wait3A_606] : memref<64x1000000xf32, #tpu.memory_space<hbm>> -> memref<64x512xf32, #tpu.memory_space<hbm>>
    %dma_wait3A_608 = tpu.memref_slice %arg8[%dma_wait3A_600] : memref<2x!tpu.dma_semaphore, #tpu.memory_space<semaphore_mem>> -> memref<1x!tpu.dma_semaphore, #tpu.memory_space<semaphore_mem>>
    %dma_wait3A_609 = tpu.memref_squeeze %dma_wait3A_608 : memref<1x!tpu.dma_semaphore, #tpu.memory_space<semaphore_mem>> -> memref<!tpu.dma_semaphore, #tpu.memory_space<semaphore_mem>>
    %dma_wait3A_610 = arith.constant 0 : i32
    %dma_wait3A_611 = arith.constant 0 : i32
    %dma_wait3A_612 = tpu.memref_slice %arg5[%dma_wait3A_599, %dma_wait3A_610, %dma_wait3A_611] : memref<2x64x512xf32, #tpu.memory_space<vmem>> -> memref<1x64x512xf32, #tpu.memory_space<vmem>>
    %dma_wait3A_613 = tpu.memref_squeeze %dma_wait3A_612 : memref<1x64x512xf32, #tpu.memory_space<vmem>> -> memref<64x512xf32, #tpu.memory_space<vmem>>
    %dma_wait3A_614 = arith.constant 0 : i32
    %dma_wait3A_615 = arith.constant 0 : i32
    %dma_wait3A_616 = tpu.memref_slice %arg2[%dma_wait3A_614, %dma_wait3A_615] : memref<64x1000000xf32, #tpu.memory_space<hbm>> -> memref<64x512xf32, #tpu.memory_space<hbm>>
    tpu.wait_dma2 semaphore(%dma_wait3A_609 : memref<!tpu.dma_semaphore, #tpu.memory_space<semaphore_mem>>) src(%dma_wait3A_616 : memref<64x512xf32, #tpu.memory_space<hbm>>) dst(%dma_wait3A_613 : memref<64x512xf32, #tpu.memory_space<vmem>>)
    %dma_wait3A_617 = arith.constant 0 : i32
    %dma_wait3A_618 = arith.constant 0 : i32
    %dma_wait3A_619 = tpu.memref_slice %arg4[%dma_wait3A_617, %dma_wait3A_618] : memref<500000x128xf32, #tpu.memory_space<hbm>> -> memref<256x128xf32, #tpu.memory_space<hbm>>
    %dma_wait3A_620 = arith.constant 0 : i32
    %dma_wait3A_621 = arith.constant 0 : i32
    %dma_wait3A_622 = tpu.memref_slice %arg4[%dma_wait3A_620, %dma_wait3A_621] : memref<500000x128xf32, #tpu.memory_space<hbm>> -> memref<256x128xf32, #tpu.memory_space<hbm>>
    tpu.wait_dma2 semaphore(%arg9 : memref<!tpu.dma_semaphore, #tpu.memory_space<semaphore_mem>>) src(%arg6 : memref<256x128xf32, #tpu.memory_space<vmem>>) dst(%dma_wait3A_622 : memref<256x128xf32, #tpu.memory_space<hbm>>)
    %scan3A_623 = arith.constant 0 : i32
    %scan3A_624 = arith.constant 0 : i32
    %scan3A_625 = arith.constant 32 : i32
    %scan3A_626 = arith.addi %scan3A_624, %scan3A_625 : i32
    %scan3A_627 = arith.constant 1 : i32
    scf.for %scan3A_684 = %scan3A_624 to %scan3A_626 step %scan3A_627  : i32 {
      %mul3A_685 = arith.constant 16 : i32
      %mul3A_686 = arith.muli %scan3A_684, %mul3A_685 : i32
      %add3A_687 = vector.broadcast %mul3A_686 : i32 to vector<16xi32>
      %add3A_688 = arith.addi %iota3A, %add3A_687 : vector<16xi32>
      %shift_right_logical3A_689 = arith.constant 1 : i32
      %shift_right_logical3A_690 = vector.broadcast %shift_right_logical3A_689 : i32 to vector<16xi32>
      %shift_right_logical3A_691 = arith.shrui %add3A_688, %shift_right_logical3A_690 : vector<16xi32>
      %and3A_692 = arith.constant 1 : i32
      %and3A_693 = vector.broadcast %and3A_692 : i32 to vector<16xi32>
      %and3A_694 = arith.andi %add3A_688, %and3A_693 : vector<16xi32>
      %shift_left3A_695 = arith.constant 6 : i32
      %shift_left3A_696 = vector.broadcast %shift_left3A_695 : i32 to vector<16xi32>
      %shift_left3A_697 = arith.shli %and3A_694, %shift_left3A_696 : vector<16xi32>
      %get3A = arith.constant 1 : i32
      %get3A_698 = arith.constant 0 : i32
      %get3A_699 = arith.index_cast %get3A : i32 to index
      %get3A_700 = arith.index_cast %get3A_698 : i32 to index
      %get3A_701 = arith.index_cast %mul3A_686 : i32 to index
      %get3A_702 = tpu.vector_load %arg5[%get3A_699, %get3A_700, %get3A_701] {strides = array<i32>} : memref<2x64x512xf32, #tpu.memory_space<vmem>>, vector<16xf32>,
      %get3A_703 = arith.constant 1 : i32
      %get3A_704 = arith.constant 1 : i32
      %get3A_705 = arith.index_cast %get3A_703 : i32 to index
      %get3A_706 = arith.index_cast %get3A_704 : i32 to index
      %get3A_707 = arith.index_cast %mul3A_686 : i32 to index
      %get3A_708 = tpu.vector_load %arg5[%get3A_705, %get3A_706, %get3A_707] {strides = array<i32>} : memref<2x64x512xf32, #tpu.memory_space<vmem>>, vector<16xf32>,
      %get3A_709 = arith.constant 1 : i32
      %get3A_710 = arith.constant 2 : i32
      %get3A_711 = arith.index_cast %get3A_709 : i32 to index
      %get3A_712 = arith.index_cast %get3A_710 : i32 to index
      %get3A_713 = arith.index_cast %mul3A_686 : i32 to index
      %get3A_714 = tpu.vector_load %arg5[%get3A_711, %get3A_712, %get3A_713] {strides = array<i32>} : memref<2x64x512xf32, #tpu.memory_space<vmem>>, vector<16xf32>,
      %get3A_715 = arith.constant 1 : i32
      %get3A_716 = arith.constant 3 : i32
      %get3A_717 = arith.index_cast %get3A_715 : i32 to index
      %get3A_718 = arith.index_cast %get3A_716 : i32 to index
      %get3A_719 = arith.index_cast %mul3A_686 : i32 to index
      %get3A_720 = tpu.vector_load %arg5[%get3A_717, %get3A_718, %get3A_719] {strides = array<i32>} : memref<2x64x512xf32, #tpu.memory_space<vmem>>, vector<16xf32>,
      %get3A_721 = arith.constant 1 : i32
      %get3A_722 = arith.constant 4 : i32
      %get3A_723 = arith.index_cast %get3A_721 : i32 to index
      %get3A_724 = arith.index_cast %get3A_722 : i32 to index
      %get3A_725 = arith.index_cast %mul3A_686 : i32 to index
      %get3A_726 = tpu.vector_load %arg5[%get3A_723, %get3A_724, %get3A_725] {strides = array<i32>} : memref<2x64x512xf32, #tpu.memory_space<vmem>>, vector<16xf32>,
      %get3A_727 = arith.constant 1 : i32
      %get3A_728 = arith.constant 5 : i32
      %get3A_729 = arith.index_cast %get3A_727 : i32 to index
      %get3A_730 = arith.index_cast %get3A_728 : i32 to index
      %get3A_731 = arith.index_cast %mul3A_686 : i32 to index
      %get3A_732 = tpu.vector_load %arg5[%get3A_729, %get3A_730, %get3A_731] {strides = array<i32>} : memref<2x64x512xf32, #tpu.memory_space<vmem>>, vector<16xf32>,
      %get3A_733 = arith.constant 1 : i32
      %get3A_734 = arith.constant 6 : i32
      %get3A_735 = arith.index_cast %get3A_733 : i32 to index
      %get3A_736 = arith.index_cast %get3A_734 : i32 to index
      %get3A_737 = arith.index_cast %mul3A_686 : i32 to index
      %get3A_738 = tpu.vector_load %arg5[%get3A_735, %get3A_736, %get3A_737] {strides = array<i32>} : memref<2x64x512xf32, #tpu.memory_space<vmem>>, vector<16xf32>,
      %get3A_739 = arith.constant 1 : i32
      %get3A_740 = arith.constant 7 : i32
      %get3A_741 = arith.index_cast %get3A_739 : i32 to index
      %get3A_742 = arith.index_cast %get3A_740 : i32 to index
      %get3A_743 = arith.index_cast %mul3A_686 : i32 to index
      %get3A_744 = tpu.vector_load %arg5[%get3A_741, %get3A_742, %get3A_743] {strides = array<i32>} : memref<2x64x512xf32, #tpu.memory_space<vmem>>, vector<16xf32>,
      %get3A_745 = arith.constant 1 : i32
      %get3A_746 = arith.constant 8 : i32
      %get3A_747 = arith.index_cast %get3A_745 : i32 to index
      %get3A_748 = arith.index_cast %get3A_746 : i32 to index
      %get3A_749 = arith.index_cast %mul3A_686 : i32 to index
      %get3A_750 = tpu.vector_load %arg5[%get3A_747, %get3A_748, %get3A_749] {strides = array<i32>} : memref<2x64x512xf32, #tpu.memory_space<vmem>>, vector<16xf32>,
      %get3A_751 = arith.constant 1 : i32
      %get3A_752 = arith.constant 9 : i32
      %get3A_753 = arith.index_cast %get3A_751 : i32 to index
      %get3A_754 = arith.index_cast %get3A_752 : i32 to index
      %get3A_755 = arith.index_cast %mul3A_686 : i32 to index
      %get3A_756 = tpu.vector_load %arg5[%get3A_753, %get3A_754, %get3A_755] {strides = array<i32>} : memref<2x64x512xf32, #tpu.memory_space<vmem>>, vector<16xf32>,
      %get3A_757 = arith.constant 1 : i32
      %get3A_758 = arith.constant 10 : i32
      %get3A_759 = arith.index_cast %get3A_757 : i32 to index
      %get3A_760 = arith.index_cast %get3A_758 : i32 to index
      %get3A_761 = arith.index_cast %mul3A_686 : i32 to index
      %get3A_762 = tpu.vector_load %arg5[%get3A_759, %get3A_760, %get3A_761] {strides = array<i32>} : memref<2x64x512xf32, #tpu.memory_space<vmem>>, vector<16xf32>,
      %get3A_763 = arith.constant 1 : i32
      %get3A_764 = arith.constant 11 : i32
      %get3A_765 = arith.index_cast %get3A_763 : i32 to index
      %get3A_766 = arith.index_cast %get3A_764 : i32 to index
      %get3A_767 = arith.index_cast %mul3A_686 : i32 to index
      %get3A_768 = tpu.vector_load %arg5[%get3A_765, %get3A_766, %get3A_767] {strides = array<i32>} : memref<2x64x512xf32, #tpu.memory_space<vmem>>, vector<16xf32>,
      %get3A_769 = arith.constant 1 : i32
      %get3A_770 = arith.constant 12 : i32
      %get3A_771 = arith.index_cast %get3A_769 : i32 to index
      %get3A_772 = arith.index_cast %get3A_770 : i32 to index
      %get3A_773 = arith.index_cast %mul3A_686 : i32 to index
      %get3A_774 = tpu.vector_load %arg5[%get3A_771, %get3A_772, %get3A_773] {strides = array<i32>} : memref<2x64x512xf32, #tpu.memory_space<vmem>>, vector<16xf32>,
      %get3A_775 = arith.constant 1 : i32
      %get3A_776 = arith.constant 13 : i32
      %get3A_777 = arith.index_cast %get3A_775 : i32 to index
      %get3A_778 = arith.index_cast %get3A_776 : i32 to index
      %get3A_779 = arith.index_cast %mul3A_686 : i32 to index
      %get3A_780 = tpu.vector_load %arg5[%get3A_777, %get3A_778, %get3A_779] {strides = array<i32>} : memref<2x64x512xf32, #tpu.memory_space<vmem>>, vector<16xf32>,
      %get3A_781 = arith.constant 1 : i32
      %get3A_782 = arith.constant 14 : i32
      %get3A_783 = arith.index_cast %get3A_781 : i32 to index
      %get3A_784 = arith.index_cast %get3A_782 : i32 to index
      %get3A_785 = arith.index_cast %mul3A_686 : i32 to index
      %get3A_786 = tpu.vector_load %arg5[%get3A_783, %get3A_784, %get3A_785] {strides = array<i32>} : memref<2x64x512xf32, #tpu.memory_space<vmem>>, vector<16xf32>,
      %get3A_787 = arith.constant 1 : i32
      %get3A_788 = arith.constant 15 : i32
      %get3A_789 = arith.index_cast %get3A_787 : i32 to index
      %get3A_790 = arith.index_cast %get3A_788 : i32 to index
      %get3A_791 = arith.index_cast %mul3A_686 : i32 to index
      %get3A_792 = tpu.vector_load %arg5[%get3A_789, %get3A_790, %get3A_791] {strides = array<i32>} : memref<2x64x512xf32, #tpu.memory_space<vmem>>, vector<16xf32>,
      %add3A_793 = arith.constant 0 : i32
      %add3A_794 = vector.broadcast %add3A_793 : i32 to vector<16xi32>
      %add3A_795 = arith.addi %shift_left3A_697, %add3A_794 : vector<16xi32>
      tpu.vector_store_idx %arg6[%shift_right_logical3A_691, %add3A_795], %get3A_702 : memref<256x128xf32, #tpu.memory_space<vmem>>[vector<16xi32>, vector<16xi32>], vector<16xf32>,
      %add3A_796 = arith.constant 1 : i32
      %add3A_797 = vector.broadcast %add3A_796 : i32 to vector<16xi32>
      %add3A_798 = arith.addi %shift_left3A_697, %add3A_797 : vector<16xi32>
      tpu.vector_store_idx %arg6[%shift_right_logical3A_691, %add3A_798], %get3A_708 : memref<256x128xf32, #tpu.memory_space<vmem>>[vector<16xi32>, vector<16xi32>], vector<16xf32>,
      %add3A_799 = arith.constant 2 : i32
      %add3A_800 = vector.broadcast %add3A_799 : i32 to vector<16xi32>
      %add3A_801 = arith.addi %shift_left3A_697, %add3A_800 : vector<16xi32>
      tpu.vector_store_idx %arg6[%shift_right_logical3A_691, %add3A_801], %get3A_714 : memref<256x128xf32, #tpu.memory_space<vmem>>[vector<16xi32>, vector<16xi32>], vector<16xf32>,
      %add3A_802 = arith.constant 3 : i32
      %add3A_803 = vector.broadcast %add3A_802 : i32 to vector<16xi32>
      %add3A_804 = arith.addi %shift_left3A_697, %add3A_803 : vector<16xi32>
      tpu.vector_store_idx %arg6[%shift_right_logical3A_691, %add3A_804], %get3A_720 : memref<256x128xf32, #tpu.memory_space<vmem>>[vector<16xi32>, vector<16xi32>], vector<16xf32>,
      %add3A_805 = arith.constant 4 : i32
      %add3A_806 = vector.broadcast %add3A_805 : i32 to vector<16xi32>
      %add3A_807 = arith.addi %shift_left3A_697, %add3A_806 : vector<16xi32>
      tpu.vector_store_idx %arg6[%shift_right_logical3A_691, %add3A_807], %get3A_726 : memref<256x128xf32, #tpu.memory_space<vmem>>[vector<16xi32>, vector<16xi32>], vector<16xf32>,
      %add3A_808 = arith.constant 5 : i32
      %add3A_809 = vector.broadcast %add3A_808 : i32 to vector<16xi32>
      %add3A_810 = arith.addi %shift_left3A_697, %add3A_809 : vector<16xi32>
      tpu.vector_store_idx %arg6[%shift_right_logical3A_691, %add3A_810], %get3A_732 : memref<256x128xf32, #tpu.memory_space<vmem>>[vector<16xi32>, vector<16xi32>], vector<16xf32>,
      %add3A_811 = arith.constant 6 : i32
      %add3A_812 = vector.broadcast %add3A_811 : i32 to vector<16xi32>
      %add3A_813 = arith.addi %shift_left3A_697, %add3A_812 : vector<16xi32>
      tpu.vector_store_idx %arg6[%shift_right_logical3A_691, %add3A_813], %get3A_738 : memref<256x128xf32, #tpu.memory_space<vmem>>[vector<16xi32>, vector<16xi32>], vector<16xf32>,
      %add3A_814 = arith.constant 7 : i32
      %add3A_815 = vector.broadcast %add3A_814 : i32 to vector<16xi32>
      %add3A_816 = arith.addi %shift_left3A_697, %add3A_815 : vector<16xi32>
      tpu.vector_store_idx %arg6[%shift_right_logical3A_691, %add3A_816], %get3A_744 : memref<256x128xf32, #tpu.memory_space<vmem>>[vector<16xi32>, vector<16xi32>], vector<16xf32>,
      %add3A_817 = arith.constant 8 : i32
      %add3A_818 = vector.broadcast %add3A_817 : i32 to vector<16xi32>
      %add3A_819 = arith.addi %shift_left3A_697, %add3A_818 : vector<16xi32>
      tpu.vector_store_idx %arg6[%shift_right_logical3A_691, %add3A_819], %get3A_750 : memref<256x128xf32, #tpu.memory_space<vmem>>[vector<16xi32>, vector<16xi32>], vector<16xf32>,
      %add3A_820 = arith.constant 9 : i32
      %add3A_821 = vector.broadcast %add3A_820 : i32 to vector<16xi32>
      %add3A_822 = arith.addi %shift_left3A_697, %add3A_821 : vector<16xi32>
      tpu.vector_store_idx %arg6[%shift_right_logical3A_691, %add3A_822], %get3A_756 : memref<256x128xf32, #tpu.memory_space<vmem>>[vector<16xi32>, vector<16xi32>], vector<16xf32>,
      %add3A_823 = arith.constant 10 : i32
      %add3A_824 = vector.broadcast %add3A_823 : i32 to vector<16xi32>
      %add3A_825 = arith.addi %shift_left3A_697, %add3A_824 : vector<16xi32>
      tpu.vector_store_idx %arg6[%shift_right_logical3A_691, %add3A_825], %get3A_762 : memref<256x128xf32, #tpu.memory_space<vmem>>[vector<16xi32>, vector<16xi32>], vector<16xf32>,
      %add3A_826 = arith.constant 11 : i32
      %add3A_827 = vector.broadcast %add3A_826 : i32 to vector<16xi32>
      %add3A_828 = arith.addi %shift_left3A_697, %add3A_827 : vector<16xi32>
      tpu.vector_store_idx %arg6[%shift_right_logical3A_691, %add3A_828], %get3A_768 : memref<256x128xf32, #tpu.memory_space<vmem>>[vector<16xi32>, vector<16xi32>], vector<16xf32>,
      %add3A_829 = arith.constant 12 : i32
      %add3A_830 = vector.broadcast %add3A_829 : i32 to vector<16xi32>
      %add3A_831 = arith.addi %shift_left3A_697, %add3A_830 : vector<16xi32>
      tpu.vector_store_idx %arg6[%shift_right_logical3A_691, %add3A_831], %get3A_774 : memref<256x128xf32, #tpu.memory_space<vmem>>[vector<16xi32>, vector<16xi32>], vector<16xf32>,
      %add3A_832 = arith.constant 13 : i32
      %add3A_833 = vector.broadcast %add3A_832 : i32 to vector<16xi32>
      %add3A_834 = arith.addi %shift_left3A_697, %add3A_833 : vector<16xi32>
      tpu.vector_store_idx %arg6[%shift_right_logical3A_691, %add3A_834], %get3A_780 : memref<256x128xf32, #tpu.memory_space<vmem>>[vector<16xi32>, vector<16xi32>], vector<16xf32>,
      %add3A_835 = arith.constant 14 : i32
      %add3A_836 = vector.broadcast %add3A_835 : i32 to vector<16xi32>
      %add3A_837 = arith.addi %shift_left3A_697, %add3A_836 : vector<16xi32>
      tpu.vector_store_idx %arg6[%shift_right_logical3A_691, %add3A_837], %get3A_786 : memref<256x128xf32, #tpu.memory_space<vmem>>[vector<16xi32>, vector<16xi32>], vector<16xf32>,
      %add3A_838 = arith.constant 15 : i32
      %add3A_839 = vector.broadcast %add3A_838 : i32 to vector<16xi32>
      %add3A_840 = arith.addi %shift_left3A_697, %add3A_839 : vector<16xi32>
      tpu.vector_store_idx %arg6[%shift_right_logical3A_691, %add3A_840], %get3A_792 : memref<256x128xf32, #tpu.memory_space<vmem>>[vector<16xi32>, vector<16xi32>], vector<16xf32>,
      %get3A_841 = arith.constant 1 : i32
      %get3A_842 = arith.constant 16 : i32
      %get3A_843 = arith.index_cast %get3A_841 : i32 to index
      %get3A_844 = arith.index_cast %get3A_842 : i32 to index
      %get3A_845 = arith.index_cast %mul3A_686 : i32 to index
      %get3A_846 = tpu.vector_load %arg5[%get3A_843, %get3A_844, %get3A_845] {strides = array<i32>} : memref<2x64x512xf32, #tpu.memory_space<vmem>>, vector<16xf32>,
      %get3A_847 = arith.constant 1 : i32
      %get3A_848 = arith.constant 17 : i32
      %get3A_849 = arith.index_cast %get3A_847 : i32 to index
      %get3A_850 = arith.index_cast %get3A_848 : i32 to index
      %get3A_851 = arith.index_cast %mul3A_686 : i32 to index
      %get3A_852 = tpu.vector_load %arg5[%get3A_849, %get3A_850, %get3A_851] {strides = array<i32>} : memref<2x64x512xf32, #tpu.memory_space<vmem>>, vector<16xf32>,
      %get3A_853 = arith.constant 1 : i32
      %get3A_854 = arith.constant 18 : i32
      %get3A_855 = arith.index_cast %get3A_853 : i32 to index
      %get3A_856 = arith.index_cast %get3A_854 : i32 to index
      %get3A_857 = arith.index_cast %mul3A_686 : i32 to index
      %get3A_858 = tpu.vector_load %arg5[%get3A_855, %get3A_856, %get3A_857] {strides = array<i32>} : memref<2x64x512xf32, #tpu.memory_space<vmem>>, vector<16xf32>,
      %get3A_859 = arith.constant 1 : i32
      %get3A_860 = arith.constant 19 : i32
      %get3A_861 = arith.index_cast %get3A_859 : i32 to index
      %get3A_862 = arith.index_cast %get3A_860 : i32 to index
      %get3A_863 = arith.index_cast %mul3A_686 : i32 to index
      %get3A_864 = tpu.vector_load %arg5[%get3A_861, %get3A_862, %get3A_863] {strides = array<i32>} : memref<2x64x512xf32, #tpu.memory_space<vmem>>, vector<16xf32>,
      %get3A_865 = arith.constant 1 : i32
      %get3A_866 = arith.constant 20 : i32
      %get3A_867 = arith.index_cast %get3A_865 : i32 to index
      %get3A_868 = arith.index_cast %get3A_866 : i32 to index
      %get3A_869 = arith.index_cast %mul3A_686 : i32 to index
      %get3A_870 = tpu.vector_load %arg5[%get3A_867, %get3A_868, %get3A_869] {strides = array<i32>} : memref<2x64x512xf32, #tpu.memory_space<vmem>>, vector<16xf32>,
      %get3A_871 = arith.constant 1 : i32
      %get3A_872 = arith.constant 21 : i32
      %get3A_873 = arith.index_cast %get3A_871 : i32 to index
      %get3A_874 = arith.index_cast %get3A_872 : i32 to index
      %get3A_875 = arith.index_cast %mul3A_686 : i32 to index
      %get3A_876 = tpu.vector_load %arg5[%get3A_873, %get3A_874, %get3A_875] {strides = array<i32>} : memref<2x64x512xf32, #tpu.memory_space<vmem>>, vector<16xf32>,
      %get3A_877 = arith.constant 1 : i32
      %get3A_878 = arith.constant 22 : i32
      %get3A_879 = arith.index_cast %get3A_877 : i32 to index
      %get3A_880 = arith.index_cast %get3A_878 : i32 to index
      %get3A_881 = arith.index_cast %mul3A_686 : i32 to index
      %get3A_882 = tpu.vector_load %arg5[%get3A_879, %get3A_880, %get3A_881] {strides = array<i32>} : memref<2x64x512xf32, #tpu.memory_space<vmem>>, vector<16xf32>,
      %get3A_883 = arith.constant 1 : i32
      %get3A_884 = arith.constant 23 : i32
      %get3A_885 = arith.index_cast %get3A_883 : i32 to index
      %get3A_886 = arith.index_cast %get3A_884 : i32 to index
      %get3A_887 = arith.index_cast %mul3A_686 : i32 to index
      %get3A_888 = tpu.vector_load %arg5[%get3A_885, %get3A_886, %get3A_887] {strides = array<i32>} : memref<2x64x512xf32, #tpu.memory_space<vmem>>, vector<16xf32>,
      %get3A_889 = arith.constant 1 : i32
      %get3A_890 = arith.constant 24 : i32
      %get3A_891 = arith.index_cast %get3A_889 : i32 to index
      %get3A_892 = arith.index_cast %get3A_890 : i32 to index
      %get3A_893 = arith.index_cast %mul3A_686 : i32 to index
      %get3A_894 = tpu.vector_load %arg5[%get3A_891, %get3A_892, %get3A_893] {strides = array<i32>} : memref<2x64x512xf32, #tpu.memory_space<vmem>>, vector<16xf32>,
      %get3A_895 = arith.constant 1 : i32
      %get3A_896 = arith.constant 25 : i32
      %get3A_897 = arith.index_cast %get3A_895 : i32 to index
      %get3A_898 = arith.index_cast %get3A_896 : i32 to index
      %get3A_899 = arith.index_cast %mul3A_686 : i32 to index
      %get3A_900 = tpu.vector_load %arg5[%get3A_897, %get3A_898, %get3A_899] {strides = array<i32>} : memref<2x64x512xf32, #tpu.memory_space<vmem>>, vector<16xf32>,
      %get3A_901 = arith.constant 1 : i32
      %get3A_902 = arith.constant 26 : i32
      %get3A_903 = arith.index_cast %get3A_901 : i32 to index
      %get3A_904 = arith.index_cast %get3A_902 : i32 to index
      %get3A_905 = arith.index_cast %mul3A_686 : i32 to index
      %get3A_906 = tpu.vector_load %arg5[%get3A_903, %get3A_904, %get3A_905] {strides = array<i32>} : memref<2x64x512xf32, #tpu.memory_space<vmem>>, vector<16xf32>,
      %get3A_907 = arith.constant 1 : i32
      %get3A_908 = arith.constant 27 : i32
      %get3A_909 = arith.index_cast %get3A_907 : i32 to index
      %get3A_910 = arith.index_cast %get3A_908 : i32 to index
      %get3A_911 = arith.index_cast %mul3A_686 : i32 to index
      %get3A_912 = tpu.vector_load %arg5[%get3A_909, %get3A_910, %get3A_911] {strides = array<i32>} : memref<2x64x512xf32, #tpu.memory_space<vmem>>, vector<16xf32>,
      %get3A_913 = arith.constant 1 : i32
      %get3A_914 = arith.constant 28 : i32
      %get3A_915 = arith.index_cast %get3A_913 : i32 to index
      %get3A_916 = arith.index_cast %get3A_914 : i32 to index
      %get3A_917 = arith.index_cast %mul3A_686 : i32 to index
      %get3A_918 = tpu.vector_load %arg5[%get3A_915, %get3A_916, %get3A_917] {strides = array<i32>} : memref<2x64x512xf32, #tpu.memory_space<vmem>>, vector<16xf32>,
      %get3A_919 = arith.constant 1 : i32
      %get3A_920 = arith.constant 29 : i32
      %get3A_921 = arith.index_cast %get3A_919 : i32 to index
      %get3A_922 = arith.index_cast %get3A_920 : i32 to index
      %get3A_923 = arith.index_cast %mul3A_686 : i32 to index
      %get3A_924 = tpu.vector_load %arg5[%get3A_921, %get3A_922, %get3A_923] {strides = array<i32>} : memref<2x64x512xf32, #tpu.memory_space<vmem>>, vector<16xf32>,
      %get3A_925 = arith.constant 1 : i32
      %get3A_926 = arith.constant 30 : i32
      %get3A_927 = arith.index_cast %get3A_925 : i32 to index
      %get3A_928 = arith.index_cast %get3A_926 : i32 to index
      %get3A_929 = arith.index_cast %mul3A_686 : i32 to index
      %get3A_930 = tpu.vector_load %arg5[%get3A_927, %get3A_928, %get3A_929] {strides = array<i32>} : memref<2x64x512xf32, #tpu.memory_space<vmem>>, vector<16xf32>,
      %get3A_931 = arith.constant 1 : i32
      %get3A_932 = arith.constant 31 : i32
      %get3A_933 = arith.index_cast %get3A_931 : i32 to index
      %get3A_934 = arith.index_cast %get3A_932 : i32 to index
      %get3A_935 = arith.index_cast %mul3A_686 : i32 to index
      %get3A_936 = tpu.vector_load %arg5[%get3A_933, %get3A_934, %get3A_935] {strides = array<i32>} : memref<2x64x512xf32, #tpu.memory_space<vmem>>, vector<16xf32>,
      %add3A_937 = arith.constant 16 : i32
      %add3A_938 = vector.broadcast %add3A_937 : i32 to vector<16xi32>
      %add3A_939 = arith.addi %shift_left3A_697, %add3A_938 : vector<16xi32>
      tpu.vector_store_idx %arg6[%shift_right_logical3A_691, %add3A_939], %get3A_846 : memref<256x128xf32, #tpu.memory_space<vmem>>[vector<16xi32>, vector<16xi32>], vector<16xf32>,
      %add3A_940 = arith.constant 17 : i32
      %add3A_941 = vector.broadcast %add3A_940 : i32 to vector<16xi32>
      %add3A_942 = arith.addi %shift_left3A_697, %add3A_941 : vector<16xi32>
      tpu.vector_store_idx %arg6[%shift_right_logical3A_691, %add3A_942], %get3A_852 : memref<256x128xf32, #tpu.memory_space<vmem>>[vector<16xi32>, vector<16xi32>], vector<16xf32>,
      %add3A_943 = arith.constant 18 : i32
      %add3A_944 = vector.broadcast %add3A_943 : i32 to vector<16xi32>
      %add3A_945 = arith.addi %shift_left3A_697, %add3A_944 : vector<16xi32>
      tpu.vector_store_idx %arg6[%shift_right_logical3A_691, %add3A_945], %get3A_858 : memref<256x128xf32, #tpu.memory_space<vmem>>[vector<16xi32>, vector<16xi32>], vector<16xf32>,
      %add3A_946 = arith.constant 19 : i32
      %add3A_947 = vector.broadcast %add3A_946 : i32 to vector<16xi32>
      %add3A_948 = arith.addi %shift_left3A_697, %add3A_947 : vector<16xi32>
      tpu.vector_store_idx %arg6[%shift_right_logical3A_691, %add3A_948], %get3A_864 : memref<256x128xf32, #tpu.memory_space<vmem>>[vector<16xi32>, vector<16xi32>], vector<16xf32>,
      %add3A_949 = arith.constant 20 : i32
      %add3A_950 = vector.broadcast %add3A_949 : i32 to vector<16xi32>
      %add3A_951 = arith.addi %shift_left3A_697, %add3A_950 : vector<16xi32>
      tpu.vector_store_idx %arg6[%shift_right_logical3A_691, %add3A_951], %get3A_870 : memref<256x128xf32, #tpu.memory_space<vmem>>[vector<16xi32>, vector<16xi32>], vector<16xf32>,
      %add3A_952 = arith.constant 21 : i32
      %add3A_953 = vector.broadcast %add3A_952 : i32 to vector<16xi32>
      %add3A_954 = arith.addi %shift_left3A_697, %add3A_953 : vector<16xi32>
      tpu.vector_store_idx %arg6[%shift_right_logical3A_691, %add3A_954], %get3A_876 : memref<256x128xf32, #tpu.memory_space<vmem>>[vector<16xi32>, vector<16xi32>], vector<16xf32>,
      %add3A_955 = arith.constant 22 : i32
      %add3A_956 = vector.broadcast %add3A_955 : i32 to vector<16xi32>
      %add3A_957 = arith.addi %shift_left3A_697, %add3A_956 : vector<16xi32>
      tpu.vector_store_idx %arg6[%shift_right_logical3A_691, %add3A_957], %get3A_882 : memref<256x128xf32, #tpu.memory_space<vmem>>[vector<16xi32>, vector<16xi32>], vector<16xf32>,
      %add3A_958 = arith.constant 23 : i32
      %add3A_959 = vector.broadcast %add3A_958 : i32 to vector<16xi32>
      %add3A_960 = arith.addi %shift_left3A_697, %add3A_959 : vector<16xi32>
      tpu.vector_store_idx %arg6[%shift_right_logical3A_691, %add3A_960], %get3A_888 : memref<256x128xf32, #tpu.memory_space<vmem>>[vector<16xi32>, vector<16xi32>], vector<16xf32>,
      %add3A_961 = arith.constant 24 : i32
      %add3A_962 = vector.broadcast %add3A_961 : i32 to vector<16xi32>
      %add3A_963 = arith.addi %shift_left3A_697, %add3A_962 : vector<16xi32>
      tpu.vector_store_idx %arg6[%shift_right_logical3A_691, %add3A_963], %get3A_894 : memref<256x128xf32, #tpu.memory_space<vmem>>[vector<16xi32>, vector<16xi32>], vector<16xf32>,
      %add3A_964 = arith.constant 25 : i32
      %add3A_965 = vector.broadcast %add3A_964 : i32 to vector<16xi32>
      %add3A_966 = arith.addi %shift_left3A_697, %add3A_965 : vector<16xi32>
      tpu.vector_store_idx %arg6[%shift_right_logical3A_691, %add3A_966], %get3A_900 : memref<256x128xf32, #tpu.memory_space<vmem>>[vector<16xi32>, vector<16xi32>], vector<16xf32>,
      %add3A_967 = arith.constant 26 : i32
      %add3A_968 = vector.broadcast %add3A_967 : i32 to vector<16xi32>
      %add3A_969 = arith.addi %shift_left3A_697, %add3A_968 : vector<16xi32>
      tpu.vector_store_idx %arg6[%shift_right_logical3A_691, %add3A_969], %get3A_906 : memref<256x128xf32, #tpu.memory_space<vmem>>[vector<16xi32>, vector<16xi32>], vector<16xf32>,
      %add3A_970 = arith.constant 27 : i32
      %add3A_971 = vector.broadcast %add3A_970 : i32 to vector<16xi32>
      %add3A_972 = arith.addi %shift_left3A_697, %add3A_971 : vector<16xi32>
      tpu.vector_store_idx %arg6[%shift_right_logical3A_691, %add3A_972], %get3A_912 : memref<256x128xf32, #tpu.memory_space<vmem>>[vector<16xi32>, vector<16xi32>], vector<16xf32>,
      %add3A_973 = arith.constant 28 : i32
      %add3A_974 = vector.broadcast %add3A_973 : i32 to vector<16xi32>
      %add3A_975 = arith.addi %shift_left3A_697, %add3A_974 : vector<16xi32>
      tpu.vector_store_idx %arg6[%shift_right_logical3A_691, %add3A_975], %get3A_918 : memref<256x128xf32, #tpu.memory_space<vmem>>[vector<16xi32>, vector<16xi32>], vector<16xf32>,
      %add3A_976 = arith.constant 29 : i32
      %add3A_977 = vector.broadcast %add3A_976 : i32 to vector<16xi32>
      %add3A_978 = arith.addi %shift_left3A_697, %add3A_977 : vector<16xi32>
      tpu.vector_store_idx %arg6[%shift_right_logical3A_691, %add3A_978], %get3A_924 : memref<256x128xf32, #tpu.memory_space<vmem>>[vector<16xi32>, vector<16xi32>], vector<16xf32>,
      %add3A_979 = arith.constant 30 : i32
      %add3A_980 = vector.broadcast %add3A_979 : i32 to vector<16xi32>
      %add3A_981 = arith.addi %shift_left3A_697, %add3A_980 : vector<16xi32>
      tpu.vector_store_idx %arg6[%shift_right_logical3A_691, %add3A_981], %get3A_930 : memref<256x128xf32, #tpu.memory_space<vmem>>[vector<16xi32>, vector<16xi32>], vector<16xf32>,
      %add3A_982 = arith.constant 31 : i32
      %add3A_983 = vector.broadcast %add3A_982 : i32 to vector<16xi32>
      %add3A_984 = arith.addi %shift_left3A_697, %add3A_983 : vector<16xi32>
      tpu.vector_store_idx %arg6[%shift_right_logical3A_691, %add3A_984], %get3A_936 : memref<256x128xf32, #tpu.memory_space<vmem>>[vector<16xi32>, vector<16xi32>], vector<16xf32>,
      %get3A_985 = arith.constant 1 : i32
      %get3A_986 = arith.constant 32 : i32
      %get3A_987 = arith.index_cast %get3A_985 : i32 to index
      %get3A_988 = arith.index_cast %get3A_986 : i32 to index
      %get3A_989 = arith.index_cast %mul3A_686 : i32 to index
      %get3A_990 = tpu.vector_load %arg5[%get3A_987, %get3A_988, %get3A_989] {strides = array<i32>} : memref<2x64x512xf32, #tpu.memory_space<vmem>>, vector<16xf32>,
      %get3A_991 = arith.constant 1 : i32
      %get3A_992 = arith.constant 33 : i32
      %get3A_993 = arith.index_cast %get3A_991 : i32 to index
      %get3A_994 = arith.index_cast %get3A_992 : i32 to index
      %get3A_995 = arith.index_cast %mul3A_686 : i32 to index
      %get3A_996 = tpu.vector_load %arg5[%get3A_993, %get3A_994, %get3A_995] {strides = array<i32>} : memref<2x64x512xf32, #tpu.memory_space<vmem>>, vector<16xf32>,
      %get3A_997 = arith.constant 1 : i32
      %get3A_998 = arith.constant 34 : i32
      %get3A_999 = arith.index_cast %get3A_997 : i32 to index
      %get3A_1000 = arith.index_cast %get3A_998 : i32 to index
      %get3A_1001 = arith.index_cast %mul3A_686 : i32 to index
      %get3A_1002 = tpu.vector_load %arg5[%get3A_999, %get3A_1000, %get3A_1001] {strides = array<i32>} : memref<2x64x512xf32, #tpu.memory_space<vmem>>, vector<16xf32>,
      %get3A_1003 = arith.constant 1 : i32
      %get3A_1004 = arith.constant 35 : i32
      %get3A_1005 = arith.index_cast %get3A_1003 : i32 to index
      %get3A_1006 = arith.index_cast %get3A_1004 : i32 to index
      %get3A_1007 = arith.index_cast %mul3A_686 : i32 to index
      %get3A_1008 = tpu.vector_load %arg5[%get3A_1005, %get3A_1006, %get3A_1007] {strides = array<i32>} : memref<2x64x512xf32, #tpu.memory_space<vmem>>, vector<16xf32>,
      %get3A_1009 = arith.constant 1 : i32
      %get3A_1010 = arith.constant 36 : i32
      %get3A_1011 = arith.index_cast %get3A_1009 : i32 to index
      %get3A_1012 = arith.index_cast %get3A_1010 : i32 to index
      %get3A_1013 = arith.index_cast %mul3A_686 : i32 to index
      %get3A_1014 = tpu.vector_load %arg5[%get3A_1011, %get3A_1012, %get3A_1013] {strides = array<i32>} : memref<2x64x512xf32, #tpu.memory_space<vmem>>, vector<16xf32>,
      %get3A_1015 = arith.constant 1 : i32
      %get3A_1016 = arith.constant 37 : i32
      %get3A_1017 = arith.index_cast %get3A_1015 : i32 to index
      %get3A_1018 = arith.index_cast %get3A_1016 : i32 to index
      %get3A_1019 = arith.index_cast %mul3A_686 : i32 to index
      %get3A_1020 = tpu.vector_load %arg5[%get3A_1017, %get3A_1018, %get3A_1019] {strides = array<i32>} : memref<2x64x512xf32, #tpu.memory_space<vmem>>, vector<16xf32>,
      %get3A_1021 = arith.constant 1 : i32
      %get3A_1022 = arith.constant 38 : i32
      %get3A_1023 = arith.index_cast %get3A_1021 : i32 to index
      %get3A_1024 = arith.index_cast %get3A_1022 : i32 to index
      %get3A_1025 = arith.index_cast %mul3A_686 : i32 to index
      %get3A_1026 = tpu.vector_load %arg5[%get3A_1023, %get3A_1024, %get3A_1025] {strides = array<i32>} : memref<2x64x512xf32, #tpu.memory_space<vmem>>, vector<16xf32>,
      %get3A_1027 = arith.constant 1 : i32
      %get3A_1028 = arith.constant 39 : i32
      %get3A_1029 = arith.index_cast %get3A_1027 : i32 to index
      %get3A_1030 = arith.index_cast %get3A_1028 : i32 to index
      %get3A_1031 = arith.index_cast %mul3A_686 : i32 to index
      %get3A_1032 = tpu.vector_load %arg5[%get3A_1029, %get3A_1030, %get3A_1031] {strides = array<i32>} : memref<2x64x512xf32, #tpu.memory_space<vmem>>, vector<16xf32>,
      %get3A_1033 = arith.constant 1 : i32
      %get3A_1034 = arith.constant 40 : i32
      %get3A_1035 = arith.index_cast %get3A_1033 : i32 to index
      %get3A_1036 = arith.index_cast %get3A_1034 : i32 to index
      %get3A_1037 = arith.index_cast %mul3A_686 : i32 to index
      %get3A_1038 = tpu.vector_load %arg5[%get3A_1035, %get3A_1036, %get3A_1037] {strides = array<i32>} : memref<2x64x512xf32, #tpu.memory_space<vmem>>, vector<16xf32>,
      %get3A_1039 = arith.constant 1 : i32
      %get3A_1040 = arith.constant 41 : i32
      %get3A_1041 = arith.index_cast %get3A_1039 : i32 to index
      %get3A_1042 = arith.index_cast %get3A_1040 : i32 to index
      %get3A_1043 = arith.index_cast %mul3A_686 : i32 to index
      %get3A_1044 = tpu.vector_load %arg5[%get3A_1041, %get3A_1042, %get3A_1043] {strides = array<i32>} : memref<2x64x512xf32, #tpu.memory_space<vmem>>, vector<16xf32>,
      %get3A_1045 = arith.constant 1 : i32
      %get3A_1046 = arith.constant 42 : i32
      %get3A_1047 = arith.index_cast %get3A_1045 : i32 to index
      %get3A_1048 = arith.index_cast %get3A_1046 : i32 to index
      %get3A_1049 = arith.index_cast %mul3A_686 : i32 to index
      %get3A_1050 = tpu.vector_load %arg5[%get3A_1047, %get3A_1048, %get3A_1049] {strides = array<i32>} : memref<2x64x512xf32, #tpu.memory_space<vmem>>, vector<16xf32>,
      %get3A_1051 = arith.constant 1 : i32
      %get3A_1052 = arith.constant 43 : i32
      %get3A_1053 = arith.index_cast %get3A_1051 : i32 to index
      %get3A_1054 = arith.index_cast %get3A_1052 : i32 to index
      %get3A_1055 = arith.index_cast %mul3A_686 : i32 to index
      %get3A_1056 = tpu.vector_load %arg5[%get3A_1053, %get3A_1054, %get3A_1055] {strides = array<i32>} : memref<2x64x512xf32, #tpu.memory_space<vmem>>, vector<16xf32>,
      %get3A_1057 = arith.constant 1 : i32
      %get3A_1058 = arith.constant 44 : i32
      %get3A_1059 = arith.index_cast %get3A_1057 : i32 to index
      %get3A_1060 = arith.index_cast %get3A_1058 : i32 to index
      %get3A_1061 = arith.index_cast %mul3A_686 : i32 to index
      %get3A_1062 = tpu.vector_load %arg5[%get3A_1059, %get3A_1060, %get3A_1061] {strides = array<i32>} : memref<2x64x512xf32, #tpu.memory_space<vmem>>, vector<16xf32>,
      %get3A_1063 = arith.constant 1 : i32
      %get3A_1064 = arith.constant 45 : i32
      %get3A_1065 = arith.index_cast %get3A_1063 : i32 to index
      %get3A_1066 = arith.index_cast %get3A_1064 : i32 to index
      %get3A_1067 = arith.index_cast %mul3A_686 : i32 to index
      %get3A_1068 = tpu.vector_load %arg5[%get3A_1065, %get3A_1066, %get3A_1067] {strides = array<i32>} : memref<2x64x512xf32, #tpu.memory_space<vmem>>, vector<16xf32>,
      %get3A_1069 = arith.constant 1 : i32
      %get3A_1070 = arith.constant 46 : i32
      %get3A_1071 = arith.index_cast %get3A_1069 : i32 to index
      %get3A_1072 = arith.index_cast %get3A_1070 : i32 to index
      %get3A_1073 = arith.index_cast %mul3A_686 : i32 to index
      %get3A_1074 = tpu.vector_load %arg5[%get3A_1071, %get3A_1072, %get3A_1073] {strides = array<i32>} : memref<2x64x512xf32, #tpu.memory_space<vmem>>, vector<16xf32>,
      %get3A_1075 = arith.constant 1 : i32
      %get3A_1076 = arith.constant 47 : i32
      %get3A_1077 = arith.index_cast %get3A_1075 : i32 to index
      %get3A_1078 = arith.index_cast %get3A_1076 : i32 to index
      %get3A_1079 = arith.index_cast %mul3A_686 : i32 to index
      %get3A_1080 = tpu.vector_load %arg5[%get3A_1077, %get3A_1078, %get3A_1079] {strides = array<i32>} : memref<2x64x512xf32, #tpu.memory_space<vmem>>, vector<16xf32>,
      %add3A_1081 = arith.constant 32 : i32
      %add3A_1082 = vector.broadcast %add3A_1081 : i32 to vector<16xi32>
      %add3A_1083 = arith.addi %shift_left3A_697, %add3A_1082 : vector<16xi32>
      tpu.vector_store_idx %arg6[%shift_right_logical3A_691, %add3A_1083], %get3A_990 : memref<256x128xf32, #tpu.memory_space<vmem>>[vector<16xi32>, vector<16xi32>], vector<16xf32>,
      %add3A_1084 = arith.constant 33 : i32
      %add3A_1085 = vector.broadcast %add3A_1084 : i32 to vector<16xi32>
      %add3A_1086 = arith.addi %shift_left3A_697, %add3A_1085 : vector<16xi32>
      tpu.vector_store_idx %arg6[%shift_right_logical3A_691, %add3A_1086], %get3A_996 : memref<256x128xf32, #tpu.memory_space<vmem>>[vector<16xi32>, vector<16xi32>], vector<16xf32>,
      %add3A_1087 = arith.constant 34 : i32
      %add3A_1088 = vector.broadcast %add3A_1087 : i32 to vector<16xi32>
      %add3A_1089 = arith.addi %shift_left3A_697, %add3A_1088 : vector<16xi32>
      tpu.vector_store_idx %arg6[%shift_right_logical3A_691, %add3A_1089], %get3A_1002 : memref<256x128xf32, #tpu.memory_space<vmem>>[vector<16xi32>, vector<16xi32>], vector<16xf32>,
      %add3A_1090 = arith.constant 35 : i32
      %add3A_1091 = vector.broadcast %add3A_1090 : i32 to vector<16xi32>
      %add3A_1092 = arith.addi %shift_left3A_697, %add3A_1091 : vector<16xi32>
      tpu.vector_store_idx %arg6[%shift_right_logical3A_691, %add3A_1092], %get3A_1008 : memref<256x128xf32, #tpu.memory_space<vmem>>[vector<16xi32>, vector<16xi32>], vector<16xf32>,
      %add3A_1093 = arith.constant 36 : i32
      %add3A_1094 = vector.broadcast %add3A_1093 : i32 to vector<16xi32>
      %add3A_1095 = arith.addi %shift_left3A_697, %add3A_1094 : vector<16xi32>
      tpu.vector_store_idx %arg6[%shift_right_logical3A_691, %add3A_1095], %get3A_1014 : memref<256x128xf32, #tpu.memory_space<vmem>>[vector<16xi32>, vector<16xi32>], vector<16xf32>,
      %add3A_1096 = arith.constant 37 : i32
      %add3A_1097 = vector.broadcast %add3A_1096 : i32 to vector<16xi32>
      %add3A_1098 = arith.addi %shift_left3A_697, %add3A_1097 : vector<16xi32>
      tpu.vector_store_idx %arg6[%shift_right_logical3A_691, %add3A_1098], %get3A_1020 : memref<256x128xf32, #tpu.memory_space<vmem>>[vector<16xi32>, vector<16xi32>], vector<16xf32>,
      %add3A_1099 = arith.constant 38 : i32
      %add3A_1100 = vector.broadcast %add3A_1099 : i32 to vector<16xi32>
      %add3A_1101 = arith.addi %shift_left3A_697, %add3A_1100 : vector<16xi32>
      tpu.vector_store_idx %arg6[%shift_right_logical3A_691, %add3A_1101], %get3A_1026 : memref<256x128xf32, #tpu.memory_space<vmem>>[vector<16xi32>, vector<16xi32>], vector<16xf32>,
      %add3A_1102 = arith.constant 39 : i32
      %add3A_1103 = vector.broadcast %add3A_1102 : i32 to vector<16xi32>
      %add3A_1104 = arith.addi %shift_left3A_697, %add3A_1103 : vector<16xi32>
      tpu.vector_store_idx %arg6[%shift_right_logical3A_691, %add3A_1104], %get3A_1032 : memref<256x128xf32, #tpu.memory_space<vmem>>[vector<16xi32>, vector<16xi32>], vector<16xf32>,
      %add3A_1105 = arith.constant 40 : i32
      %add3A_1106 = vector.broadcast %add3A_1105 : i32 to vector<16xi32>
      %add3A_1107 = arith.addi %shift_left3A_697, %add3A_1106 : vector<16xi32>
      tpu.vector_store_idx %arg6[%shift_right_logical3A_691, %add3A_1107], %get3A_1038 : memref<256x128xf32, #tpu.memory_space<vmem>>[vector<16xi32>, vector<16xi32>], vector<16xf32>,
      %add3A_1108 = arith.constant 41 : i32
      %add3A_1109 = vector.broadcast %add3A_1108 : i32 to vector<16xi32>
      %add3A_1110 = arith.addi %shift_left3A_697, %add3A_1109 : vector<16xi32>
      tpu.vector_store_idx %arg6[%shift_right_logical3A_691, %add3A_1110], %get3A_1044 : memref<256x128xf32, #tpu.memory_space<vmem>>[vector<16xi32>, vector<16xi32>], vector<16xf32>,
      %add3A_1111 = arith.constant 42 : i32
      %add3A_1112 = vector.broadcast %add3A_1111 : i32 to vector<16xi32>
      %add3A_1113 = arith.addi %shift_left3A_697, %add3A_1112 : vector<16xi32>
      tpu.vector_store_idx %arg6[%shift_right_logical3A_691, %add3A_1113], %get3A_1050 : memref<256x128xf32, #tpu.memory_space<vmem>>[vector<16xi32>, vector<16xi32>], vector<16xf32>,
      %add3A_1114 = arith.constant 43 : i32
      %add3A_1115 = vector.broadcast %add3A_1114 : i32 to vector<16xi32>
      %add3A_1116 = arith.addi %shift_left3A_697, %add3A_1115 : vector<16xi32>
      tpu.vector_store_idx %arg6[%shift_right_logical3A_691, %add3A_1116], %get3A_1056 : memref<256x128xf32, #tpu.memory_space<vmem>>[vector<16xi32>, vector<16xi32>], vector<16xf32>,
      %add3A_1117 = arith.constant 44 : i32
      %add3A_1118 = vector.broadcast %add3A_1117 : i32 to vector<16xi32>
      %add3A_1119 = arith.addi %shift_left3A_697, %add3A_1118 : vector<16xi32>
      tpu.vector_store_idx %arg6[%shift_right_logical3A_691, %add3A_1119], %get3A_1062 : memref<256x128xf32, #tpu.memory_space<vmem>>[vector<16xi32>, vector<16xi32>], vector<16xf32>,
      %add3A_1120 = arith.constant 45 : i32
      %add3A_1121 = vector.broadcast %add3A_1120 : i32 to vector<16xi32>
      %add3A_1122 = arith.addi %shift_left3A_697, %add3A_1121 : vector<16xi32>
      tpu.vector_store_idx %arg6[%shift_right_logical3A_691, %add3A_1122], %get3A_1068 : memref<256x128xf32, #tpu.memory_space<vmem>>[vector<16xi32>, vector<16xi32>], vector<16xf32>,
      %add3A_1123 = arith.constant 46 : i32
      %add3A_1124 = vector.broadcast %add3A_1123 : i32 to vector<16xi32>
      %add3A_1125 = arith.addi %shift_left3A_697, %add3A_1124 : vector<16xi32>
      tpu.vector_store_idx %arg6[%shift_right_logical3A_691, %add3A_1125], %get3A_1074 : memref<256x128xf32, #tpu.memory_space<vmem>>[vector<16xi32>, vector<16xi32>], vector<16xf32>,
      %add3A_1126 = arith.constant 47 : i32
      %add3A_1127 = vector.broadcast %add3A_1126 : i32 to vector<16xi32>
      %add3A_1128 = arith.addi %shift_left3A_697, %add3A_1127 : vector<16xi32>
      tpu.vector_store_idx %arg6[%shift_right_logical3A_691, %add3A_1128], %get3A_1080 : memref<256x128xf32, #tpu.memory_space<vmem>>[vector<16xi32>, vector<16xi32>], vector<16xf32>,
      %get3A_1129 = arith.constant 1 : i32
      %get3A_1130 = arith.constant 48 : i32
      %get3A_1131 = arith.index_cast %get3A_1129 : i32 to index
      %get3A_1132 = arith.index_cast %get3A_1130 : i32 to index
      %get3A_1133 = arith.index_cast %mul3A_686 : i32 to index
      %get3A_1134 = tpu.vector_load %arg5[%get3A_1131, %get3A_1132, %get3A_1133] {strides = array<i32>} : memref<2x64x512xf32, #tpu.memory_space<vmem>>, vector<16xf32>,
      %get3A_1135 = arith.constant 1 : i32
      %get3A_1136 = arith.constant 49 : i32
      %get3A_1137 = arith.index_cast %get3A_1135 : i32 to index
      %get3A_1138 = arith.index_cast %get3A_1136 : i32 to index
      %get3A_1139 = arith.index_cast %mul3A_686 : i32 to index
      %get3A_1140 = tpu.vector_load %arg5[%get3A_1137, %get3A_1138, %get3A_1139] {strides = array<i32>} : memref<2x64x512xf32, #tpu.memory_space<vmem>>, vector<16xf32>,
      %get3A_1141 = arith.constant 1 : i32
      %get3A_1142 = arith.constant 50 : i32
      %get3A_1143 = arith.index_cast %get3A_1141 : i32 to index
      %get3A_1144 = arith.index_cast %get3A_1142 : i32 to index
      %get3A_1145 = arith.index_cast %mul3A_686 : i32 to index
      %get3A_1146 = tpu.vector_load %arg5[%get3A_1143, %get3A_1144, %get3A_1145] {strides = array<i32>} : memref<2x64x512xf32, #tpu.memory_space<vmem>>, vector<16xf32>,
      %get3A_1147 = arith.constant 1 : i32
      %get3A_1148 = arith.constant 51 : i32
      %get3A_1149 = arith.index_cast %get3A_1147 : i32 to index
      %get3A_1150 = arith.index_cast %get3A_1148 : i32 to index
      %get3A_1151 = arith.index_cast %mul3A_686 : i32 to index
      %get3A_1152 = tpu.vector_load %arg5[%get3A_1149, %get3A_1150, %get3A_1151] {strides = array<i32>} : memref<2x64x512xf32, #tpu.memory_space<vmem>>, vector<16xf32>,
      %get3A_1153 = arith.constant 1 : i32
      %get3A_1154 = arith.constant 52 : i32
      %get3A_1155 = arith.index_cast %get3A_1153 : i32 to index
      %get3A_1156 = arith.index_cast %get3A_1154 : i32 to index
      %get3A_1157 = arith.index_cast %mul3A_686 : i32 to index
      %get3A_1158 = tpu.vector_load %arg5[%get3A_1155, %get3A_1156, %get3A_1157] {strides = array<i32>} : memref<2x64x512xf32, #tpu.memory_space<vmem>>, vector<16xf32>,
      %get3A_1159 = arith.constant 1 : i32
      %get3A_1160 = arith.constant 53 : i32
      %get3A_1161 = arith.index_cast %get3A_1159 : i32 to index
      %get3A_1162 = arith.index_cast %get3A_1160 : i32 to index
      %get3A_1163 = arith.index_cast %mul3A_686 : i32 to index
      %get3A_1164 = tpu.vector_load %arg5[%get3A_1161, %get3A_1162, %get3A_1163] {strides = array<i32>} : memref<2x64x512xf32, #tpu.memory_space<vmem>>, vector<16xf32>,
      %get3A_1165 = arith.constant 1 : i32
      %get3A_1166 = arith.constant 54 : i32
      %get3A_1167 = arith.index_cast %get3A_1165 : i32 to index
      %get3A_1168 = arith.index_cast %get3A_1166 : i32 to index
      %get3A_1169 = arith.index_cast %mul3A_686 : i32 to index
      %get3A_1170 = tpu.vector_load %arg5[%get3A_1167, %get3A_1168, %get3A_1169] {strides = array<i32>} : memref<2x64x512xf32, #tpu.memory_space<vmem>>, vector<16xf32>,
      %get3A_1171 = arith.constant 1 : i32
      %get3A_1172 = arith.constant 55 : i32
      %get3A_1173 = arith.index_cast %get3A_1171 : i32 to index
      %get3A_1174 = arith.index_cast %get3A_1172 : i32 to index
      %get3A_1175 = arith.index_cast %mul3A_686 : i32 to index
      %get3A_1176 = tpu.vector_load %arg5[%get3A_1173, %get3A_1174, %get3A_1175] {strides = array<i32>} : memref<2x64x512xf32, #tpu.memory_space<vmem>>, vector<16xf32>,
      %get3A_1177 = arith.constant 1 : i32
      %get3A_1178 = arith.constant 56 : i32
      %get3A_1179 = arith.index_cast %get3A_1177 : i32 to index
      %get3A_1180 = arith.index_cast %get3A_1178 : i32 to index
      %get3A_1181 = arith.index_cast %mul3A_686 : i32 to index
      %get3A_1182 = tpu.vector_load %arg5[%get3A_1179, %get3A_1180, %get3A_1181] {strides = array<i32>} : memref<2x64x512xf32, #tpu.memory_space<vmem>>, vector<16xf32>,
      %get3A_1183 = arith.constant 1 : i32
      %get3A_1184 = arith.constant 57 : i32
      %get3A_1185 = arith.index_cast %get3A_1183 : i32 to index
      %get3A_1186 = arith.index_cast %get3A_1184 : i32 to index
      %get3A_1187 = arith.index_cast %mul3A_686 : i32 to index
      %get3A_1188 = tpu.vector_load %arg5[%get3A_1185, %get3A_1186, %get3A_1187] {strides = array<i32>} : memref<2x64x512xf32, #tpu.memory_space<vmem>>, vector<16xf32>,
      %get3A_1189 = arith.constant 1 : i32
      %get3A_1190 = arith.constant 58 : i32
      %get3A_1191 = arith.index_cast %get3A_1189 : i32 to index
      %get3A_1192 = arith.index_cast %get3A_1190 : i32 to index
      %get3A_1193 = arith.index_cast %mul3A_686 : i32 to index
      %get3A_1194 = tpu.vector_load %arg5[%get3A_1191, %get3A_1192, %get3A_1193] {strides = array<i32>} : memref<2x64x512xf32, #tpu.memory_space<vmem>>, vector<16xf32>,
      %get3A_1195 = arith.constant 1 : i32
      %get3A_1196 = arith.constant 59 : i32
      %get3A_1197 = arith.index_cast %get3A_1195 : i32 to index
      %get3A_1198 = arith.index_cast %get3A_1196 : i32 to index
      %get3A_1199 = arith.index_cast %mul3A_686 : i32 to index
      %get3A_1200 = tpu.vector_load %arg5[%get3A_1197, %get3A_1198, %get3A_1199] {strides = array<i32>} : memref<2x64x512xf32, #tpu.memory_space<vmem>>, vector<16xf32>,
      %get3A_1201 = arith.constant 1 : i32
      %get3A_1202 = arith.constant 60 : i32
      %get3A_1203 = arith.index_cast %get3A_1201 : i32 to index
      %get3A_1204 = arith.index_cast %get3A_1202 : i32 to index
      %get3A_1205 = arith.index_cast %mul3A_686 : i32 to index
      %get3A_1206 = tpu.vector_load %arg5[%get3A_1203, %get3A_1204, %get3A_1205] {strides = array<i32>} : memref<2x64x512xf32, #tpu.memory_space<vmem>>, vector<16xf32>,
      %get3A_1207 = arith.constant 1 : i32
      %get3A_1208 = arith.constant 61 : i32
      %get3A_1209 = arith.index_cast %get3A_1207 : i32 to index
      %get3A_1210 = arith.index_cast %get3A_1208 : i32 to index
      %get3A_1211 = arith.index_cast %mul3A_686 : i32 to index
      %get3A_1212 = tpu.vector_load %arg5[%get3A_1209, %get3A_1210, %get3A_1211] {strides = array<i32>} : memref<2x64x512xf32, #tpu.memory_space<vmem>>, vector<16xf32>,
      %get3A_1213 = arith.constant 1 : i32
      %get3A_1214 = arith.constant 62 : i32
      %get3A_1215 = arith.index_cast %get3A_1213 : i32 to index
      %get3A_1216 = arith.index_cast %get3A_1214 : i32 to index
      %get3A_1217 = arith.index_cast %mul3A_686 : i32 to index
      %get3A_1218 = tpu.vector_load %arg5[%get3A_1215, %get3A_1216, %get3A_1217] {strides = array<i32>} : memref<2x64x512xf32, #tpu.memory_space<vmem>>, vector<16xf32>,
      %get3A_1219 = arith.constant 1 : i32
      %get3A_1220 = arith.constant 63 : i32
      %get3A_1221 = arith.index_cast %get3A_1219 : i32 to index
      %get3A_1222 = arith.index_cast %get3A_1220 : i32 to index
      %get3A_1223 = arith.index_cast %mul3A_686 : i32 to index
      %get3A_1224 = tpu.vector_load %arg5[%get3A_1221, %get3A_1222, %get3A_1223] {strides = array<i32>} : memref<2x64x512xf32, #tpu.memory_space<vmem>>, vector<16xf32>,
      %add3A_1225 = arith.constant 48 : i32
      %add3A_1226 = vector.broadcast %add3A_1225 : i32 to vector<16xi32>
      %add3A_1227 = arith.addi %shift_left3A_697, %add3A_1226 : vector<16xi32>
      tpu.vector_store_idx %arg6[%shift_right_logical3A_691, %add3A_1227], %get3A_1134 : memref<256x128xf32, #tpu.memory_space<vmem>>[vector<16xi32>, vector<16xi32>], vector<16xf32>,
      %add3A_1228 = arith.constant 49 : i32
      %add3A_1229 = vector.broadcast %add3A_1228 : i32 to vector<16xi32>
      %add3A_1230 = arith.addi %shift_left3A_697, %add3A_1229 : vector<16xi32>
      tpu.vector_store_idx %arg6[%shift_right_logical3A_691, %add3A_1230], %get3A_1140 : memref<256x128xf32, #tpu.memory_space<vmem>>[vector<16xi32>, vector<16xi32>], vector<16xf32>,
      %add3A_1231 = arith.constant 50 : i32
      %add3A_1232 = vector.broadcast %add3A_1231 : i32 to vector<16xi32>
      %add3A_1233 = arith.addi %shift_left3A_697, %add3A_1232 : vector<16xi32>
      tpu.vector_store_idx %arg6[%shift_right_logical3A_691, %add3A_1233], %get3A_1146 : memref<256x128xf32, #tpu.memory_space<vmem>>[vector<16xi32>, vector<16xi32>], vector<16xf32>,
      %add3A_1234 = arith.constant 51 : i32
      %add3A_1235 = vector.broadcast %add3A_1234 : i32 to vector<16xi32>
      %add3A_1236 = arith.addi %shift_left3A_697, %add3A_1235 : vector<16xi32>
      tpu.vector_store_idx %arg6[%shift_right_logical3A_691, %add3A_1236], %get3A_1152 : memref<256x128xf32, #tpu.memory_space<vmem>>[vector<16xi32>, vector<16xi32>], vector<16xf32>,
      %add3A_1237 = arith.constant 52 : i32
      %add3A_1238 = vector.broadcast %add3A_1237 : i32 to vector<16xi32>
      %add3A_1239 = arith.addi %shift_left3A_697, %add3A_1238 : vector<16xi32>
      tpu.vector_store_idx %arg6[%shift_right_logical3A_691, %add3A_1239], %get3A_1158 : memref<256x128xf32, #tpu.memory_space<vmem>>[vector<16xi32>, vector<16xi32>], vector<16xf32>,
      %add3A_1240 = arith.constant 53 : i32
      %add3A_1241 = vector.broadcast %add3A_1240 : i32 to vector<16xi32>
      %add3A_1242 = arith.addi %shift_left3A_697, %add3A_1241 : vector<16xi32>
      tpu.vector_store_idx %arg6[%shift_right_logical3A_691, %add3A_1242], %get3A_1164 : memref<256x128xf32, #tpu.memory_space<vmem>>[vector<16xi32>, vector<16xi32>], vector<16xf32>,
      %add3A_1243 = arith.constant 54 : i32
      %add3A_1244 = vector.broadcast %add3A_1243 : i32 to vector<16xi32>
      %add3A_1245 = arith.addi %shift_left3A_697, %add3A_1244 : vector<16xi32>
      tpu.vector_store_idx %arg6[%shift_right_logical3A_691, %add3A_1245], %get3A_1170 : memref<256x128xf32, #tpu.memory_space<vmem>>[vector<16xi32>, vector<16xi32>], vector<16xf32>,
      %add3A_1246 = arith.constant 55 : i32
      %add3A_1247 = vector.broadcast %add3A_1246 : i32 to vector<16xi32>
      %add3A_1248 = arith.addi %shift_left3A_697, %add3A_1247 : vector<16xi32>
      tpu.vector_store_idx %arg6[%shift_right_logical3A_691, %add3A_1248], %get3A_1176 : memref<256x128xf32, #tpu.memory_space<vmem>>[vector<16xi32>, vector<16xi32>], vector<16xf32>,
      %add3A_1249 = arith.constant 56 : i32
      %add3A_1250 = vector.broadcast %add3A_1249 : i32 to vector<16xi32>
      %add3A_1251 = arith.addi %shift_left3A_697, %add3A_1250 : vector<16xi32>
      tpu.vector_store_idx %arg6[%shift_right_logical3A_691, %add3A_1251], %get3A_1182 : memref<256x128xf32, #tpu.memory_space<vmem>>[vector<16xi32>, vector<16xi32>], vector<16xf32>,
      %add3A_1252 = arith.constant 57 : i32
      %add3A_1253 = vector.broadcast %add3A_1252 : i32 to vector<16xi32>
      %add3A_1254 = arith.addi %shift_left3A_697, %add3A_1253 : vector<16xi32>
      tpu.vector_store_idx %arg6[%shift_right_logical3A_691, %add3A_1254], %get3A_1188 : memref<256x128xf32, #tpu.memory_space<vmem>>[vector<16xi32>, vector<16xi32>], vector<16xf32>,
      %add3A_1255 = arith.constant 58 : i32
      %add3A_1256 = vector.broadcast %add3A_1255 : i32 to vector<16xi32>
      %add3A_1257 = arith.addi %shift_left3A_697, %add3A_1256 : vector<16xi32>
      tpu.vector_store_idx %arg6[%shift_right_logical3A_691, %add3A_1257], %get3A_1194 : memref<256x128xf32, #tpu.memory_space<vmem>>[vector<16xi32>, vector<16xi32>], vector<16xf32>,
      %add3A_1258 = arith.constant 59 : i32
      %add3A_1259 = vector.broadcast %add3A_1258 : i32 to vector<16xi32>
      %add3A_1260 = arith.addi %shift_left3A_697, %add3A_1259 : vector<16xi32>
      tpu.vector_store_idx %arg6[%shift_right_logical3A_691, %add3A_1260], %get3A_1200 : memref<256x128xf32, #tpu.memory_space<vmem>>[vector<16xi32>, vector<16xi32>], vector<16xf32>,
      %add3A_1261 = arith.constant 60 : i32
      %add3A_1262 = vector.broadcast %add3A_1261 : i32 to vector<16xi32>
      %add3A_1263 = arith.addi %shift_left3A_697, %add3A_1262 : vector<16xi32>
      tpu.vector_store_idx %arg6[%shift_right_logical3A_691, %add3A_1263], %get3A_1206 : memref<256x128xf32, #tpu.memory_space<vmem>>[vector<16xi32>, vector<16xi32>], vector<16xf32>,
      %add3A_1264 = arith.constant 61 : i32
      %add3A_1265 = vector.broadcast %add3A_1264 : i32 to vector<16xi32>
      %add3A_1266 = arith.addi %shift_left3A_697, %add3A_1265 : vector<16xi32>
      tpu.vector_store_idx %arg6[%shift_right_logical3A_691, %add3A_1266], %get3A_1212 : memref<256x128xf32, #tpu.memory_space<vmem>>[vector<16xi32>, vector<16xi32>], vector<16xf32>,
      %add3A_1267 = arith.constant 62 : i32
      %add3A_1268 = vector.broadcast %add3A_1267 : i32 to vector<16xi32>
      %add3A_1269 = arith.addi %shift_left3A_697, %add3A_1268 : vector<16xi32>
      tpu.vector_store_idx %arg6[%shift_right_logical3A_691, %add3A_1269], %get3A_1218 : memref<256x128xf32, #tpu.memory_space<vmem>>[vector<16xi32>, vector<16xi32>], vector<16xf32>,
      %add3A_1270 = arith.constant 63 : i32
      %add3A_1271 = vector.broadcast %add3A_1270 : i32 to vector<16xi32>
      %add3A_1272 = arith.addi %shift_left3A_697, %add3A_1271 : vector<16xi32>
      tpu.vector_store_idx %arg6[%shift_right_logical3A_691, %add3A_1272], %get3A_1224 : memref<256x128xf32, #tpu.memory_space<vmem>>[vector<16xi32>, vector<16xi32>], vector<16xf32>,
    }
    %scan3A_628 = arith.constant 32 : i32
    %add3A_629 = arith.constant 32 : i32
    %add3A_630 = arith.addi %add3A, %add3A_629 : i32
    %mul3A_631 = arith.constant 512 : i32
    %mul3A_632 = arith.muli %add3A_630, %mul3A_631 : i32
    %multiple_of3A_633 = tpu.assume_multiple %mul3A_632, 512 : i32
    %jit3A_634 = arith.constant 2 : i32
    %div3A_635 = arith.divsi %multiple_of3A_633, %jit3A_634 : i32
    %sign3A_636 = arith.constant 0 : i32
    %sign3A_637 = arith.cmpi sgt, %multiple_of3A_633, %sign3A_636 : i32
    %sign3A_638 = arith.extui %sign3A_637 : i1 to i32
    %sign3A_639 = arith.constant 0 : i32
    %sign3A_640 = arith.cmpi slt, %multiple_of3A_633, %sign3A_639 : i32
    %sign3A_641 = arith.extui %sign3A_640 : i1 to i32
    %sign3A_642 = arith.subi %sign3A_638, %sign3A_641 : i32
    %sign3A_643 = arith.constant 0 : i32
    %sign3A_644 = arith.cmpi sgt, %jit3A_634, %sign3A_643 : i32
    %sign3A_645 = arith.extui %sign3A_644 : i1 to i32
    %sign3A_646 = arith.constant 0 : i32
    %sign3A_647 = arith.cmpi slt, %jit3A_634, %sign3A_646 : i32
    %sign3A_648 = arith.extui %sign3A_647 : i1 to i32
    %sign3A_649 = arith.subi %sign3A_645, %sign3A_648 : i32
    %ne3A_650 = arith.cmpi ne, %sign3A_642, %sign3A_649 : i32
    %rem3A_651 = arith.remsi %multiple_of3A_633, %jit3A_634 : i32
    %ne3A_652 = arith.constant 0 : i32
    %ne3A_653 = arith.cmpi ne, %rem3A_651, %ne3A_652 : i32
    %and3A_654 = arith.andi %ne3A_650, %ne3A_653 : i1
    %sub3A_655 = arith.constant 1 : i32
    %sub3A_656 = arith.subi %div3A_635, %sub3A_655 : i32
    %select_n3A_657 = arith.select %and3A_654, %sub3A_656, %div3A_635 : i32
    %multiple_of3A_658 = tpu.assume_multiple %select_n3A_657, 256 : i32
    %dma_start3A_659 = arith.constant 0 : i32
    %dma_start3A_660 = tpu.memref_slice %arg4[%multiple_of3A_658, %dma_start3A_659] : memref<500000x128xf32, #tpu.memory_space<hbm>> -> memref<256x128xf32, #tpu.memory_space<hbm>>
    %dma_start3A_661 = arith.constant 0 : i32
    %dma_start3A_662 = tpu.memref_slice %arg4[%multiple_of3A_658, %dma_start3A_661] : memref<500000x128xf32, #tpu.memory_space<hbm>> -> memref<256x128xf32, #tpu.memory_space<hbm>>
    tpu.enqueue_dma source(%arg6 : memref<256x128xf32, #tpu.memory_space<vmem>>) target(%dma_start3A_662 : memref<256x128xf32, #tpu.memory_space<hbm>>) target_semaphore(%arg9 : memref<!tpu.dma_semaphore, #tpu.memory_space<semaphore_mem>>)
    %gt3A_663 = arith.constant 3 : i32
    %gt3A_664 = arith.cmpi sgt, %select_n3A, %gt3A_663 : i32
    %convert_element_type3A_665 = arith.extui %gt3A_664 : i1 to i32
    %cond3A_666 = arith.constant 0 : i32
    %cond3A_667 = arith.cmpi ne, %convert_element_type3A_665, %cond3A_666 : i32
    scf.if %cond3A_667 {
      %add3A_684 = arith.constant 96 : i32
      %add3A_685 = arith.addi %add3A, %add3A_684 : i32
      %mul3A_686 = arith.constant 512 : i32
      %mul3A_687 = arith.muli %add3A_685, %mul3A_686 : i32
      %multiple_of3A_688 = tpu.assume_multiple %mul3A_687, 512 : i32
      %dma_start3A_689 = arith.constant 1 : i32
      %dma_start3A_690 = arith.constant 1 : i32
      %dma_start3A_691 = arith.constant 0 : i32
      %dma_start3A_692 = arith.constant 0 : i32
      %dma_start3A_693 = tpu.memref_slice %arg5[%dma_start3A_689, %dma_start3A_691, %dma_start3A_692] : memref<2x64x512xf32, #tpu.memory_space<vmem>> -> memref<1x64x512xf32, #tpu.memory_space<vmem>>
      %dma_start3A_694 = tpu.memref_squeeze %dma_start3A_693 : memref<1x64x512xf32, #tpu.memory_space<vmem>> -> memref<64x512xf32, #tpu.memory_space<vmem>>
      %dma_start3A_695 = arith.constant 0 : i32
      %dma_start3A_696 = tpu.memref_slice %arg2[%dma_start3A_695, %multiple_of3A_688] : memref<64x1000000xf32, #tpu.memory_space<hbm>> -> memref<64x512xf32, #tpu.memory_space<hbm>>
      %dma_start3A_697 = tpu.memref_slice %arg8[%dma_start3A_690] : memref<2x!tpu.dma_semaphore, #tpu.memory_space<semaphore_mem>> -> memref<1x!tpu.dma_semaphore, #tpu.memory_space<semaphore_mem>>
      %dma_start3A_698 = tpu.memref_squeeze %dma_start3A_697 : memref<1x!tpu.dma_semaphore, #tpu.memory_space<semaphore_mem>> -> memref<!tpu.dma_semaphore, #tpu.memory_space<semaphore_mem>>
      %dma_start3A_699 = arith.constant 0 : i32
      %dma_start3A_700 = arith.constant 0 : i32
      %dma_start3A_701 = tpu.memref_slice %arg5[%dma_start3A_689, %dma_start3A_699, %dma_start3A_700] : memref<2x64x512xf32, #tpu.memory_space<vmem>> -> memref<1x64x512xf32, #tpu.memory_space<vmem>>
      %dma_start3A_702 = tpu.memref_squeeze %dma_start3A_701 : memref<1x64x512xf32, #tpu.memory_space<vmem>> -> memref<64x512xf32, #tpu.memory_space<vmem>>
      %dma_start3A_703 = arith.constant 0 : i32
      %dma_start3A_704 = tpu.memref_slice %arg2[%dma_start3A_703, %multiple_of3A_688] : memref<64x1000000xf32, #tpu.memory_space<hbm>> -> memref<64x512xf32, #tpu.memory_space<hbm>>
      tpu.enqueue_dma source(%dma_start3A_704 : memref<64x512xf32, #tpu.memory_space<hbm>>) target(%dma_start3A_702 : memref<64x512xf32, #tpu.memory_space<vmem>>) target_semaphore(%dma_start3A_698 : memref<!tpu.dma_semaphore, #tpu.memory_space<semaphore_mem>>)
    } else {
    }
    %scan3A_668 = arith.constant 0 : i32
    %scan3A_669 = arith.constant 1 : i32
    %scan3A_670 = arith.constant 30 : i32
    %scan3A_671 = arith.addi %scan3A_669, %scan3A_670 : i32
    %scan3A_672 = arith.constant 1 : i32
    scf.for %scan3A_684 = %scan3A_669 to %scan3A_671 step %scan3A_672  : i32 {
      %mul3A_685 = arith.constant 2 : i32
      %mul3A_686 = arith.muli %mul3A_685, %scan3A_684 : i32
      %lt3A = arith.cmpi slt, %mul3A_686, %select_n3A : i32
      %convert_element_type3A_687 = arith.extui %lt3A : i1 to i32
      %cond3A_688 = arith.constant 0 : i32
      %cond3A_689 = arith.cmpi ne, %convert_element_type3A_687, %cond3A_688 : i32
      scf.if %cond3A_689 {
        %dma_wait3A_696 = arith.constant 0 : i32
        %dma_wait3A_697 = arith.constant 0 : i32
        %dma_wait3A_698 = arith.constant 0 : i32
        %dma_wait3A_699 = arith.constant 0 : i32
        %dma_wait3A_700 = tpu.memref_slice %arg5[%dma_wait3A_696, %dma_wait3A_698, %dma_wait3A_699] : memref<2x64x512xf32, #tpu.memory_space<vmem>> -> memref<1x64x512xf32, #tpu.memory_space<vmem>>
        %dma_wait3A_701 = tpu.memref_squeeze %dma_wait3A_700 : memref<1x64x512xf32, #tpu.memory_space<vmem>> -> memref<64x512xf32, #tpu.memory_space<vmem>>
        %dma_wait3A_702 = arith.constant 0 : i32
        %dma_wait3A_703 = arith.constant 0 : i32
        %dma_wait3A_704 = tpu.memref_slice %arg2[%dma_wait3A_702, %dma_wait3A_703] : memref<64x1000000xf32, #tpu.memory_space<hbm>> -> memref<64x512xf32, #tpu.memory_space<hbm>>
        %dma_wait3A_705 = tpu.memref_slice %arg8[%dma_wait3A_697] : memref<2x!tpu.dma_semaphore, #tpu.memory_space<semaphore_mem>> -> memref<1x!tpu.dma_semaphore, #tpu.memory_space<semaphore_mem>>
        %dma_wait3A_706 = tpu.memref_squeeze %dma_wait3A_705 : memref<1x!tpu.dma_semaphore, #tpu.memory_space<semaphore_mem>> -> memref<!tpu.dma_semaphore, #tpu.memory_space<semaphore_mem>>
        %dma_wait3A_707 = arith.constant 0 : i32
        %dma_wait3A_708 = arith.constant 0 : i32
        %dma_wait3A_709 = tpu.memref_slice %arg5[%dma_wait3A_696, %dma_wait3A_707, %dma_wait3A_708] : memref<2x64x512xf32, #tpu.memory_space<vmem>> -> memref<1x64x512xf32, #tpu.memory_space<vmem>>
        %dma_wait3A_710 = tpu.memref_squeeze %dma_wait3A_709 : memref<1x64x512xf32, #tpu.memory_space<vmem>> -> memref<64x512xf32, #tpu.memory_space<vmem>>
        %dma_wait3A_711 = arith.constant 0 : i32
        %dma_wait3A_712 = arith.constant 0 : i32
        %dma_wait3A_713 = tpu.memref_slice %arg2[%dma_wait3A_711, %dma_wait3A_712] : memref<64x1000000xf32, #tpu.memory_space<hbm>> -> memref<64x512xf32, #tpu.memory_space<hbm>>
        tpu.wait_dma2 semaphore(%dma_wait3A_706 : memref<!tpu.dma_semaphore, #tpu.memory_space<semaphore_mem>>) src(%dma_wait3A_713 : memref<64x512xf32, #tpu.memory_space<hbm>>) dst(%dma_wait3A_710 : memref<64x512xf32, #tpu.memory_space<vmem>>)
        %dma_wait3A_714 = arith.constant 0 : i32
        %dma_wait3A_715 = arith.constant 0 : i32
        %dma_wait3A_716 = tpu.memref_slice %arg4[%dma_wait3A_714, %dma_wait3A_715] : memref<500000x128xf32, #tpu.memory_space<hbm>> -> memref<256x128xf32, #tpu.memory_space<hbm>>
        %dma_wait3A_717 = arith.constant 0 : i32
        %dma_wait3A_718 = arith.constant 0 : i32
        %dma_wait3A_719 = tpu.memref_slice %arg4[%dma_wait3A_717, %dma_wait3A_718] : memref<500000x128xf32, #tpu.memory_space<hbm>> -> memref<256x128xf32, #tpu.memory_space<hbm>>
        tpu.wait_dma2 semaphore(%arg9 : memref<!tpu.dma_semaphore, #tpu.memory_space<semaphore_mem>>) src(%arg6 : memref<256x128xf32, #tpu.memory_space<vmem>>) dst(%dma_wait3A_719 : memref<256x128xf32, #tpu.memory_space<hbm>>)
        %scan3A_720 = arith.constant 0 : i32
        %scan3A_721 = arith.constant 0 : i32
        %scan3A_722 = arith.constant 32 : i32
        %scan3A_723 = arith.addi %scan3A_721, %scan3A_722 : i32
        %scan3A_724 = arith.constant 1 : i32
        scf.for %scan3A_767 = %scan3A_721 to %scan3A_723 step %scan3A_724  : i32 {
          %mul3A_768 = arith.constant 16 : i32
          %mul3A_769 = arith.muli %scan3A_767, %mul3A_768 : i32
          %add3A_770 = vector.broadcast %mul3A_769 : i32 to vector<16xi32>
          %add3A_771 = arith.addi %iota3A, %add3A_770 : vector<16xi32>
          %shift_right_logical3A_772 = arith.constant 1 : i32
          %shift_right_logical3A_773 = vector.broadcast %shift_right_logical3A_772 : i32 to vector<16xi32>
          %shift_right_logical3A_774 = arith.shrui %add3A_771, %shift_right_logical3A_773 : vector<16xi32>
          %and3A_775 = arith.constant 1 : i32
          %and3A_776 = vector.broadcast %and3A_775 : i32 to vector<16xi32>
          %and3A_777 = arith.andi %add3A_771, %and3A_776 : vector<16xi32>
          %shift_left3A_778 = arith.constant 6 : i32
          %shift_left3A_779 = vector.broadcast %shift_left3A_778 : i32 to vector<16xi32>
          %shift_left3A_780 = arith.shli %and3A_777, %shift_left3A_779 : vector<16xi32>
          %get3A = arith.constant 0 : i32
          %get3A_781 = arith.constant 0 : i32
          %get3A_782 = arith.index_cast %get3A : i32 to index
          %get3A_783 = arith.index_cast %get3A_781 : i32 to index
          %get3A_784 = arith.index_cast %mul3A_769 : i32 to index
          %get3A_785 = tpu.vector_load %arg5[%get3A_782, %get3A_783, %get3A_784] {strides = array<i32>} : memref<2x64x512xf32, #tpu.memory_space<vmem>>, vector<16xf32>,
          %get3A_786 = arith.constant 0 : i32
          %get3A_787 = arith.constant 1 : i32
          %get3A_788 = arith.index_cast %get3A_786 : i32 to index
          %get3A_789 = arith.index_cast %get3A_787 : i32 to index
          %get3A_790 = arith.index_cast %mul3A_769 : i32 to index
          %get3A_791 = tpu.vector_load %arg5[%get3A_788, %get3A_789, %get3A_790] {strides = array<i32>} : memref<2x64x512xf32, #tpu.memory_space<vmem>>, vector<16xf32>,
          %get3A_792 = arith.constant 0 : i32
          %get3A_793 = arith.constant 2 : i32
          %get3A_794 = arith.index_cast %get3A_792 : i32 to index
          %get3A_795 = arith.index_cast %get3A_793 : i32 to index
          %get3A_796 = arith.index_cast %mul3A_769 : i32 to index
          %get3A_797 = tpu.vector_load %arg5[%get3A_794, %get3A_795, %get3A_796] {strides = array<i32>} : memref<2x64x512xf32, #tpu.memory_space<vmem>>, vector<16xf32>,
          %get3A_798 = arith.constant 0 : i32
          %get3A_799 = arith.constant 3 : i32
          %get3A_800 = arith.index_cast %get3A_798 : i32 to index
          %get3A_801 = arith.index_cast %get3A_799 : i32 to index
          %get3A_802 = arith.index_cast %mul3A_769 : i32 to index
          %get3A_803 = tpu.vector_load %arg5[%get3A_800, %get3A_801, %get3A_802] {strides = array<i32>} : memref<2x64x512xf32, #tpu.memory_space<vmem>>, vector<16xf32>,
          %get3A_804 = arith.constant 0 : i32
          %get3A_805 = arith.constant 4 : i32
          %get3A_806 = arith.index_cast %get3A_804 : i32 to index
          %get3A_807 = arith.index_cast %get3A_805 : i32 to index
          %get3A_808 = arith.index_cast %mul3A_769 : i32 to index
          %get3A_809 = tpu.vector_load %arg5[%get3A_806, %get3A_807, %get3A_808] {strides = array<i32>} : memref<2x64x512xf32, #tpu.memory_space<vmem>>, vector<16xf32>,
          %get3A_810 = arith.constant 0 : i32
          %get3A_811 = arith.constant 5 : i32
          %get3A_812 = arith.index_cast %get3A_810 : i32 to index
          %get3A_813 = arith.index_cast %get3A_811 : i32 to index
          %get3A_814 = arith.index_cast %mul3A_769 : i32 to index
          %get3A_815 = tpu.vector_load %arg5[%get3A_812, %get3A_813, %get3A_814] {strides = array<i32>} : memref<2x64x512xf32, #tpu.memory_space<vmem>>, vector<16xf32>,
          %get3A_816 = arith.constant 0 : i32
          %get3A_817 = arith.constant 6 : i32
          %get3A_818 = arith.index_cast %get3A_816 : i32 to index
          %get3A_819 = arith.index_cast %get3A_817 : i32 to index
          %get3A_820 = arith.index_cast %mul3A_769 : i32 to index
          %get3A_821 = tpu.vector_load %arg5[%get3A_818, %get3A_819, %get3A_820] {strides = array<i32>} : memref<2x64x512xf32, #tpu.memory_space<vmem>>, vector<16xf32>,
          %get3A_822 = arith.constant 0 : i32
          %get3A_823 = arith.constant 7 : i32
          %get3A_824 = arith.index_cast %get3A_822 : i32 to index
          %get3A_825 = arith.index_cast %get3A_823 : i32 to index
          %get3A_826 = arith.index_cast %mul3A_769 : i32 to index
          %get3A_827 = tpu.vector_load %arg5[%get3A_824, %get3A_825, %get3A_826] {strides = array<i32>} : memref<2x64x512xf32, #tpu.memory_space<vmem>>, vector<16xf32>,
          %get3A_828 = arith.constant 0 : i32
          %get3A_829 = arith.constant 8 : i32
          %get3A_830 = arith.index_cast %get3A_828 : i32 to index
          %get3A_831 = arith.index_cast %get3A_829 : i32 to index
          %get3A_832 = arith.index_cast %mul3A_769 : i32 to index
          %get3A_833 = tpu.vector_load %arg5[%get3A_830, %get3A_831, %get3A_832] {strides = array<i32>} : memref<2x64x512xf32, #tpu.memory_space<vmem>>, vector<16xf32>,
          %get3A_834 = arith.constant 0 : i32
          %get3A_835 = arith.constant 9 : i32
          %get3A_836 = arith.index_cast %get3A_834 : i32 to index
          %get3A_837 = arith.index_cast %get3A_835 : i32 to index
          %get3A_838 = arith.index_cast %mul3A_769 : i32 to index
          %get3A_839 = tpu.vector_load %arg5[%get3A_836, %get3A_837, %get3A_838] {strides = array<i32>} : memref<2x64x512xf32, #tpu.memory_space<vmem>>, vector<16xf32>,
          %get3A_840 = arith.constant 0 : i32
          %get3A_841 = arith.constant 10 : i32
          %get3A_842 = arith.index_cast %get3A_840 : i32 to index
          %get3A_843 = arith.index_cast %get3A_841 : i32 to index
          %get3A_844 = arith.index_cast %mul3A_769 : i32 to index
          %get3A_845 = tpu.vector_load %arg5[%get3A_842, %get3A_843, %get3A_844] {strides = array<i32>} : memref<2x64x512xf32, #tpu.memory_space<vmem>>, vector<16xf32>,
          %get3A_846 = arith.constant 0 : i32
          %get3A_847 = arith.constant 11 : i32
          %get3A_848 = arith.index_cast %get3A_846 : i32 to index
          %get3A_849 = arith.index_cast %get3A_847 : i32 to index
          %get3A_850 = arith.index_cast %mul3A_769 : i32 to index
          %get3A_851 = tpu.vector_load %arg5[%get3A_848, %get3A_849, %get3A_850] {strides = array<i32>} : memref<2x64x512xf32, #tpu.memory_space<vmem>>, vector<16xf32>,
          %get3A_852 = arith.constant 0 : i32
          %get3A_853 = arith.constant 12 : i32
          %get3A_854 = arith.index_cast %get3A_852 : i32 to index
          %get3A_855 = arith.index_cast %get3A_853 : i32 to index
          %get3A_856 = arith.index_cast %mul3A_769 : i32 to index
          %get3A_857 = tpu.vector_load %arg5[%get3A_854, %get3A_855, %get3A_856] {strides = array<i32>} : memref<2x64x512xf32, #tpu.memory_space<vmem>>, vector<16xf32>,
          %get3A_858 = arith.constant 0 : i32
          %get3A_859 = arith.constant 13 : i32
          %get3A_860 = arith.index_cast %get3A_858 : i32 to index
          %get3A_861 = arith.index_cast %get3A_859 : i32 to index
          %get3A_862 = arith.index_cast %mul3A_769 : i32 to index
          %get3A_863 = tpu.vector_load %arg5[%get3A_860, %get3A_861, %get3A_862] {strides = array<i32>} : memref<2x64x512xf32, #tpu.memory_space<vmem>>, vector<16xf32>,
          %get3A_864 = arith.constant 0 : i32
          %get3A_865 = arith.constant 14 : i32
          %get3A_866 = arith.index_cast %get3A_864 : i32 to index
          %get3A_867 = arith.index_cast %get3A_865 : i32 to index
          %get3A_868 = arith.index_cast %mul3A_769 : i32 to index
          %get3A_869 = tpu.vector_load %arg5[%get3A_866, %get3A_867, %get3A_868] {strides = array<i32>} : memref<2x64x512xf32, #tpu.memory_space<vmem>>, vector<16xf32>,
          %get3A_870 = arith.constant 0 : i32
          %get3A_871 = arith.constant 15 : i32
          %get3A_872 = arith.index_cast %get3A_870 : i32 to index
          %get3A_873 = arith.index_cast %get3A_871 : i32 to index
          %get3A_874 = arith.index_cast %mul3A_769 : i32 to index
          %get3A_875 = tpu.vector_load %arg5[%get3A_872, %get3A_873, %get3A_874] {strides = array<i32>} : memref<2x64x512xf32, #tpu.memory_space<vmem>>, vector<16xf32>,
          %add3A_876 = arith.constant 0 : i32
          %add3A_877 = vector.broadcast %add3A_876 : i32 to vector<16xi32>
          %add3A_878 = arith.addi %shift_left3A_780, %add3A_877 : vector<16xi32>
          tpu.vector_store_idx %arg6[%shift_right_logical3A_774, %add3A_878], %get3A_785 : memref<256x128xf32, #tpu.memory_space<vmem>>[vector<16xi32>, vector<16xi32>], vector<16xf32>,
          %add3A_879 = arith.constant 1 : i32
          %add3A_880 = vector.broadcast %add3A_879 : i32 to vector<16xi32>
          %add3A_881 = arith.addi %shift_left3A_780, %add3A_880 : vector<16xi32>
          tpu.vector_store_idx %arg6[%shift_right_logical3A_774, %add3A_881], %get3A_791 : memref<256x128xf32, #tpu.memory_space<vmem>>[vector<16xi32>, vector<16xi32>], vector<16xf32>,
          %add3A_882 = arith.constant 2 : i32
          %add3A_883 = vector.broadcast %add3A_882 : i32 to vector<16xi32>
          %add3A_884 = arith.addi %shift_left3A_780, %add3A_883 : vector<16xi32>
          tpu.vector_store_idx %arg6[%shift_right_logical3A_774, %add3A_884], %get3A_797 : memref<256x128xf32, #tpu.memory_space<vmem>>[vector<16xi32>, vector<16xi32>], vector<16xf32>,
          %add3A_885 = arith.constant 3 : i32
          %add3A_886 = vector.broadcast %add3A_885 : i32 to vector<16xi32>
          %add3A_887 = arith.addi %shift_left3A_780, %add3A_886 : vector<16xi32>
          tpu.vector_store_idx %arg6[%shift_right_logical3A_774, %add3A_887], %get3A_803 : memref<256x128xf32, #tpu.memory_space<vmem>>[vector<16xi32>, vector<16xi32>], vector<16xf32>,
          %add3A_888 = arith.constant 4 : i32
          %add3A_889 = vector.broadcast %add3A_888 : i32 to vector<16xi32>
          %add3A_890 = arith.addi %shift_left3A_780, %add3A_889 : vector<16xi32>
          tpu.vector_store_idx %arg6[%shift_right_logical3A_774, %add3A_890], %get3A_809 : memref<256x128xf32, #tpu.memory_space<vmem>>[vector<16xi32>, vector<16xi32>], vector<16xf32>,
          %add3A_891 = arith.constant 5 : i32
          %add3A_892 = vector.broadcast %add3A_891 : i32 to vector<16xi32>
          %add3A_893 = arith.addi %shift_left3A_780, %add3A_892 : vector<16xi32>
          tpu.vector_store_idx %arg6[%shift_right_logical3A_774, %add3A_893], %get3A_815 : memref<256x128xf32, #tpu.memory_space<vmem>>[vector<16xi32>, vector<16xi32>], vector<16xf32>,
          %add3A_894 = arith.constant 6 : i32
          %add3A_895 = vector.broadcast %add3A_894 : i32 to vector<16xi32>
          %add3A_896 = arith.addi %shift_left3A_780, %add3A_895 : vector<16xi32>
          tpu.vector_store_idx %arg6[%shift_right_logical3A_774, %add3A_896], %get3A_821 : memref<256x128xf32, #tpu.memory_space<vmem>>[vector<16xi32>, vector<16xi32>], vector<16xf32>,
          %add3A_897 = arith.constant 7 : i32
          %add3A_898 = vector.broadcast %add3A_897 : i32 to vector<16xi32>
          %add3A_899 = arith.addi %shift_left3A_780, %add3A_898 : vector<16xi32>
          tpu.vector_store_idx %arg6[%shift_right_logical3A_774, %add3A_899], %get3A_827 : memref<256x128xf32, #tpu.memory_space<vmem>>[vector<16xi32>, vector<16xi32>], vector<16xf32>,
          %add3A_900 = arith.constant 8 : i32
          %add3A_901 = vector.broadcast %add3A_900 : i32 to vector<16xi32>
          %add3A_902 = arith.addi %shift_left3A_780, %add3A_901 : vector<16xi32>
          tpu.vector_store_idx %arg6[%shift_right_logical3A_774, %add3A_902], %get3A_833 : memref<256x128xf32, #tpu.memory_space<vmem>>[vector<16xi32>, vector<16xi32>], vector<16xf32>,
          %add3A_903 = arith.constant 9 : i32
          %add3A_904 = vector.broadcast %add3A_903 : i32 to vector<16xi32>
          %add3A_905 = arith.addi %shift_left3A_780, %add3A_904 : vector<16xi32>
          tpu.vector_store_idx %arg6[%shift_right_logical3A_774, %add3A_905], %get3A_839 : memref<256x128xf32, #tpu.memory_space<vmem>>[vector<16xi32>, vector<16xi32>], vector<16xf32>,
          %add3A_906 = arith.constant 10 : i32
          %add3A_907 = vector.broadcast %add3A_906 : i32 to vector<16xi32>
          %add3A_908 = arith.addi %shift_left3A_780, %add3A_907 : vector<16xi32>
          tpu.vector_store_idx %arg6[%shift_right_logical3A_774, %add3A_908], %get3A_845 : memref<256x128xf32, #tpu.memory_space<vmem>>[vector<16xi32>, vector<16xi32>], vector<16xf32>,
          %add3A_909 = arith.constant 11 : i32
          %add3A_910 = vector.broadcast %add3A_909 : i32 to vector<16xi32>
          %add3A_911 = arith.addi %shift_left3A_780, %add3A_910 : vector<16xi32>
          tpu.vector_store_idx %arg6[%shift_right_logical3A_774, %add3A_911], %get3A_851 : memref<256x128xf32, #tpu.memory_space<vmem>>[vector<16xi32>, vector<16xi32>], vector<16xf32>,
          %add3A_912 = arith.constant 12 : i32
          %add3A_913 = vector.broadcast %add3A_912 : i32 to vector<16xi32>
          %add3A_914 = arith.addi %shift_left3A_780, %add3A_913 : vector<16xi32>
          tpu.vector_store_idx %arg6[%shift_right_logical3A_774, %add3A_914], %get3A_857 : memref<256x128xf32, #tpu.memory_space<vmem>>[vector<16xi32>, vector<16xi32>], vector<16xf32>,
          %add3A_915 = arith.constant 13 : i32
          %add3A_916 = vector.broadcast %add3A_915 : i32 to vector<16xi32>
          %add3A_917 = arith.addi %shift_left3A_780, %add3A_916 : vector<16xi32>
          tpu.vector_store_idx %arg6[%shift_right_logical3A_774, %add3A_917], %get3A_863 : memref<256x128xf32, #tpu.memory_space<vmem>>[vector<16xi32>, vector<16xi32>], vector<16xf32>,
          %add3A_918 = arith.constant 14 : i32
          %add3A_919 = vector.broadcast %add3A_918 : i32 to vector<16xi32>
          %add3A_920 = arith.addi %shift_left3A_780, %add3A_919 : vector<16xi32>
          tpu.vector_store_idx %arg6[%shift_right_logical3A_774, %add3A_920], %get3A_869 : memref<256x128xf32, #tpu.memory_space<vmem>>[vector<16xi32>, vector<16xi32>], vector<16xf32>,
          %add3A_921 = arith.constant 15 : i32
          %add3A_922 = vector.broadcast %add3A_921 : i32 to vector<16xi32>
          %add3A_923 = arith.addi %shift_left3A_780, %add3A_922 : vector<16xi32>
          tpu.vector_store_idx %arg6[%shift_right_logical3A_774, %add3A_923], %get3A_875 : memref<256x128xf32, #tpu.memory_space<vmem>>[vector<16xi32>, vector<16xi32>], vector<16xf32>,
          %get3A_924 = arith.constant 0 : i32
          %get3A_925 = arith.constant 16 : i32
          %get3A_926 = arith.index_cast %get3A_924 : i32 to index
          %get3A_927 = arith.index_cast %get3A_925 : i32 to index
          %get3A_928 = arith.index_cast %mul3A_769 : i32 to index
          %get3A_929 = tpu.vector_load %arg5[%get3A_926, %get3A_927, %get3A_928] {strides = array<i32>} : memref<2x64x512xf32, #tpu.memory_space<vmem>>, vector<16xf32>,
          %get3A_930 = arith.constant 0 : i32
          %get3A_931 = arith.constant 17 : i32
          %get3A_932 = arith.index_cast %get3A_930 : i32 to index
          %get3A_933 = arith.index_cast %get3A_931 : i32 to index
          %get3A_934 = arith.index_cast %mul3A_769 : i32 to index
          %get3A_935 = tpu.vector_load %arg5[%get3A_932, %get3A_933, %get3A_934] {strides = array<i32>} : memref<2x64x512xf32, #tpu.memory_space<vmem>>, vector<16xf32>,
          %get3A_936 = arith.constant 0 : i32
          %get3A_937 = arith.constant 18 : i32
          %get3A_938 = arith.index_cast %get3A_936 : i32 to index
          %get3A_939 = arith.index_cast %get3A_937 : i32 to index
          %get3A_940 = arith.index_cast %mul3A_769 : i32 to index
          %get3A_941 = tpu.vector_load %arg5[%get3A_938, %get3A_939, %get3A_940] {strides = array<i32>} : memref<2x64x512xf32, #tpu.memory_space<vmem>>, vector<16xf32>,
          %get3A_942 = arith.constant 0 : i32
          %get3A_943 = arith.constant 19 : i32
          %get3A_944 = arith.index_cast %get3A_942 : i32 to index
          %get3A_945 = arith.index_cast %get3A_943 : i32 to index
          %get3A_946 = arith.index_cast %mul3A_769 : i32 to index
          %get3A_947 = tpu.vector_load %arg5[%get3A_944, %get3A_945, %get3A_946] {strides = array<i32>} : memref<2x64x512xf32, #tpu.memory_space<vmem>>, vector<16xf32>,
          %get3A_948 = arith.constant 0 : i32
          %get3A_949 = arith.constant 20 : i32
          %get3A_950 = arith.index_cast %get3A_948 : i32 to index
          %get3A_951 = arith.index_cast %get3A_949 : i32 to index
          %get3A_952 = arith.index_cast %mul3A_769 : i32 to index
          %get3A_953 = tpu.vector_load %arg5[%get3A_950, %get3A_951, %get3A_952] {strides = array<i32>} : memref<2x64x512xf32, #tpu.memory_space<vmem>>, vector<16xf32>,
          %get3A_954 = arith.constant 0 : i32
          %get3A_955 = arith.constant 21 : i32
          %get3A_956 = arith.index_cast %get3A_954 : i32 to index
          %get3A_957 = arith.index_cast %get3A_955 : i32 to index
          %get3A_958 = arith.index_cast %mul3A_769 : i32 to index
          %get3A_959 = tpu.vector_load %arg5[%get3A_956, %get3A_957, %get3A_958] {strides = array<i32>} : memref<2x64x512xf32, #tpu.memory_space<vmem>>, vector<16xf32>,
          %get3A_960 = arith.constant 0 : i32
          %get3A_961 = arith.constant 22 : i32
          %get3A_962 = arith.index_cast %get3A_960 : i32 to index
          %get3A_963 = arith.index_cast %get3A_961 : i32 to index
          %get3A_964 = arith.index_cast %mul3A_769 : i32 to index
          %get3A_965 = tpu.vector_load %arg5[%get3A_962, %get3A_963, %get3A_964] {strides = array<i32>} : memref<2x64x512xf32, #tpu.memory_space<vmem>>, vector<16xf32>,
          %get3A_966 = arith.constant 0 : i32
          %get3A_967 = arith.constant 23 : i32
          %get3A_968 = arith.index_cast %get3A_966 : i32 to index
          %get3A_969 = arith.index_cast %get3A_967 : i32 to index
          %get3A_970 = arith.index_cast %mul3A_769 : i32 to index
          %get3A_971 = tpu.vector_load %arg5[%get3A_968, %get3A_969, %get3A_970] {strides = array<i32>} : memref<2x64x512xf32, #tpu.memory_space<vmem>>, vector<16xf32>,
          %get3A_972 = arith.constant 0 : i32
          %get3A_973 = arith.constant 24 : i32
          %get3A_974 = arith.index_cast %get3A_972 : i32 to index
          %get3A_975 = arith.index_cast %get3A_973 : i32 to index
          %get3A_976 = arith.index_cast %mul3A_769 : i32 to index
          %get3A_977 = tpu.vector_load %arg5[%get3A_974, %get3A_975, %get3A_976] {strides = array<i32>} : memref<2x64x512xf32, #tpu.memory_space<vmem>>, vector<16xf32>,
          %get3A_978 = arith.constant 0 : i32
          %get3A_979 = arith.constant 25 : i32
          %get3A_980 = arith.index_cast %get3A_978 : i32 to index
          %get3A_981 = arith.index_cast %get3A_979 : i32 to index
          %get3A_982 = arith.index_cast %mul3A_769 : i32 to index
          %get3A_983 = tpu.vector_load %arg5[%get3A_980, %get3A_981, %get3A_982] {strides = array<i32>} : memref<2x64x512xf32, #tpu.memory_space<vmem>>, vector<16xf32>,
          %get3A_984 = arith.constant 0 : i32
          %get3A_985 = arith.constant 26 : i32
          %get3A_986 = arith.index_cast %get3A_984 : i32 to index
          %get3A_987 = arith.index_cast %get3A_985 : i32 to index
          %get3A_988 = arith.index_cast %mul3A_769 : i32 to index
          %get3A_989 = tpu.vector_load %arg5[%get3A_986, %get3A_987, %get3A_988] {strides = array<i32>} : memref<2x64x512xf32, #tpu.memory_space<vmem>>, vector<16xf32>,
          %get3A_990 = arith.constant 0 : i32
          %get3A_991 = arith.constant 27 : i32
          %get3A_992 = arith.index_cast %get3A_990 : i32 to index
          %get3A_993 = arith.index_cast %get3A_991 : i32 to index
          %get3A_994 = arith.index_cast %mul3A_769 : i32 to index
          %get3A_995 = tpu.vector_load %arg5[%get3A_992, %get3A_993, %get3A_994] {strides = array<i32>} : memref<2x64x512xf32, #tpu.memory_space<vmem>>, vector<16xf32>,
          %get3A_996 = arith.constant 0 : i32
          %get3A_997 = arith.constant 28 : i32
          %get3A_998 = arith.index_cast %get3A_996 : i32 to index
          %get3A_999 = arith.index_cast %get3A_997 : i32 to index
          %get3A_1000 = arith.index_cast %mul3A_769 : i32 to index
          %get3A_1001 = tpu.vector_load %arg5[%get3A_998, %get3A_999, %get3A_1000] {strides = array<i32>} : memref<2x64x512xf32, #tpu.memory_space<vmem>>, vector<16xf32>,
          %get3A_1002 = arith.constant 0 : i32
          %get3A_1003 = arith.constant 29 : i32
          %get3A_1004 = arith.index_cast %get3A_1002 : i32 to index
          %get3A_1005 = arith.index_cast %get3A_1003 : i32 to index
          %get3A_1006 = arith.index_cast %mul3A_769 : i32 to index
          %get3A_1007 = tpu.vector_load %arg5[%get3A_1004, %get3A_1005, %get3A_1006] {strides = array<i32>} : memref<2x64x512xf32, #tpu.memory_space<vmem>>, vector<16xf32>,
          %get3A_1008 = arith.constant 0 : i32
          %get3A_1009 = arith.constant 30 : i32
          %get3A_1010 = arith.index_cast %get3A_1008 : i32 to index
          %get3A_1011 = arith.index_cast %get3A_1009 : i32 to index
          %get3A_1012 = arith.index_cast %mul3A_769 : i32 to index
          %get3A_1013 = tpu.vector_load %arg5[%get3A_1010, %get3A_1011, %get3A_1012] {strides = array<i32>} : memref<2x64x512xf32, #tpu.memory_space<vmem>>, vector<16xf32>,
          %get3A_1014 = arith.constant 0 : i32
          %get3A_1015 = arith.constant 31 : i32
          %get3A_1016 = arith.index_cast %get3A_1014 : i32 to index
          %get3A_1017 = arith.index_cast %get3A_1015 : i32 to index
          %get3A_1018 = arith.index_cast %mul3A_769 : i32 to index
          %get3A_1019 = tpu.vector_load %arg5[%get3A_1016, %get3A_1017, %get3A_1018] {strides = array<i32>} : memref<2x64x512xf32, #tpu.memory_space<vmem>>, vector<16xf32>,
          %add3A_1020 = arith.constant 16 : i32
          %add3A_1021 = vector.broadcast %add3A_1020 : i32 to vector<16xi32>
          %add3A_1022 = arith.addi %shift_left3A_780, %add3A_1021 : vector<16xi32>
          tpu.vector_store_idx %arg6[%shift_right_logical3A_774, %add3A_1022], %get3A_929 : memref<256x128xf32, #tpu.memory_space<vmem>>[vector<16xi32>, vector<16xi32>], vector<16xf32>,
          %add3A_1023 = arith.constant 17 : i32
          %add3A_1024 = vector.broadcast %add3A_1023 : i32 to vector<16xi32>
          %add3A_1025 = arith.addi %shift_left3A_780, %add3A_1024 : vector<16xi32>
          tpu.vector_store_idx %arg6[%shift_right_logical3A_774, %add3A_1025], %get3A_935 : memref<256x128xf32, #tpu.memory_space<vmem>>[vector<16xi32>, vector<16xi32>], vector<16xf32>,
          %add3A_1026 = arith.constant 18 : i32
          %add3A_1027 = vector.broadcast %add3A_1026 : i32 to vector<16xi32>
          %add3A_1028 = arith.addi %shift_left3A_780, %add3A_1027 : vector<16xi32>
          tpu.vector_store_idx %arg6[%shift_right_logical3A_774, %add3A_1028], %get3A_941 : memref<256x128xf32, #tpu.memory_space<vmem>>[vector<16xi32>, vector<16xi32>], vector<16xf32>,
          %add3A_1029 = arith.constant 19 : i32
          %add3A_1030 = vector.broadcast %add3A_1029 : i32 to vector<16xi32>
          %add3A_1031 = arith.addi %shift_left3A_780, %add3A_1030 : vector<16xi32>
          tpu.vector_store_idx %arg6[%shift_right_logical3A_774, %add3A_1031], %get3A_947 : memref<256x128xf32, #tpu.memory_space<vmem>>[vector<16xi32>, vector<16xi32>], vector<16xf32>,
          %add3A_1032 = arith.constant 20 : i32
          %add3A_1033 = vector.broadcast %add3A_1032 : i32 to vector<16xi32>
          %add3A_1034 = arith.addi %shift_left3A_780, %add3A_1033 : vector<16xi32>
          tpu.vector_store_idx %arg6[%shift_right_logical3A_774, %add3A_1034], %get3A_953 : memref<256x128xf32, #tpu.memory_space<vmem>>[vector<16xi32>, vector<16xi32>], vector<16xf32>,
          %add3A_1035 = arith.constant 21 : i32
          %add3A_1036 = vector.broadcast %add3A_1035 : i32 to vector<16xi32>
          %add3A_1037 = arith.addi %shift_left3A_780, %add3A_1036 : vector<16xi32>
          tpu.vector_store_idx %arg6[%shift_right_logical3A_774, %add3A_1037], %get3A_959 : memref<256x128xf32, #tpu.memory_space<vmem>>[vector<16xi32>, vector<16xi32>], vector<16xf32>,
          %add3A_1038 = arith.constant 22 : i32
          %add3A_1039 = vector.broadcast %add3A_1038 : i32 to vector<16xi32>
          %add3A_1040 = arith.addi %shift_left3A_780, %add3A_1039 : vector<16xi32>
          tpu.vector_store_idx %arg6[%shift_right_logical3A_774, %add3A_1040], %get3A_965 : memref<256x128xf32, #tpu.memory_space<vmem>>[vector<16xi32>, vector<16xi32>], vector<16xf32>,
          %add3A_1041 = arith.constant 23 : i32
          %add3A_1042 = vector.broadcast %add3A_1041 : i32 to vector<16xi32>
          %add3A_1043 = arith.addi %shift_left3A_780, %add3A_1042 : vector<16xi32>
          tpu.vector_store_idx %arg6[%shift_right_logical3A_774, %add3A_1043], %get3A_971 : memref<256x128xf32, #tpu.memory_space<vmem>>[vector<16xi32>, vector<16xi32>], vector<16xf32>,
          %add3A_1044 = arith.constant 24 : i32
          %add3A_1045 = vector.broadcast %add3A_1044 : i32 to vector<16xi32>
          %add3A_1046 = arith.addi %shift_left3A_780, %add3A_1045 : vector<16xi32>
          tpu.vector_store_idx %arg6[%shift_right_logical3A_774, %add3A_1046], %get3A_977 : memref<256x128xf32, #tpu.memory_space<vmem>>[vector<16xi32>, vector<16xi32>], vector<16xf32>,
          %add3A_1047 = arith.constant 25 : i32
          %add3A_1048 = vector.broadcast %add3A_1047 : i32 to vector<16xi32>
          %add3A_1049 = arith.addi %shift_left3A_780, %add3A_1048 : vector<16xi32>
          tpu.vector_store_idx %arg6[%shift_right_logical3A_774, %add3A_1049], %get3A_983 : memref<256x128xf32, #tpu.memory_space<vmem>>[vector<16xi32>, vector<16xi32>], vector<16xf32>,
          %add3A_1050 = arith.constant 26 : i32
          %add3A_1051 = vector.broadcast %add3A_1050 : i32 to vector<16xi32>
          %add3A_1052 = arith.addi %shift_left3A_780, %add3A_1051 : vector<16xi32>
          tpu.vector_store_idx %arg6[%shift_right_logical3A_774, %add3A_1052], %get3A_989 : memref<256x128xf32, #tpu.memory_space<vmem>>[vector<16xi32>, vector<16xi32>], vector<16xf32>,
          %add3A_1053 = arith.constant 27 : i32
          %add3A_1054 = vector.broadcast %add3A_1053 : i32 to vector<16xi32>
          %add3A_1055 = arith.addi %shift_left3A_780, %add3A_1054 : vector<16xi32>
          tpu.vector_store_idx %arg6[%shift_right_logical3A_774, %add3A_1055], %get3A_995 : memref<256x128xf32, #tpu.memory_space<vmem>>[vector<16xi32>, vector<16xi32>], vector<16xf32>,
          %add3A_1056 = arith.constant 28 : i32
          %add3A_1057 = vector.broadcast %add3A_1056 : i32 to vector<16xi32>
          %add3A_1058 = arith.addi %shift_left3A_780, %add3A_1057 : vector<16xi32>
          tpu.vector_store_idx %arg6[%shift_right_logical3A_774, %add3A_1058], %get3A_1001 : memref<256x128xf32, #tpu.memory_space<vmem>>[vector<16xi32>, vector<16xi32>], vector<16xf32>,
          %add3A_1059 = arith.constant 29 : i32
          %add3A_1060 = vector.broadcast %add3A_1059 : i32 to vector<16xi32>
          %add3A_1061 = arith.addi %shift_left3A_780, %add3A_1060 : vector<16xi32>
          tpu.vector_store_idx %arg6[%shift_right_logical3A_774, %add3A_1061], %get3A_1007 : memref<256x128xf32, #tpu.memory_space<vmem>>[vector<16xi32>, vector<16xi32>], vector<16xf32>,
          %add3A_1062 = arith.constant 30 : i32
          %add3A_1063 = vector.broadcast %add3A_1062 : i32 to vector<16xi32>
          %add3A_1064 = arith.addi %shift_left3A_780, %add3A_1063 : vector<16xi32>
          tpu.vector_store_idx %arg6[%shift_right_logical3A_774, %add3A_1064], %get3A_1013 : memref<256x128xf32, #tpu.memory_space<vmem>>[vector<16xi32>, vector<16xi32>], vector<16xf32>,
          %add3A_1065 = arith.constant 31 : i32
          %add3A_1066 = vector.broadcast %add3A_1065 : i32 to vector<16xi32>
          %add3A_1067 = arith.addi %shift_left3A_780, %add3A_1066 : vector<16xi32>
          tpu.vector_store_idx %arg6[%shift_right_logical3A_774, %add3A_1067], %get3A_1019 : memref<256x128xf32, #tpu.memory_space<vmem>>[vector<16xi32>, vector<16xi32>], vector<16xf32>,
          %get3A_1068 = arith.constant 0 : i32
          %get3A_1069 = arith.constant 32 : i32
          %get3A_1070 = arith.index_cast %get3A_1068 : i32 to index
          %get3A_1071 = arith.index_cast %get3A_1069 : i32 to index
          %get3A_1072 = arith.index_cast %mul3A_769 : i32 to index
          %get3A_1073 = tpu.vector_load %arg5[%get3A_1070, %get3A_1071, %get3A_1072] {strides = array<i32>} : memref<2x64x512xf32, #tpu.memory_space<vmem>>, vector<16xf32>,
          %get3A_1074 = arith.constant 0 : i32
          %get3A_1075 = arith.constant 33 : i32
          %get3A_1076 = arith.index_cast %get3A_1074 : i32 to index
          %get3A_1077 = arith.index_cast %get3A_1075 : i32 to index
          %get3A_1078 = arith.index_cast %mul3A_769 : i32 to index
          %get3A_1079 = tpu.vector_load %arg5[%get3A_1076, %get3A_1077, %get3A_1078] {strides = array<i32>} : memref<2x64x512xf32, #tpu.memory_space<vmem>>, vector<16xf32>,
          %get3A_1080 = arith.constant 0 : i32
          %get3A_1081 = arith.constant 34 : i32
          %get3A_1082 = arith.index_cast %get3A_1080 : i32 to index
          %get3A_1083 = arith.index_cast %get3A_1081 : i32 to index
          %get3A_1084 = arith.index_cast %mul3A_769 : i32 to index
          %get3A_1085 = tpu.vector_load %arg5[%get3A_1082, %get3A_1083, %get3A_1084] {strides = array<i32>} : memref<2x64x512xf32, #tpu.memory_space<vmem>>, vector<16xf32>,
          %get3A_1086 = arith.constant 0 : i32
          %get3A_1087 = arith.constant 35 : i32
          %get3A_1088 = arith.index_cast %get3A_1086 : i32 to index
          %get3A_1089 = arith.index_cast %get3A_1087 : i32 to index
          %get3A_1090 = arith.index_cast %mul3A_769 : i32 to index
          %get3A_1091 = tpu.vector_load %arg5[%get3A_1088, %get3A_1089, %get3A_1090] {strides = array<i32>} : memref<2x64x512xf32, #tpu.memory_space<vmem>>, vector<16xf32>,
          %get3A_1092 = arith.constant 0 : i32
          %get3A_1093 = arith.constant 36 : i32
          %get3A_1094 = arith.index_cast %get3A_1092 : i32 to index
          %get3A_1095 = arith.index_cast %get3A_1093 : i32 to index
          %get3A_1096 = arith.index_cast %mul3A_769 : i32 to index
          %get3A_1097 = tpu.vector_load %arg5[%get3A_1094, %get3A_1095, %get3A_1096] {strides = array<i32>} : memref<2x64x512xf32, #tpu.memory_space<vmem>>, vector<16xf32>,
          %get3A_1098 = arith.constant 0 : i32
          %get3A_1099 = arith.constant 37 : i32
          %get3A_1100 = arith.index_cast %get3A_1098 : i32 to index
          %get3A_1101 = arith.index_cast %get3A_1099 : i32 to index
          %get3A_1102 = arith.index_cast %mul3A_769 : i32 to index
          %get3A_1103 = tpu.vector_load %arg5[%get3A_1100, %get3A_1101, %get3A_1102] {strides = array<i32>} : memref<2x64x512xf32, #tpu.memory_space<vmem>>, vector<16xf32>,
          %get3A_1104 = arith.constant 0 : i32
          %get3A_1105 = arith.constant 38 : i32
          %get3A_1106 = arith.index_cast %get3A_1104 : i32 to index
          %get3A_1107 = arith.index_cast %get3A_1105 : i32 to index
          %get3A_1108 = arith.index_cast %mul3A_769 : i32 to index
          %get3A_1109 = tpu.vector_load %arg5[%get3A_1106, %get3A_1107, %get3A_1108] {strides = array<i32>} : memref<2x64x512xf32, #tpu.memory_space<vmem>>, vector<16xf32>,
          %get3A_1110 = arith.constant 0 : i32
          %get3A_1111 = arith.constant 39 : i32
          %get3A_1112 = arith.index_cast %get3A_1110 : i32 to index
          %get3A_1113 = arith.index_cast %get3A_1111 : i32 to index
          %get3A_1114 = arith.index_cast %mul3A_769 : i32 to index
          %get3A_1115 = tpu.vector_load %arg5[%get3A_1112, %get3A_1113, %get3A_1114] {strides = array<i32>} : memref<2x64x512xf32, #tpu.memory_space<vmem>>, vector<16xf32>,
          %get3A_1116 = arith.constant 0 : i32
          %get3A_1117 = arith.constant 40 : i32
          %get3A_1118 = arith.index_cast %get3A_1116 : i32 to index
          %get3A_1119 = arith.index_cast %get3A_1117 : i32 to index
          %get3A_1120 = arith.index_cast %mul3A_769 : i32 to index
          %get3A_1121 = tpu.vector_load %arg5[%get3A_1118, %get3A_1119, %get3A_1120] {strides = array<i32>} : memref<2x64x512xf32, #tpu.memory_space<vmem>>, vector<16xf32>,
          %get3A_1122 = arith.constant 0 : i32
          %get3A_1123 = arith.constant 41 : i32
          %get3A_1124 = arith.index_cast %get3A_1122 : i32 to index
          %get3A_1125 = arith.index_cast %get3A_1123 : i32 to index
          %get3A_1126 = arith.index_cast %mul3A_769 : i32 to index
          %get3A_1127 = tpu.vector_load %arg5[%get3A_1124, %get3A_1125, %get3A_1126] {strides = array<i32>} : memref<2x64x512xf32, #tpu.memory_space<vmem>>, vector<16xf32>,
          %get3A_1128 = arith.constant 0 : i32
          %get3A_1129 = arith.constant 42 : i32
          %get3A_1130 = arith.index_cast %get3A_1128 : i32 to index
          %get3A_1131 = arith.index_cast %get3A_1129 : i32 to index
          %get3A_1132 = arith.index_cast %mul3A_769 : i32 to index
          %get3A_1133 = tpu.vector_load %arg5[%get3A_1130, %get3A_1131, %get3A_1132] {strides = array<i32>} : memref<2x64x512xf32, #tpu.memory_space<vmem>>, vector<16xf32>,
          %get3A_1134 = arith.constant 0 : i32
          %get3A_1135 = arith.constant 43 : i32
          %get3A_1136 = arith.index_cast %get3A_1134 : i32 to index
          %get3A_1137 = arith.index_cast %get3A_1135 : i32 to index
          %get3A_1138 = arith.index_cast %mul3A_769 : i32 to index
          %get3A_1139 = tpu.vector_load %arg5[%get3A_1136, %get3A_1137, %get3A_1138] {strides = array<i32>} : memref<2x64x512xf32, #tpu.memory_space<vmem>>, vector<16xf32>,
          %get3A_1140 = arith.constant 0 : i32
          %get3A_1141 = arith.constant 44 : i32
          %get3A_1142 = arith.index_cast %get3A_1140 : i32 to index
          %get3A_1143 = arith.index_cast %get3A_1141 : i32 to index
          %get3A_1144 = arith.index_cast %mul3A_769 : i32 to index
          %get3A_1145 = tpu.vector_load %arg5[%get3A_1142, %get3A_1143, %get3A_1144] {strides = array<i32>} : memref<2x64x512xf32, #tpu.memory_space<vmem>>, vector<16xf32>,
          %get3A_1146 = arith.constant 0 : i32
          %get3A_1147 = arith.constant 45 : i32
          %get3A_1148 = arith.index_cast %get3A_1146 : i32 to index
          %get3A_1149 = arith.index_cast %get3A_1147 : i32 to index
          %get3A_1150 = arith.index_cast %mul3A_769 : i32 to index
          %get3A_1151 = tpu.vector_load %arg5[%get3A_1148, %get3A_1149, %get3A_1150] {strides = array<i32>} : memref<2x64x512xf32, #tpu.memory_space<vmem>>, vector<16xf32>,
          %get3A_1152 = arith.constant 0 : i32
          %get3A_1153 = arith.constant 46 : i32
          %get3A_1154 = arith.index_cast %get3A_1152 : i32 to index
          %get3A_1155 = arith.index_cast %get3A_1153 : i32 to index
          %get3A_1156 = arith.index_cast %mul3A_769 : i32 to index
          %get3A_1157 = tpu.vector_load %arg5[%get3A_1154, %get3A_1155, %get3A_1156] {strides = array<i32>} : memref<2x64x512xf32, #tpu.memory_space<vmem>>, vector<16xf32>,
          %get3A_1158 = arith.constant 0 : i32
          %get3A_1159 = arith.constant 47 : i32
          %get3A_1160 = arith.index_cast %get3A_1158 : i32 to index
          %get3A_1161 = arith.index_cast %get3A_1159 : i32 to index
          %get3A_1162 = arith.index_cast %mul3A_769 : i32 to index
          %get3A_1163 = tpu.vector_load %arg5[%get3A_1160, %get3A_1161, %get3A_1162] {strides = array<i32>} : memref<2x64x512xf32, #tpu.memory_space<vmem>>, vector<16xf32>,
          %add3A_1164 = arith.constant 32 : i32
          %add3A_1165 = vector.broadcast %add3A_1164 : i32 to vector<16xi32>
          %add3A_1166 = arith.addi %shift_left3A_780, %add3A_1165 : vector<16xi32>
          tpu.vector_store_idx %arg6[%shift_right_logical3A_774, %add3A_1166], %get3A_1073 : memref<256x128xf32, #tpu.memory_space<vmem>>[vector<16xi32>, vector<16xi32>], vector<16xf32>,
          %add3A_1167 = arith.constant 33 : i32
          %add3A_1168 = vector.broadcast %add3A_1167 : i32 to vector<16xi32>
          %add3A_1169 = arith.addi %shift_left3A_780, %add3A_1168 : vector<16xi32>
          tpu.vector_store_idx %arg6[%shift_right_logical3A_774, %add3A_1169], %get3A_1079 : memref<256x128xf32, #tpu.memory_space<vmem>>[vector<16xi32>, vector<16xi32>], vector<16xf32>,
          %add3A_1170 = arith.constant 34 : i32
          %add3A_1171 = vector.broadcast %add3A_1170 : i32 to vector<16xi32>
          %add3A_1172 = arith.addi %shift_left3A_780, %add3A_1171 : vector<16xi32>
          tpu.vector_store_idx %arg6[%shift_right_logical3A_774, %add3A_1172], %get3A_1085 : memref<256x128xf32, #tpu.memory_space<vmem>>[vector<16xi32>, vector<16xi32>], vector<16xf32>,
          %add3A_1173 = arith.constant 35 : i32
          %add3A_1174 = vector.broadcast %add3A_1173 : i32 to vector<16xi32>
          %add3A_1175 = arith.addi %shift_left3A_780, %add3A_1174 : vector<16xi32>
          tpu.vector_store_idx %arg6[%shift_right_logical3A_774, %add3A_1175], %get3A_1091 : memref<256x128xf32, #tpu.memory_space<vmem>>[vector<16xi32>, vector<16xi32>], vector<16xf32>,
          %add3A_1176 = arith.constant 36 : i32
          %add3A_1177 = vector.broadcast %add3A_1176 : i32 to vector<16xi32>
          %add3A_1178 = arith.addi %shift_left3A_780, %add3A_1177 : vector<16xi32>
          tpu.vector_store_idx %arg6[%shift_right_logical3A_774, %add3A_1178], %get3A_1097 : memref<256x128xf32, #tpu.memory_space<vmem>>[vector<16xi32>, vector<16xi32>], vector<16xf32>,
          %add3A_1179 = arith.constant 37 : i32
          %add3A_1180 = vector.broadcast %add3A_1179 : i32 to vector<16xi32>
          %add3A_1181 = arith.addi %shift_left3A_780, %add3A_1180 : vector<16xi32>
          tpu.vector_store_idx %arg6[%shift_right_logical3A_774, %add3A_1181], %get3A_1103 : memref<256x128xf32, #tpu.memory_space<vmem>>[vector<16xi32>, vector<16xi32>], vector<16xf32>,
          %add3A_1182 = arith.constant 38 : i32
          %add3A_1183 = vector.broadcast %add3A_1182 : i32 to vector<16xi32>
          %add3A_1184 = arith.addi %shift_left3A_780, %add3A_1183 : vector<16xi32>
          tpu.vector_store_idx %arg6[%shift_right_logical3A_774, %add3A_1184], %get3A_1109 : memref<256x128xf32, #tpu.memory_space<vmem>>[vector<16xi32>, vector<16xi32>], vector<16xf32>,
          %add3A_1185 = arith.constant 39 : i32
          %add3A_1186 = vector.broadcast %add3A_1185 : i32 to vector<16xi32>
          %add3A_1187 = arith.addi %shift_left3A_780, %add3A_1186 : vector<16xi32>
          tpu.vector_store_idx %arg6[%shift_right_logical3A_774, %add3A_1187], %get3A_1115 : memref<256x128xf32, #tpu.memory_space<vmem>>[vector<16xi32>, vector<16xi32>], vector<16xf32>,
          %add3A_1188 = arith.constant 40 : i32
          %add3A_1189 = vector.broadcast %add3A_1188 : i32 to vector<16xi32>
          %add3A_1190 = arith.addi %shift_left3A_780, %add3A_1189 : vector<16xi32>
          tpu.vector_store_idx %arg6[%shift_right_logical3A_774, %add3A_1190], %get3A_1121 : memref<256x128xf32, #tpu.memory_space<vmem>>[vector<16xi32>, vector<16xi32>], vector<16xf32>,
          %add3A_1191 = arith.constant 41 : i32
          %add3A_1192 = vector.broadcast %add3A_1191 : i32 to vector<16xi32>
          %add3A_1193 = arith.addi %shift_left3A_780, %add3A_1192 : vector<16xi32>
          tpu.vector_store_idx %arg6[%shift_right_logical3A_774, %add3A_1193], %get3A_1127 : memref<256x128xf32, #tpu.memory_space<vmem>>[vector<16xi32>, vector<16xi32>], vector<16xf32>,
          %add3A_1194 = arith.constant 42 : i32
          %add3A_1195 = vector.broadcast %add3A_1194 : i32 to vector<16xi32>
          %add3A_1196 = arith.addi %shift_left3A_780, %add3A_1195 : vector<16xi32>
          tpu.vector_store_idx %arg6[%shift_right_logical3A_774, %add3A_1196], %get3A_1133 : memref<256x128xf32, #tpu.memory_space<vmem>>[vector<16xi32>, vector<16xi32>], vector<16xf32>,
          %add3A_1197 = arith.constant 43 : i32
          %add3A_1198 = vector.broadcast %add3A_1197 : i32 to vector<16xi32>
          %add3A_1199 = arith.addi %shift_left3A_780, %add3A_1198 : vector<16xi32>
          tpu.vector_store_idx %arg6[%shift_right_logical3A_774, %add3A_1199], %get3A_1139 : memref<256x128xf32, #tpu.memory_space<vmem>>[vector<16xi32>, vector<16xi32>], vector<16xf32>,
          %add3A_1200 = arith.constant 44 : i32
          %add3A_1201 = vector.broadcast %add3A_1200 : i32 to vector<16xi32>
          %add3A_1202 = arith.addi %shift_left3A_780, %add3A_1201 : vector<16xi32>
          tpu.vector_store_idx %arg6[%shift_right_logical3A_774, %add3A_1202], %get3A_1145 : memref<256x128xf32, #tpu.memory_space<vmem>>[vector<16xi32>, vector<16xi32>], vector<16xf32>,
          %add3A_1203 = arith.constant 45 : i32
          %add3A_1204 = vector.broadcast %add3A_1203 : i32 to vector<16xi32>
          %add3A_1205 = arith.addi %shift_left3A_780, %add3A_1204 : vector<16xi32>
          tpu.vector_store_idx %arg6[%shift_right_logical3A_774, %add3A_1205], %get3A_1151 : memref<256x128xf32, #tpu.memory_space<vmem>>[vector<16xi32>, vector<16xi32>], vector<16xf32>,
          %add3A_1206 = arith.constant 46 : i32
          %add3A_1207 = vector.broadcast %add3A_1206 : i32 to vector<16xi32>
          %add3A_1208 = arith.addi %shift_left3A_780, %add3A_1207 : vector<16xi32>
          tpu.vector_store_idx %arg6[%shift_right_logical3A_774, %add3A_1208], %get3A_1157 : memref<256x128xf32, #tpu.memory_space<vmem>>[vector<16xi32>, vector<16xi32>], vector<16xf32>,
          %add3A_1209 = arith.constant 47 : i32
          %add3A_1210 = vector.broadcast %add3A_1209 : i32 to vector<16xi32>
          %add3A_1211 = arith.addi %shift_left3A_780, %add3A_1210 : vector<16xi32>
          tpu.vector_store_idx %arg6[%shift_right_logical3A_774, %add3A_1211], %get3A_1163 : memref<256x128xf32, #tpu.memory_space<vmem>>[vector<16xi32>, vector<16xi32>], vector<16xf32>,
          %get3A_1212 = arith.constant 0 : i32
          %get3A_1213 = arith.constant 48 : i32
          %get3A_1214 = arith.index_cast %get3A_1212 : i32 to index
          %get3A_1215 = arith.index_cast %get3A_1213 : i32 to index
          %get3A_1216 = arith.index_cast %mul3A_769 : i32 to index
          %get3A_1217 = tpu.vector_load %arg5[%get3A_1214, %get3A_1215, %get3A_1216] {strides = array<i32>} : memref<2x64x512xf32, #tpu.memory_space<vmem>>, vector<16xf32>,
          %get3A_1218 = arith.constant 0 : i32
          %get3A_1219 = arith.constant 49 : i32
          %get3A_1220 = arith.index_cast %get3A_1218 : i32 to index
          %get3A_1221 = arith.index_cast %get3A_1219 : i32 to index
          %get3A_1222 = arith.index_cast %mul3A_769 : i32 to index
          %get3A_1223 = tpu.vector_load %arg5[%get3A_1220, %get3A_1221, %get3A_1222] {strides = array<i32>} : memref<2x64x512xf32, #tpu.memory_space<vmem>>, vector<16xf32>,
          %get3A_1224 = arith.constant 0 : i32
          %get3A_1225 = arith.constant 50 : i32
          %get3A_1226 = arith.index_cast %get3A_1224 : i32 to index
          %get3A_1227 = arith.index_cast %get3A_1225 : i32 to index
          %get3A_1228 = arith.index_cast %mul3A_769 : i32 to index
          %get3A_1229 = tpu.vector_load %arg5[%get3A_1226, %get3A_1227, %get3A_1228] {strides = array<i32>} : memref<2x64x512xf32, #tpu.memory_space<vmem>>, vector<16xf32>,
          %get3A_1230 = arith.constant 0 : i32
          %get3A_1231 = arith.constant 51 : i32
          %get3A_1232 = arith.index_cast %get3A_1230 : i32 to index
          %get3A_1233 = arith.index_cast %get3A_1231 : i32 to index
          %get3A_1234 = arith.index_cast %mul3A_769 : i32 to index
          %get3A_1235 = tpu.vector_load %arg5[%get3A_1232, %get3A_1233, %get3A_1234] {strides = array<i32>} : memref<2x64x512xf32, #tpu.memory_space<vmem>>, vector<16xf32>,
          %get3A_1236 = arith.constant 0 : i32
          %get3A_1237 = arith.constant 52 : i32
          %get3A_1238 = arith.index_cast %get3A_1236 : i32 to index
          %get3A_1239 = arith.index_cast %get3A_1237 : i32 to index
          %get3A_1240 = arith.index_cast %mul3A_769 : i32 to index
          %get3A_1241 = tpu.vector_load %arg5[%get3A_1238, %get3A_1239, %get3A_1240] {strides = array<i32>} : memref<2x64x512xf32, #tpu.memory_space<vmem>>, vector<16xf32>,
          %get3A_1242 = arith.constant 0 : i32
          %get3A_1243 = arith.constant 53 : i32
          %get3A_1244 = arith.index_cast %get3A_1242 : i32 to index
          %get3A_1245 = arith.index_cast %get3A_1243 : i32 to index
          %get3A_1246 = arith.index_cast %mul3A_769 : i32 to index
          %get3A_1247 = tpu.vector_load %arg5[%get3A_1244, %get3A_1245, %get3A_1246] {strides = array<i32>} : memref<2x64x512xf32, #tpu.memory_space<vmem>>, vector<16xf32>,
          %get3A_1248 = arith.constant 0 : i32
          %get3A_1249 = arith.constant 54 : i32
          %get3A_1250 = arith.index_cast %get3A_1248 : i32 to index
          %get3A_1251 = arith.index_cast %get3A_1249 : i32 to index
          %get3A_1252 = arith.index_cast %mul3A_769 : i32 to index
          %get3A_1253 = tpu.vector_load %arg5[%get3A_1250, %get3A_1251, %get3A_1252] {strides = array<i32>} : memref<2x64x512xf32, #tpu.memory_space<vmem>>, vector<16xf32>,
          %get3A_1254 = arith.constant 0 : i32
          %get3A_1255 = arith.constant 55 : i32
          %get3A_1256 = arith.index_cast %get3A_1254 : i32 to index
          %get3A_1257 = arith.index_cast %get3A_1255 : i32 to index
          %get3A_1258 = arith.index_cast %mul3A_769 : i32 to index
          %get3A_1259 = tpu.vector_load %arg5[%get3A_1256, %get3A_1257, %get3A_1258] {strides = array<i32>} : memref<2x64x512xf32, #tpu.memory_space<vmem>>, vector<16xf32>,
          %get3A_1260 = arith.constant 0 : i32
          %get3A_1261 = arith.constant 56 : i32
          %get3A_1262 = arith.index_cast %get3A_1260 : i32 to index
          %get3A_1263 = arith.index_cast %get3A_1261 : i32 to index
          %get3A_1264 = arith.index_cast %mul3A_769 : i32 to index
          %get3A_1265 = tpu.vector_load %arg5[%get3A_1262, %get3A_1263, %get3A_1264] {strides = array<i32>} : memref<2x64x512xf32, #tpu.memory_space<vmem>>, vector<16xf32>,
          %get3A_1266 = arith.constant 0 : i32
          %get3A_1267 = arith.constant 57 : i32
          %get3A_1268 = arith.index_cast %get3A_1266 : i32 to index
          %get3A_1269 = arith.index_cast %get3A_1267 : i32 to index
          %get3A_1270 = arith.index_cast %mul3A_769 : i32 to index
          %get3A_1271 = tpu.vector_load %arg5[%get3A_1268, %get3A_1269, %get3A_1270] {strides = array<i32>} : memref<2x64x512xf32, #tpu.memory_space<vmem>>, vector<16xf32>,
          %get3A_1272 = arith.constant 0 : i32
          %get3A_1273 = arith.constant 58 : i32
          %get3A_1274 = arith.index_cast %get3A_1272 : i32 to index
          %get3A_1275 = arith.index_cast %get3A_1273 : i32 to index
          %get3A_1276 = arith.index_cast %mul3A_769 : i32 to index
          %get3A_1277 = tpu.vector_load %arg5[%get3A_1274, %get3A_1275, %get3A_1276] {strides = array<i32>} : memref<2x64x512xf32, #tpu.memory_space<vmem>>, vector<16xf32>,
          %get3A_1278 = arith.constant 0 : i32
          %get3A_1279 = arith.constant 59 : i32
          %get3A_1280 = arith.index_cast %get3A_1278 : i32 to index
          %get3A_1281 = arith.index_cast %get3A_1279 : i32 to index
          %get3A_1282 = arith.index_cast %mul3A_769 : i32 to index
          %get3A_1283 = tpu.vector_load %arg5[%get3A_1280, %get3A_1281, %get3A_1282] {strides = array<i32>} : memref<2x64x512xf32, #tpu.memory_space<vmem>>, vector<16xf32>,
          %get3A_1284 = arith.constant 0 : i32
          %get3A_1285 = arith.constant 60 : i32
          %get3A_1286 = arith.index_cast %get3A_1284 : i32 to index
          %get3A_1287 = arith.index_cast %get3A_1285 : i32 to index
          %get3A_1288 = arith.index_cast %mul3A_769 : i32 to index
          %get3A_1289 = tpu.vector_load %arg5[%get3A_1286, %get3A_1287, %get3A_1288] {strides = array<i32>} : memref<2x64x512xf32, #tpu.memory_space<vmem>>, vector<16xf32>,
          %get3A_1290 = arith.constant 0 : i32
          %get3A_1291 = arith.constant 61 : i32
          %get3A_1292 = arith.index_cast %get3A_1290 : i32 to index
          %get3A_1293 = arith.index_cast %get3A_1291 : i32 to index
          %get3A_1294 = arith.index_cast %mul3A_769 : i32 to index
          %get3A_1295 = tpu.vector_load %arg5[%get3A_1292, %get3A_1293, %get3A_1294] {strides = array<i32>} : memref<2x64x512xf32, #tpu.memory_space<vmem>>, vector<16xf32>,
          %get3A_1296 = arith.constant 0 : i32
          %get3A_1297 = arith.constant 62 : i32
          %get3A_1298 = arith.index_cast %get3A_1296 : i32 to index
          %get3A_1299 = arith.index_cast %get3A_1297 : i32 to index
          %get3A_1300 = arith.index_cast %mul3A_769 : i32 to index
          %get3A_1301 = tpu.vector_load %arg5[%get3A_1298, %get3A_1299, %get3A_1300] {strides = array<i32>} : memref<2x64x512xf32, #tpu.memory_space<vmem>>, vector<16xf32>,
          %get3A_1302 = arith.constant 0 : i32
          %get3A_1303 = arith.constant 63 : i32
          %get3A_1304 = arith.index_cast %get3A_1302 : i32 to index
          %get3A_1305 = arith.index_cast %get3A_1303 : i32 to index
          %get3A_1306 = arith.index_cast %mul3A_769 : i32 to index
          %get3A_1307 = tpu.vector_load %arg5[%get3A_1304, %get3A_1305, %get3A_1306] {strides = array<i32>} : memref<2x64x512xf32, #tpu.memory_space<vmem>>, vector<16xf32>,
          %add3A_1308 = arith.constant 48 : i32
          %add3A_1309 = vector.broadcast %add3A_1308 : i32 to vector<16xi32>
          %add3A_1310 = arith.addi %shift_left3A_780, %add3A_1309 : vector<16xi32>
          tpu.vector_store_idx %arg6[%shift_right_logical3A_774, %add3A_1310], %get3A_1217 : memref<256x128xf32, #tpu.memory_space<vmem>>[vector<16xi32>, vector<16xi32>], vector<16xf32>,
          %add3A_1311 = arith.constant 49 : i32
          %add3A_1312 = vector.broadcast %add3A_1311 : i32 to vector<16xi32>
          %add3A_1313 = arith.addi %shift_left3A_780, %add3A_1312 : vector<16xi32>
          tpu.vector_store_idx %arg6[%shift_right_logical3A_774, %add3A_1313], %get3A_1223 : memref<256x128xf32, #tpu.memory_space<vmem>>[vector<16xi32>, vector<16xi32>], vector<16xf32>,
          %add3A_1314 = arith.constant 50 : i32
          %add3A_1315 = vector.broadcast %add3A_1314 : i32 to vector<16xi32>
          %add3A_1316 = arith.addi %shift_left3A_780, %add3A_1315 : vector<16xi32>
          tpu.vector_store_idx %arg6[%shift_right_logical3A_774, %add3A_1316], %get3A_1229 : memref<256x128xf32, #tpu.memory_space<vmem>>[vector<16xi32>, vector<16xi32>], vector<16xf32>,
          %add3A_1317 = arith.constant 51 : i32
          %add3A_1318 = vector.broadcast %add3A_1317 : i32 to vector<16xi32>
          %add3A_1319 = arith.addi %shift_left3A_780, %add3A_1318 : vector<16xi32>
          tpu.vector_store_idx %arg6[%shift_right_logical3A_774, %add3A_1319], %get3A_1235 : memref<256x128xf32, #tpu.memory_space<vmem>>[vector<16xi32>, vector<16xi32>], vector<16xf32>,
          %add3A_1320 = arith.constant 52 : i32
          %add3A_1321 = vector.broadcast %add3A_1320 : i32 to vector<16xi32>
          %add3A_1322 = arith.addi %shift_left3A_780, %add3A_1321 : vector<16xi32>
          tpu.vector_store_idx %arg6[%shift_right_logical3A_774, %add3A_1322], %get3A_1241 : memref<256x128xf32, #tpu.memory_space<vmem>>[vector<16xi32>, vector<16xi32>], vector<16xf32>,
          %add3A_1323 = arith.constant 53 : i32
          %add3A_1324 = vector.broadcast %add3A_1323 : i32 to vector<16xi32>
          %add3A_1325 = arith.addi %shift_left3A_780, %add3A_1324 : vector<16xi32>
          tpu.vector_store_idx %arg6[%shift_right_logical3A_774, %add3A_1325], %get3A_1247 : memref<256x128xf32, #tpu.memory_space<vmem>>[vector<16xi32>, vector<16xi32>], vector<16xf32>,
          %add3A_1326 = arith.constant 54 : i32
          %add3A_1327 = vector.broadcast %add3A_1326 : i32 to vector<16xi32>
          %add3A_1328 = arith.addi %shift_left3A_780, %add3A_1327 : vector<16xi32>
          tpu.vector_store_idx %arg6[%shift_right_logical3A_774, %add3A_1328], %get3A_1253 : memref<256x128xf32, #tpu.memory_space<vmem>>[vector<16xi32>, vector<16xi32>], vector<16xf32>,
          %add3A_1329 = arith.constant 55 : i32
          %add3A_1330 = vector.broadcast %add3A_1329 : i32 to vector<16xi32>
          %add3A_1331 = arith.addi %shift_left3A_780, %add3A_1330 : vector<16xi32>
          tpu.vector_store_idx %arg6[%shift_right_logical3A_774, %add3A_1331], %get3A_1259 : memref<256x128xf32, #tpu.memory_space<vmem>>[vector<16xi32>, vector<16xi32>], vector<16xf32>,
          %add3A_1332 = arith.constant 56 : i32
          %add3A_1333 = vector.broadcast %add3A_1332 : i32 to vector<16xi32>
          %add3A_1334 = arith.addi %shift_left3A_780, %add3A_1333 : vector<16xi32>
          tpu.vector_store_idx %arg6[%shift_right_logical3A_774, %add3A_1334], %get3A_1265 : memref<256x128xf32, #tpu.memory_space<vmem>>[vector<16xi32>, vector<16xi32>], vector<16xf32>,
          %add3A_1335 = arith.constant 57 : i32
          %add3A_1336 = vector.broadcast %add3A_1335 : i32 to vector<16xi32>
          %add3A_1337 = arith.addi %shift_left3A_780, %add3A_1336 : vector<16xi32>
          tpu.vector_store_idx %arg6[%shift_right_logical3A_774, %add3A_1337], %get3A_1271 : memref<256x128xf32, #tpu.memory_space<vmem>>[vector<16xi32>, vector<16xi32>], vector<16xf32>,
          %add3A_1338 = arith.constant 58 : i32
          %add3A_1339 = vector.broadcast %add3A_1338 : i32 to vector<16xi32>
          %add3A_1340 = arith.addi %shift_left3A_780, %add3A_1339 : vector<16xi32>
          tpu.vector_store_idx %arg6[%shift_right_logical3A_774, %add3A_1340], %get3A_1277 : memref<256x128xf32, #tpu.memory_space<vmem>>[vector<16xi32>, vector<16xi32>], vector<16xf32>,
          %add3A_1341 = arith.constant 59 : i32
          %add3A_1342 = vector.broadcast %add3A_1341 : i32 to vector<16xi32>
          %add3A_1343 = arith.addi %shift_left3A_780, %add3A_1342 : vector<16xi32>
          tpu.vector_store_idx %arg6[%shift_right_logical3A_774, %add3A_1343], %get3A_1283 : memref<256x128xf32, #tpu.memory_space<vmem>>[vector<16xi32>, vector<16xi32>], vector<16xf32>,
          %add3A_1344 = arith.constant 60 : i32
          %add3A_1345 = vector.broadcast %add3A_1344 : i32 to vector<16xi32>
          %add3A_1346 = arith.addi %shift_left3A_780, %add3A_1345 : vector<16xi32>
          tpu.vector_store_idx %arg6[%shift_right_logical3A_774, %add3A_1346], %get3A_1289 : memref<256x128xf32, #tpu.memory_space<vmem>>[vector<16xi32>, vector<16xi32>], vector<16xf32>,
          %add3A_1347 = arith.constant 61 : i32
          %add3A_1348 = vector.broadcast %add3A_1347 : i32 to vector<16xi32>
          %add3A_1349 = arith.addi %shift_left3A_780, %add3A_1348 : vector<16xi32>
          tpu.vector_store_idx %arg6[%shift_right_logical3A_774, %add3A_1349], %get3A_1295 : memref<256x128xf32, #tpu.memory_space<vmem>>[vector<16xi32>, vector<16xi32>], vector<16xf32>,
          %add3A_1350 = arith.constant 62 : i32
          %add3A_1351 = vector.broadcast %add3A_1350 : i32 to vector<16xi32>
          %add3A_1352 = arith.addi %shift_left3A_780, %add3A_1351 : vector<16xi32>
          tpu.vector_store_idx %arg6[%shift_right_logical3A_774, %add3A_1352], %get3A_1301 : memref<256x128xf32, #tpu.memory_space<vmem>>[vector<16xi32>, vector<16xi32>], vector<16xf32>,
          %add3A_1353 = arith.constant 63 : i32
          %add3A_1354 = vector.broadcast %add3A_1353 : i32 to vector<16xi32>
          %add3A_1355 = arith.addi %shift_left3A_780, %add3A_1354 : vector<16xi32>
          tpu.vector_store_idx %arg6[%shift_right_logical3A_774, %add3A_1355], %get3A_1307 : memref<256x128xf32, #tpu.memory_space<vmem>>[vector<16xi32>, vector<16xi32>], vector<16xf32>,
        }
        %scan3A_725 = arith.constant 32 : i32
        %mul3A_726 = arith.constant 32 : i32
        %mul3A_727 = arith.muli %mul3A_726, %mul3A_686 : i32
        %add3A_728 = arith.addi %add3A, %mul3A_727 : i32
        %mul3A_729 = arith.constant 512 : i32
        %mul3A_730 = arith.muli %add3A_728, %mul3A_729 : i32
        %multiple_of3A_731 = tpu.assume_multiple %mul3A_730, 512 : i32
        %jit3A_732 = arith.constant 2 : i32
        %div3A_733 = arith.divsi %multiple_of3A_731, %jit3A_732 : i32
        %sign3A_734 = arith.constant 0 : i32
        %sign3A_735 = arith.cmpi sgt, %multiple_of3A_731, %sign3A_734 : i32
        %sign3A_736 = arith.extui %sign3A_735 : i1 to i32
        %sign3A_737 = arith.constant 0 : i32
        %sign3A_738 = arith.cmpi slt, %multiple_of3A_731, %sign3A_737 : i32
        %sign3A_739 = arith.extui %sign3A_738 : i1 to i32
        %sign3A_740 = arith.subi %sign3A_736, %sign3A_739 : i32
        %sign3A_741 = arith.constant 0 : i32
        %sign3A_742 = arith.cmpi sgt, %jit3A_732, %sign3A_741 : i32
        %sign3A_743 = arith.extui %sign3A_742 : i1 to i32
        %sign3A_744 = arith.constant 0 : i32
        %sign3A_745 = arith.cmpi slt, %jit3A_732, %sign3A_744 : i32
        %sign3A_746 = arith.extui %sign3A_745 : i1 to i32
        %sign3A_747 = arith.subi %sign3A_743, %sign3A_746 : i32
        %ne3A_748 = arith.cmpi ne, %sign3A_740, %sign3A_747 : i32
        %rem3A_749 = arith.remsi %multiple_of3A_731, %jit3A_732 : i32
        %ne3A_750 = arith.constant 0 : i32
        %ne3A_751 = arith.cmpi ne, %rem3A_749, %ne3A_750 : i32
        %and3A_752 = arith.andi %ne3A_748, %ne3A_751 : i1
        %sub3A_753 = arith.constant 1 : i32
        %sub3A_754 = arith.subi %div3A_733, %sub3A_753 : i32
        %select_n3A_755 = arith.select %and3A_752, %sub3A_754, %div3A_733 : i32
        %multiple_of3A_756 = tpu.assume_multiple %select_n3A_755, 256 : i32
        %dma_start3A_757 = arith.constant 0 : i32
        %dma_start3A_758 = tpu.memref_slice %arg4[%multiple_of3A_756, %dma_start3A_757] : memref<500000x128xf32, #tpu.memory_space<hbm>> -> memref<256x128xf32, #tpu.memory_space<hbm>>
        %dma_start3A_759 = arith.constant 0 : i32
        %dma_start3A_760 = tpu.memref_slice %arg4[%multiple_of3A_756, %dma_start3A_759] : memref<500000x128xf32, #tpu.memory_space<hbm>> -> memref<256x128xf32, #tpu.memory_space<hbm>>
        tpu.enqueue_dma source(%arg6 : memref<256x128xf32, #tpu.memory_space<vmem>>) target(%dma_start3A_760 : memref<256x128xf32, #tpu.memory_space<hbm>>) target_semaphore(%arg9 : memref<!tpu.dma_semaphore, #tpu.memory_space<semaphore_mem>>)
        %add3A_761 = arith.constant 2 : i32
        %add3A_762 = arith.addi %mul3A_686, %add3A_761 : i32
        %lt3A_763 = arith.cmpi slt, %add3A_762, %select_n3A : i32
        %convert_element_type3A_764 = arith.extui %lt3A_763 : i1 to i32
        %cond3A_765 = arith.constant 0 : i32
        %cond3A_766 = arith.cmpi ne, %convert_element_type3A_764, %cond3A_765 : i32
        scf.if %cond3A_766 {
          %add3A_767 = arith.constant 2 : i32
          %add3A_768 = arith.addi %mul3A_686, %add3A_767 : i32
          %mul3A_769 = arith.constant 32 : i32
          %mul3A_770 = arith.muli %mul3A_769, %add3A_768 : i32
          %add3A_771 = arith.addi %add3A, %mul3A_770 : i32
          %mul3A_772 = arith.constant 512 : i32
          %mul3A_773 = arith.muli %add3A_771, %mul3A_772 : i32
          %multiple_of3A_774 = tpu.assume_multiple %mul3A_773, 512 : i32
          %dma_start3A_775 = arith.constant 0 : i32
          %dma_start3A_776 = arith.constant 0 : i32
          %dma_start3A_777 = arith.constant 0 : i32
          %dma_start3A_778 = arith.constant 0 : i32
          %dma_start3A_779 = tpu.memref_slice %arg5[%dma_start3A_775, %dma_start3A_777, %dma_start3A_778] : memref<2x64x512xf32, #tpu.memory_space<vmem>> -> memref<1x64x512xf32, #tpu.memory_space<vmem>>
          %dma_start3A_780 = tpu.memref_squeeze %dma_start3A_779 : memref<1x64x512xf32, #tpu.memory_space<vmem>> -> memref<64x512xf32, #tpu.memory_space<vmem>>
          %dma_start3A_781 = arith.constant 0 : i32
          %dma_start3A_782 = tpu.memref_slice %arg2[%dma_start3A_781, %multiple_of3A_774] : memref<64x1000000xf32, #tpu.memory_space<hbm>> -> memref<64x512xf32, #tpu.memory_space<hbm>>
          %dma_start3A_783 = tpu.memref_slice %arg8[%dma_start3A_776] : memref<2x!tpu.dma_semaphore, #tpu.memory_space<semaphore_mem>> -> memref<1x!tpu.dma_semaphore, #tpu.memory_space<semaphore_mem>>
          %dma_start3A_784 = tpu.memref_squeeze %dma_start3A_783 : memref<1x!tpu.dma_semaphore, #tpu.memory_space<semaphore_mem>> -> memref<!tpu.dma_semaphore, #tpu.memory_space<semaphore_mem>>
          %dma_start3A_785 = arith.constant 0 : i32
          %dma_start3A_786 = arith.constant 0 : i32
          %dma_start3A_787 = tpu.memref_slice %arg5[%dma_start3A_775, %dma_start3A_785, %dma_start3A_786] : memref<2x64x512xf32, #tpu.memory_space<vmem>> -> memref<1x64x512xf32, #tpu.memory_space<vmem>>
          %dma_start3A_788 = tpu.memref_squeeze %dma_start3A_787 : memref<1x64x512xf32, #tpu.memory_space<vmem>> -> memref<64x512xf32, #tpu.memory_space<vmem>>
          %dma_start3A_789 = arith.constant 0 : i32
          %dma_start3A_790 = tpu.memref_slice %arg2[%dma_start3A_789, %multiple_of3A_774] : memref<64x1000000xf32, #tpu.memory_space<hbm>> -> memref<64x512xf32, #tpu.memory_space<hbm>>
          tpu.enqueue_dma source(%dma_start3A_790 : memref<64x512xf32, #tpu.memory_space<hbm>>) target(%dma_start3A_788 : memref<64x512xf32, #tpu.memory_space<vmem>>) target_semaphore(%dma_start3A_784 : memref<!tpu.dma_semaphore, #tpu.memory_space<semaphore_mem>>)
        } else {
        }
      } else {
      }
      %add3A_690 = arith.constant 1 : i32
      %add3A_691 = arith.addi %mul3A_686, %add3A_690 : i32
      %lt3A_692 = arith.cmpi slt, %add3A_691, %select_n3A : i32
      %convert_element_type3A_693 = arith.extui %lt3A_692 : i1 to i32
      %cond3A_694 = arith.constant 0 : i32
      %cond3A_695 = arith.cmpi ne, %convert_element_type3A_693, %cond3A_694 : i32
      scf.if %cond3A_695 {
        %add3A_696 = arith.constant 1 : i32
        %add3A_697 = arith.addi %mul3A_686, %add3A_696 : i32
        %dma_wait3A_698 = arith.constant 1 : i32
        %dma_wait3A_699 = arith.constant 1 : i32
        %dma_wait3A_700 = arith.constant 0 : i32
        %dma_wait3A_701 = arith.constant 0 : i32
        %dma_wait3A_702 = tpu.memref_slice %arg5[%dma_wait3A_698, %dma_wait3A_700, %dma_wait3A_701] : memref<2x64x512xf32, #tpu.memory_space<vmem>> -> memref<1x64x512xf32, #tpu.memory_space<vmem>>
        %dma_wait3A_703 = tpu.memref_squeeze %dma_wait3A_702 : memref<1x64x512xf32, #tpu.memory_space<vmem>> -> memref<64x512xf32, #tpu.memory_space<vmem>>
        %dma_wait3A_704 = arith.constant 0 : i32
        %dma_wait3A_705 = arith.constant 0 : i32
        %dma_wait3A_706 = tpu.memref_slice %arg2[%dma_wait3A_704, %dma_wait3A_705] : memref<64x1000000xf32, #tpu.memory_space<hbm>> -> memref<64x512xf32, #tpu.memory_space<hbm>>
        %dma_wait3A_707 = tpu.memref_slice %arg8[%dma_wait3A_699] : memref<2x!tpu.dma_semaphore, #tpu.memory_space<semaphore_mem>> -> memref<1x!tpu.dma_semaphore, #tpu.memory_space<semaphore_mem>>
        %dma_wait3A_708 = tpu.memref_squeeze %dma_wait3A_707 : memref<1x!tpu.dma_semaphore, #tpu.memory_space<semaphore_mem>> -> memref<!tpu.dma_semaphore, #tpu.memory_space<semaphore_mem>>
        %dma_wait3A_709 = arith.constant 0 : i32
        %dma_wait3A_710 = arith.constant 0 : i32
        %dma_wait3A_711 = tpu.memref_slice %arg5[%dma_wait3A_698, %dma_wait3A_709, %dma_wait3A_710] : memref<2x64x512xf32, #tpu.memory_space<vmem>> -> memref<1x64x512xf32, #tpu.memory_space<vmem>>
        %dma_wait3A_712 = tpu.memref_squeeze %dma_wait3A_711 : memref<1x64x512xf32, #tpu.memory_space<vmem>> -> memref<64x512xf32, #tpu.memory_space<vmem>>
        %dma_wait3A_713 = arith.constant 0 : i32
        %dma_wait3A_714 = arith.constant 0 : i32
        %dma_wait3A_715 = tpu.memref_slice %arg2[%dma_wait3A_713, %dma_wait3A_714] : memref<64x1000000xf32, #tpu.memory_space<hbm>> -> memref<64x512xf32, #tpu.memory_space<hbm>>
        tpu.wait_dma2 semaphore(%dma_wait3A_708 : memref<!tpu.dma_semaphore, #tpu.memory_space<semaphore_mem>>) src(%dma_wait3A_715 : memref<64x512xf32, #tpu.memory_space<hbm>>) dst(%dma_wait3A_712 : memref<64x512xf32, #tpu.memory_space<vmem>>)
        %dma_wait3A_716 = arith.constant 0 : i32
        %dma_wait3A_717 = arith.constant 0 : i32
        %dma_wait3A_718 = tpu.memref_slice %arg4[%dma_wait3A_716, %dma_wait3A_717] : memref<500000x128xf32, #tpu.memory_space<hbm>> -> memref<256x128xf32, #tpu.memory_space<hbm>>
        %dma_wait3A_719 = arith.constant 0 : i32
        %dma_wait3A_720 = arith.constant 0 : i32
        %dma_wait3A_721 = tpu.memref_slice %arg4[%dma_wait3A_719, %dma_wait3A_720] : memref<500000x128xf32, #tpu.memory_space<hbm>> -> memref<256x128xf32, #tpu.memory_space<hbm>>
        tpu.wait_dma2 semaphore(%arg9 : memref<!tpu.dma_semaphore, #tpu.memory_space<semaphore_mem>>) src(%arg6 : memref<256x128xf32, #tpu.memory_space<vmem>>) dst(%dma_wait3A_721 : memref<256x128xf32, #tpu.memory_space<hbm>>)
        %scan3A_722 = arith.constant 0 : i32
        %scan3A_723 = arith.constant 0 : i32
        %scan3A_724 = arith.constant 32 : i32
        %scan3A_725 = arith.addi %scan3A_723, %scan3A_724 : i32
        %scan3A_726 = arith.constant 1 : i32
        scf.for %scan3A_769 = %scan3A_723 to %scan3A_725 step %scan3A_726  : i32 {
          %mul3A_770 = arith.constant 16 : i32
          %mul3A_771 = arith.muli %scan3A_769, %mul3A_770 : i32
          %add3A_772 = vector.broadcast %mul3A_771 : i32 to vector<16xi32>
          %add3A_773 = arith.addi %iota3A, %add3A_772 : vector<16xi32>
          %shift_right_logical3A_774 = arith.constant 1 : i32
          %shift_right_logical3A_775 = vector.broadcast %shift_right_logical3A_774 : i32 to vector<16xi32>
          %shift_right_logical3A_776 = arith.shrui %add3A_773, %shift_right_logical3A_775 : vector<16xi32>
          %and3A_777 = arith.constant 1 : i32
          %and3A_778 = vector.broadcast %and3A_777 : i32 to vector<16xi32>
          %and3A_779 = arith.andi %add3A_773, %and3A_778 : vector<16xi32>
          %shift_left3A_780 = arith.constant 6 : i32
          %shift_left3A_781 = vector.broadcast %shift_left3A_780 : i32 to vector<16xi32>
          %shift_left3A_782 = arith.shli %and3A_779, %shift_left3A_781 : vector<16xi32>
          %get3A = arith.constant 1 : i32
          %get3A_783 = arith.constant 0 : i32
          %get3A_784 = arith.index_cast %get3A : i32 to index
          %get3A_785 = arith.index_cast %get3A_783 : i32 to index
          %get3A_786 = arith.index_cast %mul3A_771 : i32 to index
          %get3A_787 = tpu.vector_load %arg5[%get3A_784, %get3A_785, %get3A_786] {strides = array<i32>} : memref<2x64x512xf32, #tpu.memory_space<vmem>>, vector<16xf32>,
          %get3A_788 = arith.constant 1 : i32
          %get3A_789 = arith.constant 1 : i32
          %get3A_790 = arith.index_cast %get3A_788 : i32 to index
          %get3A_791 = arith.index_cast %get3A_789 : i32 to index
          %get3A_792 = arith.index_cast %mul3A_771 : i32 to index
          %get3A_793 = tpu.vector_load %arg5[%get3A_790, %get3A_791, %get3A_792] {strides = array<i32>} : memref<2x64x512xf32, #tpu.memory_space<vmem>>, vector<16xf32>,
          %get3A_794 = arith.constant 1 : i32
          %get3A_795 = arith.constant 2 : i32
          %get3A_796 = arith.index_cast %get3A_794 : i32 to index
          %get3A_797 = arith.index_cast %get3A_795 : i32 to index
          %get3A_798 = arith.index_cast %mul3A_771 : i32 to index
          %get3A_799 = tpu.vector_load %arg5[%get3A_796, %get3A_797, %get3A_798] {strides = array<i32>} : memref<2x64x512xf32, #tpu.memory_space<vmem>>, vector<16xf32>,
          %get3A_800 = arith.constant 1 : i32
          %get3A_801 = arith.constant 3 : i32
          %get3A_802 = arith.index_cast %get3A_800 : i32 to index
          %get3A_803 = arith.index_cast %get3A_801 : i32 to index
          %get3A_804 = arith.index_cast %mul3A_771 : i32 to index
          %get3A_805 = tpu.vector_load %arg5[%get3A_802, %get3A_803, %get3A_804] {strides = array<i32>} : memref<2x64x512xf32, #tpu.memory_space<vmem>>, vector<16xf32>,
          %get3A_806 = arith.constant 1 : i32
          %get3A_807 = arith.constant 4 : i32
          %get3A_808 = arith.index_cast %get3A_806 : i32 to index
          %get3A_809 = arith.index_cast %get3A_807 : i32 to index
          %get3A_810 = arith.index_cast %mul3A_771 : i32 to index
          %get3A_811 = tpu.vector_load %arg5[%get3A_808, %get3A_809, %get3A_810] {strides = array<i32>} : memref<2x64x512xf32, #tpu.memory_space<vmem>>, vector<16xf32>,
          %get3A_812 = arith.constant 1 : i32
          %get3A_813 = arith.constant 5 : i32
          %get3A_814 = arith.index_cast %get3A_812 : i32 to index
          %get3A_815 = arith.index_cast %get3A_813 : i32 to index
          %get3A_816 = arith.index_cast %mul3A_771 : i32 to index
          %get3A_817 = tpu.vector_load %arg5[%get3A_814, %get3A_815, %get3A_816] {strides = array<i32>} : memref<2x64x512xf32, #tpu.memory_space<vmem>>, vector<16xf32>,
          %get3A_818 = arith.constant 1 : i32
          %get3A_819 = arith.constant 6 : i32
          %get3A_820 = arith.index_cast %get3A_818 : i32 to index
          %get3A_821 = arith.index_cast %get3A_819 : i32 to index
          %get3A_822 = arith.index_cast %mul3A_771 : i32 to index
          %get3A_823 = tpu.vector_load %arg5[%get3A_820, %get3A_821, %get3A_822] {strides = array<i32>} : memref<2x64x512xf32, #tpu.memory_space<vmem>>, vector<16xf32>,
          %get3A_824 = arith.constant 1 : i32
          %get3A_825 = arith.constant 7 : i32
          %get3A_826 = arith.index_cast %get3A_824 : i32 to index
          %get3A_827 = arith.index_cast %get3A_825 : i32 to index
          %get3A_828 = arith.index_cast %mul3A_771 : i32 to index
          %get3A_829 = tpu.vector_load %arg5[%get3A_826, %get3A_827, %get3A_828] {strides = array<i32>} : memref<2x64x512xf32, #tpu.memory_space<vmem>>, vector<16xf32>,
          %get3A_830 = arith.constant 1 : i32
          %get3A_831 = arith.constant 8 : i32
          %get3A_832 = arith.index_cast %get3A_830 : i32 to index
          %get3A_833 = arith.index_cast %get3A_831 : i32 to index
          %get3A_834 = arith.index_cast %mul3A_771 : i32 to index
          %get3A_835 = tpu.vector_load %arg5[%get3A_832, %get3A_833, %get3A_834] {strides = array<i32>} : memref<2x64x512xf32, #tpu.memory_space<vmem>>, vector<16xf32>,
          %get3A_836 = arith.constant 1 : i32
          %get3A_837 = arith.constant 9 : i32
          %get3A_838 = arith.index_cast %get3A_836 : i32 to index
          %get3A_839 = arith.index_cast %get3A_837 : i32 to index
          %get3A_840 = arith.index_cast %mul3A_771 : i32 to index
          %get3A_841 = tpu.vector_load %arg5[%get3A_838, %get3A_839, %get3A_840] {strides = array<i32>} : memref<2x64x512xf32, #tpu.memory_space<vmem>>, vector<16xf32>,
          %get3A_842 = arith.constant 1 : i32
          %get3A_843 = arith.constant 10 : i32
          %get3A_844 = arith.index_cast %get3A_842 : i32 to index
          %get3A_845 = arith.index_cast %get3A_843 : i32 to index
          %get3A_846 = arith.index_cast %mul3A_771 : i32 to index
          %get3A_847 = tpu.vector_load %arg5[%get3A_844, %get3A_845, %get3A_846] {strides = array<i32>} : memref<2x64x512xf32, #tpu.memory_space<vmem>>, vector<16xf32>,
          %get3A_848 = arith.constant 1 : i32
          %get3A_849 = arith.constant 11 : i32
          %get3A_850 = arith.index_cast %get3A_848 : i32 to index
          %get3A_851 = arith.index_cast %get3A_849 : i32 to index
          %get3A_852 = arith.index_cast %mul3A_771 : i32 to index
          %get3A_853 = tpu.vector_load %arg5[%get3A_850, %get3A_851, %get3A_852] {strides = array<i32>} : memref<2x64x512xf32, #tpu.memory_space<vmem>>, vector<16xf32>,
          %get3A_854 = arith.constant 1 : i32
          %get3A_855 = arith.constant 12 : i32
          %get3A_856 = arith.index_cast %get3A_854 : i32 to index
          %get3A_857 = arith.index_cast %get3A_855 : i32 to index
          %get3A_858 = arith.index_cast %mul3A_771 : i32 to index
          %get3A_859 = tpu.vector_load %arg5[%get3A_856, %get3A_857, %get3A_858] {strides = array<i32>} : memref<2x64x512xf32, #tpu.memory_space<vmem>>, vector<16xf32>,
          %get3A_860 = arith.constant 1 : i32
          %get3A_861 = arith.constant 13 : i32
          %get3A_862 = arith.index_cast %get3A_860 : i32 to index
          %get3A_863 = arith.index_cast %get3A_861 : i32 to index
          %get3A_864 = arith.index_cast %mul3A_771 : i32 to index
          %get3A_865 = tpu.vector_load %arg5[%get3A_862, %get3A_863, %get3A_864] {strides = array<i32>} : memref<2x64x512xf32, #tpu.memory_space<vmem>>, vector<16xf32>,
          %get3A_866 = arith.constant 1 : i32
          %get3A_867 = arith.constant 14 : i32
          %get3A_868 = arith.index_cast %get3A_866 : i32 to index
          %get3A_869 = arith.index_cast %get3A_867 : i32 to index
          %get3A_870 = arith.index_cast %mul3A_771 : i32 to index
          %get3A_871 = tpu.vector_load %arg5[%get3A_868, %get3A_869, %get3A_870] {strides = array<i32>} : memref<2x64x512xf32, #tpu.memory_space<vmem>>, vector<16xf32>,
          %get3A_872 = arith.constant 1 : i32
          %get3A_873 = arith.constant 15 : i32
          %get3A_874 = arith.index_cast %get3A_872 : i32 to index
          %get3A_875 = arith.index_cast %get3A_873 : i32 to index
          %get3A_876 = arith.index_cast %mul3A_771 : i32 to index
          %get3A_877 = tpu.vector_load %arg5[%get3A_874, %get3A_875, %get3A_876] {strides = array<i32>} : memref<2x64x512xf32, #tpu.memory_space<vmem>>, vector<16xf32>,
          %add3A_878 = arith.constant 0 : i32
          %add3A_879 = vector.broadcast %add3A_878 : i32 to vector<16xi32>
          %add3A_880 = arith.addi %shift_left3A_782, %add3A_879 : vector<16xi32>
          tpu.vector_store_idx %arg6[%shift_right_logical3A_776, %add3A_880], %get3A_787 : memref<256x128xf32, #tpu.memory_space<vmem>>[vector<16xi32>, vector<16xi32>], vector<16xf32>,
          %add3A_881 = arith.constant 1 : i32
          %add3A_882 = vector.broadcast %add3A_881 : i32 to vector<16xi32>
          %add3A_883 = arith.addi %shift_left3A_782, %add3A_882 : vector<16xi32>
          tpu.vector_store_idx %arg6[%shift_right_logical3A_776, %add3A_883], %get3A_793 : memref<256x128xf32, #tpu.memory_space<vmem>>[vector<16xi32>, vector<16xi32>], vector<16xf32>,
          %add3A_884 = arith.constant 2 : i32
          %add3A_885 = vector.broadcast %add3A_884 : i32 to vector<16xi32>
          %add3A_886 = arith.addi %shift_left3A_782, %add3A_885 : vector<16xi32>
          tpu.vector_store_idx %arg6[%shift_right_logical3A_776, %add3A_886], %get3A_799 : memref<256x128xf32, #tpu.memory_space<vmem>>[vector<16xi32>, vector<16xi32>], vector<16xf32>,
          %add3A_887 = arith.constant 3 : i32
          %add3A_888 = vector.broadcast %add3A_887 : i32 to vector<16xi32>
          %add3A_889 = arith.addi %shift_left3A_782, %add3A_888 : vector<16xi32>
          tpu.vector_store_idx %arg6[%shift_right_logical3A_776, %add3A_889], %get3A_805 : memref<256x128xf32, #tpu.memory_space<vmem>>[vector<16xi32>, vector<16xi32>], vector<16xf32>,
          %add3A_890 = arith.constant 4 : i32
          %add3A_891 = vector.broadcast %add3A_890 : i32 to vector<16xi32>
          %add3A_892 = arith.addi %shift_left3A_782, %add3A_891 : vector<16xi32>
          tpu.vector_store_idx %arg6[%shift_right_logical3A_776, %add3A_892], %get3A_811 : memref<256x128xf32, #tpu.memory_space<vmem>>[vector<16xi32>, vector<16xi32>], vector<16xf32>,
          %add3A_893 = arith.constant 5 : i32
          %add3A_894 = vector.broadcast %add3A_893 : i32 to vector<16xi32>
          %add3A_895 = arith.addi %shift_left3A_782, %add3A_894 : vector<16xi32>
          tpu.vector_store_idx %arg6[%shift_right_logical3A_776, %add3A_895], %get3A_817 : memref<256x128xf32, #tpu.memory_space<vmem>>[vector<16xi32>, vector<16xi32>], vector<16xf32>,
          %add3A_896 = arith.constant 6 : i32
          %add3A_897 = vector.broadcast %add3A_896 : i32 to vector<16xi32>
          %add3A_898 = arith.addi %shift_left3A_782, %add3A_897 : vector<16xi32>
          tpu.vector_store_idx %arg6[%shift_right_logical3A_776, %add3A_898], %get3A_823 : memref<256x128xf32, #tpu.memory_space<vmem>>[vector<16xi32>, vector<16xi32>], vector<16xf32>,
          %add3A_899 = arith.constant 7 : i32
          %add3A_900 = vector.broadcast %add3A_899 : i32 to vector<16xi32>
          %add3A_901 = arith.addi %shift_left3A_782, %add3A_900 : vector<16xi32>
          tpu.vector_store_idx %arg6[%shift_right_logical3A_776, %add3A_901], %get3A_829 : memref<256x128xf32, #tpu.memory_space<vmem>>[vector<16xi32>, vector<16xi32>], vector<16xf32>,
          %add3A_902 = arith.constant 8 : i32
          %add3A_903 = vector.broadcast %add3A_902 : i32 to vector<16xi32>
          %add3A_904 = arith.addi %shift_left3A_782, %add3A_903 : vector<16xi32>
          tpu.vector_store_idx %arg6[%shift_right_logical3A_776, %add3A_904], %get3A_835 : memref<256x128xf32, #tpu.memory_space<vmem>>[vector<16xi32>, vector<16xi32>], vector<16xf32>,
          %add3A_905 = arith.constant 9 : i32
          %add3A_906 = vector.broadcast %add3A_905 : i32 to vector<16xi32>
          %add3A_907 = arith.addi %shift_left3A_782, %add3A_906 : vector<16xi32>
          tpu.vector_store_idx %arg6[%shift_right_logical3A_776, %add3A_907], %get3A_841 : memref<256x128xf32, #tpu.memory_space<vmem>>[vector<16xi32>, vector<16xi32>], vector<16xf32>,
          %add3A_908 = arith.constant 10 : i32
          %add3A_909 = vector.broadcast %add3A_908 : i32 to vector<16xi32>
          %add3A_910 = arith.addi %shift_left3A_782, %add3A_909 : vector<16xi32>
          tpu.vector_store_idx %arg6[%shift_right_logical3A_776, %add3A_910], %get3A_847 : memref<256x128xf32, #tpu.memory_space<vmem>>[vector<16xi32>, vector<16xi32>], vector<16xf32>,
          %add3A_911 = arith.constant 11 : i32
          %add3A_912 = vector.broadcast %add3A_911 : i32 to vector<16xi32>
          %add3A_913 = arith.addi %shift_left3A_782, %add3A_912 : vector<16xi32>
          tpu.vector_store_idx %arg6[%shift_right_logical3A_776, %add3A_913], %get3A_853 : memref<256x128xf32, #tpu.memory_space<vmem>>[vector<16xi32>, vector<16xi32>], vector<16xf32>,
          %add3A_914 = arith.constant 12 : i32
          %add3A_915 = vector.broadcast %add3A_914 : i32 to vector<16xi32>
          %add3A_916 = arith.addi %shift_left3A_782, %add3A_915 : vector<16xi32>
          tpu.vector_store_idx %arg6[%shift_right_logical3A_776, %add3A_916], %get3A_859 : memref<256x128xf32, #tpu.memory_space<vmem>>[vector<16xi32>, vector<16xi32>], vector<16xf32>,
          %add3A_917 = arith.constant 13 : i32
          %add3A_918 = vector.broadcast %add3A_917 : i32 to vector<16xi32>
          %add3A_919 = arith.addi %shift_left3A_782, %add3A_918 : vector<16xi32>
          tpu.vector_store_idx %arg6[%shift_right_logical3A_776, %add3A_919], %get3A_865 : memref<256x128xf32, #tpu.memory_space<vmem>>[vector<16xi32>, vector<16xi32>], vector<16xf32>,
          %add3A_920 = arith.constant 14 : i32
          %add3A_921 = vector.broadcast %add3A_920 : i32 to vector<16xi32>
          %add3A_922 = arith.addi %shift_left3A_782, %add3A_921 : vector<16xi32>
          tpu.vector_store_idx %arg6[%shift_right_logical3A_776, %add3A_922], %get3A_871 : memref<256x128xf32, #tpu.memory_space<vmem>>[vector<16xi32>, vector<16xi32>], vector<16xf32>,
          %add3A_923 = arith.constant 15 : i32
          %add3A_924 = vector.broadcast %add3A_923 : i32 to vector<16xi32>
          %add3A_925 = arith.addi %shift_left3A_782, %add3A_924 : vector<16xi32>
          tpu.vector_store_idx %arg6[%shift_right_logical3A_776, %add3A_925], %get3A_877 : memref<256x128xf32, #tpu.memory_space<vmem>>[vector<16xi32>, vector<16xi32>], vector<16xf32>,
          %get3A_926 = arith.constant 1 : i32
          %get3A_927 = arith.constant 16 : i32
          %get3A_928 = arith.index_cast %get3A_926 : i32 to index
          %get3A_929 = arith.index_cast %get3A_927 : i32 to index
          %get3A_930 = arith.index_cast %mul3A_771 : i32 to index
          %get3A_931 = tpu.vector_load %arg5[%get3A_928, %get3A_929, %get3A_930] {strides = array<i32>} : memref<2x64x512xf32, #tpu.memory_space<vmem>>, vector<16xf32>,
          %get3A_932 = arith.constant 1 : i32
          %get3A_933 = arith.constant 17 : i32
          %get3A_934 = arith.index_cast %get3A_932 : i32 to index
          %get3A_935 = arith.index_cast %get3A_933 : i32 to index
          %get3A_936 = arith.index_cast %mul3A_771 : i32 to index
          %get3A_937 = tpu.vector_load %arg5[%get3A_934, %get3A_935, %get3A_936] {strides = array<i32>} : memref<2x64x512xf32, #tpu.memory_space<vmem>>, vector<16xf32>,
          %get3A_938 = arith.constant 1 : i32
          %get3A_939 = arith.constant 18 : i32
          %get3A_940 = arith.index_cast %get3A_938 : i32 to index
          %get3A_941 = arith.index_cast %get3A_939 : i32 to index
          %get3A_942 = arith.index_cast %mul3A_771 : i32 to index
          %get3A_943 = tpu.vector_load %arg5[%get3A_940, %get3A_941, %get3A_942] {strides = array<i32>} : memref<2x64x512xf32, #tpu.memory_space<vmem>>, vector<16xf32>,
          %get3A_944 = arith.constant 1 : i32
          %get3A_945 = arith.constant 19 : i32
          %get3A_946 = arith.index_cast %get3A_944 : i32 to index
          %get3A_947 = arith.index_cast %get3A_945 : i32 to index
          %get3A_948 = arith.index_cast %mul3A_771 : i32 to index
          %get3A_949 = tpu.vector_load %arg5[%get3A_946, %get3A_947, %get3A_948] {strides = array<i32>} : memref<2x64x512xf32, #tpu.memory_space<vmem>>, vector<16xf32>,
          %get3A_950 = arith.constant 1 : i32
          %get3A_951 = arith.constant 20 : i32
          %get3A_952 = arith.index_cast %get3A_950 : i32 to index
          %get3A_953 = arith.index_cast %get3A_951 : i32 to index
          %get3A_954 = arith.index_cast %mul3A_771 : i32 to index
          %get3A_955 = tpu.vector_load %arg5[%get3A_952, %get3A_953, %get3A_954] {strides = array<i32>} : memref<2x64x512xf32, #tpu.memory_space<vmem>>, vector<16xf32>,
          %get3A_956 = arith.constant 1 : i32
          %get3A_957 = arith.constant 21 : i32
          %get3A_958 = arith.index_cast %get3A_956 : i32 to index
          %get3A_959 = arith.index_cast %get3A_957 : i32 to index
          %get3A_960 = arith.index_cast %mul3A_771 : i32 to index
          %get3A_961 = tpu.vector_load %arg5[%get3A_958, %get3A_959, %get3A_960] {strides = array<i32>} : memref<2x64x512xf32, #tpu.memory_space<vmem>>, vector<16xf32>,
          %get3A_962 = arith.constant 1 : i32
          %get3A_963 = arith.constant 22 : i32
          %get3A_964 = arith.index_cast %get3A_962 : i32 to index
          %get3A_965 = arith.index_cast %get3A_963 : i32 to index
          %get3A_966 = arith.index_cast %mul3A_771 : i32 to index
          %get3A_967 = tpu.vector_load %arg5[%get3A_964, %get3A_965, %get3A_966] {strides = array<i32>} : memref<2x64x512xf32, #tpu.memory_space<vmem>>, vector<16xf32>,
          %get3A_968 = arith.constant 1 : i32
          %get3A_969 = arith.constant 23 : i32
          %get3A_970 = arith.index_cast %get3A_968 : i32 to index
          %get3A_971 = arith.index_cast %get3A_969 : i32 to index
          %get3A_972 = arith.index_cast %mul3A_771 : i32 to index
          %get3A_973 = tpu.vector_load %arg5[%get3A_970, %get3A_971, %get3A_972] {strides = array<i32>} : memref<2x64x512xf32, #tpu.memory_space<vmem>>, vector<16xf32>,
          %get3A_974 = arith.constant 1 : i32
          %get3A_975 = arith.constant 24 : i32
          %get3A_976 = arith.index_cast %get3A_974 : i32 to index
          %get3A_977 = arith.index_cast %get3A_975 : i32 to index
          %get3A_978 = arith.index_cast %mul3A_771 : i32 to index
          %get3A_979 = tpu.vector_load %arg5[%get3A_976, %get3A_977, %get3A_978] {strides = array<i32>} : memref<2x64x512xf32, #tpu.memory_space<vmem>>, vector<16xf32>,
          %get3A_980 = arith.constant 1 : i32
          %get3A_981 = arith.constant 25 : i32
          %get3A_982 = arith.index_cast %get3A_980 : i32 to index
          %get3A_983 = arith.index_cast %get3A_981 : i32 to index
          %get3A_984 = arith.index_cast %mul3A_771 : i32 to index
          %get3A_985 = tpu.vector_load %arg5[%get3A_982, %get3A_983, %get3A_984] {strides = array<i32>} : memref<2x64x512xf32, #tpu.memory_space<vmem>>, vector<16xf32>,
          %get3A_986 = arith.constant 1 : i32
          %get3A_987 = arith.constant 26 : i32
          %get3A_988 = arith.index_cast %get3A_986 : i32 to index
          %get3A_989 = arith.index_cast %get3A_987 : i32 to index
          %get3A_990 = arith.index_cast %mul3A_771 : i32 to index
          %get3A_991 = tpu.vector_load %arg5[%get3A_988, %get3A_989, %get3A_990] {strides = array<i32>} : memref<2x64x512xf32, #tpu.memory_space<vmem>>, vector<16xf32>,
          %get3A_992 = arith.constant 1 : i32
          %get3A_993 = arith.constant 27 : i32
          %get3A_994 = arith.index_cast %get3A_992 : i32 to index
          %get3A_995 = arith.index_cast %get3A_993 : i32 to index
          %get3A_996 = arith.index_cast %mul3A_771 : i32 to index
          %get3A_997 = tpu.vector_load %arg5[%get3A_994, %get3A_995, %get3A_996] {strides = array<i32>} : memref<2x64x512xf32, #tpu.memory_space<vmem>>, vector<16xf32>,
          %get3A_998 = arith.constant 1 : i32
          %get3A_999 = arith.constant 28 : i32
          %get3A_1000 = arith.index_cast %get3A_998 : i32 to index
          %get3A_1001 = arith.index_cast %get3A_999 : i32 to index
          %get3A_1002 = arith.index_cast %mul3A_771 : i32 to index
          %get3A_1003 = tpu.vector_load %arg5[%get3A_1000, %get3A_1001, %get3A_1002] {strides = array<i32>} : memref<2x64x512xf32, #tpu.memory_space<vmem>>, vector<16xf32>,
          %get3A_1004 = arith.constant 1 : i32
          %get3A_1005 = arith.constant 29 : i32
          %get3A_1006 = arith.index_cast %get3A_1004 : i32 to index
          %get3A_1007 = arith.index_cast %get3A_1005 : i32 to index
          %get3A_1008 = arith.index_cast %mul3A_771 : i32 to index
          %get3A_1009 = tpu.vector_load %arg5[%get3A_1006, %get3A_1007, %get3A_1008] {strides = array<i32>} : memref<2x64x512xf32, #tpu.memory_space<vmem>>, vector<16xf32>,
          %get3A_1010 = arith.constant 1 : i32
          %get3A_1011 = arith.constant 30 : i32
          %get3A_1012 = arith.index_cast %get3A_1010 : i32 to index
          %get3A_1013 = arith.index_cast %get3A_1011 : i32 to index
          %get3A_1014 = arith.index_cast %mul3A_771 : i32 to index
          %get3A_1015 = tpu.vector_load %arg5[%get3A_1012, %get3A_1013, %get3A_1014] {strides = array<i32>} : memref<2x64x512xf32, #tpu.memory_space<vmem>>, vector<16xf32>,
          %get3A_1016 = arith.constant 1 : i32
          %get3A_1017 = arith.constant 31 : i32
          %get3A_1018 = arith.index_cast %get3A_1016 : i32 to index
          %get3A_1019 = arith.index_cast %get3A_1017 : i32 to index
          %get3A_1020 = arith.index_cast %mul3A_771 : i32 to index
          %get3A_1021 = tpu.vector_load %arg5[%get3A_1018, %get3A_1019, %get3A_1020] {strides = array<i32>} : memref<2x64x512xf32, #tpu.memory_space<vmem>>, vector<16xf32>,
          %add3A_1022 = arith.constant 16 : i32
          %add3A_1023 = vector.broadcast %add3A_1022 : i32 to vector<16xi32>
          %add3A_1024 = arith.addi %shift_left3A_782, %add3A_1023 : vector<16xi32>
          tpu.vector_store_idx %arg6[%shift_right_logical3A_776, %add3A_1024], %get3A_931 : memref<256x128xf32, #tpu.memory_space<vmem>>[vector<16xi32>, vector<16xi32>], vector<16xf32>,
          %add3A_1025 = arith.constant 17 : i32
          %add3A_1026 = vector.broadcast %add3A_1025 : i32 to vector<16xi32>
          %add3A_1027 = arith.addi %shift_left3A_782, %add3A_1026 : vector<16xi32>
          tpu.vector_store_idx %arg6[%shift_right_logical3A_776, %add3A_1027], %get3A_937 : memref<256x128xf32, #tpu.memory_space<vmem>>[vector<16xi32>, vector<16xi32>], vector<16xf32>,
          %add3A_1028 = arith.constant 18 : i32
          %add3A_1029 = vector.broadcast %add3A_1028 : i32 to vector<16xi32>
          %add3A_1030 = arith.addi %shift_left3A_782, %add3A_1029 : vector<16xi32>
          tpu.vector_store_idx %arg6[%shift_right_logical3A_776, %add3A_1030], %get3A_943 : memref<256x128xf32, #tpu.memory_space<vmem>>[vector<16xi32>, vector<16xi32>], vector<16xf32>,
          %add3A_1031 = arith.constant 19 : i32
          %add3A_1032 = vector.broadcast %add3A_1031 : i32 to vector<16xi32>
          %add3A_1033 = arith.addi %shift_left3A_782, %add3A_1032 : vector<16xi32>
          tpu.vector_store_idx %arg6[%shift_right_logical3A_776, %add3A_1033], %get3A_949 : memref<256x128xf32, #tpu.memory_space<vmem>>[vector<16xi32>, vector<16xi32>], vector<16xf32>,
          %add3A_1034 = arith.constant 20 : i32
          %add3A_1035 = vector.broadcast %add3A_1034 : i32 to vector<16xi32>
          %add3A_1036 = arith.addi %shift_left3A_782, %add3A_1035 : vector<16xi32>
          tpu.vector_store_idx %arg6[%shift_right_logical3A_776, %add3A_1036], %get3A_955 : memref<256x128xf32, #tpu.memory_space<vmem>>[vector<16xi32>, vector<16xi32>], vector<16xf32>,
          %add3A_1037 = arith.constant 21 : i32
          %add3A_1038 = vector.broadcast %add3A_1037 : i32 to vector<16xi32>
          %add3A_1039 = arith.addi %shift_left3A_782, %add3A_1038 : vector<16xi32>
          tpu.vector_store_idx %arg6[%shift_right_logical3A_776, %add3A_1039], %get3A_961 : memref<256x128xf32, #tpu.memory_space<vmem>>[vector<16xi32>, vector<16xi32>], vector<16xf32>,
          %add3A_1040 = arith.constant 22 : i32
          %add3A_1041 = vector.broadcast %add3A_1040 : i32 to vector<16xi32>
          %add3A_1042 = arith.addi %shift_left3A_782, %add3A_1041 : vector<16xi32>
          tpu.vector_store_idx %arg6[%shift_right_logical3A_776, %add3A_1042], %get3A_967 : memref<256x128xf32, #tpu.memory_space<vmem>>[vector<16xi32>, vector<16xi32>], vector<16xf32>,
          %add3A_1043 = arith.constant 23 : i32
          %add3A_1044 = vector.broadcast %add3A_1043 : i32 to vector<16xi32>
          %add3A_1045 = arith.addi %shift_left3A_782, %add3A_1044 : vector<16xi32>
          tpu.vector_store_idx %arg6[%shift_right_logical3A_776, %add3A_1045], %get3A_973 : memref<256x128xf32, #tpu.memory_space<vmem>>[vector<16xi32>, vector<16xi32>], vector<16xf32>,
          %add3A_1046 = arith.constant 24 : i32
          %add3A_1047 = vector.broadcast %add3A_1046 : i32 to vector<16xi32>
          %add3A_1048 = arith.addi %shift_left3A_782, %add3A_1047 : vector<16xi32>
          tpu.vector_store_idx %arg6[%shift_right_logical3A_776, %add3A_1048], %get3A_979 : memref<256x128xf32, #tpu.memory_space<vmem>>[vector<16xi32>, vector<16xi32>], vector<16xf32>,
          %add3A_1049 = arith.constant 25 : i32
          %add3A_1050 = vector.broadcast %add3A_1049 : i32 to vector<16xi32>
          %add3A_1051 = arith.addi %shift_left3A_782, %add3A_1050 : vector<16xi32>
          tpu.vector_store_idx %arg6[%shift_right_logical3A_776, %add3A_1051], %get3A_985 : memref<256x128xf32, #tpu.memory_space<vmem>>[vector<16xi32>, vector<16xi32>], vector<16xf32>,
          %add3A_1052 = arith.constant 26 : i32
          %add3A_1053 = vector.broadcast %add3A_1052 : i32 to vector<16xi32>
          %add3A_1054 = arith.addi %shift_left3A_782, %add3A_1053 : vector<16xi32>
          tpu.vector_store_idx %arg6[%shift_right_logical3A_776, %add3A_1054], %get3A_991 : memref<256x128xf32, #tpu.memory_space<vmem>>[vector<16xi32>, vector<16xi32>], vector<16xf32>,
          %add3A_1055 = arith.constant 27 : i32
          %add3A_1056 = vector.broadcast %add3A_1055 : i32 to vector<16xi32>
          %add3A_1057 = arith.addi %shift_left3A_782, %add3A_1056 : vector<16xi32>
          tpu.vector_store_idx %arg6[%shift_right_logical3A_776, %add3A_1057], %get3A_997 : memref<256x128xf32, #tpu.memory_space<vmem>>[vector<16xi32>, vector<16xi32>], vector<16xf32>,
          %add3A_1058 = arith.constant 28 : i32
          %add3A_1059 = vector.broadcast %add3A_1058 : i32 to vector<16xi32>
          %add3A_1060 = arith.addi %shift_left3A_782, %add3A_1059 : vector<16xi32>
          tpu.vector_store_idx %arg6[%shift_right_logical3A_776, %add3A_1060], %get3A_1003 : memref<256x128xf32, #tpu.memory_space<vmem>>[vector<16xi32>, vector<16xi32>], vector<16xf32>,
          %add3A_1061 = arith.constant 29 : i32
          %add3A_1062 = vector.broadcast %add3A_1061 : i32 to vector<16xi32>
          %add3A_1063 = arith.addi %shift_left3A_782, %add3A_1062 : vector<16xi32>
          tpu.vector_store_idx %arg6[%shift_right_logical3A_776, %add3A_1063], %get3A_1009 : memref<256x128xf32, #tpu.memory_space<vmem>>[vector<16xi32>, vector<16xi32>], vector<16xf32>,
          %add3A_1064 = arith.constant 30 : i32
          %add3A_1065 = vector.broadcast %add3A_1064 : i32 to vector<16xi32>
          %add3A_1066 = arith.addi %shift_left3A_782, %add3A_1065 : vector<16xi32>
          tpu.vector_store_idx %arg6[%shift_right_logical3A_776, %add3A_1066], %get3A_1015 : memref<256x128xf32, #tpu.memory_space<vmem>>[vector<16xi32>, vector<16xi32>], vector<16xf32>,
          %add3A_1067 = arith.constant 31 : i32
          %add3A_1068 = vector.broadcast %add3A_1067 : i32 to vector<16xi32>
          %add3A_1069 = arith.addi %shift_left3A_782, %add3A_1068 : vector<16xi32>
          tpu.vector_store_idx %arg6[%shift_right_logical3A_776, %add3A_1069], %get3A_1021 : memref<256x128xf32, #tpu.memory_space<vmem>>[vector<16xi32>, vector<16xi32>], vector<16xf32>,
          %get3A_1070 = arith.constant 1 : i32
          %get3A_1071 = arith.constant 32 : i32
          %get3A_1072 = arith.index_cast %get3A_1070 : i32 to index
          %get3A_1073 = arith.index_cast %get3A_1071 : i32 to index
          %get3A_1074 = arith.index_cast %mul3A_771 : i32 to index
          %get3A_1075 = tpu.vector_load %arg5[%get3A_1072, %get3A_1073, %get3A_1074] {strides = array<i32>} : memref<2x64x512xf32, #tpu.memory_space<vmem>>, vector<16xf32>,
          %get3A_1076 = arith.constant 1 : i32
          %get3A_1077 = arith.constant 33 : i32
          %get3A_1078 = arith.index_cast %get3A_1076 : i32 to index
          %get3A_1079 = arith.index_cast %get3A_1077 : i32 to index
          %get3A_1080 = arith.index_cast %mul3A_771 : i32 to index
          %get3A_1081 = tpu.vector_load %arg5[%get3A_1078, %get3A_1079, %get3A_1080] {strides = array<i32>} : memref<2x64x512xf32, #tpu.memory_space<vmem>>, vector<16xf32>,
          %get3A_1082 = arith.constant 1 : i32
          %get3A_1083 = arith.constant 34 : i32
          %get3A_1084 = arith.index_cast %get3A_1082 : i32 to index
          %get3A_1085 = arith.index_cast %get3A_1083 : i32 to index
          %get3A_1086 = arith.index_cast %mul3A_771 : i32 to index
          %get3A_1087 = tpu.vector_load %arg5[%get3A_1084, %get3A_1085, %get3A_1086] {strides = array<i32>} : memref<2x64x512xf32, #tpu.memory_space<vmem>>, vector<16xf32>,
          %get3A_1088 = arith.constant 1 : i32
          %get3A_1089 = arith.constant 35 : i32
          %get3A_1090 = arith.index_cast %get3A_1088 : i32 to index
          %get3A_1091 = arith.index_cast %get3A_1089 : i32 to index
          %get3A_1092 = arith.index_cast %mul3A_771 : i32 to index
          %get3A_1093 = tpu.vector_load %arg5[%get3A_1090, %get3A_1091, %get3A_1092] {strides = array<i32>} : memref<2x64x512xf32, #tpu.memory_space<vmem>>, vector<16xf32>,
          %get3A_1094 = arith.constant 1 : i32
          %get3A_1095 = arith.constant 36 : i32
          %get3A_1096 = arith.index_cast %get3A_1094 : i32 to index
          %get3A_1097 = arith.index_cast %get3A_1095 : i32 to index
          %get3A_1098 = arith.index_cast %mul3A_771 : i32 to index
          %get3A_1099 = tpu.vector_load %arg5[%get3A_1096, %get3A_1097, %get3A_1098] {strides = array<i32>} : memref<2x64x512xf32, #tpu.memory_space<vmem>>, vector<16xf32>,
          %get3A_1100 = arith.constant 1 : i32
          %get3A_1101 = arith.constant 37 : i32
          %get3A_1102 = arith.index_cast %get3A_1100 : i32 to index
          %get3A_1103 = arith.index_cast %get3A_1101 : i32 to index
          %get3A_1104 = arith.index_cast %mul3A_771 : i32 to index
          %get3A_1105 = tpu.vector_load %arg5[%get3A_1102, %get3A_1103, %get3A_1104] {strides = array<i32>} : memref<2x64x512xf32, #tpu.memory_space<vmem>>, vector<16xf32>,
          %get3A_1106 = arith.constant 1 : i32
          %get3A_1107 = arith.constant 38 : i32
          %get3A_1108 = arith.index_cast %get3A_1106 : i32 to index
          %get3A_1109 = arith.index_cast %get3A_1107 : i32 to index
          %get3A_1110 = arith.index_cast %mul3A_771 : i32 to index
          %get3A_1111 = tpu.vector_load %arg5[%get3A_1108, %get3A_1109, %get3A_1110] {strides = array<i32>} : memref<2x64x512xf32, #tpu.memory_space<vmem>>, vector<16xf32>,
          %get3A_1112 = arith.constant 1 : i32
          %get3A_1113 = arith.constant 39 : i32
          %get3A_1114 = arith.index_cast %get3A_1112 : i32 to index
          %get3A_1115 = arith.index_cast %get3A_1113 : i32 to index
          %get3A_1116 = arith.index_cast %mul3A_771 : i32 to index
          %get3A_1117 = tpu.vector_load %arg5[%get3A_1114, %get3A_1115, %get3A_1116] {strides = array<i32>} : memref<2x64x512xf32, #tpu.memory_space<vmem>>, vector<16xf32>,
          %get3A_1118 = arith.constant 1 : i32
          %get3A_1119 = arith.constant 40 : i32
          %get3A_1120 = arith.index_cast %get3A_1118 : i32 to index
          %get3A_1121 = arith.index_cast %get3A_1119 : i32 to index
          %get3A_1122 = arith.index_cast %mul3A_771 : i32 to index
          %get3A_1123 = tpu.vector_load %arg5[%get3A_1120, %get3A_1121, %get3A_1122] {strides = array<i32>} : memref<2x64x512xf32, #tpu.memory_space<vmem>>, vector<16xf32>,
          %get3A_1124 = arith.constant 1 : i32
          %get3A_1125 = arith.constant 41 : i32
          %get3A_1126 = arith.index_cast %get3A_1124 : i32 to index
          %get3A_1127 = arith.index_cast %get3A_1125 : i32 to index
          %get3A_1128 = arith.index_cast %mul3A_771 : i32 to index
          %get3A_1129 = tpu.vector_load %arg5[%get3A_1126, %get3A_1127, %get3A_1128] {strides = array<i32>} : memref<2x64x512xf32, #tpu.memory_space<vmem>>, vector<16xf32>,
          %get3A_1130 = arith.constant 1 : i32
          %get3A_1131 = arith.constant 42 : i32
          %get3A_1132 = arith.index_cast %get3A_1130 : i32 to index
          %get3A_1133 = arith.index_cast %get3A_1131 : i32 to index
          %get3A_1134 = arith.index_cast %mul3A_771 : i32 to index
          %get3A_1135 = tpu.vector_load %arg5[%get3A_1132, %get3A_1133, %get3A_1134] {strides = array<i32>} : memref<2x64x512xf32, #tpu.memory_space<vmem>>, vector<16xf32>,
          %get3A_1136 = arith.constant 1 : i32
          %get3A_1137 = arith.constant 43 : i32
          %get3A_1138 = arith.index_cast %get3A_1136 : i32 to index
          %get3A_1139 = arith.index_cast %get3A_1137 : i32 to index
          %get3A_1140 = arith.index_cast %mul3A_771 : i32 to index
          %get3A_1141 = tpu.vector_load %arg5[%get3A_1138, %get3A_1139, %get3A_1140] {strides = array<i32>} : memref<2x64x512xf32, #tpu.memory_space<vmem>>, vector<16xf32>,
          %get3A_1142 = arith.constant 1 : i32
          %get3A_1143 = arith.constant 44 : i32
          %get3A_1144 = arith.index_cast %get3A_1142 : i32 to index
          %get3A_1145 = arith.index_cast %get3A_1143 : i32 to index
          %get3A_1146 = arith.index_cast %mul3A_771 : i32 to index
          %get3A_1147 = tpu.vector_load %arg5[%get3A_1144, %get3A_1145, %get3A_1146] {strides = array<i32>} : memref<2x64x512xf32, #tpu.memory_space<vmem>>, vector<16xf32>,
          %get3A_1148 = arith.constant 1 : i32
          %get3A_1149 = arith.constant 45 : i32
          %get3A_1150 = arith.index_cast %get3A_1148 : i32 to index
          %get3A_1151 = arith.index_cast %get3A_1149 : i32 to index
          %get3A_1152 = arith.index_cast %mul3A_771 : i32 to index
          %get3A_1153 = tpu.vector_load %arg5[%get3A_1150, %get3A_1151, %get3A_1152] {strides = array<i32>} : memref<2x64x512xf32, #tpu.memory_space<vmem>>, vector<16xf32>,
          %get3A_1154 = arith.constant 1 : i32
          %get3A_1155 = arith.constant 46 : i32
          %get3A_1156 = arith.index_cast %get3A_1154 : i32 to index
          %get3A_1157 = arith.index_cast %get3A_1155 : i32 to index
          %get3A_1158 = arith.index_cast %mul3A_771 : i32 to index
          %get3A_1159 = tpu.vector_load %arg5[%get3A_1156, %get3A_1157, %get3A_1158] {strides = array<i32>} : memref<2x64x512xf32, #tpu.memory_space<vmem>>, vector<16xf32>,
          %get3A_1160 = arith.constant 1 : i32
          %get3A_1161 = arith.constant 47 : i32
          %get3A_1162 = arith.index_cast %get3A_1160 : i32 to index
          %get3A_1163 = arith.index_cast %get3A_1161 : i32 to index
          %get3A_1164 = arith.index_cast %mul3A_771 : i32 to index
          %get3A_1165 = tpu.vector_load %arg5[%get3A_1162, %get3A_1163, %get3A_1164] {strides = array<i32>} : memref<2x64x512xf32, #tpu.memory_space<vmem>>, vector<16xf32>,
          %add3A_1166 = arith.constant 32 : i32
          %add3A_1167 = vector.broadcast %add3A_1166 : i32 to vector<16xi32>
          %add3A_1168 = arith.addi %shift_left3A_782, %add3A_1167 : vector<16xi32>
          tpu.vector_store_idx %arg6[%shift_right_logical3A_776, %add3A_1168], %get3A_1075 : memref<256x128xf32, #tpu.memory_space<vmem>>[vector<16xi32>, vector<16xi32>], vector<16xf32>,
          %add3A_1169 = arith.constant 33 : i32
          %add3A_1170 = vector.broadcast %add3A_1169 : i32 to vector<16xi32>
          %add3A_1171 = arith.addi %shift_left3A_782, %add3A_1170 : vector<16xi32>
          tpu.vector_store_idx %arg6[%shift_right_logical3A_776, %add3A_1171], %get3A_1081 : memref<256x128xf32, #tpu.memory_space<vmem>>[vector<16xi32>, vector<16xi32>], vector<16xf32>,
          %add3A_1172 = arith.constant 34 : i32
          %add3A_1173 = vector.broadcast %add3A_1172 : i32 to vector<16xi32>
          %add3A_1174 = arith.addi %shift_left3A_782, %add3A_1173 : vector<16xi32>
          tpu.vector_store_idx %arg6[%shift_right_logical3A_776, %add3A_1174], %get3A_1087 : memref<256x128xf32, #tpu.memory_space<vmem>>[vector<16xi32>, vector<16xi32>], vector<16xf32>,
          %add3A_1175 = arith.constant 35 : i32
          %add3A_1176 = vector.broadcast %add3A_1175 : i32 to vector<16xi32>
          %add3A_1177 = arith.addi %shift_left3A_782, %add3A_1176 : vector<16xi32>
          tpu.vector_store_idx %arg6[%shift_right_logical3A_776, %add3A_1177], %get3A_1093 : memref<256x128xf32, #tpu.memory_space<vmem>>[vector<16xi32>, vector<16xi32>], vector<16xf32>,
          %add3A_1178 = arith.constant 36 : i32
          %add3A_1179 = vector.broadcast %add3A_1178 : i32 to vector<16xi32>
          %add3A_1180 = arith.addi %shift_left3A_782, %add3A_1179 : vector<16xi32>
          tpu.vector_store_idx %arg6[%shift_right_logical3A_776, %add3A_1180], %get3A_1099 : memref<256x128xf32, #tpu.memory_space<vmem>>[vector<16xi32>, vector<16xi32>], vector<16xf32>,
          %add3A_1181 = arith.constant 37 : i32
          %add3A_1182 = vector.broadcast %add3A_1181 : i32 to vector<16xi32>
          %add3A_1183 = arith.addi %shift_left3A_782, %add3A_1182 : vector<16xi32>
          tpu.vector_store_idx %arg6[%shift_right_logical3A_776, %add3A_1183], %get3A_1105 : memref<256x128xf32, #tpu.memory_space<vmem>>[vector<16xi32>, vector<16xi32>], vector<16xf32>,
          %add3A_1184 = arith.constant 38 : i32
          %add3A_1185 = vector.broadcast %add3A_1184 : i32 to vector<16xi32>
          %add3A_1186 = arith.addi %shift_left3A_782, %add3A_1185 : vector<16xi32>
          tpu.vector_store_idx %arg6[%shift_right_logical3A_776, %add3A_1186], %get3A_1111 : memref<256x128xf32, #tpu.memory_space<vmem>>[vector<16xi32>, vector<16xi32>], vector<16xf32>,
          %add3A_1187 = arith.constant 39 : i32
          %add3A_1188 = vector.broadcast %add3A_1187 : i32 to vector<16xi32>
          %add3A_1189 = arith.addi %shift_left3A_782, %add3A_1188 : vector<16xi32>
          tpu.vector_store_idx %arg6[%shift_right_logical3A_776, %add3A_1189], %get3A_1117 : memref<256x128xf32, #tpu.memory_space<vmem>>[vector<16xi32>, vector<16xi32>], vector<16xf32>,
          %add3A_1190 = arith.constant 40 : i32
          %add3A_1191 = vector.broadcast %add3A_1190 : i32 to vector<16xi32>
          %add3A_1192 = arith.addi %shift_left3A_782, %add3A_1191 : vector<16xi32>
          tpu.vector_store_idx %arg6[%shift_right_logical3A_776, %add3A_1192], %get3A_1123 : memref<256x128xf32, #tpu.memory_space<vmem>>[vector<16xi32>, vector<16xi32>], vector<16xf32>,
          %add3A_1193 = arith.constant 41 : i32
          %add3A_1194 = vector.broadcast %add3A_1193 : i32 to vector<16xi32>
          %add3A_1195 = arith.addi %shift_left3A_782, %add3A_1194 : vector<16xi32>
          tpu.vector_store_idx %arg6[%shift_right_logical3A_776, %add3A_1195], %get3A_1129 : memref<256x128xf32, #tpu.memory_space<vmem>>[vector<16xi32>, vector<16xi32>], vector<16xf32>,
          %add3A_1196 = arith.constant 42 : i32
          %add3A_1197 = vector.broadcast %add3A_1196 : i32 to vector<16xi32>
          %add3A_1198 = arith.addi %shift_left3A_782, %add3A_1197 : vector<16xi32>
          tpu.vector_store_idx %arg6[%shift_right_logical3A_776, %add3A_1198], %get3A_1135 : memref<256x128xf32, #tpu.memory_space<vmem>>[vector<16xi32>, vector<16xi32>], vector<16xf32>,
          %add3A_1199 = arith.constant 43 : i32
          %add3A_1200 = vector.broadcast %add3A_1199 : i32 to vector<16xi32>
          %add3A_1201 = arith.addi %shift_left3A_782, %add3A_1200 : vector<16xi32>
          tpu.vector_store_idx %arg6[%shift_right_logical3A_776, %add3A_1201], %get3A_1141 : memref<256x128xf32, #tpu.memory_space<vmem>>[vector<16xi32>, vector<16xi32>], vector<16xf32>,
          %add3A_1202 = arith.constant 44 : i32
          %add3A_1203 = vector.broadcast %add3A_1202 : i32 to vector<16xi32>
          %add3A_1204 = arith.addi %shift_left3A_782, %add3A_1203 : vector<16xi32>
          tpu.vector_store_idx %arg6[%shift_right_logical3A_776, %add3A_1204], %get3A_1147 : memref<256x128xf32, #tpu.memory_space<vmem>>[vector<16xi32>, vector<16xi32>], vector<16xf32>,
          %add3A_1205 = arith.constant 45 : i32
          %add3A_1206 = vector.broadcast %add3A_1205 : i32 to vector<16xi32>
          %add3A_1207 = arith.addi %shift_left3A_782, %add3A_1206 : vector<16xi32>
          tpu.vector_store_idx %arg6[%shift_right_logical3A_776, %add3A_1207], %get3A_1153 : memref<256x128xf32, #tpu.memory_space<vmem>>[vector<16xi32>, vector<16xi32>], vector<16xf32>,
          %add3A_1208 = arith.constant 46 : i32
          %add3A_1209 = vector.broadcast %add3A_1208 : i32 to vector<16xi32>
          %add3A_1210 = arith.addi %shift_left3A_782, %add3A_1209 : vector<16xi32>
          tpu.vector_store_idx %arg6[%shift_right_logical3A_776, %add3A_1210], %get3A_1159 : memref<256x128xf32, #tpu.memory_space<vmem>>[vector<16xi32>, vector<16xi32>], vector<16xf32>,
          %add3A_1211 = arith.constant 47 : i32
          %add3A_1212 = vector.broadcast %add3A_1211 : i32 to vector<16xi32>
          %add3A_1213 = arith.addi %shift_left3A_782, %add3A_1212 : vector<16xi32>
          tpu.vector_store_idx %arg6[%shift_right_logical3A_776, %add3A_1213], %get3A_1165 : memref<256x128xf32, #tpu.memory_space<vmem>>[vector<16xi32>, vector<16xi32>], vector<16xf32>,
          %get3A_1214 = arith.constant 1 : i32
          %get3A_1215 = arith.constant 48 : i32
          %get3A_1216 = arith.index_cast %get3A_1214 : i32 to index
          %get3A_1217 = arith.index_cast %get3A_1215 : i32 to index
          %get3A_1218 = arith.index_cast %mul3A_771 : i32 to index
          %get3A_1219 = tpu.vector_load %arg5[%get3A_1216, %get3A_1217, %get3A_1218] {strides = array<i32>} : memref<2x64x512xf32, #tpu.memory_space<vmem>>, vector<16xf32>,
          %get3A_1220 = arith.constant 1 : i32
          %get3A_1221 = arith.constant 49 : i32
          %get3A_1222 = arith.index_cast %get3A_1220 : i32 to index
          %get3A_1223 = arith.index_cast %get3A_1221 : i32 to index
          %get3A_1224 = arith.index_cast %mul3A_771 : i32 to index
          %get3A_1225 = tpu.vector_load %arg5[%get3A_1222, %get3A_1223, %get3A_1224] {strides = array<i32>} : memref<2x64x512xf32, #tpu.memory_space<vmem>>, vector<16xf32>,
          %get3A_1226 = arith.constant 1 : i32
          %get3A_1227 = arith.constant 50 : i32
          %get3A_1228 = arith.index_cast %get3A_1226 : i32 to index
          %get3A_1229 = arith.index_cast %get3A_1227 : i32 to index
          %get3A_1230 = arith.index_cast %mul3A_771 : i32 to index
          %get3A_1231 = tpu.vector_load %arg5[%get3A_1228, %get3A_1229, %get3A_1230] {strides = array<i32>} : memref<2x64x512xf32, #tpu.memory_space<vmem>>, vector<16xf32>,
          %get3A_1232 = arith.constant 1 : i32
          %get3A_1233 = arith.constant 51 : i32
          %get3A_1234 = arith.index_cast %get3A_1232 : i32 to index
          %get3A_1235 = arith.index_cast %get3A_1233 : i32 to index
          %get3A_1236 = arith.index_cast %mul3A_771 : i32 to index
          %get3A_1237 = tpu.vector_load %arg5[%get3A_1234, %get3A_1235, %get3A_1236] {strides = array<i32>} : memref<2x64x512xf32, #tpu.memory_space<vmem>>, vector<16xf32>,
          %get3A_1238 = arith.constant 1 : i32
          %get3A_1239 = arith.constant 52 : i32
          %get3A_1240 = arith.index_cast %get3A_1238 : i32 to index
          %get3A_1241 = arith.index_cast %get3A_1239 : i32 to index
          %get3A_1242 = arith.index_cast %mul3A_771 : i32 to index
          %get3A_1243 = tpu.vector_load %arg5[%get3A_1240, %get3A_1241, %get3A_1242] {strides = array<i32>} : memref<2x64x512xf32, #tpu.memory_space<vmem>>, vector<16xf32>,
          %get3A_1244 = arith.constant 1 : i32
          %get3A_1245 = arith.constant 53 : i32
          %get3A_1246 = arith.index_cast %get3A_1244 : i32 to index
          %get3A_1247 = arith.index_cast %get3A_1245 : i32 to index
          %get3A_1248 = arith.index_cast %mul3A_771 : i32 to index
          %get3A_1249 = tpu.vector_load %arg5[%get3A_1246, %get3A_1247, %get3A_1248] {strides = array<i32>} : memref<2x64x512xf32, #tpu.memory_space<vmem>>, vector<16xf32>,
          %get3A_1250 = arith.constant 1 : i32
          %get3A_1251 = arith.constant 54 : i32
          %get3A_1252 = arith.index_cast %get3A_1250 : i32 to index
          %get3A_1253 = arith.index_cast %get3A_1251 : i32 to index
          %get3A_1254 = arith.index_cast %mul3A_771 : i32 to index
          %get3A_1255 = tpu.vector_load %arg5[%get3A_1252, %get3A_1253, %get3A_1254] {strides = array<i32>} : memref<2x64x512xf32, #tpu.memory_space<vmem>>, vector<16xf32>,
          %get3A_1256 = arith.constant 1 : i32
          %get3A_1257 = arith.constant 55 : i32
          %get3A_1258 = arith.index_cast %get3A_1256 : i32 to index
          %get3A_1259 = arith.index_cast %get3A_1257 : i32 to index
          %get3A_1260 = arith.index_cast %mul3A_771 : i32 to index
          %get3A_1261 = tpu.vector_load %arg5[%get3A_1258, %get3A_1259, %get3A_1260] {strides = array<i32>} : memref<2x64x512xf32, #tpu.memory_space<vmem>>, vector<16xf32>,
          %get3A_1262 = arith.constant 1 : i32
          %get3A_1263 = arith.constant 56 : i32
          %get3A_1264 = arith.index_cast %get3A_1262 : i32 to index
          %get3A_1265 = arith.index_cast %get3A_1263 : i32 to index
          %get3A_1266 = arith.index_cast %mul3A_771 : i32 to index
          %get3A_1267 = tpu.vector_load %arg5[%get3A_1264, %get3A_1265, %get3A_1266] {strides = array<i32>} : memref<2x64x512xf32, #tpu.memory_space<vmem>>, vector<16xf32>,
          %get3A_1268 = arith.constant 1 : i32
          %get3A_1269 = arith.constant 57 : i32
          %get3A_1270 = arith.index_cast %get3A_1268 : i32 to index
          %get3A_1271 = arith.index_cast %get3A_1269 : i32 to index
          %get3A_1272 = arith.index_cast %mul3A_771 : i32 to index
          %get3A_1273 = tpu.vector_load %arg5[%get3A_1270, %get3A_1271, %get3A_1272] {strides = array<i32>} : memref<2x64x512xf32, #tpu.memory_space<vmem>>, vector<16xf32>,
          %get3A_1274 = arith.constant 1 : i32
          %get3A_1275 = arith.constant 58 : i32
          %get3A_1276 = arith.index_cast %get3A_1274 : i32 to index
          %get3A_1277 = arith.index_cast %get3A_1275 : i32 to index
          %get3A_1278 = arith.index_cast %mul3A_771 : i32 to index
          %get3A_1279 = tpu.vector_load %arg5[%get3A_1276, %get3A_1277, %get3A_1278] {strides = array<i32>} : memref<2x64x512xf32, #tpu.memory_space<vmem>>, vector<16xf32>,
          %get3A_1280 = arith.constant 1 : i32
          %get3A_1281 = arith.constant 59 : i32
          %get3A_1282 = arith.index_cast %get3A_1280 : i32 to index
          %get3A_1283 = arith.index_cast %get3A_1281 : i32 to index
          %get3A_1284 = arith.index_cast %mul3A_771 : i32 to index
          %get3A_1285 = tpu.vector_load %arg5[%get3A_1282, %get3A_1283, %get3A_1284] {strides = array<i32>} : memref<2x64x512xf32, #tpu.memory_space<vmem>>, vector<16xf32>,
          %get3A_1286 = arith.constant 1 : i32
          %get3A_1287 = arith.constant 60 : i32
          %get3A_1288 = arith.index_cast %get3A_1286 : i32 to index
          %get3A_1289 = arith.index_cast %get3A_1287 : i32 to index
          %get3A_1290 = arith.index_cast %mul3A_771 : i32 to index
          %get3A_1291 = tpu.vector_load %arg5[%get3A_1288, %get3A_1289, %get3A_1290] {strides = array<i32>} : memref<2x64x512xf32, #tpu.memory_space<vmem>>, vector<16xf32>,
          %get3A_1292 = arith.constant 1 : i32
          %get3A_1293 = arith.constant 61 : i32
          %get3A_1294 = arith.index_cast %get3A_1292 : i32 to index
          %get3A_1295 = arith.index_cast %get3A_1293 : i32 to index
          %get3A_1296 = arith.index_cast %mul3A_771 : i32 to index
          %get3A_1297 = tpu.vector_load %arg5[%get3A_1294, %get3A_1295, %get3A_1296] {strides = array<i32>} : memref<2x64x512xf32, #tpu.memory_space<vmem>>, vector<16xf32>,
          %get3A_1298 = arith.constant 1 : i32
          %get3A_1299 = arith.constant 62 : i32
          %get3A_1300 = arith.index_cast %get3A_1298 : i32 to index
          %get3A_1301 = arith.index_cast %get3A_1299 : i32 to index
          %get3A_1302 = arith.index_cast %mul3A_771 : i32 to index
          %get3A_1303 = tpu.vector_load %arg5[%get3A_1300, %get3A_1301, %get3A_1302] {strides = array<i32>} : memref<2x64x512xf32, #tpu.memory_space<vmem>>, vector<16xf32>,
          %get3A_1304 = arith.constant 1 : i32
          %get3A_1305 = arith.constant 63 : i32
          %get3A_1306 = arith.index_cast %get3A_1304 : i32 to index
          %get3A_1307 = arith.index_cast %get3A_1305 : i32 to index
          %get3A_1308 = arith.index_cast %mul3A_771 : i32 to index
          %get3A_1309 = tpu.vector_load %arg5[%get3A_1306, %get3A_1307, %get3A_1308] {strides = array<i32>} : memref<2x64x512xf32, #tpu.memory_space<vmem>>, vector<16xf32>,
          %add3A_1310 = arith.constant 48 : i32
          %add3A_1311 = vector.broadcast %add3A_1310 : i32 to vector<16xi32>
          %add3A_1312 = arith.addi %shift_left3A_782, %add3A_1311 : vector<16xi32>
          tpu.vector_store_idx %arg6[%shift_right_logical3A_776, %add3A_1312], %get3A_1219 : memref<256x128xf32, #tpu.memory_space<vmem>>[vector<16xi32>, vector<16xi32>], vector<16xf32>,
          %add3A_1313 = arith.constant 49 : i32
          %add3A_1314 = vector.broadcast %add3A_1313 : i32 to vector<16xi32>
          %add3A_1315 = arith.addi %shift_left3A_782, %add3A_1314 : vector<16xi32>
          tpu.vector_store_idx %arg6[%shift_right_logical3A_776, %add3A_1315], %get3A_1225 : memref<256x128xf32, #tpu.memory_space<vmem>>[vector<16xi32>, vector<16xi32>], vector<16xf32>,
          %add3A_1316 = arith.constant 50 : i32
          %add3A_1317 = vector.broadcast %add3A_1316 : i32 to vector<16xi32>
          %add3A_1318 = arith.addi %shift_left3A_782, %add3A_1317 : vector<16xi32>
          tpu.vector_store_idx %arg6[%shift_right_logical3A_776, %add3A_1318], %get3A_1231 : memref<256x128xf32, #tpu.memory_space<vmem>>[vector<16xi32>, vector<16xi32>], vector<16xf32>,
          %add3A_1319 = arith.constant 51 : i32
          %add3A_1320 = vector.broadcast %add3A_1319 : i32 to vector<16xi32>
          %add3A_1321 = arith.addi %shift_left3A_782, %add3A_1320 : vector<16xi32>
          tpu.vector_store_idx %arg6[%shift_right_logical3A_776, %add3A_1321], %get3A_1237 : memref<256x128xf32, #tpu.memory_space<vmem>>[vector<16xi32>, vector<16xi32>], vector<16xf32>,
          %add3A_1322 = arith.constant 52 : i32
          %add3A_1323 = vector.broadcast %add3A_1322 : i32 to vector<16xi32>
          %add3A_1324 = arith.addi %shift_left3A_782, %add3A_1323 : vector<16xi32>
          tpu.vector_store_idx %arg6[%shift_right_logical3A_776, %add3A_1324], %get3A_1243 : memref<256x128xf32, #tpu.memory_space<vmem>>[vector<16xi32>, vector<16xi32>], vector<16xf32>,
          %add3A_1325 = arith.constant 53 : i32
          %add3A_1326 = vector.broadcast %add3A_1325 : i32 to vector<16xi32>
          %add3A_1327 = arith.addi %shift_left3A_782, %add3A_1326 : vector<16xi32>
          tpu.vector_store_idx %arg6[%shift_right_logical3A_776, %add3A_1327], %get3A_1249 : memref<256x128xf32, #tpu.memory_space<vmem>>[vector<16xi32>, vector<16xi32>], vector<16xf32>,
          %add3A_1328 = arith.constant 54 : i32
          %add3A_1329 = vector.broadcast %add3A_1328 : i32 to vector<16xi32>
          %add3A_1330 = arith.addi %shift_left3A_782, %add3A_1329 : vector<16xi32>
          tpu.vector_store_idx %arg6[%shift_right_logical3A_776, %add3A_1330], %get3A_1255 : memref<256x128xf32, #tpu.memory_space<vmem>>[vector<16xi32>, vector<16xi32>], vector<16xf32>,
          %add3A_1331 = arith.constant 55 : i32
          %add3A_1332 = vector.broadcast %add3A_1331 : i32 to vector<16xi32>
          %add3A_1333 = arith.addi %shift_left3A_782, %add3A_1332 : vector<16xi32>
          tpu.vector_store_idx %arg6[%shift_right_logical3A_776, %add3A_1333], %get3A_1261 : memref<256x128xf32, #tpu.memory_space<vmem>>[vector<16xi32>, vector<16xi32>], vector<16xf32>,
          %add3A_1334 = arith.constant 56 : i32
          %add3A_1335 = vector.broadcast %add3A_1334 : i32 to vector<16xi32>
          %add3A_1336 = arith.addi %shift_left3A_782, %add3A_1335 : vector<16xi32>
          tpu.vector_store_idx %arg6[%shift_right_logical3A_776, %add3A_1336], %get3A_1267 : memref<256x128xf32, #tpu.memory_space<vmem>>[vector<16xi32>, vector<16xi32>], vector<16xf32>,
          %add3A_1337 = arith.constant 57 : i32
          %add3A_1338 = vector.broadcast %add3A_1337 : i32 to vector<16xi32>
          %add3A_1339 = arith.addi %shift_left3A_782, %add3A_1338 : vector<16xi32>
          tpu.vector_store_idx %arg6[%shift_right_logical3A_776, %add3A_1339], %get3A_1273 : memref<256x128xf32, #tpu.memory_space<vmem>>[vector<16xi32>, vector<16xi32>], vector<16xf32>,
          %add3A_1340 = arith.constant 58 : i32
          %add3A_1341 = vector.broadcast %add3A_1340 : i32 to vector<16xi32>
          %add3A_1342 = arith.addi %shift_left3A_782, %add3A_1341 : vector<16xi32>
          tpu.vector_store_idx %arg6[%shift_right_logical3A_776, %add3A_1342], %get3A_1279 : memref<256x128xf32, #tpu.memory_space<vmem>>[vector<16xi32>, vector<16xi32>], vector<16xf32>,
          %add3A_1343 = arith.constant 59 : i32
          %add3A_1344 = vector.broadcast %add3A_1343 : i32 to vector<16xi32>
          %add3A_1345 = arith.addi %shift_left3A_782, %add3A_1344 : vector<16xi32>
          tpu.vector_store_idx %arg6[%shift_right_logical3A_776, %add3A_1345], %get3A_1285 : memref<256x128xf32, #tpu.memory_space<vmem>>[vector<16xi32>, vector<16xi32>], vector<16xf32>,
          %add3A_1346 = arith.constant 60 : i32
          %add3A_1347 = vector.broadcast %add3A_1346 : i32 to vector<16xi32>
          %add3A_1348 = arith.addi %shift_left3A_782, %add3A_1347 : vector<16xi32>
          tpu.vector_store_idx %arg6[%shift_right_logical3A_776, %add3A_1348], %get3A_1291 : memref<256x128xf32, #tpu.memory_space<vmem>>[vector<16xi32>, vector<16xi32>], vector<16xf32>,
          %add3A_1349 = arith.constant 61 : i32
          %add3A_1350 = vector.broadcast %add3A_1349 : i32 to vector<16xi32>
          %add3A_1351 = arith.addi %shift_left3A_782, %add3A_1350 : vector<16xi32>
          tpu.vector_store_idx %arg6[%shift_right_logical3A_776, %add3A_1351], %get3A_1297 : memref<256x128xf32, #tpu.memory_space<vmem>>[vector<16xi32>, vector<16xi32>], vector<16xf32>,
          %add3A_1352 = arith.constant 62 : i32
          %add3A_1353 = vector.broadcast %add3A_1352 : i32 to vector<16xi32>
          %add3A_1354 = arith.addi %shift_left3A_782, %add3A_1353 : vector<16xi32>
          tpu.vector_store_idx %arg6[%shift_right_logical3A_776, %add3A_1354], %get3A_1303 : memref<256x128xf32, #tpu.memory_space<vmem>>[vector<16xi32>, vector<16xi32>], vector<16xf32>,
          %add3A_1355 = arith.constant 63 : i32
          %add3A_1356 = vector.broadcast %add3A_1355 : i32 to vector<16xi32>
          %add3A_1357 = arith.addi %shift_left3A_782, %add3A_1356 : vector<16xi32>
          tpu.vector_store_idx %arg6[%shift_right_logical3A_776, %add3A_1357], %get3A_1309 : memref<256x128xf32, #tpu.memory_space<vmem>>[vector<16xi32>, vector<16xi32>], vector<16xf32>,
        }
        %scan3A_727 = arith.constant 32 : i32
        %mul3A_728 = arith.constant 32 : i32
        %mul3A_729 = arith.muli %mul3A_728, %add3A_697 : i32
        %add3A_730 = arith.addi %add3A, %mul3A_729 : i32
        %mul3A_731 = arith.constant 512 : i32
        %mul3A_732 = arith.muli %add3A_730, %mul3A_731 : i32
        %multiple_of3A_733 = tpu.assume_multiple %mul3A_732, 512 : i32
        %jit3A_734 = arith.constant 2 : i32
        %div3A_735 = arith.divsi %multiple_of3A_733, %jit3A_734 : i32
        %sign3A_736 = arith.constant 0 : i32
        %sign3A_737 = arith.cmpi sgt, %multiple_of3A_733, %sign3A_736 : i32
        %sign3A_738 = arith.extui %sign3A_737 : i1 to i32
        %sign3A_739 = arith.constant 0 : i32
        %sign3A_740 = arith.cmpi slt, %multiple_of3A_733, %sign3A_739 : i32
        %sign3A_741 = arith.extui %sign3A_740 : i1 to i32
        %sign3A_742 = arith.subi %sign3A_738, %sign3A_741 : i32
        %sign3A_743 = arith.constant 0 : i32
        %sign3A_744 = arith.cmpi sgt, %jit3A_734, %sign3A_743 : i32
        %sign3A_745 = arith.extui %sign3A_744 : i1 to i32
        %sign3A_746 = arith.constant 0 : i32
        %sign3A_747 = arith.cmpi slt, %jit3A_734, %sign3A_746 : i32
        %sign3A_748 = arith.extui %sign3A_747 : i1 to i32
        %sign3A_749 = arith.subi %sign3A_745, %sign3A_748 : i32
        %ne3A_750 = arith.cmpi ne, %sign3A_742, %sign3A_749 : i32
        %rem3A_751 = arith.remsi %multiple_of3A_733, %jit3A_734 : i32
        %ne3A_752 = arith.constant 0 : i32
        %ne3A_753 = arith.cmpi ne, %rem3A_751, %ne3A_752 : i32
        %and3A_754 = arith.andi %ne3A_750, %ne3A_753 : i1
        %sub3A_755 = arith.constant 1 : i32
        %sub3A_756 = arith.subi %div3A_735, %sub3A_755 : i32
        %select_n3A_757 = arith.select %and3A_754, %sub3A_756, %div3A_735 : i32
        %multiple_of3A_758 = tpu.assume_multiple %select_n3A_757, 256 : i32
        %dma_start3A_759 = arith.constant 0 : i32
        %dma_start3A_760 = tpu.memref_slice %arg4[%multiple_of3A_758, %dma_start3A_759] : memref<500000x128xf32, #tpu.memory_space<hbm>> -> memref<256x128xf32, #tpu.memory_space<hbm>>
        %dma_start3A_761 = arith.constant 0 : i32
        %dma_start3A_762 = tpu.memref_slice %arg4[%multiple_of3A_758, %dma_start3A_761] : memref<500000x128xf32, #tpu.memory_space<hbm>> -> memref<256x128xf32, #tpu.memory_space<hbm>>
        tpu.enqueue_dma source(%arg6 : memref<256x128xf32, #tpu.memory_space<vmem>>) target(%dma_start3A_762 : memref<256x128xf32, #tpu.memory_space<hbm>>) target_semaphore(%arg9 : memref<!tpu.dma_semaphore, #tpu.memory_space<semaphore_mem>>)
        %add3A_763 = arith.constant 2 : i32
        %add3A_764 = arith.addi %add3A_697, %add3A_763 : i32
        %lt3A_765 = arith.cmpi slt, %add3A_764, %select_n3A : i32
        %convert_element_type3A_766 = arith.extui %lt3A_765 : i1 to i32
        %cond3A_767 = arith.constant 0 : i32
        %cond3A_768 = arith.cmpi ne, %convert_element_type3A_766, %cond3A_767 : i32
        scf.if %cond3A_768 {
          %add3A_769 = arith.constant 2 : i32
          %add3A_770 = arith.addi %add3A_697, %add3A_769 : i32
          %mul3A_771 = arith.constant 32 : i32
          %mul3A_772 = arith.muli %mul3A_771, %add3A_770 : i32
          %add3A_773 = arith.addi %add3A, %mul3A_772 : i32
          %mul3A_774 = arith.constant 512 : i32
          %mul3A_775 = arith.muli %add3A_773, %mul3A_774 : i32
          %multiple_of3A_776 = tpu.assume_multiple %mul3A_775, 512 : i32
          %dma_start3A_777 = arith.constant 1 : i32
          %dma_start3A_778 = arith.constant 1 : i32
          %dma_start3A_779 = arith.constant 0 : i32
          %dma_start3A_780 = arith.constant 0 : i32
          %dma_start3A_781 = tpu.memref_slice %arg5[%dma_start3A_777, %dma_start3A_779, %dma_start3A_780] : memref<2x64x512xf32, #tpu.memory_space<vmem>> -> memref<1x64x512xf32, #tpu.memory_space<vmem>>
          %dma_start3A_782 = tpu.memref_squeeze %dma_start3A_781 : memref<1x64x512xf32, #tpu.memory_space<vmem>> -> memref<64x512xf32, #tpu.memory_space<vmem>>
          %dma_start3A_783 = arith.constant 0 : i32
          %dma_start3A_784 = tpu.memref_slice %arg2[%dma_start3A_783, %multiple_of3A_776] : memref<64x1000000xf32, #tpu.memory_space<hbm>> -> memref<64x512xf32, #tpu.memory_space<hbm>>
          %dma_start3A_785 = tpu.memref_slice %arg8[%dma_start3A_778] : memref<2x!tpu.dma_semaphore, #tpu.memory_space<semaphore_mem>> -> memref<1x!tpu.dma_semaphore, #tpu.memory_space<semaphore_mem>>
          %dma_start3A_786 = tpu.memref_squeeze %dma_start3A_785 : memref<1x!tpu.dma_semaphore, #tpu.memory_space<semaphore_mem>> -> memref<!tpu.dma_semaphore, #tpu.memory_space<semaphore_mem>>
          %dma_start3A_787 = arith.constant 0 : i32
          %dma_start3A_788 = arith.constant 0 : i32
          %dma_start3A_789 = tpu.memref_slice %arg5[%dma_start3A_777, %dma_start3A_787, %dma_start3A_788] : memref<2x64x512xf32, #tpu.memory_space<vmem>> -> memref<1x64x512xf32, #tpu.memory_space<vmem>>
          %dma_start3A_790 = tpu.memref_squeeze %dma_start3A_789 : memref<1x64x512xf32, #tpu.memory_space<vmem>> -> memref<64x512xf32, #tpu.memory_space<vmem>>
          %dma_start3A_791 = arith.constant 0 : i32
          %dma_start3A_792 = tpu.memref_slice %arg2[%dma_start3A_791, %multiple_of3A_776] : memref<64x1000000xf32, #tpu.memory_space<hbm>> -> memref<64x512xf32, #tpu.memory_space<hbm>>
          tpu.enqueue_dma source(%dma_start3A_792 : memref<64x512xf32, #tpu.memory_space<hbm>>) target(%dma_start3A_790 : memref<64x512xf32, #tpu.memory_space<vmem>>) target_semaphore(%dma_start3A_786 : memref<!tpu.dma_semaphore, #tpu.memory_space<semaphore_mem>>)
        } else {
        }
      } else {
      }
    }
    %scan3A_673 = arith.constant 30 : i32
    %dma_wait3A_674 = arith.constant 0 : i32
    %dma_wait3A_675 = arith.constant 0 : i32
    %dma_wait3A_676 = tpu.memref_slice %arg4[%dma_wait3A_674, %dma_wait3A_675] : memref<500000x128xf32, #tpu.memory_space<hbm>> -> memref<256x128xf32, #tpu.memory_space<hbm>>
    %dma_wait3A_677 = arith.constant 0 : i32
    %dma_wait3A_678 = arith.constant 0 : i32
    %dma_wait3A_679 = tpu.memref_slice %arg4[%dma_wait3A_677, %dma_wait3A_678] : memref<500000x128xf32, #tpu.memory_space<hbm>> -> memref<256x128xf32, #tpu.memory_space<hbm>>
    tpu.wait_dma2 semaphore(%arg9 : memref<!tpu.dma_semaphore, #tpu.memory_space<semaphore_mem>>) src(%arg6 : memref<256x128xf32, #tpu.memory_space<vmem>>) dst(%dma_wait3A_679 : memref<256x128xf32, #tpu.memory_space<hbm>>)
    %eq3A = arith.constant 0 : i32
    %eq3A_680 = arith.cmpi eq, %add3A, %eq3A : i32
    %convert_element_type3A_681 = arith.extui %eq3A_680 : i1 to i32
    %cond3A_682 = arith.constant 0 : i32
    %cond3A_683 = arith.cmpi ne, %convert_element_type3A_681, %cond3A_682 : i32
    scf.if %cond3A_683 {
      "tpu.region"() ({
        %run_scoped3A = tpu.sem_alloc : memref<!tpu.dma_semaphore, #tpu.memory_space<semaphore_mem>>
        tpu.enqueue_dma source(%arg3 : memref<64x128xf32, #tpu.memory_space<hbm>>) target(%arg7 : memref<64x128xf32, #tpu.memory_space<vmem>>) target_semaphore(%run_scoped3A : memref<!tpu.dma_semaphore, #tpu.memory_space<semaphore_mem>>)
        tpu.wait_dma2 semaphore(%run_scoped3A : memref<!tpu.dma_semaphore, #tpu.memory_space<semaphore_mem>>) src(%arg3 : memref<64x128xf32, #tpu.memory_space<hbm>>) dst(%arg7 : memref<64x128xf32, #tpu.memory_space<vmem>>)
        tpu.yield
      }) : () -> ()
      %scan3A_684 = arith.constant 0 : i32
      %scan3A_685 = arith.constant 0 : i32
      %scan3A_686 = arith.constant 64 : i32
      %scan3A_687 = arith.addi %scan3A_685, %scan3A_686 : i32
      %scan3A_688 = arith.constant 1 : i32
      scf.for %scan3A_690 = %scan3A_685 to %scan3A_687 step %scan3A_688  : i32 {
        %get3A = arith.index_cast %scan3A_690 : i32 to index
        %get3A_691 = arith.constant 0 : index
        %get3A_692 = tpu.vector_load %arg7[%get3A, %get3A_691] {strides = array<i32>} : memref<64x128xf32, #tpu.memory_space<vmem>>, vector<16xf32>,
        %add3A_693 = vector.broadcast %scan3A_690 : i32 to vector<16xi32>
        %add3A_694 = arith.addi %shift_left3A_221, %add3A_693 : vector<16xi32>
        tpu.vector_store_idx %arg6[%shift_right_logical3A_27, %add3A_694], %get3A_692 : memref<256x128xf32, #tpu.memory_space<vmem>>[vector<16xi32>, vector<16xi32>], vector<16xf32>,
        %get3A_695 = arith.index_cast %scan3A_690 : i32 to index
        %get3A_696 = arith.constant 16 : index
        %get3A_697 = tpu.vector_load %arg7[%get3A_695, %get3A_696] {strides = array<i32>} : memref<64x128xf32, #tpu.memory_space<vmem>>, vector<16xf32>,
        %add3A_698 = vector.broadcast %scan3A_690 : i32 to vector<16xi32>
        %add3A_699 = arith.addi %shift_left3A_230, %add3A_698 : vector<16xi32>
        tpu.vector_store_idx %arg6[%shift_right_logical3A_33, %add3A_699], %get3A_697 : memref<256x128xf32, #tpu.memory_space<vmem>>[vector<16xi32>, vector<16xi32>], vector<16xf32>,
        %get3A_700 = arith.index_cast %scan3A_690 : i32 to index
        %get3A_701 = arith.constant 32 : index
        %get3A_702 = tpu.vector_load %arg7[%get3A_700, %get3A_701] {strides = array<i32>} : memref<64x128xf32, #tpu.memory_space<vmem>>, vector<16xf32>,
        %add3A_703 = vector.broadcast %scan3A_690 : i32 to vector<16xi32>
        %add3A_704 = arith.addi %shift_left3A_239, %add3A_703 : vector<16xi32>
        tpu.vector_store_idx %arg6[%shift_right_logical3A_39, %add3A_704], %get3A_702 : memref<256x128xf32, #tpu.memory_space<vmem>>[vector<16xi32>, vector<16xi32>], vector<16xf32>,
        %get3A_705 = arith.index_cast %scan3A_690 : i32 to index
        %get3A_706 = arith.constant 48 : index
        %get3A_707 = tpu.vector_load %arg7[%get3A_705, %get3A_706] {strides = array<i32>} : memref<64x128xf32, #tpu.memory_space<vmem>>, vector<16xf32>,
        %add3A_708 = vector.broadcast %scan3A_690 : i32 to vector<16xi32>
        %add3A_709 = arith.addi %shift_left3A_248, %add3A_708 : vector<16xi32>
        tpu.vector_store_idx %arg6[%shift_right_logical3A_45, %add3A_709], %get3A_707 : memref<256x128xf32, #tpu.memory_space<vmem>>[vector<16xi32>, vector<16xi32>], vector<16xf32>,
      }
      %scan3A_689 = arith.constant 64 : i32
      "tpu.region"() ({
        %run_scoped3A = tpu.sem_alloc : memref<!tpu.dma_semaphore, #tpu.memory_space<semaphore_mem>>
        %dma_start3A_690 = arith.constant 0 : i32
        %dma_start3A_691 = arith.constant 0 : i32
        %dma_start3A_692 = tpu.memref_slice %arg6[%dma_start3A_690, %dma_start3A_691] : memref<256x128xf32, #tpu.memory_space<vmem>> -> memref<32x128xf32, #tpu.memory_space<vmem>>
        %dma_start3A_693 = arith.constant 499968 : i32
        %dma_start3A_694 = arith.constant 0 : i32
        %dma_start3A_695 = tpu.memref_slice %arg4[%dma_start3A_693, %dma_start3A_694] : memref<500000x128xf32, #tpu.memory_space<hbm>> -> memref<32x128xf32, #tpu.memory_space<hbm>>
        %dma_start3A_696 = arith.constant 499968 : i32
        %dma_start3A_697 = arith.constant 0 : i32
        %dma_start3A_698 = tpu.memref_slice %arg4[%dma_start3A_696, %dma_start3A_697] : memref<500000x128xf32, #tpu.memory_space<hbm>> -> memref<32x128xf32, #tpu.memory_space<hbm>>
        %dma_start3A_699 = arith.constant 0 : i32
        %dma_start3A_700 = arith.constant 0 : i32
        %dma_start3A_701 = tpu.memref_slice %arg6[%dma_start3A_699, %dma_start3A_700] : memref<256x128xf32, #tpu.memory_space<vmem>> -> memref<32x128xf32, #tpu.memory_space<vmem>>
        tpu.enqueue_dma source(%dma_start3A_701 : memref<32x128xf32, #tpu.memory_space<vmem>>) target(%dma_start3A_698 : memref<32x128xf32, #tpu.memory_space<hbm>>) target_semaphore(%run_scoped3A : memref<!tpu.dma_semaphore, #tpu.memory_space<semaphore_mem>>)
        %dma_wait3A_702 = arith.constant 0 : i32
        %dma_wait3A_703 = arith.constant 0 : i32
        %dma_wait3A_704 = tpu.memref_slice %arg6[%dma_wait3A_702, %dma_wait3A_703] : memref<256x128xf32, #tpu.memory_space<vmem>> -> memref<32x128xf32, #tpu.memory_space<vmem>>
        %dma_wait3A_705 = arith.constant 499968 : i32
        %dma_wait3A_706 = arith.constant 0 : i32
        %dma_wait3A_707 = tpu.memref_slice %arg4[%dma_wait3A_705, %dma_wait3A_706] : memref<500000x128xf32, #tpu.memory_space<hbm>> -> memref<32x128xf32, #tpu.memory_space<hbm>>
        %dma_wait3A_708 = arith.constant 499968 : i32
        %dma_wait3A_709 = arith.constant 0 : i32
        %dma_wait3A_710 = tpu.memref_slice %arg4[%dma_wait3A_708, %dma_wait3A_709] : memref<500000x128xf32, #tpu.memory_space<hbm>> -> memref<32x128xf32, #tpu.memory_space<hbm>>
        %dma_wait3A_711 = arith.constant 0 : i32
        %dma_wait3A_712 = arith.constant 0 : i32
        %dma_wait3A_713 = tpu.memref_slice %arg6[%dma_wait3A_711, %dma_wait3A_712] : memref<256x128xf32, #tpu.memory_space<vmem>> -> memref<32x128xf32, #tpu.memory_space<vmem>>
        tpu.wait_dma2 semaphore(%run_scoped3A : memref<!tpu.dma_semaphore, #tpu.memory_space<semaphore_mem>>) src(%dma_wait3A_713 : memref<32x128xf32, #tpu.memory_space<vmem>>) dst(%dma_wait3A_710 : memref<32x128xf32, #tpu.memory_space<hbm>>)
        tpu.yield
      }) : () -> ()
    } else {
    }
    return
  }
}

#map = affine_map<(d0, d1) -> (0, 0)>
#map1 = affine_map<(d0, d1) -> (0, 0, 0)>
module attributes {stable_mosaic.version = 14 : i64} {
  func.func @k2(%arg0: i32, %arg1: i32, %arg2: memref<200x4096xi32, #tpu.memory_space<hbm>>, %arg3: memref<1000000x64xf32, #tpu.memory_space<hbm>>, %arg4: memref<200x4096x64xf32, #tpu.memory_space<hbm>>, %arg5: memref<200x128xi32, #tpu.memory_space<vmem>>, %arg6: memref<4x128x64xf32, #tpu.memory_space<vmem>>, %arg7: memref<4x!tpu.dma_semaphore, #tpu.memory_space<semaphore_mem>>, %arg8: memref<4x!tpu.dma_semaphore, #tpu.memory_space<semaphore_mem>>) attributes {dimension_semantics = [#tpu.dimension_semantics<core_parallel>, #tpu.dimension_semantics<subcore_parallel>], iteration_bounds = array<i64: 2, 16>, scalar_prefetch = 0 : i64, scratch_operands = 4 : i64, tpu.core_type = #tpu.core_type<sc_vector_subcore>, window_params = [{transform_indices = #map}, {transform_indices = #map}, {transform_indices = #map1}]} {
    %mul3A = arith.constant 2 : i32
    %mul3A_0 = arith.muli %arg1, %mul3A : i32
    %add3A = arith.addi %mul3A_0, %arg0 : i32
    %mul3A_1 = arith.constant 128 : i32
    %mul3A_2 = arith.muli %add3A, %mul3A_1 : i32
    "tpu.region"() ({
      %run_scoped3A = tpu.sem_alloc : memref<!tpu.dma_semaphore, #tpu.memory_space<semaphore_mem>>
      %dma_start3A_85 = arith.constant 0 : i32
      %dma_start3A_86 = tpu.memref_slice %arg2[%dma_start3A_85, %mul3A_2] : memref<200x4096xi32, #tpu.memory_space<hbm>> -> memref<200x128xi32, #tpu.memory_space<hbm>>
      %dma_start3A_87 = arith.constant 0 : i32
      %dma_start3A_88 = tpu.memref_slice %arg2[%dma_start3A_87, %mul3A_2] : memref<200x4096xi32, #tpu.memory_space<hbm>> -> memref<200x128xi32, #tpu.memory_space<hbm>>
      tpu.enqueue_dma source(%dma_start3A_88 : memref<200x128xi32, #tpu.memory_space<hbm>>) target(%arg5 : memref<200x128xi32, #tpu.memory_space<vmem>>) target_semaphore(%run_scoped3A : memref<!tpu.dma_semaphore, #tpu.memory_space<semaphore_mem>>)
      %dma_wait3A_89 = arith.constant 0 : i32
      %dma_wait3A_90 = tpu.memref_slice %arg2[%dma_wait3A_89, %mul3A_2] : memref<200x4096xi32, #tpu.memory_space<hbm>> -> memref<200x128xi32, #tpu.memory_space<hbm>>
      %dma_wait3A_91 = arith.constant 0 : i32
      %dma_wait3A_92 = tpu.memref_slice %arg2[%dma_wait3A_91, %mul3A_2] : memref<200x4096xi32, #tpu.memory_space<hbm>> -> memref<200x128xi32, #tpu.memory_space<hbm>>
      tpu.wait_dma2 semaphore(%run_scoped3A : memref<!tpu.dma_semaphore, #tpu.memory_space<semaphore_mem>>) src(%dma_wait3A_92 : memref<200x128xi32, #tpu.memory_space<hbm>>) dst(%arg5 : memref<200x128xi32, #tpu.memory_space<vmem>>)
      tpu.yield
    }) : () -> ()
    %dma_start3A = arith.constant 0 : i32
    %dma_start3A_3 = arith.constant 0 : i32
    %dma_start3A_4 = arith.constant 0 : i32
    %dma_start3A_5 = arith.constant 0 : i32
    %dma_start3A_6 = arith.constant 0 : i32
    %dma_start3A_7 = tpu.memref_slice %arg6[%dma_start3A_3, %dma_start3A_5, %dma_start3A_6] : memref<4x128x64xf32, #tpu.memory_space<vmem>> -> memref<1x128x64xf32, #tpu.memory_space<vmem>>
    %dma_start3A_8 = tpu.memref_squeeze %dma_start3A_7 : memref<1x128x64xf32, #tpu.memory_space<vmem>> -> memref<128x64xf32, #tpu.memory_space<vmem>>
    %dma_start3A_9 = arith.constant 0 : i32
    %dma_start3A_10 = tpu.memref_slice %arg5[%dma_start3A, %dma_start3A_9] : memref<200x128xi32, #tpu.memory_space<vmem>> -> memref<1x128xi32, #tpu.memory_space<vmem>>
    %dma_start3A_11 = tpu.memref_squeeze %dma_start3A_10 : memref<1x128xi32, #tpu.memory_space<vmem>> -> memref<128xi32, #tpu.memory_space<vmem>>
    %dma_start3A_12 = arith.constant 0 : i32
    %dma_start3A_13 = arith.constant 0 : i32
    %dma_start3A_14 = tpu.memref_slice %arg3[%dma_start3A_12, %dma_start3A_13] : memref<1000000x64xf32, #tpu.memory_space<hbm>> -> memref<1000000x64xf32, #tpu.memory_space<hbm>>
    %dma_start3A_15 = tpu.memref_slice %arg7[%dma_start3A_4] : memref<4x!tpu.dma_semaphore, #tpu.memory_space<semaphore_mem>> -> memref<1x!tpu.dma_semaphore, #tpu.memory_space<semaphore_mem>>
    %dma_start3A_16 = tpu.memref_squeeze %dma_start3A_15 : memref<1x!tpu.dma_semaphore, #tpu.memory_space<semaphore_mem>> -> memref<!tpu.dma_semaphore, #tpu.memory_space<semaphore_mem>>
    tpu.enqueue_indirect_dma source(%dma_start3A_14 : memref<1000000x64xf32, #tpu.memory_space<hbm>>) target(%dma_start3A_8 : memref<128x64xf32, #tpu.memory_space<vmem>>) offsets(%dma_start3A_11 : memref<128xi32, #tpu.memory_space<vmem>>) semaphore(%dma_start3A_16 : memref<!tpu.dma_semaphore, #tpu.memory_space<semaphore_mem>>)
    %dma_start3A_17 = arith.constant 1 : i32
    %dma_start3A_18 = arith.constant 1 : i32
    %dma_start3A_19 = arith.constant 1 : i32
    %dma_start3A_20 = arith.constant 0 : i32
    %dma_start3A_21 = arith.constant 0 : i32
    %dma_start3A_22 = tpu.memref_slice %arg6[%dma_start3A_18, %dma_start3A_20, %dma_start3A_21] : memref<4x128x64xf32, #tpu.memory_space<vmem>> -> memref<1x128x64xf32, #tpu.memory_space<vmem>>
    %dma_start3A_23 = tpu.memref_squeeze %dma_start3A_22 : memref<1x128x64xf32, #tpu.memory_space<vmem>> -> memref<128x64xf32, #tpu.memory_space<vmem>>
    %dma_start3A_24 = arith.constant 0 : i32
    %dma_start3A_25 = tpu.memref_slice %arg5[%dma_start3A_17, %dma_start3A_24] : memref<200x128xi32, #tpu.memory_space<vmem>> -> memref<1x128xi32, #tpu.memory_space<vmem>>
    %dma_start3A_26 = tpu.memref_squeeze %dma_start3A_25 : memref<1x128xi32, #tpu.memory_space<vmem>> -> memref<128xi32, #tpu.memory_space<vmem>>
    %dma_start3A_27 = arith.constant 0 : i32
    %dma_start3A_28 = arith.constant 0 : i32
    %dma_start3A_29 = tpu.memref_slice %arg3[%dma_start3A_27, %dma_start3A_28] : memref<1000000x64xf32, #tpu.memory_space<hbm>> -> memref<1000000x64xf32, #tpu.memory_space<hbm>>
    %dma_start3A_30 = tpu.memref_slice %arg7[%dma_start3A_19] : memref<4x!tpu.dma_semaphore, #tpu.memory_space<semaphore_mem>> -> memref<1x!tpu.dma_semaphore, #tpu.memory_space<semaphore_mem>>
    %dma_start3A_31 = tpu.memref_squeeze %dma_start3A_30 : memref<1x!tpu.dma_semaphore, #tpu.memory_space<semaphore_mem>> -> memref<!tpu.dma_semaphore, #tpu.memory_space<semaphore_mem>>
    tpu.enqueue_indirect_dma source(%dma_start3A_29 : memref<1000000x64xf32, #tpu.memory_space<hbm>>) target(%dma_start3A_23 : memref<128x64xf32, #tpu.memory_space<vmem>>) offsets(%dma_start3A_26 : memref<128xi32, #tpu.memory_space<vmem>>) semaphore(%dma_start3A_31 : memref<!tpu.dma_semaphore, #tpu.memory_space<semaphore_mem>>)
    %dma_start3A_32 = arith.constant 2 : i32
    %dma_start3A_33 = arith.constant 2 : i32
    %dma_start3A_34 = arith.constant 2 : i32
    %dma_start3A_35 = arith.constant 0 : i32
    %dma_start3A_36 = arith.constant 0 : i32
    %dma_start3A_37 = tpu.memref_slice %arg6[%dma_start3A_33, %dma_start3A_35, %dma_start3A_36] : memref<4x128x64xf32, #tpu.memory_space<vmem>> -> memref<1x128x64xf32, #tpu.memory_space<vmem>>
    %dma_start3A_38 = tpu.memref_squeeze %dma_start3A_37 : memref<1x128x64xf32, #tpu.memory_space<vmem>> -> memref<128x64xf32, #tpu.memory_space<vmem>>
    %dma_start3A_39 = arith.constant 0 : i32
    %dma_start3A_40 = tpu.memref_slice %arg5[%dma_start3A_32, %dma_start3A_39] : memref<200x128xi32, #tpu.memory_space<vmem>> -> memref<1x128xi32, #tpu.memory_space<vmem>>
    %dma_start3A_41 = tpu.memref_squeeze %dma_start3A_40 : memref<1x128xi32, #tpu.memory_space<vmem>> -> memref<128xi32, #tpu.memory_space<vmem>>
    %dma_start3A_42 = arith.constant 0 : i32
    %dma_start3A_43 = arith.constant 0 : i32
    %dma_start3A_44 = tpu.memref_slice %arg3[%dma_start3A_42, %dma_start3A_43] : memref<1000000x64xf32, #tpu.memory_space<hbm>> -> memref<1000000x64xf32, #tpu.memory_space<hbm>>
    %dma_start3A_45 = tpu.memref_slice %arg7[%dma_start3A_34] : memref<4x!tpu.dma_semaphore, #tpu.memory_space<semaphore_mem>> -> memref<1x!tpu.dma_semaphore, #tpu.memory_space<semaphore_mem>>
    %dma_start3A_46 = tpu.memref_squeeze %dma_start3A_45 : memref<1x!tpu.dma_semaphore, #tpu.memory_space<semaphore_mem>> -> memref<!tpu.dma_semaphore, #tpu.memory_space<semaphore_mem>>
    tpu.enqueue_indirect_dma source(%dma_start3A_44 : memref<1000000x64xf32, #tpu.memory_space<hbm>>) target(%dma_start3A_38 : memref<128x64xf32, #tpu.memory_space<vmem>>) offsets(%dma_start3A_41 : memref<128xi32, #tpu.memory_space<vmem>>) semaphore(%dma_start3A_46 : memref<!tpu.dma_semaphore, #tpu.memory_space<semaphore_mem>>)
    %dma_start3A_47 = arith.constant 3 : i32
    %dma_start3A_48 = arith.constant 3 : i32
    %dma_start3A_49 = arith.constant 3 : i32
    %dma_start3A_50 = arith.constant 0 : i32
    %dma_start3A_51 = arith.constant 0 : i32
    %dma_start3A_52 = tpu.memref_slice %arg6[%dma_start3A_48, %dma_start3A_50, %dma_start3A_51] : memref<4x128x64xf32, #tpu.memory_space<vmem>> -> memref<1x128x64xf32, #tpu.memory_space<vmem>>
    %dma_start3A_53 = tpu.memref_squeeze %dma_start3A_52 : memref<1x128x64xf32, #tpu.memory_space<vmem>> -> memref<128x64xf32, #tpu.memory_space<vmem>>
    %dma_start3A_54 = arith.constant 0 : i32
    %dma_start3A_55 = tpu.memref_slice %arg5[%dma_start3A_47, %dma_start3A_54] : memref<200x128xi32, #tpu.memory_space<vmem>> -> memref<1x128xi32, #tpu.memory_space<vmem>>
    %dma_start3A_56 = tpu.memref_squeeze %dma_start3A_55 : memref<1x128xi32, #tpu.memory_space<vmem>> -> memref<128xi32, #tpu.memory_space<vmem>>
    %dma_start3A_57 = arith.constant 0 : i32
    %dma_start3A_58 = arith.constant 0 : i32
    %dma_start3A_59 = tpu.memref_slice %arg3[%dma_start3A_57, %dma_start3A_58] : memref<1000000x64xf32, #tpu.memory_space<hbm>> -> memref<1000000x64xf32, #tpu.memory_space<hbm>>
    %dma_start3A_60 = tpu.memref_slice %arg7[%dma_start3A_49] : memref<4x!tpu.dma_semaphore, #tpu.memory_space<semaphore_mem>> -> memref<1x!tpu.dma_semaphore, #tpu.memory_space<semaphore_mem>>
    %dma_start3A_61 = tpu.memref_squeeze %dma_start3A_60 : memref<1x!tpu.dma_semaphore, #tpu.memory_space<semaphore_mem>> -> memref<!tpu.dma_semaphore, #tpu.memory_space<semaphore_mem>>
    tpu.enqueue_indirect_dma source(%dma_start3A_59 : memref<1000000x64xf32, #tpu.memory_space<hbm>>) target(%dma_start3A_53 : memref<128x64xf32, #tpu.memory_space<vmem>>) offsets(%dma_start3A_56 : memref<128xi32, #tpu.memory_space<vmem>>) semaphore(%dma_start3A_61 : memref<!tpu.dma_semaphore, #tpu.memory_space<semaphore_mem>>)
    %scan3A = arith.constant 0 : i32
    %scan3A_62 = arith.constant 0 : i32
    %scan3A_63 = arith.constant 50 : i32
    %scan3A_64 = arith.addi %scan3A_62, %scan3A_63 : i32
    %scan3A_65 = arith.constant 1 : i32
    scf.for %scan3A_85 = %scan3A_62 to %scan3A_64 step %scan3A_65  : i32 {
      %mul3A_86 = arith.constant 4 : i32
      %mul3A_87 = arith.muli %mul3A_86, %scan3A_85 : i32
      %add3A_88 = arith.constant 0 : i32
      %add3A_89 = arith.addi %mul3A_87, %add3A_88 : i32
      %dma_wait3A_90 = arith.constant 0 : i32
      %dma_wait3A_91 = arith.constant 0 : i32
      %dma_wait3A_92 = arith.constant 0 : i32
      %dma_wait3A_93 = arith.constant 0 : i32
      %dma_wait3A_94 = arith.constant 0 : i32
      %dma_wait3A_95 = tpu.memref_slice %arg6[%dma_wait3A_91, %dma_wait3A_93, %dma_wait3A_94] : memref<4x128x64xf32, #tpu.memory_space<vmem>> -> memref<1x128x64xf32, #tpu.memory_space<vmem>>
      %dma_wait3A_96 = tpu.memref_squeeze %dma_wait3A_95 : memref<1x128x64xf32, #tpu.memory_space<vmem>> -> memref<128x64xf32, #tpu.memory_space<vmem>>
      %dma_wait3A_97 = arith.constant 0 : i32
      %dma_wait3A_98 = tpu.memref_slice %arg5[%dma_wait3A_90, %dma_wait3A_97] : memref<200x128xi32, #tpu.memory_space<vmem>> -> memref<1x128xi32, #tpu.memory_space<vmem>>
      %dma_wait3A_99 = tpu.memref_squeeze %dma_wait3A_98 : memref<1x128xi32, #tpu.memory_space<vmem>> -> memref<128xi32, #tpu.memory_space<vmem>>
      %dma_wait3A_100 = arith.constant 0 : i32
      %dma_wait3A_101 = arith.constant 0 : i32
      %dma_wait3A_102 = tpu.memref_slice %arg3[%dma_wait3A_100, %dma_wait3A_101] : memref<1000000x64xf32, #tpu.memory_space<hbm>> -> memref<1000000x64xf32, #tpu.memory_space<hbm>>
      %dma_wait3A_103 = tpu.memref_slice %arg7[%dma_wait3A_92] : memref<4x!tpu.dma_semaphore, #tpu.memory_space<semaphore_mem>> -> memref<1x!tpu.dma_semaphore, #tpu.memory_space<semaphore_mem>>
      %dma_wait3A_104 = tpu.memref_squeeze %dma_wait3A_103 : memref<1x!tpu.dma_semaphore, #tpu.memory_space<semaphore_mem>> -> memref<!tpu.dma_semaphore, #tpu.memory_space<semaphore_mem>>
      tpu.wait_indirect_dma semaphore(%dma_wait3A_104 : memref<!tpu.dma_semaphore, #tpu.memory_space<semaphore_mem>>) src(%dma_wait3A_102 : memref<1000000x64xf32, #tpu.memory_space<hbm>>) dst(%dma_wait3A_96 : memref<128x64xf32, #tpu.memory_space<vmem>>)
      %ge3A = arith.constant 1 : i32
      %ge3A_105 = arith.cmpi sge, %add3A_89, %ge3A : i32
      %convert_element_type3A = arith.extui %ge3A_105 : i1 to i32
      %cond3A = arith.constant 0 : i32
      %cond3A_106 = arith.cmpi ne, %convert_element_type3A, %cond3A : i32
      scf.if %cond3A_106 {
        %dma_wait3A_251 = arith.constant 3 : i32
        %dma_wait3A_252 = arith.constant 0 : i32
        %dma_wait3A_253 = arith.constant 3 : i32
        %dma_wait3A_254 = arith.constant 0 : i32
        %dma_wait3A_255 = arith.constant 0 : i32
        %dma_wait3A_256 = tpu.memref_slice %arg6[%dma_wait3A_251, %dma_wait3A_254, %dma_wait3A_255] : memref<4x128x64xf32, #tpu.memory_space<vmem>> -> memref<1x128x64xf32, #tpu.memory_space<vmem>>
        %dma_wait3A_257 = tpu.memref_squeeze %dma_wait3A_256 : memref<1x128x64xf32, #tpu.memory_space<vmem>> -> memref<128x64xf32, #tpu.memory_space<vmem>>
        %dma_wait3A_258 = arith.constant 0 : i32
        %dma_wait3A_259 = tpu.memref_slice %arg4[%dma_wait3A_252, %mul3A_2, %dma_wait3A_258] : memref<200x4096x64xf32, #tpu.memory_space<hbm>> -> memref<1x128x64xf32, #tpu.memory_space<hbm>>
        %dma_wait3A_260 = tpu.memref_squeeze %dma_wait3A_259 : memref<1x128x64xf32, #tpu.memory_space<hbm>> -> memref<128x64xf32, #tpu.memory_space<hbm>>
        %dma_wait3A_261 = tpu.memref_slice %arg8[%dma_wait3A_253] : memref<4x!tpu.dma_semaphore, #tpu.memory_space<semaphore_mem>> -> memref<1x!tpu.dma_semaphore, #tpu.memory_space<semaphore_mem>>
        %dma_wait3A_262 = tpu.memref_squeeze %dma_wait3A_261 : memref<1x!tpu.dma_semaphore, #tpu.memory_space<semaphore_mem>> -> memref<!tpu.dma_semaphore, #tpu.memory_space<semaphore_mem>>
        %dma_wait3A_263 = arith.constant 0 : i32
        %dma_wait3A_264 = tpu.memref_slice %arg4[%dma_wait3A_252, %mul3A_2, %dma_wait3A_263] : memref<200x4096x64xf32, #tpu.memory_space<hbm>> -> memref<1x128x64xf32, #tpu.memory_space<hbm>>
        %dma_wait3A_265 = tpu.memref_squeeze %dma_wait3A_264 : memref<1x128x64xf32, #tpu.memory_space<hbm>> -> memref<128x64xf32, #tpu.memory_space<hbm>>
        %dma_wait3A_266 = arith.constant 0 : i32
        %dma_wait3A_267 = arith.constant 0 : i32
        %dma_wait3A_268 = tpu.memref_slice %arg6[%dma_wait3A_251, %dma_wait3A_266, %dma_wait3A_267] : memref<4x128x64xf32, #tpu.memory_space<vmem>> -> memref<1x128x64xf32, #tpu.memory_space<vmem>>
        %dma_wait3A_269 = tpu.memref_squeeze %dma_wait3A_268 : memref<1x128x64xf32, #tpu.memory_space<vmem>> -> memref<128x64xf32, #tpu.memory_space<vmem>>
        tpu.wait_dma2 semaphore(%dma_wait3A_262 : memref<!tpu.dma_semaphore, #tpu.memory_space<semaphore_mem>>) src(%dma_wait3A_269 : memref<128x64xf32, #tpu.memory_space<vmem>>) dst(%dma_wait3A_265 : memref<128x64xf32, #tpu.memory_space<hbm>>)
        %add3A_270 = arith.constant 4 : i32
        %add3A_271 = arith.addi %add3A_89, %add3A_270 : i32
        %sub3A = arith.constant 1 : i32
        %sub3A_272 = arith.subi %add3A_271, %sub3A : i32
        %lt3A = arith.constant 200 : i32
        %lt3A_273 = arith.cmpi slt, %sub3A_272, %lt3A : i32
        %convert_element_type3A_274 = arith.extui %lt3A_273 : i1 to i32
        %cond3A_275 = arith.constant 0 : i32
        %cond3A_276 = arith.cmpi ne, %convert_element_type3A_274, %cond3A_275 : i32
        scf.if %cond3A_276 {
          %add3A_277 = arith.constant 4 : i32
          %add3A_278 = arith.addi %add3A_89, %add3A_277 : i32
          %sub3A_279 = arith.constant 1 : i32
          %sub3A_280 = arith.subi %add3A_278, %sub3A_279 : i32
          %dma_start3A_281 = arith.constant 3 : i32
          %dma_start3A_282 = arith.constant 3 : i32
          %dma_start3A_283 = arith.constant 0 : i32
          %dma_start3A_284 = arith.constant 0 : i32
          %dma_start3A_285 = tpu.memref_slice %arg6[%dma_start3A_281, %dma_start3A_283, %dma_start3A_284] : memref<4x128x64xf32, #tpu.memory_space<vmem>> -> memref<1x128x64xf32, #tpu.memory_space<vmem>>
          %dma_start3A_286 = tpu.memref_squeeze %dma_start3A_285 : memref<1x128x64xf32, #tpu.memory_space<vmem>> -> memref<128x64xf32, #tpu.memory_space<vmem>>
          %dma_start3A_287 = arith.constant 0 : i32
          %dma_start3A_288 = tpu.memref_slice %arg5[%sub3A_280, %dma_start3A_287] : memref<200x128xi32, #tpu.memory_space<vmem>> -> memref<1x128xi32, #tpu.memory_space<vmem>>
          %dma_start3A_289 = tpu.memref_squeeze %dma_start3A_288 : memref<1x128xi32, #tpu.memory_space<vmem>> -> memref<128xi32, #tpu.memory_space<vmem>>
          %dma_start3A_290 = arith.constant 0 : i32
          %dma_start3A_291 = arith.constant 0 : i32
          %dma_start3A_292 = tpu.memref_slice %arg3[%dma_start3A_290, %dma_start3A_291] : memref<1000000x64xf32, #tpu.memory_space<hbm>> -> memref<1000000x64xf32, #tpu.memory_space<hbm>>
          %dma_start3A_293 = tpu.memref_slice %arg7[%dma_start3A_282] : memref<4x!tpu.dma_semaphore, #tpu.memory_space<semaphore_mem>> -> memref<1x!tpu.dma_semaphore, #tpu.memory_space<semaphore_mem>>
          %dma_start3A_294 = tpu.memref_squeeze %dma_start3A_293 : memref<1x!tpu.dma_semaphore, #tpu.memory_space<semaphore_mem>> -> memref<!tpu.dma_semaphore, #tpu.memory_space<semaphore_mem>>
          tpu.enqueue_indirect_dma source(%dma_start3A_292 : memref<1000000x64xf32, #tpu.memory_space<hbm>>) target(%dma_start3A_286 : memref<128x64xf32, #tpu.memory_space<vmem>>) offsets(%dma_start3A_289 : memref<128xi32, #tpu.memory_space<vmem>>) semaphore(%dma_start3A_294 : memref<!tpu.dma_semaphore, #tpu.memory_space<semaphore_mem>>)
        } else {
        }
      } else {
      }
      %dma_start3A_107 = arith.constant 0 : i32
      %dma_start3A_108 = arith.constant 0 : i32
      %dma_start3A_109 = arith.constant 0 : i32
      %dma_start3A_110 = arith.constant 0 : i32
      %dma_start3A_111 = tpu.memref_slice %arg6[%dma_start3A_107, %dma_start3A_109, %dma_start3A_110] : memref<4x128x64xf32, #tpu.memory_space<vmem>> -> memref<1x128x64xf32, #tpu.memory_space<vmem>>
      %dma_start3A_112 = tpu.memref_squeeze %dma_start3A_111 : memref<1x128x64xf32, #tpu.memory_space<vmem>> -> memref<128x64xf32, #tpu.memory_space<vmem>>
      %dma_start3A_113 = arith.constant 0 : i32
      %dma_start3A_114 = tpu.memref_slice %arg4[%add3A_89, %mul3A_2, %dma_start3A_113] : memref<200x4096x64xf32, #tpu.memory_space<hbm>> -> memref<1x128x64xf32, #tpu.memory_space<hbm>>
      %dma_start3A_115 = tpu.memref_squeeze %dma_start3A_114 : memref<1x128x64xf32, #tpu.memory_space<hbm>> -> memref<128x64xf32, #tpu.memory_space<hbm>>
      %dma_start3A_116 = tpu.memref_slice %arg8[%dma_start3A_108] : memref<4x!tpu.dma_semaphore, #tpu.memory_space<semaphore_mem>> -> memref<1x!tpu.dma_semaphore, #tpu.memory_space<semaphore_mem>>
      %dma_start3A_117 = tpu.memref_squeeze %dma_start3A_116 : memref<1x!tpu.dma_semaphore, #tpu.memory_space<semaphore_mem>> -> memref<!tpu.dma_semaphore, #tpu.memory_space<semaphore_mem>>
      %dma_start3A_118 = arith.constant 0 : i32
      %dma_start3A_119 = tpu.memref_slice %arg4[%add3A_89, %mul3A_2, %dma_start3A_118] : memref<200x4096x64xf32, #tpu.memory_space<hbm>> -> memref<1x128x64xf32, #tpu.memory_space<hbm>>
      %dma_start3A_120 = tpu.memref_squeeze %dma_start3A_119 : memref<1x128x64xf32, #tpu.memory_space<hbm>> -> memref<128x64xf32, #tpu.memory_space<hbm>>
      %dma_start3A_121 = arith.constant 0 : i32
      %dma_start3A_122 = arith.constant 0 : i32
      %dma_start3A_123 = tpu.memref_slice %arg6[%dma_start3A_107, %dma_start3A_121, %dma_start3A_122] : memref<4x128x64xf32, #tpu.memory_space<vmem>> -> memref<1x128x64xf32, #tpu.memory_space<vmem>>
      %dma_start3A_124 = tpu.memref_squeeze %dma_start3A_123 : memref<1x128x64xf32, #tpu.memory_space<vmem>> -> memref<128x64xf32, #tpu.memory_space<vmem>>
      tpu.enqueue_dma source(%dma_start3A_124 : memref<128x64xf32, #tpu.memory_space<vmem>>) target(%dma_start3A_120 : memref<128x64xf32, #tpu.memory_space<hbm>>) target_semaphore(%dma_start3A_117 : memref<!tpu.dma_semaphore, #tpu.memory_space<semaphore_mem>>)
      %mul3A_125 = arith.constant 4 : i32
      %mul3A_126 = arith.muli %mul3A_125, %scan3A_85 : i32
      %add3A_127 = arith.constant 1 : i32
      %add3A_128 = arith.addi %mul3A_126, %add3A_127 : i32
      %dma_wait3A_129 = arith.constant 0 : i32
      %dma_wait3A_130 = arith.constant 1 : i32
      %dma_wait3A_131 = arith.constant 1 : i32
      %dma_wait3A_132 = arith.constant 0 : i32
      %dma_wait3A_133 = arith.constant 0 : i32
      %dma_wait3A_134 = tpu.memref_slice %arg6[%dma_wait3A_130, %dma_wait3A_132, %dma_wait3A_133] : memref<4x128x64xf32, #tpu.memory_space<vmem>> -> memref<1x128x64xf32, #tpu.memory_space<vmem>>
      %dma_wait3A_135 = tpu.memref_squeeze %dma_wait3A_134 : memref<1x128x64xf32, #tpu.memory_space<vmem>> -> memref<128x64xf32, #tpu.memory_space<vmem>>
      %dma_wait3A_136 = arith.constant 0 : i32
      %dma_wait3A_137 = tpu.memref_slice %arg5[%dma_wait3A_129, %dma_wait3A_136] : memref<200x128xi32, #tpu.memory_space<vmem>> -> memref<1x128xi32, #tpu.memory_space<vmem>>
      %dma_wait3A_138 = tpu.memref_squeeze %dma_wait3A_137 : memref<1x128xi32, #tpu.memory_space<vmem>> -> memref<128xi32, #tpu.memory_space<vmem>>
      %dma_wait3A_139 = arith.constant 0 : i32
      %dma_wait3A_140 = arith.constant 0 : i32
      %dma_wait3A_141 = tpu.memref_slice %arg3[%dma_wait3A_139, %dma_wait3A_140] : memref<1000000x64xf32, #tpu.memory_space<hbm>> -> memref<1000000x64xf32, #tpu.memory_space<hbm>>
      %dma_wait3A_142 = tpu.memref_slice %arg7[%dma_wait3A_131] : memref<4x!tpu.dma_semaphore, #tpu.memory_space<semaphore_mem>> -> memref<1x!tpu.dma_semaphore, #tpu.memory_space<semaphore_mem>>
      %dma_wait3A_143 = tpu.memref_squeeze %dma_wait3A_142 : memref<1x!tpu.dma_semaphore, #tpu.memory_space<semaphore_mem>> -> memref<!tpu.dma_semaphore, #tpu.memory_space<semaphore_mem>>
      tpu.wait_indirect_dma semaphore(%dma_wait3A_143 : memref<!tpu.dma_semaphore, #tpu.memory_space<semaphore_mem>>) src(%dma_wait3A_141 : memref<1000000x64xf32, #tpu.memory_space<hbm>>) dst(%dma_wait3A_135 : memref<128x64xf32, #tpu.memory_space<vmem>>)
      %ge3A_144 = arith.constant 1 : i32
      %ge3A_145 = arith.cmpi sge, %add3A_128, %ge3A_144 : i32
      %convert_element_type3A_146 = arith.extui %ge3A_145 : i1 to i32
      %cond3A_147 = arith.constant 0 : i32
      %cond3A_148 = arith.cmpi ne, %convert_element_type3A_146, %cond3A_147 : i32
      scf.if %cond3A_148 {
        %dma_wait3A_251 = arith.constant 0 : i32
        %dma_wait3A_252 = arith.constant 0 : i32
        %dma_wait3A_253 = arith.constant 0 : i32
        %dma_wait3A_254 = arith.constant 0 : i32
        %dma_wait3A_255 = arith.constant 0 : i32
        %dma_wait3A_256 = tpu.memref_slice %arg6[%dma_wait3A_251, %dma_wait3A_254, %dma_wait3A_255] : memref<4x128x64xf32, #tpu.memory_space<vmem>> -> memref<1x128x64xf32, #tpu.memory_space<vmem>>
        %dma_wait3A_257 = tpu.memref_squeeze %dma_wait3A_256 : memref<1x128x64xf32, #tpu.memory_space<vmem>> -> memref<128x64xf32, #tpu.memory_space<vmem>>
        %dma_wait3A_258 = arith.constant 0 : i32
        %dma_wait3A_259 = tpu.memref_slice %arg4[%dma_wait3A_252, %mul3A_2, %dma_wait3A_258] : memref<200x4096x64xf32, #tpu.memory_space<hbm>> -> memref<1x128x64xf32, #tpu.memory_space<hbm>>
        %dma_wait3A_260 = tpu.memref_squeeze %dma_wait3A_259 : memref<1x128x64xf32, #tpu.memory_space<hbm>> -> memref<128x64xf32, #tpu.memory_space<hbm>>
        %dma_wait3A_261 = tpu.memref_slice %arg8[%dma_wait3A_253] : memref<4x!tpu.dma_semaphore, #tpu.memory_space<semaphore_mem>> -> memref<1x!tpu.dma_semaphore, #tpu.memory_space<semaphore_mem>>
        %dma_wait3A_262 = tpu.memref_squeeze %dma_wait3A_261 : memref<1x!tpu.dma_semaphore, #tpu.memory_space<semaphore_mem>> -> memref<!tpu.dma_semaphore, #tpu.memory_space<semaphore_mem>>
        %dma_wait3A_263 = arith.constant 0 : i32
        %dma_wait3A_264 = tpu.memref_slice %arg4[%dma_wait3A_252, %mul3A_2, %dma_wait3A_263] : memref<200x4096x64xf32, #tpu.memory_space<hbm>> -> memref<1x128x64xf32, #tpu.memory_space<hbm>>
        %dma_wait3A_265 = tpu.memref_squeeze %dma_wait3A_264 : memref<1x128x64xf32, #tpu.memory_space<hbm>> -> memref<128x64xf32, #tpu.memory_space<hbm>>
        %dma_wait3A_266 = arith.constant 0 : i32
        %dma_wait3A_267 = arith.constant 0 : i32
        %dma_wait3A_268 = tpu.memref_slice %arg6[%dma_wait3A_251, %dma_wait3A_266, %dma_wait3A_267] : memref<4x128x64xf32, #tpu.memory_space<vmem>> -> memref<1x128x64xf32, #tpu.memory_space<vmem>>
        %dma_wait3A_269 = tpu.memref_squeeze %dma_wait3A_268 : memref<1x128x64xf32, #tpu.memory_space<vmem>> -> memref<128x64xf32, #tpu.memory_space<vmem>>
        tpu.wait_dma2 semaphore(%dma_wait3A_262 : memref<!tpu.dma_semaphore, #tpu.memory_space<semaphore_mem>>) src(%dma_wait3A_269 : memref<128x64xf32, #tpu.memory_space<vmem>>) dst(%dma_wait3A_265 : memref<128x64xf32, #tpu.memory_space<hbm>>)
        %add3A_270 = arith.constant 4 : i32
        %add3A_271 = arith.addi %add3A_128, %add3A_270 : i32
        %sub3A = arith.constant 1 : i32
        %sub3A_272 = arith.subi %add3A_271, %sub3A : i32
        %lt3A = arith.constant 200 : i32
        %lt3A_273 = arith.cmpi slt, %sub3A_272, %lt3A : i32
        %convert_element_type3A_274 = arith.extui %lt3A_273 : i1 to i32
        %cond3A_275 = arith.constant 0 : i32
        %cond3A_276 = arith.cmpi ne, %convert_element_type3A_274, %cond3A_275 : i32
        scf.if %cond3A_276 {
          %add3A_277 = arith.constant 4 : i32
          %add3A_278 = arith.addi %add3A_128, %add3A_277 : i32
          %sub3A_279 = arith.constant 1 : i32
          %sub3A_280 = arith.subi %add3A_278, %sub3A_279 : i32
          %dma_start3A_281 = arith.constant 0 : i32
          %dma_start3A_282 = arith.constant 0 : i32
          %dma_start3A_283 = arith.constant 0 : i32
          %dma_start3A_284 = arith.constant 0 : i32
          %dma_start3A_285 = tpu.memref_slice %arg6[%dma_start3A_281, %dma_start3A_283, %dma_start3A_284] : memref<4x128x64xf32, #tpu.memory_space<vmem>> -> memref<1x128x64xf32, #tpu.memory_space<vmem>>
          %dma_start3A_286 = tpu.memref_squeeze %dma_start3A_285 : memref<1x128x64xf32, #tpu.memory_space<vmem>> -> memref<128x64xf32, #tpu.memory_space<vmem>>
          %dma_start3A_287 = arith.constant 0 : i32
          %dma_start3A_288 = tpu.memref_slice %arg5[%sub3A_280, %dma_start3A_287] : memref<200x128xi32, #tpu.memory_space<vmem>> -> memref<1x128xi32, #tpu.memory_space<vmem>>
          %dma_start3A_289 = tpu.memref_squeeze %dma_start3A_288 : memref<1x128xi32, #tpu.memory_space<vmem>> -> memref<128xi32, #tpu.memory_space<vmem>>
          %dma_start3A_290 = arith.constant 0 : i32
          %dma_start3A_291 = arith.constant 0 : i32
          %dma_start3A_292 = tpu.memref_slice %arg3[%dma_start3A_290, %dma_start3A_291] : memref<1000000x64xf32, #tpu.memory_space<hbm>> -> memref<1000000x64xf32, #tpu.memory_space<hbm>>
          %dma_start3A_293 = tpu.memref_slice %arg7[%dma_start3A_282] : memref<4x!tpu.dma_semaphore, #tpu.memory_space<semaphore_mem>> -> memref<1x!tpu.dma_semaphore, #tpu.memory_space<semaphore_mem>>
          %dma_start3A_294 = tpu.memref_squeeze %dma_start3A_293 : memref<1x!tpu.dma_semaphore, #tpu.memory_space<semaphore_mem>> -> memref<!tpu.dma_semaphore, #tpu.memory_space<semaphore_mem>>
          tpu.enqueue_indirect_dma source(%dma_start3A_292 : memref<1000000x64xf32, #tpu.memory_space<hbm>>) target(%dma_start3A_286 : memref<128x64xf32, #tpu.memory_space<vmem>>) offsets(%dma_start3A_289 : memref<128xi32, #tpu.memory_space<vmem>>) semaphore(%dma_start3A_294 : memref<!tpu.dma_semaphore, #tpu.memory_space<semaphore_mem>>)
        } else {
        }
      } else {
      }
      %dma_start3A_149 = arith.constant 1 : i32
      %dma_start3A_150 = arith.constant 1 : i32
      %dma_start3A_151 = arith.constant 0 : i32
      %dma_start3A_152 = arith.constant 0 : i32
      %dma_start3A_153 = tpu.memref_slice %arg6[%dma_start3A_149, %dma_start3A_151, %dma_start3A_152] : memref<4x128x64xf32, #tpu.memory_space<vmem>> -> memref<1x128x64xf32, #tpu.memory_space<vmem>>
      %dma_start3A_154 = tpu.memref_squeeze %dma_start3A_153 : memref<1x128x64xf32, #tpu.memory_space<vmem>> -> memref<128x64xf32, #tpu.memory_space<vmem>>
      %dma_start3A_155 = arith.constant 0 : i32
      %dma_start3A_156 = tpu.memref_slice %arg4[%add3A_128, %mul3A_2, %dma_start3A_155] : memref<200x4096x64xf32, #tpu.memory_space<hbm>> -> memref<1x128x64xf32, #tpu.memory_space<hbm>>
      %dma_start3A_157 = tpu.memref_squeeze %dma_start3A_156 : memref<1x128x64xf32, #tpu.memory_space<hbm>> -> memref<128x64xf32, #tpu.memory_space<hbm>>
      %dma_start3A_158 = tpu.memref_slice %arg8[%dma_start3A_150] : memref<4x!tpu.dma_semaphore, #tpu.memory_space<semaphore_mem>> -> memref<1x!tpu.dma_semaphore, #tpu.memory_space<semaphore_mem>>
      %dma_start3A_159 = tpu.memref_squeeze %dma_start3A_158 : memref<1x!tpu.dma_semaphore, #tpu.memory_space<semaphore_mem>> -> memref<!tpu.dma_semaphore, #tpu.memory_space<semaphore_mem>>
      %dma_start3A_160 = arith.constant 0 : i32
      %dma_start3A_161 = tpu.memref_slice %arg4[%add3A_128, %mul3A_2, %dma_start3A_160] : memref<200x4096x64xf32, #tpu.memory_space<hbm>> -> memref<1x128x64xf32, #tpu.memory_space<hbm>>
      %dma_start3A_162 = tpu.memref_squeeze %dma_start3A_161 : memref<1x128x64xf32, #tpu.memory_space<hbm>> -> memref<128x64xf32, #tpu.memory_space<hbm>>
      %dma_start3A_163 = arith.constant 0 : i32
      %dma_start3A_164 = arith.constant 0 : i32
      %dma_start3A_165 = tpu.memref_slice %arg6[%dma_start3A_149, %dma_start3A_163, %dma_start3A_164] : memref<4x128x64xf32, #tpu.memory_space<vmem>> -> memref<1x128x64xf32, #tpu.memory_space<vmem>>
      %dma_start3A_166 = tpu.memref_squeeze %dma_start3A_165 : memref<1x128x64xf32, #tpu.memory_space<vmem>> -> memref<128x64xf32, #tpu.memory_space<vmem>>
      tpu.enqueue_dma source(%dma_start3A_166 : memref<128x64xf32, #tpu.memory_space<vmem>>) target(%dma_start3A_162 : memref<128x64xf32, #tpu.memory_space<hbm>>) target_semaphore(%dma_start3A_159 : memref<!tpu.dma_semaphore, #tpu.memory_space<semaphore_mem>>)
      %mul3A_167 = arith.constant 4 : i32
      %mul3A_168 = arith.muli %mul3A_167, %scan3A_85 : i32
      %add3A_169 = arith.constant 2 : i32
      %add3A_170 = arith.addi %mul3A_168, %add3A_169 : i32
      %dma_wait3A_171 = arith.constant 0 : i32
      %dma_wait3A_172 = arith.constant 2 : i32
      %dma_wait3A_173 = arith.constant 2 : i32
      %dma_wait3A_174 = arith.constant 0 : i32
      %dma_wait3A_175 = arith.constant 0 : i32
      %dma_wait3A_176 = tpu.memref_slice %arg6[%dma_wait3A_172, %dma_wait3A_174, %dma_wait3A_175] : memref<4x128x64xf32, #tpu.memory_space<vmem>> -> memref<1x128x64xf32, #tpu.memory_space<vmem>>
      %dma_wait3A_177 = tpu.memref_squeeze %dma_wait3A_176 : memref<1x128x64xf32, #tpu.memory_space<vmem>> -> memref<128x64xf32, #tpu.memory_space<vmem>>
      %dma_wait3A_178 = arith.constant 0 : i32
      %dma_wait3A_179 = tpu.memref_slice %arg5[%dma_wait3A_171, %dma_wait3A_178] : memref<200x128xi32, #tpu.memory_space<vmem>> -> memref<1x128xi32, #tpu.memory_space<vmem>>
      %dma_wait3A_180 = tpu.memref_squeeze %dma_wait3A_179 : memref<1x128xi32, #tpu.memory_space<vmem>> -> memref<128xi32, #tpu.memory_space<vmem>>
      %dma_wait3A_181 = arith.constant 0 : i32
      %dma_wait3A_182 = arith.constant 0 : i32
      %dma_wait3A_183 = tpu.memref_slice %arg3[%dma_wait3A_181, %dma_wait3A_182] : memref<1000000x64xf32, #tpu.memory_space<hbm>> -> memref<1000000x64xf32, #tpu.memory_space<hbm>>
      %dma_wait3A_184 = tpu.memref_slice %arg7[%dma_wait3A_173] : memref<4x!tpu.dma_semaphore, #tpu.memory_space<semaphore_mem>> -> memref<1x!tpu.dma_semaphore, #tpu.memory_space<semaphore_mem>>
      %dma_wait3A_185 = tpu.memref_squeeze %dma_wait3A_184 : memref<1x!tpu.dma_semaphore, #tpu.memory_space<semaphore_mem>> -> memref<!tpu.dma_semaphore, #tpu.memory_space<semaphore_mem>>
      tpu.wait_indirect_dma semaphore(%dma_wait3A_185 : memref<!tpu.dma_semaphore, #tpu.memory_space<semaphore_mem>>) src(%dma_wait3A_183 : memref<1000000x64xf32, #tpu.memory_space<hbm>>) dst(%dma_wait3A_177 : memref<128x64xf32, #tpu.memory_space<vmem>>)
      %ge3A_186 = arith.constant 1 : i32
      %ge3A_187 = arith.cmpi sge, %add3A_170, %ge3A_186 : i32
      %convert_element_type3A_188 = arith.extui %ge3A_187 : i1 to i32
      %cond3A_189 = arith.constant 0 : i32
      %cond3A_190 = arith.cmpi ne, %convert_element_type3A_188, %cond3A_189 : i32
      scf.if %cond3A_190 {
        %dma_wait3A_251 = arith.constant 1 : i32
        %dma_wait3A_252 = arith.constant 0 : i32
        %dma_wait3A_253 = arith.constant 1 : i32
        %dma_wait3A_254 = arith.constant 0 : i32
        %dma_wait3A_255 = arith.constant 0 : i32
        %dma_wait3A_256 = tpu.memref_slice %arg6[%dma_wait3A_251, %dma_wait3A_254, %dma_wait3A_255] : memref<4x128x64xf32, #tpu.memory_space<vmem>> -> memref<1x128x64xf32, #tpu.memory_space<vmem>>
        %dma_wait3A_257 = tpu.memref_squeeze %dma_wait3A_256 : memref<1x128x64xf32, #tpu.memory_space<vmem>> -> memref<128x64xf32, #tpu.memory_space<vmem>>
        %dma_wait3A_258 = arith.constant 0 : i32
        %dma_wait3A_259 = tpu.memref_slice %arg4[%dma_wait3A_252, %mul3A_2, %dma_wait3A_258] : memref<200x4096x64xf32, #tpu.memory_space<hbm>> -> memref<1x128x64xf32, #tpu.memory_space<hbm>>
        %dma_wait3A_260 = tpu.memref_squeeze %dma_wait3A_259 : memref<1x128x64xf32, #tpu.memory_space<hbm>> -> memref<128x64xf32, #tpu.memory_space<hbm>>
        %dma_wait3A_261 = tpu.memref_slice %arg8[%dma_wait3A_253] : memref<4x!tpu.dma_semaphore, #tpu.memory_space<semaphore_mem>> -> memref<1x!tpu.dma_semaphore, #tpu.memory_space<semaphore_mem>>
        %dma_wait3A_262 = tpu.memref_squeeze %dma_wait3A_261 : memref<1x!tpu.dma_semaphore, #tpu.memory_space<semaphore_mem>> -> memref<!tpu.dma_semaphore, #tpu.memory_space<semaphore_mem>>
        %dma_wait3A_263 = arith.constant 0 : i32
        %dma_wait3A_264 = tpu.memref_slice %arg4[%dma_wait3A_252, %mul3A_2, %dma_wait3A_263] : memref<200x4096x64xf32, #tpu.memory_space<hbm>> -> memref<1x128x64xf32, #tpu.memory_space<hbm>>
        %dma_wait3A_265 = tpu.memref_squeeze %dma_wait3A_264 : memref<1x128x64xf32, #tpu.memory_space<hbm>> -> memref<128x64xf32, #tpu.memory_space<hbm>>
        %dma_wait3A_266 = arith.constant 0 : i32
        %dma_wait3A_267 = arith.constant 0 : i32
        %dma_wait3A_268 = tpu.memref_slice %arg6[%dma_wait3A_251, %dma_wait3A_266, %dma_wait3A_267] : memref<4x128x64xf32, #tpu.memory_space<vmem>> -> memref<1x128x64xf32, #tpu.memory_space<vmem>>
        %dma_wait3A_269 = tpu.memref_squeeze %dma_wait3A_268 : memref<1x128x64xf32, #tpu.memory_space<vmem>> -> memref<128x64xf32, #tpu.memory_space<vmem>>
        tpu.wait_dma2 semaphore(%dma_wait3A_262 : memref<!tpu.dma_semaphore, #tpu.memory_space<semaphore_mem>>) src(%dma_wait3A_269 : memref<128x64xf32, #tpu.memory_space<vmem>>) dst(%dma_wait3A_265 : memref<128x64xf32, #tpu.memory_space<hbm>>)
        %add3A_270 = arith.constant 4 : i32
        %add3A_271 = arith.addi %add3A_170, %add3A_270 : i32
        %sub3A = arith.constant 1 : i32
        %sub3A_272 = arith.subi %add3A_271, %sub3A : i32
        %lt3A = arith.constant 200 : i32
        %lt3A_273 = arith.cmpi slt, %sub3A_272, %lt3A : i32
        %convert_element_type3A_274 = arith.extui %lt3A_273 : i1 to i32
        %cond3A_275 = arith.constant 0 : i32
        %cond3A_276 = arith.cmpi ne, %convert_element_type3A_274, %cond3A_275 : i32
        scf.if %cond3A_276 {
          %add3A_277 = arith.constant 4 : i32
          %add3A_278 = arith.addi %add3A_170, %add3A_277 : i32
          %sub3A_279 = arith.constant 1 : i32
          %sub3A_280 = arith.subi %add3A_278, %sub3A_279 : i32
          %dma_start3A_281 = arith.constant 1 : i32
          %dma_start3A_282 = arith.constant 1 : i32
          %dma_start3A_283 = arith.constant 0 : i32
          %dma_start3A_284 = arith.constant 0 : i32
          %dma_start3A_285 = tpu.memref_slice %arg6[%dma_start3A_281, %dma_start3A_283, %dma_start3A_284] : memref<4x128x64xf32, #tpu.memory_space<vmem>> -> memref<1x128x64xf32, #tpu.memory_space<vmem>>
          %dma_start3A_286 = tpu.memref_squeeze %dma_start3A_285 : memref<1x128x64xf32, #tpu.memory_space<vmem>> -> memref<128x64xf32, #tpu.memory_space<vmem>>
          %dma_start3A_287 = arith.constant 0 : i32
          %dma_start3A_288 = tpu.memref_slice %arg5[%sub3A_280, %dma_start3A_287] : memref<200x128xi32, #tpu.memory_space<vmem>> -> memref<1x128xi32, #tpu.memory_space<vmem>>
          %dma_start3A_289 = tpu.memref_squeeze %dma_start3A_288 : memref<1x128xi32, #tpu.memory_space<vmem>> -> memref<128xi32, #tpu.memory_space<vmem>>
          %dma_start3A_290 = arith.constant 0 : i32
          %dma_start3A_291 = arith.constant 0 : i32
          %dma_start3A_292 = tpu.memref_slice %arg3[%dma_start3A_290, %dma_start3A_291] : memref<1000000x64xf32, #tpu.memory_space<hbm>> -> memref<1000000x64xf32, #tpu.memory_space<hbm>>
          %dma_start3A_293 = tpu.memref_slice %arg7[%dma_start3A_282] : memref<4x!tpu.dma_semaphore, #tpu.memory_space<semaphore_mem>> -> memref<1x!tpu.dma_semaphore, #tpu.memory_space<semaphore_mem>>
          %dma_start3A_294 = tpu.memref_squeeze %dma_start3A_293 : memref<1x!tpu.dma_semaphore, #tpu.memory_space<semaphore_mem>> -> memref<!tpu.dma_semaphore, #tpu.memory_space<semaphore_mem>>
          tpu.enqueue_indirect_dma source(%dma_start3A_292 : memref<1000000x64xf32, #tpu.memory_space<hbm>>) target(%dma_start3A_286 : memref<128x64xf32, #tpu.memory_space<vmem>>) offsets(%dma_start3A_289 : memref<128xi32, #tpu.memory_space<vmem>>) semaphore(%dma_start3A_294 : memref<!tpu.dma_semaphore, #tpu.memory_space<semaphore_mem>>)
        } else {
        }
      } else {
      }
      %dma_start3A_191 = arith.constant 2 : i32
      %dma_start3A_192 = arith.constant 2 : i32
      %dma_start3A_193 = arith.constant 0 : i32
      %dma_start3A_194 = arith.constant 0 : i32
      %dma_start3A_195 = tpu.memref_slice %arg6[%dma_start3A_191, %dma_start3A_193, %dma_start3A_194] : memref<4x128x64xf32, #tpu.memory_space<vmem>> -> memref<1x128x64xf32, #tpu.memory_space<vmem>>
      %dma_start3A_196 = tpu.memref_squeeze %dma_start3A_195 : memref<1x128x64xf32, #tpu.memory_space<vmem>> -> memref<128x64xf32, #tpu.memory_space<vmem>>
      %dma_start3A_197 = arith.constant 0 : i32
      %dma_start3A_198 = tpu.memref_slice %arg4[%add3A_170, %mul3A_2, %dma_start3A_197] : memref<200x4096x64xf32, #tpu.memory_space<hbm>> -> memref<1x128x64xf32, #tpu.memory_space<hbm>>
      %dma_start3A_199 = tpu.memref_squeeze %dma_start3A_198 : memref<1x128x64xf32, #tpu.memory_space<hbm>> -> memref<128x64xf32, #tpu.memory_space<hbm>>
      %dma_start3A_200 = tpu.memref_slice %arg8[%dma_start3A_192] : memref<4x!tpu.dma_semaphore, #tpu.memory_space<semaphore_mem>> -> memref<1x!tpu.dma_semaphore, #tpu.memory_space<semaphore_mem>>
      %dma_start3A_201 = tpu.memref_squeeze %dma_start3A_200 : memref<1x!tpu.dma_semaphore, #tpu.memory_space<semaphore_mem>> -> memref<!tpu.dma_semaphore, #tpu.memory_space<semaphore_mem>>
      %dma_start3A_202 = arith.constant 0 : i32
      %dma_start3A_203 = tpu.memref_slice %arg4[%add3A_170, %mul3A_2, %dma_start3A_202] : memref<200x4096x64xf32, #tpu.memory_space<hbm>> -> memref<1x128x64xf32, #tpu.memory_space<hbm>>
      %dma_start3A_204 = tpu.memref_squeeze %dma_start3A_203 : memref<1x128x64xf32, #tpu.memory_space<hbm>> -> memref<128x64xf32, #tpu.memory_space<hbm>>
      %dma_start3A_205 = arith.constant 0 : i32
      %dma_start3A_206 = arith.constant 0 : i32
      %dma_start3A_207 = tpu.memref_slice %arg6[%dma_start3A_191, %dma_start3A_205, %dma_start3A_206] : memref<4x128x64xf32, #tpu.memory_space<vmem>> -> memref<1x128x64xf32, #tpu.memory_space<vmem>>
      %dma_start3A_208 = tpu.memref_squeeze %dma_start3A_207 : memref<1x128x64xf32, #tpu.memory_space<vmem>> -> memref<128x64xf32, #tpu.memory_space<vmem>>
      tpu.enqueue_dma source(%dma_start3A_208 : memref<128x64xf32, #tpu.memory_space<vmem>>) target(%dma_start3A_204 : memref<128x64xf32, #tpu.memory_space<hbm>>) target_semaphore(%dma_start3A_201 : memref<!tpu.dma_semaphore, #tpu.memory_space<semaphore_mem>>)
      %mul3A_209 = arith.constant 4 : i32
      %mul3A_210 = arith.muli %mul3A_209, %scan3A_85 : i32
      %add3A_211 = arith.constant 3 : i32
      %add3A_212 = arith.addi %mul3A_210, %add3A_211 : i32
      %dma_wait3A_213 = arith.constant 0 : i32
      %dma_wait3A_214 = arith.constant 3 : i32
      %dma_wait3A_215 = arith.constant 3 : i32
      %dma_wait3A_216 = arith.constant 0 : i32
      %dma_wait3A_217 = arith.constant 0 : i32
      %dma_wait3A_218 = tpu.memref_slice %arg6[%dma_wait3A_214, %dma_wait3A_216, %dma_wait3A_217] : memref<4x128x64xf32, #tpu.memory_space<vmem>> -> memref<1x128x64xf32, #tpu.memory_space<vmem>>
      %dma_wait3A_219 = tpu.memref_squeeze %dma_wait3A_218 : memref<1x128x64xf32, #tpu.memory_space<vmem>> -> memref<128x64xf32, #tpu.memory_space<vmem>>
      %dma_wait3A_220 = arith.constant 0 : i32
      %dma_wait3A_221 = tpu.memref_slice %arg5[%dma_wait3A_213, %dma_wait3A_220] : memref<200x128xi32, #tpu.memory_space<vmem>> -> memref<1x128xi32, #tpu.memory_space<vmem>>
      %dma_wait3A_222 = tpu.memref_squeeze %dma_wait3A_221 : memref<1x128xi32, #tpu.memory_space<vmem>> -> memref<128xi32, #tpu.memory_space<vmem>>
      %dma_wait3A_223 = arith.constant 0 : i32
      %dma_wait3A_224 = arith.constant 0 : i32
      %dma_wait3A_225 = tpu.memref_slice %arg3[%dma_wait3A_223, %dma_wait3A_224] : memref<1000000x64xf32, #tpu.memory_space<hbm>> -> memref<1000000x64xf32, #tpu.memory_space<hbm>>
      %dma_wait3A_226 = tpu.memref_slice %arg7[%dma_wait3A_215] : memref<4x!tpu.dma_semaphore, #tpu.memory_space<semaphore_mem>> -> memref<1x!tpu.dma_semaphore, #tpu.memory_space<semaphore_mem>>
      %dma_wait3A_227 = tpu.memref_squeeze %dma_wait3A_226 : memref<1x!tpu.dma_semaphore, #tpu.memory_space<semaphore_mem>> -> memref<!tpu.dma_semaphore, #tpu.memory_space<semaphore_mem>>
      tpu.wait_indirect_dma semaphore(%dma_wait3A_227 : memref<!tpu.dma_semaphore, #tpu.memory_space<semaphore_mem>>) src(%dma_wait3A_225 : memref<1000000x64xf32, #tpu.memory_space<hbm>>) dst(%dma_wait3A_219 : memref<128x64xf32, #tpu.memory_space<vmem>>)
      %ge3A_228 = arith.constant 1 : i32
      %ge3A_229 = arith.cmpi sge, %add3A_212, %ge3A_228 : i32
      %convert_element_type3A_230 = arith.extui %ge3A_229 : i1 to i32
      %cond3A_231 = arith.constant 0 : i32
      %cond3A_232 = arith.cmpi ne, %convert_element_type3A_230, %cond3A_231 : i32
      scf.if %cond3A_232 {
        %dma_wait3A_251 = arith.constant 2 : i32
        %dma_wait3A_252 = arith.constant 0 : i32
        %dma_wait3A_253 = arith.constant 2 : i32
        %dma_wait3A_254 = arith.constant 0 : i32
        %dma_wait3A_255 = arith.constant 0 : i32
        %dma_wait3A_256 = tpu.memref_slice %arg6[%dma_wait3A_251, %dma_wait3A_254, %dma_wait3A_255] : memref<4x128x64xf32, #tpu.memory_space<vmem>> -> memref<1x128x64xf32, #tpu.memory_space<vmem>>
        %dma_wait3A_257 = tpu.memref_squeeze %dma_wait3A_256 : memref<1x128x64xf32, #tpu.memory_space<vmem>> -> memref<128x64xf32, #tpu.memory_space<vmem>>
        %dma_wait3A_258 = arith.constant 0 : i32
        %dma_wait3A_259 = tpu.memref_slice %arg4[%dma_wait3A_252, %mul3A_2, %dma_wait3A_258] : memref<200x4096x64xf32, #tpu.memory_space<hbm>> -> memref<1x128x64xf32, #tpu.memory_space<hbm>>
        %dma_wait3A_260 = tpu.memref_squeeze %dma_wait3A_259 : memref<1x128x64xf32, #tpu.memory_space<hbm>> -> memref<128x64xf32, #tpu.memory_space<hbm>>
        %dma_wait3A_261 = tpu.memref_slice %arg8[%dma_wait3A_253] : memref<4x!tpu.dma_semaphore, #tpu.memory_space<semaphore_mem>> -> memref<1x!tpu.dma_semaphore, #tpu.memory_space<semaphore_mem>>
        %dma_wait3A_262 = tpu.memref_squeeze %dma_wait3A_261 : memref<1x!tpu.dma_semaphore, #tpu.memory_space<semaphore_mem>> -> memref<!tpu.dma_semaphore, #tpu.memory_space<semaphore_mem>>
        %dma_wait3A_263 = arith.constant 0 : i32
        %dma_wait3A_264 = tpu.memref_slice %arg4[%dma_wait3A_252, %mul3A_2, %dma_wait3A_263] : memref<200x4096x64xf32, #tpu.memory_space<hbm>> -> memref<1x128x64xf32, #tpu.memory_space<hbm>>
        %dma_wait3A_265 = tpu.memref_squeeze %dma_wait3A_264 : memref<1x128x64xf32, #tpu.memory_space<hbm>> -> memref<128x64xf32, #tpu.memory_space<hbm>>
        %dma_wait3A_266 = arith.constant 0 : i32
        %dma_wait3A_267 = arith.constant 0 : i32
        %dma_wait3A_268 = tpu.memref_slice %arg6[%dma_wait3A_251, %dma_wait3A_266, %dma_wait3A_267] : memref<4x128x64xf32, #tpu.memory_space<vmem>> -> memref<1x128x64xf32, #tpu.memory_space<vmem>>
        %dma_wait3A_269 = tpu.memref_squeeze %dma_wait3A_268 : memref<1x128x64xf32, #tpu.memory_space<vmem>> -> memref<128x64xf32, #tpu.memory_space<vmem>>
        tpu.wait_dma2 semaphore(%dma_wait3A_262 : memref<!tpu.dma_semaphore, #tpu.memory_space<semaphore_mem>>) src(%dma_wait3A_269 : memref<128x64xf32, #tpu.memory_space<vmem>>) dst(%dma_wait3A_265 : memref<128x64xf32, #tpu.memory_space<hbm>>)
        %add3A_270 = arith.constant 4 : i32
        %add3A_271 = arith.addi %add3A_212, %add3A_270 : i32
        %sub3A = arith.constant 1 : i32
        %sub3A_272 = arith.subi %add3A_271, %sub3A : i32
        %lt3A = arith.constant 200 : i32
        %lt3A_273 = arith.cmpi slt, %sub3A_272, %lt3A : i32
        %convert_element_type3A_274 = arith.extui %lt3A_273 : i1 to i32
        %cond3A_275 = arith.constant 0 : i32
        %cond3A_276 = arith.cmpi ne, %convert_element_type3A_274, %cond3A_275 : i32
        scf.if %cond3A_276 {
          %add3A_277 = arith.constant 4 : i32
          %add3A_278 = arith.addi %add3A_212, %add3A_277 : i32
          %sub3A_279 = arith.constant 1 : i32
          %sub3A_280 = arith.subi %add3A_278, %sub3A_279 : i32
          %dma_start3A_281 = arith.constant 2 : i32
          %dma_start3A_282 = arith.constant 2 : i32
          %dma_start3A_283 = arith.constant 0 : i32
          %dma_start3A_284 = arith.constant 0 : i32
          %dma_start3A_285 = tpu.memref_slice %arg6[%dma_start3A_281, %dma_start3A_283, %dma_start3A_284] : memref<4x128x64xf32, #tpu.memory_space<vmem>> -> memref<1x128x64xf32, #tpu.memory_space<vmem>>
          %dma_start3A_286 = tpu.memref_squeeze %dma_start3A_285 : memref<1x128x64xf32, #tpu.memory_space<vmem>> -> memref<128x64xf32, #tpu.memory_space<vmem>>
          %dma_start3A_287 = arith.constant 0 : i32
          %dma_start3A_288 = tpu.memref_slice %arg5[%sub3A_280, %dma_start3A_287] : memref<200x128xi32, #tpu.memory_space<vmem>> -> memref<1x128xi32, #tpu.memory_space<vmem>>
          %dma_start3A_289 = tpu.memref_squeeze %dma_start3A_288 : memref<1x128xi32, #tpu.memory_space<vmem>> -> memref<128xi32, #tpu.memory_space<vmem>>
          %dma_start3A_290 = arith.constant 0 : i32
          %dma_start3A_291 = arith.constant 0 : i32
          %dma_start3A_292 = tpu.memref_slice %arg3[%dma_start3A_290, %dma_start3A_291] : memref<1000000x64xf32, #tpu.memory_space<hbm>> -> memref<1000000x64xf32, #tpu.memory_space<hbm>>
          %dma_start3A_293 = tpu.memref_slice %arg7[%dma_start3A_282] : memref<4x!tpu.dma_semaphore, #tpu.memory_space<semaphore_mem>> -> memref<1x!tpu.dma_semaphore, #tpu.memory_space<semaphore_mem>>
          %dma_start3A_294 = tpu.memref_squeeze %dma_start3A_293 : memref<1x!tpu.dma_semaphore, #tpu.memory_space<semaphore_mem>> -> memref<!tpu.dma_semaphore, #tpu.memory_space<semaphore_mem>>
          tpu.enqueue_indirect_dma source(%dma_start3A_292 : memref<1000000x64xf32, #tpu.memory_space<hbm>>) target(%dma_start3A_286 : memref<128x64xf32, #tpu.memory_space<vmem>>) offsets(%dma_start3A_289 : memref<128xi32, #tpu.memory_space<vmem>>) semaphore(%dma_start3A_294 : memref<!tpu.dma_semaphore, #tpu.memory_space<semaphore_mem>>)
        } else {
        }
      } else {
      }
      %dma_start3A_233 = arith.constant 3 : i32
      %dma_start3A_234 = arith.constant 3 : i32
      %dma_start3A_235 = arith.constant 0 : i32
      %dma_start3A_236 = arith.constant 0 : i32
      %dma_start3A_237 = tpu.memref_slice %arg6[%dma_start3A_233, %dma_start3A_235, %dma_start3A_236] : memref<4x128x64xf32, #tpu.memory_space<vmem>> -> memref<1x128x64xf32, #tpu.memory_space<vmem>>
      %dma_start3A_238 = tpu.memref_squeeze %dma_start3A_237 : memref<1x128x64xf32, #tpu.memory_space<vmem>> -> memref<128x64xf32, #tpu.memory_space<vmem>>
      %dma_start3A_239 = arith.constant 0 : i32
      %dma_start3A_240 = tpu.memref_slice %arg4[%add3A_212, %mul3A_2, %dma_start3A_239] : memref<200x4096x64xf32, #tpu.memory_space<hbm>> -> memref<1x128x64xf32, #tpu.memory_space<hbm>>
      %dma_start3A_241 = tpu.memref_squeeze %dma_start3A_240 : memref<1x128x64xf32, #tpu.memory_space<hbm>> -> memref<128x64xf32, #tpu.memory_space<hbm>>
      %dma_start3A_242 = tpu.memref_slice %arg8[%dma_start3A_234] : memref<4x!tpu.dma_semaphore, #tpu.memory_space<semaphore_mem>> -> memref<1x!tpu.dma_semaphore, #tpu.memory_space<semaphore_mem>>
      %dma_start3A_243 = tpu.memref_squeeze %dma_start3A_242 : memref<1x!tpu.dma_semaphore, #tpu.memory_space<semaphore_mem>> -> memref<!tpu.dma_semaphore, #tpu.memory_space<semaphore_mem>>
      %dma_start3A_244 = arith.constant 0 : i32
      %dma_start3A_245 = tpu.memref_slice %arg4[%add3A_212, %mul3A_2, %dma_start3A_244] : memref<200x4096x64xf32, #tpu.memory_space<hbm>> -> memref<1x128x64xf32, #tpu.memory_space<hbm>>
      %dma_start3A_246 = tpu.memref_squeeze %dma_start3A_245 : memref<1x128x64xf32, #tpu.memory_space<hbm>> -> memref<128x64xf32, #tpu.memory_space<hbm>>
      %dma_start3A_247 = arith.constant 0 : i32
      %dma_start3A_248 = arith.constant 0 : i32
      %dma_start3A_249 = tpu.memref_slice %arg6[%dma_start3A_233, %dma_start3A_247, %dma_start3A_248] : memref<4x128x64xf32, #tpu.memory_space<vmem>> -> memref<1x128x64xf32, #tpu.memory_space<vmem>>
      %dma_start3A_250 = tpu.memref_squeeze %dma_start3A_249 : memref<1x128x64xf32, #tpu.memory_space<vmem>> -> memref<128x64xf32, #tpu.memory_space<vmem>>
      tpu.enqueue_dma source(%dma_start3A_250 : memref<128x64xf32, #tpu.memory_space<vmem>>) target(%dma_start3A_246 : memref<128x64xf32, #tpu.memory_space<hbm>>) target_semaphore(%dma_start3A_243 : memref<!tpu.dma_semaphore, #tpu.memory_space<semaphore_mem>>)
    }
    %scan3A_66 = arith.constant 50 : i32
    %dma_wait3A = arith.constant 3 : i32
    %dma_wait3A_67 = arith.constant 0 : i32
    %dma_wait3A_68 = arith.constant 3 : i32
    %dma_wait3A_69 = arith.constant 0 : i32
    %dma_wait3A_70 = arith.constant 0 : i32
    %dma_wait3A_71 = tpu.memref_slice %arg6[%dma_wait3A, %dma_wait3A_69, %dma_wait3A_70] : memref<4x128x64xf32, #tpu.memory_space<vmem>> -> memref<1x128x64xf32, #tpu.memory_space<vmem>>
    %dma_wait3A_72 = tpu.memref_squeeze %dma_wait3A_71 : memref<1x128x64xf32, #tpu.memory_space<vmem>> -> memref<128x64xf32, #tpu.memory_space<vmem>>
    %dma_wait3A_73 = arith.constant 0 : i32
    %dma_wait3A_74 = tpu.memref_slice %arg4[%dma_wait3A_67, %mul3A_2, %dma_wait3A_73] : memref<200x4096x64xf32, #tpu.memory_space<hbm>> -> memref<1x128x64xf32, #tpu.memory_space<hbm>>
    %dma_wait3A_75 = tpu.memref_squeeze %dma_wait3A_74 : memref<1x128x64xf32, #tpu.memory_space<hbm>> -> memref<128x64xf32, #tpu.memory_space<hbm>>
    %dma_wait3A_76 = tpu.memref_slice %arg8[%dma_wait3A_68] : memref<4x!tpu.dma_semaphore, #tpu.memory_space<semaphore_mem>> -> memref<1x!tpu.dma_semaphore, #tpu.memory_space<semaphore_mem>>
    %dma_wait3A_77 = tpu.memref_squeeze %dma_wait3A_76 : memref<1x!tpu.dma_semaphore, #tpu.memory_space<semaphore_mem>> -> memref<!tpu.dma_semaphore, #tpu.memory_space<semaphore_mem>>
    %dma_wait3A_78 = arith.constant 0 : i32
    %dma_wait3A_79 = tpu.memref_slice %arg4[%dma_wait3A_67, %mul3A_2, %dma_wait3A_78] : memref<200x4096x64xf32, #tpu.memory_space<hbm>> -> memref<1x128x64xf32, #tpu.memory_space<hbm>>
    %dma_wait3A_80 = tpu.memref_squeeze %dma_wait3A_79 : memref<1x128x64xf32, #tpu.memory_space<hbm>> -> memref<128x64xf32, #tpu.memory_space<hbm>>
    %dma_wait3A_81 = arith.constant 0 : i32
    %dma_wait3A_82 = arith.constant 0 : i32
    %dma_wait3A_83 = tpu.memref_slice %arg6[%dma_wait3A, %dma_wait3A_81, %dma_wait3A_82] : memref<4x128x64xf32, #tpu.memory_space<vmem>> -> memref<1x128x64xf32, #tpu.memory_space<vmem>>
    %dma_wait3A_84 = tpu.memref_squeeze %dma_wait3A_83 : memref<1x128x64xf32, #tpu.memory_space<vmem>> -> memref<128x64xf32, #tpu.memory_space<vmem>>
    tpu.wait_dma2 semaphore(%dma_wait3A_77 : memref<!tpu.dma_semaphore, #tpu.memory_space<semaphore_mem>>) src(%dma_wait3A_84 : memref<128x64xf32, #tpu.memory_space<vmem>>) dst(%dma_wait3A_80 : memref<128x64xf32, #tpu.memory_space<hbm>>)
    return
  }
}

</mosaic_0001>

<sc_bundles>
// kernel: _embed.4.cloned.1.call-start
scs
__scs_entry_jumppad:
0x0: {  	(pc) =	sbr.rel $0x88, $3  }
0x1: {  	(tag) =	ssettag $0x0;
	lr =	simm.s32 $0x1  }
0x2: {  	[smem:$0x3F9E] =	sst lr;
	_ =	strace $0xD0000000  }
0x3: {  	_ = 	snop  }
0x4: {  	_ = 	snop  }
0x5: {  	_ = 	snop  }
0x6: {  	_ = 	snop  }
0x7: {  	_ = 	snop  }
__scs_overlays_trampoline_lowered:
0x8: {  	[smem:$0x3FAD] =	sst s0  }
0x9: {  	[smem:$0x3FAE] =	sst s1  }
0xa: {  	[smem:$0x3FAF] =	sst s2  }
0xb: {  	[smem:$0x3FB0] =	sst s3  }
0xc: {  	[smem:$0x3FB1] =	sst s4  }
0xd: {  	[smem:$0x3FB2] =	sst s5  }
0xe: {  	[smem:$0x3FB3] =	sst s6  }
0xf: {  	[smem:$0x3FB4] =	sst s7  }
0x10: {  	[smem:$0x3FB5] =	sst s8  }
0x11: {  	[smem:$0x3FB6] =	sst s9;
	s0 =	simm.s32 @!p0 $0x0  }
0x12: {  	s1 =	sld [smem:$0x3F9C];
	s0 =	simm.s32 @p0 $0x1  }
0x13: {  	[smem:$0x3FB7] =	sst s0;
	s0 =	simm.s32 @!p1 $0x0  }
0x14: {  	s2 =	sld [smem:$0x3F9B];
	s0 =	simm.s32 @p1 $0x1  }
0x15: {  	[smem:$0x3FB8] =	sst s0;
	s0 =	simm.s32 @!p2 $0x0  }
0x16: {  	s3 =	sld [smem:$0x3FDB];
	s0 =	simm.s32 @p2 $0x1  }
0x17: {  	s4 =	simm.s32 $0x1BF5;
	[smem:$0x3FBA] =	sst s0  }
0x18: {  	s0 =	sld [smem:$0x3F9D];
	_ =	swait.ge [sflag:s4], $0x0  }
0x19: {  	s7 =	sld [smem:$0x3F9E]  }
0x1a: {  	s8 =	sadd.s32 $0xFFFFE003, lr  }
0x1b: {  	s9 =	sadd.s32 $0xFFFFFEF7, lr;
	s5 =	simm.s32 $0xFFFFFFFF;
	p2 =	slt.u32 s8, $0xFFFFF086  }
0x1c: {  	p1 =	slt.u32 s9, $0xF7A;
	s5 =	simm.s32 @!p2 $0x0  }
0x1d: {  	s5 =	simm.s32 @p1 $0x1;
	p0 =	seq.s32 s7, s2  }
0x1e: {  	s7 =	smul.u32 @!p0 $0xF7A, s2;
	p2 =	seq.s32 @!p0 s5, $0x0  }
0x1f: {  	s9 =	smul.u32 $0xF7A, s1;
	s8 =	simm.s32 @!p0 $0x1BF5;
	p2 =	por !p2, p0  }
0x20: {  	[sflag:s8] =	ssyncset.s32 @!p0 $0xFFFFF086;
	s6 =	sadd.s32 @!p0 s3, s7;
	s7 =	simm.s32 @!p0 $0x108  }
0x21: {  	s3 =	sadd.s32 s3, s9;
	s6 =	sadd.s32 @!p0 $0x88, s6;
	s7 =	simm.s32 @p2 $0x1082  }
0x22: {  	[simem:s7], [sflag:s8] =	dma.local @!p0 [hbm:s6], $0xF7A  }
0x23: {  	s9 =	sor.u32 $0xD0000000, s2;
	s6 =	simm.s32 $0x108;
	_ =	swait.ge @!p0 [sflag:s8], $0x0  }
0x24: {  	s3 =	sadd.s32 $0x88, s3;
	s6 =	simm.s32 @!p1 $0x1082;
	[sflag:s4] =	ssyncset.s32 $0xFFFFF086  }
0x25: {  	[simem:s6], [sflag:s4] =	dma.local [hbm:s3], $0xF7A  }
0x26: {  	[smem:$0x3F9E] =	sst s1;
	(tag) =	ssettag s2;
	_ =	strace s9  }
0x27: {  	s1 =	sld [smem:$0x3FAE]  }
0x28: {  	s2 =	sld [smem:$0x3FAF]  }
0x29: {  	s4 =	sld [smem:$0x3FB1]  }
0x2a: {  	p0 =	seq.s32 s5, $0x0;
	s5 =	sld [smem:$0x3FB2]  }
0x2b: {  	s6 =	sld [smem:$0x3FB3]  }
0x2c: {  	s7 =	sld [smem:$0x3FB4]  }
0x2d: {  	s3 =	simm.s32 $0x108;
	s8 =	sld [smem:$0x3FB5]  }
0x2e: {  	s3 =	simm.s32 @!p0 $0x1082;
	s9 =	sld [smem:$0x3FB6]  }
0x2f: {  	lr =	sadd.s32 s0, s3;
	s0 =	sld [smem:$0x3FAD]  }
0x30: {  	s3 =	sld [smem:$0x3FB0]  }
0x31: {  	[smem:$0x3FB9] =	sst s10  }
0x32: {  	s10 =	sld [smem:$0x3FB7];
	_ =	sdelay $0x3  }
0x33: {  	p0 =	seq.s32 s10, $0x1;
	s10 =	sld [smem:$0x3FB9];
	_ =	sdelay $0x3  }
0x34: {  	[smem:$0x3FB9] =	sst s10  }
0x35: {  	s10 =	sld [smem:$0x3FB8];
	_ =	sdelay $0x3  }
0x36: {  	p1 =	seq.s32 s10, $0x1;
	s10 =	sld [smem:$0x3FB9];
	_ =	sdelay $0x3  }
0x37: {  	[smem:$0x3FB9] =	sst s10  }
0x38: {  	s10 =	sld [smem:$0x3FBA]  }
0x39: {  	_ = 	snop;
	(pc) =	sbr.ind lr, $3  }
0x3a: {  	_ = 	snop  }
0x3b: {  	_ = 	snop  }
0x3c: {  	p2 =	seq.s32 s10, $0x1;
	s10 =	sld [smem:$0x3FB9]  }
0x3d: {  	_ =	shalt  }
0x3e: {  	_ =	shalt  }
0x3f: {  	_ =	shalt  }
0x40: {  	_ =	shalt  }
0x41: {  	_ =	shalt  }
0x42: {  	_ =	shalt  }
0x43: {  	_ =	shalt  }
0x44: {  	_ =	shalt  }
0x45: {  	_ =	shalt  }
0x46: {  	_ =	shalt  }
0x47: {  	_ =	shalt  }
0x48: {  	_ =	shalt  }
0x49: {  	_ =	shalt  }
0x4a: {  	_ =	shalt  }
0x4b: {  	_ =	shalt  }
0x4c: {  	_ =	shalt  }
0x4d: {  	_ =	shalt  }
0x4e: {  	_ =	shalt  }
0x4f: {  	_ =	shalt  }
0x50: {  	_ =	shalt  }
0x51: {  	_ =	shalt  }
0x52: {  	_ =	shalt  }
0x53: {  	_ =	shalt  }
0x54: {  	_ =	shalt  }
0x55: {  	_ =	shalt  }
0x56: {  	_ =	shalt  }
0x57: {  	_ =	shalt  }
0x58: {  	_ =	shalt  }
0x59: {  	_ =	shalt  }
0x5a: {  	_ =	shalt  }
0x5b: {  	_ =	shalt  }
0x5c: {  	_ =	shalt  }
0x5d: {  	_ =	shalt  }
0x5e: {  	_ =	shalt  }
0x5f: {  	_ =	shalt  }
0x60: {  	_ =	shalt  }
0x61: {  	_ =	shalt  }
0x62: {  	_ =	shalt  }
0x63: {  	_ =	shalt  }
0x64: {  	_ =	shalt  }
0x65: {  	_ =	shalt  }
0x66: {  	_ =	shalt  }
0x67: {  	_ =	shalt  }
0x68: {  	_ =	shalt  }
0x69: {  	_ =	shalt  }
0x6a: {  	_ =	shalt  }
0x6b: {  	_ =	shalt  }
0x6c: {  	_ =	shalt  }
0x6d: {  	_ =	shalt  }
0x6e: {  	_ =	shalt  }
0x6f: {  	_ =	shalt  }
0x70: {  	_ =	shalt  }
0x71: {  	_ =	shalt  }
0x72: {  	_ =	shalt  }
0x73: {  	_ =	shalt  }
0x74: {  	_ =	shalt  }
0x75: {  	_ =	shalt  }
0x76: {  	_ =	shalt  }
0x77: {  	_ =	shalt  }
0x78: {  	_ =	shalt  }
0x79: {  	_ =	shalt  }
0x7a: {  	_ =	shalt  }
0x7b: {  	_ =	shalt  }
0x7c: {  	_ =	shalt  }
0x7d: {  	_ =	shalt  }
0x7e: {  	_ =	shalt  }
0x7f: {  	_ =	shalt  }
0x80: {  	_ =	shalt  }
0x81: {  	_ =	shalt  }
0x82: {  	_ =	shalt  }
0x83: {  	_ =	shalt  }
0x84: {  	_ =	shalt  }
0x85: {  	_ =	shalt  }
0x86: {  	_ =	shalt  }
0x87: {  	_ =	shalt  }
.Lfunc_end0:
.L_simem_size_0:
called_computation.1_lowered:
.L_overlay_start_0:
0x88: {  	s2 =	sld [smem:$0x3FD9]  }
0x89: {  	s3 =	sld [smem:$0x3FFE];
	_ =	sdelay $0x1  }
0x8a: {  	s1 =	srdreg.scid  }
0x8b: {  	s0 =	sand.u32 $0x1, s1  }
0x8c: {  	s17 =	sshll.u32 s0, $0xA;
	s2 =	sadd.s32 s3, s2  }
0x8d: {  	s2 =	sadd.s32 s2, s17  }
0x8e: {  	[smem:$0x3FC5] =	sst s2  }
0x8f: {  	_ = 	snop  }
0x90: {  	s2 =	sld [smem:$0x3FC8]  }
0x91: {  	s18 =	sld [smem:$0x3FC7];
	(tm) =	ssettm $0x1  }
0x92: {  	s4 =	sld [smem:$0x3FFB];
	_ =	sdelay $0x3  }
0x93: {  	_ =	strace s4  }
0x94: {  	s4 =	sld [smem:$0x3FFC];
	_ =	sdelay $0x3  }
0x95: {  	_ =	strace s4  }
0x96: {  	s4 =	sld [smem:$0x3FFD];
	_ =	sdelay $0x3  }
0x97: {  	_ =	strace s4  }
0x98: {  	_ =	strace $0x8FFFFFFF  }
0x99: {  	s19 =	sld [smem:$0x3FDB];
	_ =	sdelay $0x1  }
0x9a: {  	s5 =	simm.s32 $_scs_section_size  }
0x9b: {  	s6 =	simm.s32 $_size__tile_overlayer_lowered;
	s7 =	simm.s32 $_tile_overlayer_lowered  }
0x9c: {  	s22 =	simm.s32 $0x1BFF;
	s21 =	sshll.u32 s7, $0x1;
	s4 =	sadd.s32 s5, s19  }
0x9d: {  	s8 =	simm.s32 $0x0;
	s20 =	sshll.u32 s6, $0x1;
	s6 =	sadd.s32 s21, s4  }
0x9e: {  	[timem:s8], [sflag:s22] =	dma.local [hbm:s6], s20  }
0x9f: {  	_ =	swait.ge [sflag:s22], s20  }
0xa0: {  	s5 =	ssub.s32 $0x0, s20;
	[sflag:s22] =	ssyncset.done $0x0  }
0xa1: {  	[sflag:s22] =	ssyncadd.s32 s5;
	_ =	sdelay $0x1  }
0xa2: {  	s23 =	simm.s32 $0x1B8B  }
0xa3: {  	_ =	swait.ge [sflag:s23], $0x1  }
0xa4: {  	[sflag:s23] =	ssyncset.done $0x0  }
0xa5: {  	s25 =	simm.s32 $0x1B8E;
	s24 =	sld [smem:$0x3FFE];
	[sflag:s23] =	ssyncadd.s32 $0xFFFFFFFF  }
0xa6: {  	s26 =	simm.s32 $execute0_lowered;
	[smem:$0x3FD2] =	sst s25  }
0xa7: {  	s6 =	sshll.u32 s26, $0x1;
	_ =	strace $0x80000046;
	[dreg:$0x1] =	wrdreg $0xFFFFFFFF  }
0xa8: {  	s28 =	simm.s32 $_size_execute0_lowered;
	s4 =	sadd.s32 s4, s6;
	[dreg:$0x0] =	wrdreg $0x0  }
0xa9: {  	s6 =	sshll.u32 s28, $0x1;
	[dreg:$0x2] =	wrdreg s4  }
0xaa: {  	[dreg:$0x3] =	wrdreg s6  }
0xab: {  	[dreg:$0x4] =	wrdreg $0xC0  }
0xac: {  	_ =	task [dreg:s8], $0x5FFFF  }
0xad: {  	[dreg:$0x1] =	wrdreg $0xFFFFFFFF  }
0xae: {  	[dreg:$0x0] =	wrdreg $0x60  }
0xaf: {  	[dreg:$0x2] =	wrdreg s2  }
0xb0: {  	[dreg:$0x3] =	wrdreg s18  }
0xb1: {  	[dreg:$0x4] =	wrdreg s24  }
0xb2: {  	[dreg:$0x5] =	wrdreg $0x9  }
0xb3: {  	_ =	task.clear_ibuf [dreg:s8], $0x6FFFF;
	_ =	strace $0x90000046  }
0xb4: {  	s29 =	simm.s32 $0x9;
	_ =	strace $0x80000048  }
0xb5: {  	_ =	swait.ge [sflag:s29], $0x1  }
0xb6: {  	[sflag:s29] =	ssyncadd.s32 $0xFFFFFFFF  }
0xb7: {  	_ =	strace $0x90000048  }
0xb8: {  	_ =	sfence  }
0xb9: {  	s30 =	sld [smem:$0x0];
	_ =	sdelay $0x2  }
0xba: {  	s31 =	sshll.u32 s1, $0xD;
	s1 =	sshrl.u32 s1, $0x2  }
0xbb: {  	s3 =	sand.u32 $0x4000, s31;
	s1 =	sadd.s32 s1, s30  }
0xbc: {  	s0 =	sor.u32 s3, s0;
	s1 =	sshll.u32 s1, $0x11  }
0xbd: {  	s0 =	sor.u32 s1, s0  }
0xbe: {  	s0 =	sadd.s32 $0x8F2B, s0  }
0xbf: {  	[sflag:s0] =	ssyncadd.remote.s32 $0x1  }
0xc0: {  	_ =	sfence.sel $0xFFFF  }
0xc1: {  	[dreg:$0x0] =	wrdreg $0xFFFFFFFF;
	(pc) =	sbr.abs _section_cstart, $3  }
0xc2: {  	[dreg:$0x1] =	wrdreg $0xFFFFFFFF  }
0xc3: {  	_ =	task.clear_ibuf [dreg:s8], $0x2FFFF;
	_ =	strace $0x9FFFFFFF  }
0xc4: {  	(tm) =	ssettm $0x7FFFFFFF  }
0xc5: {  	_ =	shalt  }
tec
execute0_lowered:
.L_overlay_start_1:
0x0: {  	(tag) =	ssettag $0x1  }
0x1: {  	s6 =	rddreg [dreg:$0x0]  }
0x2: {  	v1 =	vlaneseq.u32;
	s0 =	rddreg [dreg:$0x1]  }
0x3: {  	s11 =	rddreg [dreg:$0x2];
	s2 =	simm.s32 $0x0;
	v0 =	vand.u32 $0x1, v1;
	v1 =	vmul.u32 $0x40, v1  }
0x4: {  	[smem:$0x7FF] =	sst s2;
	v0 =	vmul.u32 $0x40, v0  }
0x5: {  	s1 =	rddreg [dreg:$0x3];
	_ =	strace $0x80000047;
	[tilespmem:$0x1FFD0] =	vst v1  }
0x6: {  	v2 =	vor.u32 $0x31, v0;
	[tilespmem:$0x1FCF0] =	vst v0  }
0x7: {  	v29 =	vor.u32 $0x5, v0;
	[tilespmem:$0x1FC20] =	vst v2  }
0x8: {  	v30 =	vor.u32 $0x6, v0;
	[tilespmem:$0x1FCA0] =	vst v29  }
0x9: {  	v31 =	vor.u32 $0x7, v0;
	[tilespmem:$0x1FCB0] =	vst v30  }
0xa: {  	v32 =	vor.u32 $0x8, v0;
	[tilespmem:$0x1FCC0] =	vst v31  }
0xb: {  	v39 =	vor.u32 $0x9, v0;
	[tilespmem:$0x1FCD0] =	vst v32  }
0xc: {  	v49 =	vor.u32 $0xA, v0;
	[tilespmem:$0x1FCE0] =	vst v39  }
0xd: {  	v50 =	vor.u32 $0xB, v0;
	[tilespmem:$0x1FD00] =	vst v49  }
0xe: {  	v11 =	vor.u32 $0xC, v0;
	[tilespmem:$0x1FD10] =	vst v50  }
0xf: {  	v52 =	vor.u32 $0xD, v0;
	[tilespmem:$0x1FD20] =	vst v11  }
0x10: {  	v13 =	vor.u32 $0xE, v0;
	[tilespmem:$0x1FD30] =	vst v52  }
0x11: {  	v45 =	vor.u32 $0xF, v0;
	[tilespmem:$0x1FD40] =	vst v13  }
0x12: {  	v20 =	vor.u32 $0x10, v0;
	[tilespmem:$0x1FD50] =	vst v45  }
0x13: {  	v25 =	vor.u32 $0x11, v0;
	[tilespmem:$0x1FD60] =	vst v20  }
0x14: {  	v28 =	vor.u32 $0x12, v0;
	[tilespmem:$0x1FD70] =	vst v25  }
0x15: {  	v47 =	vor.u32 $0x13, v0;
	[tilespmem:$0x1FD80] =	vst v28  }
0x16: {  	v46 =	vor.u32 $0x14, v0;
	[tilespmem:$0x1FD90] =	vst v47  }
0x17: {  	v48 =	vor.u32 $0x15, v0;
	[tilespmem:$0x1FDA0] =	vst v46  }
0x18: {  	v43 =	vor.u32 $0x16, v0;
	[tilespmem:$0x1FDB0] =	vst v48  }
0x19: {  	v44 =	vor.u32 $0x17, v0;
	[tilespmem:$0x1FDC0] =	vst v43  }
0x1a: {  	v9 =	vor.u32 $0x18, v0;
	[tilespmem:$0x1FDD0] =	vst v44  }
0x1b: {  	v38 =	vor.u32 $0x19, v0;
	[tilespmem:$0x1FDE0] =	vst v9  }
0x1c: {  	v59 =	vor.u32 $0x1A, v0;
	[tilespmem:$0x1FDF0] =	vst v38  }
0x1d: {  	v60 =	vor.u32 $0x1B, v0;
	[tilespmem:$0x1FE00] =	vst v59  }
0x1e: {  	v58 =	vor.u32 $0x1C, v0;
	[tilespmem:$0x1FE10] =	vst v60  }
0x1f: {  	v61 =	vor.u32 $0x1D, v0;
	[tilespmem:$0x1FE20] =	vst v58  }
0x20: {  	v12 =	vor.u32 $0x1E, v0;
	[tilespmem:$0x1FE30] =	vst v61  }
0x21: {  	v62 =	vor.u32 $0x1F, v0;
	[tilespmem:$0x1FE40] =	vst v12  }
0x22: {  	v51 =	vor.u32 $0x20, v0;
	[tilespmem:$0x1FE50] =	vst v62  }
0x23: {  	v53 =	vor.u32 $0x21, v0;
	[tilespmem:$0x1FE60] =	vst v51  }
0x24: {  	v14 =	vor.u32 $0x22, v0;
	[tilespmem:$0x1FE70] =	vst v53  }
0x25: {  	v15 =	vor.u32 $0x23, v0;
	[tilespmem:$0x1FE80] =	vst v14  }
0x26: {  	v55 =	vor.u32 $0x24, v0;
	[tilespmem:$0x1FE90] =	vst v15  }
0x27: {  	v56 =	vor.u32 $0x25, v0;
	[tilespmem:$0x1FEA0] =	vst v55  }
0x28: {  	v57 =	vor.u32 $0x26, v0;
	[tilespmem:$0x1FEB0] =	vst v56  }
0x29: {  	v54 =	vor.u32 $0x27, v0;
	[tilespmem:$0x1FEC0] =	vst v57  }
0x2a: {  	v21 =	vor.u32 $0x1, v0;
	[tilespmem:$0x1FED0] =	vst v54  }
0x2b: {  	v22 =	vor.u32 $0x2, v0;
	[tilespmem:$0x1FEE0] =	vst v21  }
0x2c: {  	v23 =	vor.u32 $0x3, v0;
	[tilespmem:$0x1FEF0] =	vst v22  }
0x2d: {  	v34 =	vor.u32 $0x2D, v0;
	[tilespmem:$0x1FF00] =	vst v23  }
0x2e: {  	v35 =	vor.u32 $0x2E, v0;
	[tilespmem:$0x1FF10] =	vst v34  }
0x2f: {  	v36 =	vor.u32 $0x2F, v0;
	[tilespmem:$0x1FF20] =	vst v35  }
0x30: {  	v37 =	vor.u32 $0x30, v0;
	[tilespmem:$0x1FF30] =	vst v36  }
0x31: {  	v63 =	vor.u32 $0x38, v0;
	[tilespmem:$0x1FF40] =	vst v37  }
0x32: {  	v41 =	vor.u32 $0x3B, v0;
	[tilespmem:$0x1FF50] =	vst v63  }
0x33: {  	v40 =	vor.u32 $0x3C, v0;
	[tilespmem:$0x1FF70] =	vst v41  }
0x34: {  	v42 =	vor.u32 $0x3D, v0;
	[tilespmem:$0x1FF80] =	vst v40  }
0x35: {  	v6 =	vor.u32 $0x28, v0;
	[tilespmem:$0x1FF90] =	vst v42  }
0x36: {  	v26 =	vor.u32 $0x29, v0;
	[tilespmem:$0x1FFA0] =	vst v6  }
0x37: {  	s4 =	srdreg.scid;
	s3 =	stileid.u32;
	v8 =	vor.u32 $0x2C, v0;
	[tilespmem:$0x1FFB0] =	vst v26  }
0x38: {  	s13 =	simm.s32 $0x1000;
	s14 =	simm.s32 $0x7A1400;
	s15 =	simm.s32 $0x8000;
	v33 =	vor.u32 $0x2B, v0;
	[tilespmem:$0x1FFC0] =	vst v8  }
0x39: {  	s16 =	simm.s32 $0x1;
	s17 =	simm.s32 $0x10000;
	s18 =	simm.s32 $0x2;
	v27 =	vor.u32 $0x2A, v0;
	[tilespmem:$0x1FFE0] =	vst v33  }
0x3a: {  	s19 =	simm.s32 $0x3;
	s21 =	simm.s32 $0x4;
	s22 =	simm.s32 $0x0;
	v2 =	vor.u32 $0x32, v0;
	[tilespmem:$0x1FFF0] =	vst v27  }
0x3b: {  	s4 =	sand.u32 $0x1, s4;
	s5 =	sshll.u32 s3, $0x1;
	s9 =	sadd.s32 $0xE00, s11;
	[tilespmem:$0x1FC30] =	vst v2;
	v2 =	vor.u32 $0x33, v0  }
0x3c: {  	s11 =	sadd.s32 $0x7A1E00, s11;
	s7 =	ssub.s32 $0x2, s4;
	s20 =	sor.u32 s4, s5;
	[tilespmem:$0x1FC40] =	vst v2;
	v2 =	vor.u32 $0x34, v0  }
0x3d: {  	s30 =	sshrl.u32 s7, $0x1;
	s5 =	ssub.s32 $0x7C0, s20;
	s8 =	sshll.u32 s20, $0x9;
	[tilespmem:$0x1FC50] =	vst v2;
	v2 =	vor.u32 $0x35, v0  }
.Ltmp0:
0x3e: {  	s31 =	sshll.u32 s20, $0xC;
	p0 =	sne.s32 s20, $0x0;
	[tilespmem:$0x1FC60] =	vst v2;
	v2 =	vor.u32 $0x36, v0;
	(pc) =	sbr.rel .LBB2_1-.Ltmp0, $4  }
0x3f: {  	s20 =	simm.s32 $0x18000;
	s12 =	ssub.s32 s7, s30;
	s4 =	sshrl.u32 s5, $0x5;
	[tilespmem:$0x1FC70] =	vst v2;
	v2 =	vor.u32 $0x37, v0  }
0x40: {  	s10 =	sor.u32 $0x4000, s8;
	s5 =	sadd.s32 s6, s8;
	s7 =	sadd.s32 s9, s31;
	[tilespmem:$0x1FC80] =	vst v2;
	v2 =	vor.u32 $0x39, v0  }
0x41: {  	s6 =	sadd.s32 s6, s10;
	s8 =	sadd.s32 $0x8000, s5;
	s10 =	sshll.u32 s10, $0x3;
	[tilespmem:$0x1FC90] =	vst v2;
	v2 =	vor.u32 $0x3A, v0  }
0x42: {  	v24 =	vor.u32 $0x4, v0;
	s12 =	smax.u32 s12, $0x1;
	s9 =	sadd.s32 s9, s10;
	s10 =	sadd.s32 $0xC000, s5;
	[tilespmem:$0x1FF60] =	vst v2  }
.LBB2_13:
0x43: {  	_ =	swait.ge [sflag:s19], $0x8000  }
0x44: {  	v29 =	vld [tilespmem:$0x1FCA0]  }
0x45: {  	v30 =	vld [tilespmem:$0x1FCB0]  }
0x46: {  	v31 =	vld [tilespmem:$0x1FCC0]  }
0x47: {  	v32 =	vld [tilespmem:$0x1FCD0]  }
0x48: {  	v39 =	vld [tilespmem:$0x1FCE0]  }
0x49: {  	v0 =	vld [tilespmem:$0x1FCF0]  }
0x4a: {  	v47 =	vld [tilespmem:$0x1FD90]  }
0x4b: {  	v46 =	vld [tilespmem:$0x1FDA0]  }
0x4c: {  	v48 =	vld [tilespmem:$0x1FDB0]  }
0x4d: {  	v43 =	vld [tilespmem:$0x1FDC0]  }
0x4e: {  	v44 =	vld [tilespmem:$0x1FDD0]  }
0x4f: {  	v59 =	vld [tilespmem:$0x1FE00]  }
0x50: {  	v60 =	vld [tilespmem:$0x1FE10]  }
0x51: {  	v58 =	vld [tilespmem:$0x1FE20]  }
0x52: {  	v61 =	vld [tilespmem:$0x1FE30]  }
0x53: {  	v12 =	vld [tilespmem:$0x1FE40]  }
0x54: {  	v62 =	vld [tilespmem:$0x1FE50]  }
0x55: {  	v51 =	vld [tilespmem:$0x1FE60]  }
0x56: {  	v53 =	vld [tilespmem:$0x1FE70]  }
0x57: {  	v14 =	vld [tilespmem:$0x1FE80]  }
0x58: {  	v15 =	vld [tilespmem:$0x1FE90]  }
0x59: {  	v55 =	vld [tilespmem:$0x1FEA0]  }
.Ltmp1:
0x5a: {  	v56 =	vld [tilespmem:$0x1FEB0];
	(pc) =	sbr.rel @!p0 .LBB2_14-.Ltmp1, $4  }
0x5b: {  	v57 =	vld [tilespmem:$0x1FEC0]  }
0x5c: {  	v54 =	vld [tilespmem:$0x1FED0]  }
0x5d: {  	[sflag:s19] =	ssyncset.done $0x0;
	v36 =	vld [tilespmem:$0x1FF30]  }
0x5e: {  	v37 =	vld [tilespmem:$0x1FF40];
	[sflag:s19] =	ssyncadd.s32 $0xFFFF8000  }
.LBB2_17:
0x5f: {  	s22 =	sadd.s32 $0x1, s22  }
0x60: {  	p1 =	sne.s32 s22, s12  }
.Ltmp2:
0x61: {  	_ = 	snop;
	(pc) =	sbr.rel @!p1 .LBB2_18-.Ltmp2, $1  }
0x62: {  	_ =	sdelay $0x3  }
.LBB2_1:
0x63: {  	[tilespmem:s2], [sflag:$0x1] =	stream.strided.gather [hbm4b:s5+s13], $0x8000, s14, s13, $0x38;
	[tilespmem:$0x1A000] =	vst v63  }
0x64: {  	_ = 	snop  }
0x65: {  	[tilespmem:s15], [sflag:$0x2] =	stream.strided.gather [hbm4b:s6+s13], $0x8000, s14, s13, $0x38;
	[tilespmem:$0x1A000] =	vst v63  }
0x66: {  	_ =	swait.ge [sflag:s16], $0x8000  }
0x67: {  	v28 =	vld [tilespmem:$0x1FC20]  }
0x68: {  	v35 =	vmov v33;
	v33 =	vmov v39;
	v39 =	vld [tilespmem:$0x1FC30]  }
0x69: {  	v40 =	vld [tilespmem:$0x1FC40]  }
0x6a: {  	v41 =	vld [tilespmem:$0x1FC50]  }
0x6b: {  	v42 =	vld [tilespmem:$0x1FC60]  }
0x6c: {  	v34 =	vmov v43;
	v43 =	vld [tilespmem:$0x1FC70]  }
0x6d: {  	v38 =	vmov v44;
	[sflag:s16] =	ssyncset.done $0x0;
	v44 =	vld [tilespmem:$0x1FC80]  }
0x6e: {  	s23 =	simm.s32 $0x0;
	s24 =	simm.s32 $0x0;
	v25 =	vmovc v6;
	v49 =	vmov v12;
	v50 =	vmov v14;
	v52 =	vmov v15;
	v45 =	vld [tilespmem:$0x1FC90];
	[sflag:s16] =	ssyncadd.s32 $0xFFFF8000  }
.LBB2_2:
0x6f: {  	s25 =	sand.u32 $0x70, s24;
	s26 =	sand.u32 $0xC00, s23  }
0x70: {  	s25 =	sor.u32 s25, s26  }
0x71: {  	v2 =	vld [tilespmem:s25+$0x0]  }
0x72: {  	v4 =	vld [tilespmem:s25+$0x80]  }
0x73: {  	v3 =	vld [tilespmem:s25+$0x100]  }
0x74: {  	v20 =	vld [tilespmem:s25+$0x180]  }
0x75: {  	v16 =	vld [tilespmem:s25+$0x200]  }
0x76: {  	s31 =	sor.u32 s23, s24;
	v11 =	vld [tilespmem:s25+$0x280]  }
0x77: {  	s26 =	sor.u32 $0x380, s31;
	v12 =	vld [tilespmem:s25+$0x300]  }
0x78: {  	v17 =	vld [tilespmem:s26+$0x0];
	[tilespmem:$0x1FBA0] =	vst v3;
	v3 =	vmov s24  }
0x79: {  	v18 =	vld [tilespmem:s25+$0x1000];
	v3 =	vshll.u32 v3, $0x6  }
0x7a: {  	v13 =	vld [tilespmem:s25+$0x1080];
	v3 =	vor.u32 v1, v3  }
0x7b: {  	v5 =	vld [tilespmem:s25+$0x1280];
	v3 =	vand.u32 $0x7F80, v3  }
0x7c: {  	v14 =	vld [tilespmem:s25+$0x1100];
	v6 =	vor.u32 v0, v3  }
0x7d: {  	v15 =	vld [tilespmem:s25+$0x1180]  }
0x7e: {  	v19 =	vld [tilespmem:s25+$0x1200]  }
0x7f: {  	v63 =	vld [tilespmem:s25+$0x1300]  }
0x80: {  	[tilespmem:$0x1FBB0] =	vst v5;
	v5 =	vld [tilespmem:s25+$0x1380];
	v7 =	vor.u32 v21, v3  }
0x81: {  	v8 =	vor.u32 v22, v3;
	[tilespmem:v6+s17+$0x0] =	vst.idx.msk $0xffff, v2;
	v6 =	vld [tilespmem:$0x1FBA0]  }
0x82: {  	v9 =	vor.u32 v23, v3  }
0x83: {  	v10 =	vor.u32 v24, v3  }
0x84: {  	v2 =	vor.u32 v29, v3  }
0x85: {  	[tilespmem:v7+s17+$0x0] =	vst.idx.msk $0xffff, v4  }
0x86: {  	v4 =	vor.u32 v30, v3;
	[tilespmem:v8+s17+$0x0] =	vst.idx.msk $0xffff, v6  }
0x87: {  	v6 =	vor.u32 v31, v3;
	[tilespmem:v9+s17+$0x0] =	vst.idx.msk $0xffff, v20  }
0x88: {  	[tilespmem:v10+s17+$0x0] =	vst.idx.msk $0xffff, v16  }
0x89: {  	[tilespmem:v2+s17+$0x0] =	vst.idx.msk $0xffff, v11;
	v2 =	vld [tilespmem:$0x1FD00];
	_ =	sdelay $0x1  }
0x8a: {  	v16 =	vld [tilespmem:$0x1FD10];
	[tilespmem:v4+s17+$0x0] =	vst.idx.msk $0xffff, v12  }
0x8b: {  	v7 =	vor.u32 v32, v3;
	[tilespmem:v6+s17+$0x0] =	vst.idx.msk $0xffff, v17;
	v17 =	vld [tilespmem:$0x1FD20]  }
0x8c: {  	v8 =	vor.u32 v33, v3  }
0x8d: {  	v2 =	vor.u32 v2, v3;
	_ =	sdelay $0x1  }
0x8e: {  	v4 =	vor.u32 v16, v3  }
0x8f: {  	[tilespmem:v7+s17+$0x0] =	vst.idx.msk $0xffff, v18;
	v18 =	vld [tilespmem:$0x1FD30];
	v6 =	vor.u32 v17, v3  }
0x90: {  	[tilespmem:v8+s17+$0x0] =	vst.idx.msk $0xffff, v13;
	v8 =	vld [tilespmem:$0x1FD40]  }
0x91: {  	[tilespmem:v2+s17+$0x0] =	vst.idx.msk $0xffff, v14;
	v2 =	vld [tilespmem:$0x1FD50];
	_ =	sdelay $0x1  }
0x92: {  	[tilespmem:v4+s17+$0x0] =	vst.idx.msk $0xffff, v15  }
0x93: {  	v7 =	vor.u32 v18, v3;
	[tilespmem:v6+s17+$0x0] =	vst.idx.msk $0xffff, v19;
	v19 =	vld [tilespmem:$0x1FBB0]  }
0x94: {  	v8 =	vor.u32 v8, v3  }
0x95: {  	v2 =	vor.u32 v2, v3;
	_ =	sdelay $0x2  }
0x96: {  	[tilespmem:v7+s17+$0x0] =	vst.idx.msk $0xffff, v19  }
0x97: {  	[tilespmem:v8+s17+$0x0] =	vst.idx.msk $0xffff, v63  }
0x98: {  	v63 =	vld [tilespmem:$0x1FD70];
	[tilespmem:v2+s17+$0x0] =	vst.idx.msk $0xffff, v5  }
0x99: {  	v2 =	vld [tilespmem:s25+$0x2000]  }
0x9a: {  	v4 =	vld [tilespmem:s25+$0x2080]  }
0x9b: {  	v11 =	vld [tilespmem:s25+$0x3000]  }
0x9c: {  	v5 =	vld [tilespmem:s25+$0x2100]  }
0x9d: {  	v6 =	vld [tilespmem:s25+$0x2180]  }
0x9e: {  	v7 =	vld [tilespmem:s25+$0x2200]  }
0x9f: {  	v8 =	vld [tilespmem:s25+$0x2280]  }
0xa0: {  	[tilespmem:$0x1FBC0] =	vst v11;
	v11 =	vld [tilespmem:$0x1FD60]  }
0xa1: {  	v9 =	vld [tilespmem:s25+$0x2300]  }
0xa2: {  	v12 =	vor.u32 v63, v3;
	v63 =	vld [tilespmem:$0x1FD80]  }
0xa3: {  	v14 =	vld [tilespmem:s25+$0x3300]  }
0xa4: {  	v10 =	vld [tilespmem:s25+$0x2380]  }
0xa5: {  	v19 =	vld [tilespmem:s25+$0x3080];
	v11 =	vor.u32 v11, v3  }
0xa6: {  	v17 =	vld [tilespmem:s25+$0x3100]  }
0xa7: {  	v16 =	vld [tilespmem:s25+$0x3180];
	v13 =	vor.u32 v63, v3  }
0xa8: {  	v18 =	vld [tilespmem:s25+$0x3200];
	[tilespmem:$0x1FBD0] =	vst v14;
	v14 =	vor.u32 v47, v3  }
0xa9: {  	v20 =	vld [tilespmem:s25+$0x3280]  }
0xaa: {  	v63 =	vld [tilespmem:s25+$0x3380];
	[tilespmem:v11+s17+$0x0] =	vst.idx.msk $0xffff, v2  }
0xab: {  	v15 =	vor.u32 v46, v3;
	[tilespmem:v12+s17+$0x0] =	vst.idx.msk $0xffff, v4  }
0xac: {  	v2 =	vor.u32 v48, v3;
	[tilespmem:v13+s17+$0x0] =	vst.idx.msk $0xffff, v5;
	v13 =	vld [tilespmem:$0x1FDE0]  }
0xad: {  	[tilespmem:v14+s17+$0x0] =	vst.idx.msk $0xffff, v6;
	v14 =	vld [tilespmem:$0x1FDF0];
	_ =	sdelay $0x1  }
0xae: {  	v4 =	vor.u32 v34, v3  }
0xaf: {  	v12 =	vor.u32 v38, v3;
	[tilespmem:v15+s17+$0x0] =	vst.idx.msk $0xffff, v7  }
0xb0: {  	[tilespmem:v2+s17+$0x0] =	vst.idx.msk $0xffff, v8;
	v8 =	vld [tilespmem:$0x1FBC0];
	v6 =	vor.u32 v13, v3  }
0xb1: {  	v7 =	vor.u32 v14, v3  }
0xb2: {  	v2 =	vor.u32 v59, v3  }
0xb3: {  	v15 =	vor.u32 v60, v3;
	[tilespmem:v4+s17+$0x0] =	vst.idx.msk $0xffff, v9  }
0xb4: {  	[tilespmem:v12+s17+$0x0] =	vst.idx.msk $0xffff, v10  }
0xb5: {  	[tilespmem:v6+s17+$0x0] =	vst.idx.msk $0xffff, v8  }
0xb6: {  	v12 =	vor.u32 v58, v3;
	[tilespmem:v7+s17+$0x0] =	vst.idx.msk $0xffff, v19  }
0xb7: {  	v13 =	vor.u32 v61, v3;
	[tilespmem:v2+s17+$0x0] =	vst.idx.msk $0xffff, v17  }
0xb8: {  	v14 =	vor.u32 v49, v3;
	[tilespmem:v15+s17+$0x0] =	vst.idx.msk $0xffff, v16;
	v15 =	vld [tilespmem:$0x1FBD0]  }
0xb9: {  	v2 =	vor.u32 v62, v3;
	_ =	sdelay $0x1  }
0xba: {  	[tilespmem:v12+s17+$0x0] =	vst.idx.msk $0xffff, v18  }
0xbb: {  	[tilespmem:v13+s17+$0x0] =	vst.idx.msk $0xffff, v20  }
0xbc: {  	[tilespmem:v14+s17+$0x0] =	vst.idx.msk $0xffff, v15  }
0xbd: {  	[tilespmem:v2+s17+$0x0] =	vst.idx.msk $0xffff, v63  }
0xbe: {  	v2 =	vld [tilespmem:s25+$0x4000]  }
0xbf: {  	v4 =	vld [tilespmem:s25+$0x4080]  }
0xc0: {  	v5 =	vld [tilespmem:s25+$0x4100]  }
0xc1: {  	v6 =	vld [tilespmem:s25+$0x4180]  }
0xc2: {  	v11 =	vld [tilespmem:s25+$0x5100]  }
0xc3: {  	v7 =	vld [tilespmem:s25+$0x4200]  }
0xc4: {  	v8 =	vld [tilespmem:s25+$0x4280]  }
0xc5: {  	v9 =	vld [tilespmem:s25+$0x4300]  }
0xc6: {  	v10 =	vld [tilespmem:s25+$0x4380]  }
0xc7: {  	[tilespmem:$0x1FBE0] =	vst v11;
	v11 =	vld [tilespmem:s25+$0x5200]  }
0xc8: {  	v15 =	vor.u32 v51, v3;
	v13 =	vld [tilespmem:s25+$0x5000]  }
0xc9: {  	v16 =	vor.u32 v53, v3;
	v14 =	vld [tilespmem:s25+$0x5080]  }
0xca: {  	v17 =	vor.u32 v50, v3;
	v20 =	vld [tilespmem:s25+$0x5180]  }
0xcb: {  	v18 =	vor.u32 v52, v3;
	v63 =	vld [tilespmem:s25+$0x5280]  }
0xcc: {  	v19 =	vor.u32 v55, v3;
	v12 =	vld [tilespmem:s25+$0x5300];
	[tilespmem:$0x1FBF0] =	vst v11  }
0xcd: {  	v11 =	vld [tilespmem:s25+$0x5380];
	[tilespmem:v15+s17+$0x0] =	vst.idx.msk $0xffff, v2;
	v2 =	vor.u32 v56, v3  }
0xce: {  	[tilespmem:v16+s17+$0x0] =	vst.idx.msk $0xffff, v4;
	v16 =	vor.u32 v57, v3  }
0xcf: {  	[tilespmem:v17+s17+$0x0] =	vst.idx.msk $0xffff, v5;
	v17 =	vor.u32 v54, v3  }
0xd0: {  	[tilespmem:v18+s17+$0x0] =	vst.idx.msk $0xffff, v6;
	v18 =	vor.u32 v25, v3  }
0xd1: {  	[tilespmem:v19+s17+$0x0] =	vst.idx.msk $0xffff, v7  }
0xd2: {  	[tilespmem:v2+s17+$0x0] =	vst.idx.msk $0xffff, v8  }
0xd3: {  	v19 =	vor.u32 v26, v3;
	[tilespmem:v16+s17+$0x0] =	vst.idx.msk $0xffff, v9;
	v16 =	vld [tilespmem:$0x1FFC0]  }
0xd4: {  	[tilespmem:v17+s17+$0x0] =	vst.idx.msk $0xffff, v10;
	v17 =	vld [tilespmem:$0x1FF10]  }
0xd5: {  	[tilespmem:v18+s17+$0x0] =	vst.idx.msk $0xffff, v13;
	v18 =	vld [tilespmem:$0x1FF20]  }
0xd6: {  	v2 =	vor.u32 v27, v3;
	v8 =	vld [tilespmem:$0x1FBE0]  }
0xd7: {  	v15 =	vor.u32 v35, v3  }
0xd8: {  	[tilespmem:v19+s17+$0x0] =	vst.idx.msk $0xffff, v14;
	v19 =	vld [tilespmem:$0x1FBF0];
	v5 =	vor.u32 v16, v3  }
0xd9: {  	v6 =	vor.u32 v17, v3  }
0xda: {  	v7 =	vor.u32 v18, v3  }
0xdb: {  	[tilespmem:v2+s17+$0x0] =	vst.idx.msk $0xffff, v8;
	v2 =	vor.u32 v36, v3  }
0xdc: {  	[tilespmem:v15+s17+$0x0] =	vst.idx.msk $0xffff, v20  }
0xdd: {  	[tilespmem:v5+s17+$0x0] =	vst.idx.msk $0xffff, v19  }
0xde: {  	[tilespmem:v6+s17+$0x0] =	vst.idx.msk $0xffff, v63  }
0xdf: {  	[tilespmem:v7+s17+$0x0] =	vst.idx.msk $0xffff, v12  }
0xe0: {  	[tilespmem:v2+s17+$0x0] =	vst.idx.msk $0xffff, v11  }
0xe1: {  	v2 =	vld [tilespmem:s25+$0x6000]  }
0xe2: {  	v4 =	vld [tilespmem:s25+$0x6080]  }
0xe3: {  	v5 =	vld [tilespmem:s25+$0x6100]  }
0xe4: {  	v6 =	vld [tilespmem:s25+$0x6180]  }
0xe5: {  	v7 =	vld [tilespmem:s25+$0x6200]  }
0xe6: {  	v8 =	vld [tilespmem:s25+$0x6280]  }
0xe7: {  	v9 =	vld [tilespmem:s25+$0x6300]  }
0xe8: {  	v10 =	vld [tilespmem:s25+$0x6380]  }
0xe9: {  	v63 =	vld [tilespmem:s25+$0x7180]  }
0xea: {  	v13 =	vld [tilespmem:s25+$0x7100]  }
0xeb: {  	v15 =	vor.u32 v37, v3;
	v11 =	vld [tilespmem:s25+$0x7000]  }
0xec: {  	v17 =	vor.u32 v28, v3;
	v12 =	vld [tilespmem:s25+$0x7080]  }
0xed: {  	v19 =	vor.u32 v39, v3;
	v16 =	vld [tilespmem:s25+$0x7200]  }
0xee: {  	v18 =	vld [tilespmem:s25+$0x7280];
	[tilespmem:$0x1FC10] =	vst v63;
	v63 =	vor.u32 v40, v3  }
0xef: {  	v14 =	vld [tilespmem:s25+$0x7380];
	[tilespmem:$0x1FC00] =	vst v13  }
0xf0: {  	v13 =	vld [tilespmem:s25+$0x7300];
	[tilespmem:v15+s17+$0x0] =	vst.idx.msk $0xffff, v2  }
0xf1: {  	[tilespmem:v17+s17+$0x0] =	vst.idx.msk $0xffff, v4  }
0xf2: {  	v20 =	vor.u32 v41, v3;
	[tilespmem:v19+s17+$0x0] =	vst.idx.msk $0xffff, v5  }
0xf3: {  	v2 =	vor.u32 v42, v3;
	[tilespmem:v63+s17+$0x0] =	vst.idx.msk $0xffff, v6;
	v63 =	vld [tilespmem:$0x1FF50];
	_ =	sdelay $0x2  }
0xf4: {  	v4 =	vor.u32 v43, v3  }
0xf5: {  	v15 =	vor.u32 v44, v3;
	[tilespmem:v20+s17+$0x0] =	vst.idx.msk $0xffff, v7  }
0xf6: {  	[tilespmem:v2+s17+$0x0] =	vst.idx.msk $0xffff, v8;
	v2 =	vld [tilespmem:$0x1FF60];
	v17 =	vor.u32 v63, v3;
	_ =	sdelay $0x2  }
0xf7: {  	[tilespmem:v4+s17+$0x0] =	vst.idx.msk $0xffff, v9  }
0xf8: {  	v19 =	vld [tilespmem:$0x1FF70];
	v7 =	vor.u32 v45, v3;
	[tilespmem:v15+s17+$0x0] =	vst.idx.msk $0xffff, v10  }
0xf9: {  	v8 =	vor.u32 v2, v3;
	[tilespmem:v17+s17+$0x0] =	vst.idx.msk $0xffff, v11;
	v11 =	vld [tilespmem:$0x1FC00]  }
0xfa: {  	v15 =	vld [tilespmem:$0x1FF80]  }
0xfb: {  	v17 =	vld [tilespmem:$0x1FF90];
	_ =	sdelay $0x1  }
0xfc: {  	[tilespmem:v7+s17+$0x0] =	vst.idx.msk $0xffff, v12  }
0xfd: {  	v4 =	vor.u32 v19, v3;
	[tilespmem:v8+s17+$0x0] =	vst.idx.msk $0xffff, v11;
	v8 =	vld [tilespmem:$0x1FC10]  }
0xfe: {  	v5 =	vor.u32 v15, v3  }
0xff: {  	v9 =	vor.u32 $0x3E, v0;
	v6 =	vor.u32 v17, v3  }
0x100: {  	v19 =	vor.u32 v9, v3;
	v10 =	vor.u32 $0x3F, v0  }
0x101: {  	p1 =	sne.s32 s24, $0x1F0;
	v3 =	vor.u32 v10, v3  }
.Ltmp3:
0x102: {  	[tilespmem:v4+s17+$0x0] =	vst.idx.msk $0xffff, v8;
	(pc) =	sbr.rel @p1 .LBB2_2-.Ltmp3, $4  }
0x103: {  	[tilespmem:v5+s17+$0x0] =	vst.idx.msk $0xffff, v16  }
0x104: {  	[tilespmem:v6+s17+$0x0] =	vst.idx.msk $0xffff, v18  }
0x105: {  	[tilespmem:v19+s17+$0x0] =	vst.idx.msk $0xffff, v13  }
0x106: {  	s23 =	sadd.s32 $0x80, s23;
	s24 =	sadd.s32 $0x10, s24;
	[tilespmem:v3+s17+$0x0] =	vst.idx.msk $0xffff, v14  }
0x107: {  	s23 =	simm.s32 $0x0  }
0x108: {  	[hbm4b:s7+s23] =	stream.linear.scatter [tilespmem:s17], [sflag:$0x3], $0x8000, $0x38;
	[tilespmem:$0x1A000] =	vst v63  }
0x109: {  	_ = 	snop  }
0x10a: {  	[tilespmem:s23], [sflag:$0x1] =	stream.strided.gather [hbm4b:s8+s13], $0x8000, s14, s13, $0x38;
	[tilespmem:$0x1A000] =	vst v63  }
0x10b: {  	_ =	swait.ge [sflag:s18], $0x8000  }
0x10c: {  	[sflag:s18] =	ssyncset.done $0x0  }
0x10d: {  	[sflag:s18] =	ssyncadd.s32 $0xFFFF8000  }
0x10e: {  	_ =	swait.ge [sflag:s19], $0x8000  }
0x10f: {  	v34 =	vld [tilespmem:$0x1FF10]  }
0x110: {  	v33 =	vmov v35;
	v35 =	vld [tilespmem:$0x1FF20]  }
0x111: {  	v46 =	vld [tilespmem:$0x1FF70]  }
0x112: {  	[sflag:s19] =	ssyncset.done $0x0;
	v47 =	vld [tilespmem:$0x1FF80]  }
0x113: {  	s24 =	simm.s32 $0x0;
	v38 =	vmov v28;
	v25 =	vmov v9;
	v26 =	vmov v10;
	v48 =	vld [tilespmem:$0x1FF90];
	[sflag:s19] =	ssyncadd.s32 $0xFFFF8000  }
.LBB2_4:
0x114: {  	s25 =	sand.u32 $0x70, s24;
	s26 =	sand.u32 $0xC00, s23  }
0x115: {  	s25 =	sor.u32 s25, s26  }
0x116: {  	v4 =	vld [tilespmem:s25+$0x8000]  }
0x117: {  	v5 =	vld [tilespmem:s25+$0x8080]  }
0x118: {  	v6 =	vld [tilespmem:s25+$0x8100]  }
0x119: {  	v7 =	vld [tilespmem:s25+$0x8180]  }
0x11a: {  	v10 =	vld [tilespmem:s25+$0x8200]  }
0x11b: {  	v11 =	vld [tilespmem:s25+$0x8280]  }
0x11c: {  	v3 =	vmov s24;
	v13 =	vld [tilespmem:s25+$0x8300]  }
0x11d: {  	v3 =	vshll.u32 v3, $0x6;
	v14 =	vld [tilespmem:s25+$0x8380]  }
0x11e: {  	v12 =	vld [tilespmem:s25+$0x9000];
	v3 =	vor.u32 v1, v3  }
0x11f: {  	v8 =	vld [tilespmem:s25+$0x9100];
	v3 =	vand.u32 $0x7F80, v3  }
0x120: {  	v28 =	vld [tilespmem:s25+$0x9080];
	v16 =	vor.u32 v0, v3  }
0x121: {  	v15 =	vld [tilespmem:s25+$0x9180];
	v18 =	vor.u32 v21, v3  }
0x122: {  	v17 =	vld [tilespmem:s25+$0x9200];
	v20 =	vor.u32 v22, v3  }
0x123: {  	v19 =	vld [tilespmem:s25+$0x9280];
	v21 =	vor.u32 v23, v3  }
0x124: {  	v9 =	vld [tilespmem:s25+$0x9300];
	v22 =	vor.u32 v24, v3;
	[tilespmem:$0x1FB90] =	vst v8  }
0x125: {  	v8 =	vld [tilespmem:s25+$0x9380];
	[tilespmem:v16+s17+$0x0] =	vst.idx.msk $0xffff, v4;
	v16 =	vor.u32 v29, v3  }
0x126: {  	[tilespmem:v18+s17+$0x0] =	vst.idx.msk $0xffff, v5  }
0x127: {  	v5 =	vor.u32 v30, v3;
	v18 =	vld [tilespmem:$0x1FCE0];
	[tilespmem:v20+s17+$0x0] =	vst.idx.msk $0xffff, v6  }
0x128: {  	v6 =	vor.u32 v31, v3;
	[tilespmem:v21+s17+$0x0] =	vst.idx.msk $0xffff, v7  }
0x129: {  	v7 =	vor.u32 v32, v3;
	[tilespmem:v22+s17+$0x0] =	vst.idx.msk $0xffff, v10  }
0x12a: {  	[tilespmem:v16+s17+$0x0] =	vst.idx.msk $0xffff, v11;
	v16 =	vld [tilespmem:$0x1FD00]  }
0x12b: {  	v11 =	vld [tilespmem:$0x1FD20]  }
0x12c: {  	v10 =	vor.u32 v18, v3;
	[tilespmem:v5+s17+$0x0] =	vst.idx.msk $0xffff, v13;
	v18 =	vld [tilespmem:$0x1FD10]  }
0x12d: {  	v13 =	vld [tilespmem:$0x1FD40];
	[tilespmem:v6+s17+$0x0] =	vst.idx.msk $0xffff, v14  }
0x12e: {  	[tilespmem:v7+s17+$0x0] =	vst.idx.msk $0xffff, v12;
	v12 =	vld [tilespmem:$0x1FD30]  }
0x12f: {  	v14 =	vld [tilespmem:$0x1FB90]  }
0x130: {  	v4 =	vor.u32 v16, v3;
	v16 =	vld [tilespmem:$0x1FD50]  }
0x131: {  	v5 =	vor.u32 v18, v3  }
0x132: {  	v6 =	vor.u32 v11, v3  }
0x133: {  	v7 =	vor.u32 v12, v3  }
0x134: {  	[tilespmem:v10+s17+$0x0] =	vst.idx.msk $0xffff, v28;
	v10 =	vor.u32 v13, v3  }
0x135: {  	v12 =	vld [tilespmem:$0x1FD80];
	[tilespmem:v4+s17+$0x0] =	vst.idx.msk $0xffff, v14;
	v4 =	vor.u32 v16, v3  }
0x136: {  	[tilespmem:v5+s17+$0x0] =	vst.idx.msk $0xffff, v15  }
0x137: {  	[tilespmem:v6+s17+$0x0] =	vst.idx.msk $0xffff, v17  }
0x138: {  	v18 =	vld [tilespmem:$0x1FD60];
	[tilespmem:v7+s17+$0x0] =	vst.idx.msk $0xffff, v19  }
0x139: {  	v19 =	vld [tilespmem:$0x1FD70];
	[tilespmem:v10+s17+$0x0] =	vst.idx.msk $0xffff, v9  }
0x13a: {  	v20 =	vor.u32 v12, v3;
	v12 =	vld [tilespmem:$0x1FD90];
	[tilespmem:v4+s17+$0x0] =	vst.idx.msk $0xffff, v8  }
0x13b: {  	v4 =	vld [tilespmem:s25+$0xA000]  }
0x13c: {  	v5 =	vld [tilespmem:s25+$0xA080]  }
0x13d: {  	v6 =	vld [tilespmem:s25+$0xA100]  }
0x13e: {  	v7 =	vld [tilespmem:s25+$0xA180]  }
0x13f: {  	v8 =	vld [tilespmem:s25+$0xA200]  }
0x140: {  	v9 =	vld [tilespmem:s25+$0xA280]  }
0x141: {  	v10 =	vld [tilespmem:s25+$0xA300]  }
0x142: {  	v11 =	vld [tilespmem:s25+$0xA380]  }
0x143: {  	v13 =	vld [tilespmem:s25+$0xB000]  }
0x144: {  	v14 =	vld [tilespmem:s25+$0xB080]  }
0x145: {  	v15 =	vld [tilespmem:s25+$0xB100]  }
0x146: {  	v16 =	vor.u32 v18, v3;
	v28 =	vld [tilespmem:s25+$0xB180]  }
0x147: {  	v17 =	vld [tilespmem:s25+$0xB200]  }
0x148: {  	v21 =	vld [tilespmem:s25+$0xB300]  }
0x149: {  	v18 =	vor.u32 v19, v3;
	v19 =	vld [tilespmem:s25+$0xB280]  }
0x14a: {  	v22 =	vor.u32 v12, v3;
	v12 =	vld [tilespmem:s25+$0xB380]  }
0x14b: {  	[tilespmem:v16+s17+$0x0] =	vst.idx.msk $0xffff, v4;
	v16 =	vld [tilespmem:$0x1FDB0];
	_ =	sdelay $0x3  }
0x14c: {  	v23 =	vld [tilespmem:$0x1FDA0]  }
0x14d: {  	v4 =	vor.u32 v16, v3;
	v16 =	vld [tilespmem:$0x1FDC0]  }
0x14e: {  	[tilespmem:v18+s17+$0x0] =	vst.idx.msk $0xffff, v5;
	v18 =	vld [tilespmem:$0x1FDD0];
	_ =	sdelay $0x3  }
0x14f: {  	v5 =	vor.u32 v16, v3;
	v16 =	vld [tilespmem:$0x1FDE0]  }
0x150: {  	v23 =	vor.u32 v23, v3;
	[tilespmem:v20+s17+$0x0] =	vst.idx.msk $0xffff, v6;
	v6 =	vor.u32 v18, v3;
	v18 =	vld [tilespmem:$0x1FDF0];
	_ =	sdelay $0x3  }
0x151: {  	[tilespmem:v22+s17+$0x0] =	vst.idx.msk $0xffff, v7;
	v7 =	vor.u32 v16, v3  }
0x152: {  	[tilespmem:v23+s17+$0x0] =	vst.idx.msk $0xffff, v8;
	v8 =	vor.u32 v18, v3  }
0x153: {  	[tilespmem:v4+s17+$0x0] =	vst.idx.msk $0xffff, v9;
	v4 =	vor.u32 v59, v3  }
0x154: {  	[tilespmem:v5+s17+$0x0] =	vst.idx.msk $0xffff, v10;
	v16 =	vor.u32 v60, v3  }
0x155: {  	v18 =	vor.u32 v58, v3;
	[tilespmem:v6+s17+$0x0] =	vst.idx.msk $0xffff, v11  }
0x156: {  	[tilespmem:v7+s17+$0x0] =	vst.idx.msk $0xffff, v13;
	v13 =	vor.u32 v61, v3  }
0x157: {  	[tilespmem:v8+s17+$0x0] =	vst.idx.msk $0xffff, v14;
	v14 =	vor.u32 v49, v3  }
0x158: {  	[tilespmem:v4+s17+$0x0] =	vst.idx.msk $0xffff, v15;
	v15 =	vor.u32 v62, v3  }
0x159: {  	[tilespmem:v16+s17+$0x0] =	vst.idx.msk $0xffff, v28  }
0x15a: {  	[tilespmem:v18+s17+$0x0] =	vst.idx.msk $0xffff, v17  }
0x15b: {  	[tilespmem:v13+s17+$0x0] =	vst.idx.msk $0xffff, v19  }
0x15c: {  	[tilespmem:v14+s17+$0x0] =	vst.idx.msk $0xffff, v21  }
0x15d: {  	[tilespmem:v15+s17+$0x0] =	vst.idx.msk $0xffff, v12  }
0x15e: {  	v4 =	vld [tilespmem:s25+$0xC000]  }
0x15f: {  	v5 =	vld [tilespmem:s25+$0xC080]  }
0x160: {  	v6 =	vld [tilespmem:s25+$0xC100]  }
0x161: {  	v7 =	vld [tilespmem:s25+$0xC180]  }
0x162: {  	v8 =	vld [tilespmem:s25+$0xC200]  }
0x163: {  	v9 =	vld [tilespmem:s25+$0xC280]  }
0x164: {  	v10 =	vld [tilespmem:s25+$0xC300]  }
0x165: {  	v11 =	vld [tilespmem:s25+$0xC380]  }
0x166: {  	v12 =	vld [tilespmem:s25+$0xD000]  }
0x167: {  	v13 =	vld [tilespmem:s25+$0xD080]  }
0x168: {  	v16 =	vor.u32 v51, v3;
	v14 =	vld [tilespmem:s25+$0xD100]  }
0x169: {  	v18 =	vor.u32 v53, v3;
	v15 =	vld [tilespmem:s25+$0xD180]  }
0x16a: {  	v20 =	vor.u32 v50, v3;
	v17 =	vld [tilespmem:s25+$0xD200]  }
0x16b: {  	v22 =	vor.u32 v52, v3;
	v19 =	vld [tilespmem:s25+$0xD280]  }
0x16c: {  	v28 =	vmov v24;
	v24 =	vor.u32 v55, v3;
	v21 =	vld [tilespmem:s25+$0xD300]  }
0x16d: {  	v23 =	vld [tilespmem:s25+$0xD380];
	[tilespmem:v16+s17+$0x0] =	vst.idx.msk $0xffff, v4;
	v4 =	vor.u32 v56, v3  }
0x16e: {  	[tilespmem:v18+s17+$0x0] =	vst.idx.msk $0xffff, v5;
	v5 =	vor.u32 v57, v3  }
0x16f: {  	[tilespmem:v20+s17+$0x0] =	vst.idx.msk $0xffff, v6;
	v6 =	vor.u32 v54, v3  }
0x170: {  	v16 =	vld [tilespmem:$0x1FFA0];
	[tilespmem:v22+s17+$0x0] =	vst.idx.msk $0xffff, v7  }
0x171: {  	v18 =	vld [tilespmem:$0x1FFB0];
	[tilespmem:v24+s17+$0x0] =	vst.idx.msk $0xffff, v8  }
0x172: {  	[tilespmem:v4+s17+$0x0] =	vst.idx.msk $0xffff, v9  }
0x173: {  	[tilespmem:v5+s17+$0x0] =	vst.idx.msk $0xffff, v10  }
0x174: {  	[tilespmem:v6+s17+$0x0] =	vst.idx.msk $0xffff, v11;
	v11 =	vld [tilespmem:$0x1FFC0]  }
0x175: {  	v7 =	vor.u32 v16, v3  }
0x176: {  	v8 =	vor.u32 v18, v3  }
0x177: {  	v16 =	vor.u32 v27, v3  }
0x178: {  	v18 =	vor.u32 v33, v3  }
0x179: {  	v6 =	vor.u32 v11, v3  }
0x17a: {  	[tilespmem:v7+s17+$0x0] =	vst.idx.msk $0xffff, v12;
	v12 =	vor.u32 v34, v3  }
0x17b: {  	[tilespmem:v8+s17+$0x0] =	vst.idx.msk $0xffff, v13;
	v13 =	vor.u32 v35, v3  }
0x17c: {  	[tilespmem:v16+s17+$0x0] =	vst.idx.msk $0xffff, v14;
	v14 =	vor.u32 v36, v3  }
0x17d: {  	[tilespmem:v18+s17+$0x0] =	vst.idx.msk $0xffff, v15  }
0x17e: {  	[tilespmem:v6+s17+$0x0] =	vst.idx.msk $0xffff, v17  }
0x17f: {  	[tilespmem:v12+s17+$0x0] =	vst.idx.msk $0xffff, v19  }
0x180: {  	[tilespmem:v13+s17+$0x0] =	vst.idx.msk $0xffff, v21  }
0x181: {  	[tilespmem:v14+s17+$0x0] =	vst.idx.msk $0xffff, v23  }
0x182: {  	v4 =	vld [tilespmem:s25+$0xE000]  }
0x183: {  	v5 =	vld [tilespmem:s25+$0xE080]  }
0x184: {  	v6 =	vld [tilespmem:s25+$0xE100]  }
0x185: {  	v7 =	vld [tilespmem:s25+$0xE180]  }
0x186: {  	v8 =	vld [tilespmem:s25+$0xE200]  }
0x187: {  	v9 =	vld [tilespmem:s25+$0xE280]  }
0x188: {  	v10 =	vld [tilespmem:s25+$0xE300]  }
0x189: {  	v11 =	vld [tilespmem:s25+$0xE380]  }
0x18a: {  	v12 =	vld [tilespmem:s25+$0xF000]  }
0x18b: {  	v13 =	vld [tilespmem:s25+$0xF080]  }
0x18c: {  	v16 =	vor.u32 v37, v3;
	v14 =	vld [tilespmem:s25+$0xF100]  }
0x18d: {  	v18 =	vor.u32 v38, v3;
	v15 =	vld [tilespmem:s25+$0xF180]  }
0x18e: {  	v20 =	vor.u32 v39, v3;
	v17 =	vld [tilespmem:s25+$0xF200]  }
0x18f: {  	v22 =	vor.u32 v40, v3;
	v19 =	vld [tilespmem:s25+$0xF280]  }
0x190: {  	v24 =	vor.u32 v41, v3;
	v21 =	vld [tilespmem:s25+$0xF300]  }
0x191: {  	v23 =	vld [tilespmem:s25+$0xF380];
	[tilespmem:v16+s17+$0x0] =	vst.idx.msk $0xffff, v4;
	v4 =	vor.u32 v42, v3  }
0x192: {  	[tilespmem:v18+s17+$0x0] =	vst.idx.msk $0xffff, v5;
	v5 =	vor.u32 v43, v3  }
0x193: {  	[tilespmem:v20+s17+$0x0] =	vst.idx.msk $0xffff, v6;
	v6 =	vor.u32 v44, v3  }
0x194: {  	v16 =	vor.u32 v63, v3;
	[tilespmem:v22+s17+$0x0] =	vst.idx.msk $0xffff, v7  }
0x195: {  	v18 =	vor.u32 v45, v3;
	[tilespmem:v24+s17+$0x0] =	vst.idx.msk $0xffff, v8  }
0x196: {  	[tilespmem:v4+s17+$0x0] =	vst.idx.msk $0xffff, v9;
	v4 =	vor.u32 v2, v3  }
0x197: {  	[tilespmem:v5+s17+$0x0] =	vst.idx.msk $0xffff, v10;
	v5 =	vor.u32 v46, v3  }
0x198: {  	[tilespmem:v6+s17+$0x0] =	vst.idx.msk $0xffff, v11;
	v6 =	vor.u32 v47, v3  }
0x199: {  	[tilespmem:v16+s17+$0x0] =	vst.idx.msk $0xffff, v12;
	v16 =	vor.u32 v48, v3  }
0x19a: {  	[tilespmem:v18+s17+$0x0] =	vst.idx.msk $0xffff, v13;
	v18 =	vor.u32 v25, v3  }
0x19b: {  	p1 =	sne.s32 s24, $0x1F0;
	v3 =	vor.u32 v26, v3;
	[tilespmem:v4+s17+$0x0] =	vst.idx.msk $0xffff, v14  }
.Ltmp4:
0x19c: {  	[tilespmem:v5+s17+$0x0] =	vst.idx.msk $0xffff, v15;
	(pc) =	sbr.rel @p1 .LBB2_4-.Ltmp4, $4  }
0x19d: {  	[tilespmem:v6+s17+$0x0] =	vst.idx.msk $0xffff, v17  }
0x19e: {  	v22 =	vld [tilespmem:$0x1FEF0];
	[tilespmem:v16+s17+$0x0] =	vst.idx.msk $0xffff, v19  }
0x19f: {  	[tilespmem:v18+s17+$0x0] =	vst.idx.msk $0xffff, v21;
	v21 =	vld [tilespmem:$0x1FEE0]  }
0x1a0: {  	s23 =	sadd.s32 $0x80, s23;
	s24 =	sadd.s32 $0x10, s24;
	v24 =	vmov v28;
	[tilespmem:v3+s17+$0x0] =	vst.idx.msk $0xffff, v23;
	v23 =	vld [tilespmem:$0x1FF00]  }
.Ltmp5:
0x1a1: {  	(pc) =	sbr.rel .LBB2_6-.Ltmp5, $4  }
0x1a2: {  	[tilespmem:$0x1FB70] =	vst v26  }
0x1a3: {  	[hbm4b:s9+s2] =	stream.linear.scatter [tilespmem:s17], [sflag:$0x3], $0x8000, $0x38;
	[tilespmem:$0x1A000] =	vst v63  }
0x1a4: {  	[tilespmem:$0x1FB80] =	vst v25;
	s23 =	simm.s32 $0x1;
	v6 =	vld [tilespmem:$0x1FFA0]  }
0x1a5: {  	v26 =	vld [tilespmem:$0x1FFB0];
	[tilespmem:s15], [sflag:$0x2] =	stream.strided.gather [hbm4b:s10+s13], $0x8000, s14, s13, $0x38  }
.LBB2_12:
0x1a6: {  	s23 =	sadd.s32 $0x1, s23  }
0x1a7: {  	p1 =	sne.s32 s23, $0x1F  }
.Ltmp6:
0x1a8: {  	_ = 	snop;
	(pc) =	sbr.rel @!p1 .LBB2_13-.Ltmp6, $1  }
0x1a9: {  	_ =	sdelay $0x3  }
.LBB2_6:
0x1aa: {  	_ =	swait.ge [sflag:s16], $0x8000  }
0x1ab: {  	[sflag:s16] =	ssyncset.done $0x0  }
0x1ac: {  	[sflag:s16] =	ssyncadd.s32 $0xFFFF8000  }
0x1ad: {  	_ =	swait.ge [sflag:s19], $0x8000  }
0x1ae: {  	v44 =	vld [tilespmem:$0x1FDA0]  }
0x1af: {  	v45 =	vld [tilespmem:$0x1FDB0]  }
0x1b0: {  	v46 =	vld [tilespmem:$0x1FDC0]  }
0x1b1: {  	v47 =	vld [tilespmem:$0x1FDD0]  }
0x1b2: {  	v48 =	vld [tilespmem:$0x1FDE0]  }
0x1b3: {  	v49 =	vld [tilespmem:$0x1FDF0]  }
0x1b4: {  	v50 =	vld [tilespmem:$0x1FE00]  }
0x1b5: {  	v51 =	vld [tilespmem:$0x1FE10]  }
0x1b6: {  	v52 =	vld [tilespmem:$0x1FE20]  }
0x1b7: {  	v53 =	vld [tilespmem:$0x1FE30]  }
0x1b8: {  	v54 =	vld [tilespmem:$0x1FE40]  }
0x1b9: {  	v55 =	vld [tilespmem:$0x1FE50]  }
0x1ba: {  	v56 =	vld [tilespmem:$0x1FE60]  }
0x1bb: {  	v57 =	vld [tilespmem:$0x1FE70]  }
0x1bc: {  	v58 =	vld [tilespmem:$0x1FE80]  }
0x1bd: {  	v59 =	vld [tilespmem:$0x1FE90]  }
0x1be: {  	v60 =	vld [tilespmem:$0x1FEA0]  }
0x1bf: {  	v61 =	vld [tilespmem:$0x1FEB0]  }
0x1c0: {  	v62 =	vld [tilespmem:$0x1FEC0]  }
0x1c1: {  	v63 =	vld [tilespmem:$0x1FED0]  }
0x1c2: {  	v30 =	vld [tilespmem:$0x1FF10]  }
0x1c3: {  	v31 =	vld [tilespmem:$0x1FF20]  }
0x1c4: {  	v32 =	vld [tilespmem:$0x1FF30]  }
0x1c5: {  	v0 =	vld [tilespmem:$0x1FF40]  }
0x1c6: {  	v33 =	vld [tilespmem:$0x1FC20]  }
0x1c7: {  	v34 =	vld [tilespmem:$0x1FC30]  }
0x1c8: {  	v35 =	vld [tilespmem:$0x1FC40]  }
0x1c9: {  	v36 =	vld [tilespmem:$0x1FC50]  }
0x1ca: {  	v37 =	vld [tilespmem:$0x1FC60]  }
0x1cb: {  	v38 =	vld [tilespmem:$0x1FC70]  }
0x1cc: {  	v39 =	vld [tilespmem:$0x1FC80]  }
0x1cd: {  	v40 =	vld [tilespmem:$0x1FF50]  }
0x1ce: {  	v41 =	vld [tilespmem:$0x1FC90]  }
0x1cf: {  	v42 =	vld [tilespmem:$0x1FF60]  }
0x1d0: {  	v43 =	vld [tilespmem:$0x1FF70]  }
0x1d1: {  	v29 =	vld [tilespmem:$0x1FF80]  }
0x1d2: {  	v1 =	vld [tilespmem:$0x1FF90]  }
0x1d3: {  	s24 =	sshll.u32 s23, $0x1;
	[sflag:s19] =	ssyncset.done $0x0;
	v27 =	vld [tilespmem:$0x1FB80]  }
0x1d4: {  	s25 =	simm.s32 $0x0;
	s26 =	simm.s32 $0x0;
	v2 =	vmov v6;
	v25 =	vmov v26;
	v26 =	vld [tilespmem:$0x1FB70];
	[sflag:s19] =	ssyncadd.s32 $0xFFFF8000  }
.LBB2_7:
0x1d5: {  	s28 =	sand.u32 $0x70, s26;
	s29 =	sand.u32 $0xC00, s25;
	v14 =	vld [tilespmem:$0x1FFD0]  }
0x1d6: {  	v16 =	vld [tilespmem:$0x1FCF0];
	s28 =	sor.u32 s28, s29  }
0x1d7: {  	v4 =	vld [tilespmem:s28+$0x0]  }
0x1d8: {  	v5 =	vld [tilespmem:s28+$0x80]  }
0x1d9: {  	v6 =	vld [tilespmem:s28+$0x100]  }
0x1da: {  	v7 =	vld [tilespmem:s28+$0x180]  }
0x1db: {  	v8 =	vld [tilespmem:s28+$0x200]  }
0x1dc: {  	s31 =	sor.u32 s25, s26;
	v9 =	vld [tilespmem:s28+$0x280]  }
0x1dd: {  	s29 =	sor.u32 $0x380, s31;
	v10 =	vld [tilespmem:s28+$0x300]  }
0x1de: {  	v3 =	vmov s26;
	v11 =	vld [tilespmem:s29+$0x0]  }
0x1df: {  	v3 =	vshll.u32 v3, $0x6;
	v12 =	vld [tilespmem:s28+$0x1000]  }
0x1e0: {  	v13 =	vld [tilespmem:s28+$0x1080];
	v3 =	vor.u32 v14, v3  }
0x1e1: {  	v15 =	vld [tilespmem:s28+$0x1180];
	v3 =	vand.u32 $0x7F80, v3  }
0x1e2: {  	v17 =	vld [tilespmem:s28+$0x1200];
	v16 =	vor.u32 v16, v3  }
0x1e3: {  	v19 =	vld [tilespmem:s28+$0x1280]  }
0x1e4: {  	v14 =	vld [tilespmem:s28+$0x1100]  }
0x1e5: {  	v18 =	vor.u32 v21, v3;
	v21 =	vld [tilespmem:s28+$0x1300]  }
0x1e6: {  	v20 =	vor.u32 v22, v3;
	v22 =	vor.u32 v23, v3;
	v23 =	vld [tilespmem:s28+$0x1380]  }
0x1e7: {  	[tilespmem:v16+s17+$0x0] =	vst.idx.msk $0xffff, v4;
	v16 =	vld [tilespmem:$0x1FCA0];
	_ =	sdelay $0x4  }
0x1e8: {  	v4 =	vor.u32 v16, v3;
	v16 =	vld [tilespmem:$0x1FCB0]  }
0x1e9: {  	v24 =	vor.u32 v28, v3;
	[tilespmem:v18+s17+$0x0] =	vst.idx.msk $0xffff, v5;
	v18 =	vld [tilespmem:$0x1FCC0];
	_ =	sdelay $0x2  }
0x1ea: {  	[tilespmem:v20+s17+$0x0] =	vst.idx.msk $0xffff, v6  }
0x1eb: {  	[tilespmem:v22+s17+$0x0] =	vst.idx.msk $0xffff, v7;
	v5 =	vor.u32 v16, v3;
	v16 =	vld [tilespmem:$0x1FCD0]  }
0x1ec: {  	[tilespmem:v24+s17+$0x0] =	vst.idx.msk $0xffff, v8;
	v6 =	vor.u32 v18, v3;
	v18 =	vld [tilespmem:$0x1FCE0]  }
0x1ed: {  	[tilespmem:v4+s17+$0x0] =	vst.idx.msk $0xffff, v9;
	v9 =	vld [tilespmem:$0x1FD00];
	_ =	sdelay $0x2  }
0x1ee: {  	v7 =	vor.u32 v16, v3  }
0x1ef: {  	v8 =	vor.u32 v18, v3  }
0x1f0: {  	v4 =	vor.u32 v9, v3  }
0x1f1: {  	[tilespmem:v5+s17+$0x0] =	vst.idx.msk $0xffff, v10;
	v10 =	vld [tilespmem:$0x1FD10]  }
0x1f2: {  	[tilespmem:v6+s17+$0x0] =	vst.idx.msk $0xffff, v11;
	v11 =	vld [tilespmem:$0x1FD20]  }
0x1f3: {  	[tilespmem:v7+s17+$0x0] =	vst.idx.msk $0xffff, v12;
	v12 =	vld [tilespmem:$0x1FD30]  }
0x1f4: {  	[tilespmem:v8+s17+$0x0] =	vst.idx.msk $0xffff, v13;
	v13 =	vld [tilespmem:$0x1FD40]  }
0x1f5: {  	[tilespmem:v4+s17+$0x0] =	vst.idx.msk $0xffff, v14;
	v14 =	vld [tilespmem:$0x1FD50]  }
0x1f6: {  	v5 =	vor.u32 v10, v3  }
0x1f7: {  	v6 =	vor.u32 v11, v3  }
0x1f8: {  	v7 =	vor.u32 v12, v3  }
0x1f9: {  	v8 =	vor.u32 v13, v3  }
0x1fa: {  	v4 =	vor.u32 v14, v3  }
0x1fb: {  	[tilespmem:v5+s17+$0x0] =	vst.idx.msk $0xffff, v15  }
0x1fc: {  	v20 =	vld [tilespmem:$0x1FD80];
	[tilespmem:v6+s17+$0x0] =	vst.idx.msk $0xffff, v17  }
0x1fd: {  	v22 =	vld [tilespmem:$0x1FD90];
	[tilespmem:v7+s17+$0x0] =	vst.idx.msk $0xffff, v19  }
0x1fe: {  	v18 =	vld [tilespmem:$0x1FD70];
	[tilespmem:v8+s17+$0x0] =	vst.idx.msk $0xffff, v21  }
0x1ff: {  	v16 =	vld [tilespmem:$0x1FD60];
	[tilespmem:v4+s17+$0x0] =	vst.idx.msk $0xffff, v23  }
0x200: {  	v4 =	vld [tilespmem:s28+$0x2000]  }
0x201: {  	v5 =	vld [tilespmem:s28+$0x2080]  }
0x202: {  	v6 =	vld [tilespmem:s28+$0x2100]  }
0x203: {  	v7 =	vld [tilespmem:s28+$0x2180]  }
0x204: {  	v8 =	vld [tilespmem:s28+$0x2200]  }
0x205: {  	v9 =	vld [tilespmem:s28+$0x2280]  }
0x206: {  	v10 =	vld [tilespmem:s28+$0x2300]  }
0x207: {  	v11 =	vld [tilespmem:s28+$0x2380]  }
0x208: {  	v12 =	vld [tilespmem:s28+$0x3000]  }
0x209: {  	v13 =	vld [tilespmem:s28+$0x3080]  }
0x20a: {  	v16 =	vor.u32 v16, v3;
	v14 =	vld [tilespmem:s28+$0x3100]  }
0x20b: {  	v18 =	vor.u32 v18, v3;
	v15 =	vld [tilespmem:s28+$0x3180]  }
0x20c: {  	v20 =	vor.u32 v20, v3;
	v17 =	vld [tilespmem:s28+$0x3200]  }
0x20d: {  	v22 =	vor.u32 v22, v3;
	v19 =	vld [tilespmem:s28+$0x3280]  }
0x20e: {  	v24 =	vor.u32 v44, v3;
	v21 =	vld [tilespmem:s28+$0x3300]  }
0x20f: {  	v23 =	vld [tilespmem:s28+$0x3380];
	[tilespmem:v16+s17+$0x0] =	vst.idx.msk $0xffff, v4;
	v4 =	vor.u32 v45, v3  }
0x210: {  	v16 =	vor.u32 v46, v3;
	[tilespmem:v18+s17+$0x0] =	vst.idx.msk $0xffff, v5  }
0x211: {  	v18 =	vor.u32 v47, v3;
	[tilespmem:v20+s17+$0x0] =	vst.idx.msk $0xffff, v6  }
0x212: {  	[tilespmem:v22+s17+$0x0] =	vst.idx.msk $0xffff, v7;
	v7 =	vor.u32 v48, v3  }
0x213: {  	[tilespmem:v24+s17+$0x0] =	vst.idx.msk $0xffff, v8;
	v8 =	vor.u32 v49, v3  }
0x214: {  	[tilespmem:v4+s17+$0x0] =	vst.idx.msk $0xffff, v9;
	v4 =	vor.u32 v50, v3  }
0x215: {  	[tilespmem:v16+s17+$0x0] =	vst.idx.msk $0xffff, v10;
	v16 =	vor.u32 v51, v3  }
0x216: {  	[tilespmem:v18+s17+$0x0] =	vst.idx.msk $0xffff, v11;
	v18 =	vor.u32 v52, v3  }
0x217: {  	[tilespmem:v7+s17+$0x0] =	vst.idx.msk $0xffff, v12;
	v12 =	vor.u32 v53, v3  }
0x218: {  	[tilespmem:v8+s17+$0x0] =	vst.idx.msk $0xffff, v13;
	v13 =	vor.u32 v54, v3  }
0x219: {  	[tilespmem:v4+s17+$0x0] =	vst.idx.msk $0xffff, v14;
	v14 =	vor.u32 v55, v3  }
0x21a: {  	[tilespmem:v16+s17+$0x0] =	vst.idx.msk $0xffff, v15  }
0x21b: {  	[tilespmem:v18+s17+$0x0] =	vst.idx.msk $0xffff, v17  }
0x21c: {  	[tilespmem:v12+s17+$0x0] =	vst.idx.msk $0xffff, v19  }
0x21d: {  	[tilespmem:v13+s17+$0x0] =	vst.idx.msk $0xffff, v21  }
0x21e: {  	[tilespmem:v14+s17+$0x0] =	vst.idx.msk $0xffff, v23  }
0x21f: {  	v4 =	vld [tilespmem:s28+$0x4000]  }
0x220: {  	v5 =	vld [tilespmem:s28+$0x4080]  }
0x221: {  	v6 =	vld [tilespmem:s28+$0x4100]  }
0x222: {  	v7 =	vld [tilespmem:s28+$0x4180]  }
0x223: {  	v8 =	vld [tilespmem:s28+$0x4200]  }
0x224: {  	v9 =	vld [tilespmem:s28+$0x4280]  }
0x225: {  	v10 =	vld [tilespmem:s28+$0x4300]  }
0x226: {  	v11 =	vld [tilespmem:s28+$0x4380]  }
0x227: {  	v12 =	vld [tilespmem:s28+$0x5000]  }
0x228: {  	v13 =	vld [tilespmem:s28+$0x5080]  }
0x229: {  	v16 =	vor.u32 v56, v3;
	v14 =	vld [tilespmem:s28+$0x5100]  }
0x22a: {  	v18 =	vor.u32 v57, v3;
	v15 =	vld [tilespmem:s28+$0x5180]  }
0x22b: {  	v20 =	vor.u32 v58, v3;
	v17 =	vld [tilespmem:s28+$0x5200]  }
0x22c: {  	v22 =	vor.u32 v59, v3;
	v19 =	vld [tilespmem:s28+$0x5280]  }
0x22d: {  	v24 =	vor.u32 v60, v3;
	v21 =	vld [tilespmem:s28+$0x5300]  }
0x22e: {  	v23 =	vld [tilespmem:s28+$0x5380];
	[tilespmem:v16+s17+$0x0] =	vst.idx.msk $0xffff, v4;
	v4 =	vor.u32 v61, v3  }
0x22f: {  	[tilespmem:v18+s17+$0x0] =	vst.idx.msk $0xffff, v5;
	v5 =	vor.u32 v62, v3  }
0x230: {  	[tilespmem:v20+s17+$0x0] =	vst.idx.msk $0xffff, v6;
	v6 =	vor.u32 v63, v3  }
0x231: {  	[tilespmem:v22+s17+$0x0] =	vst.idx.msk $0xffff, v7  }
0x232: {  	[tilespmem:v24+s17+$0x0] =	vst.idx.msk $0xffff, v8  }
0x233: {  	[tilespmem:v4+s17+$0x0] =	vst.idx.msk $0xffff, v9;
	v9 =	vld [tilespmem:$0x1FFF0]  }
0x234: {  	[tilespmem:v5+s17+$0x0] =	vst.idx.msk $0xffff, v10;
	v10 =	vld [tilespmem:$0x1FFE0]  }
0x235: {  	[tilespmem:v6+s17+$0x0] =	vst.idx.msk $0xffff, v11;
	v11 =	vld [tilespmem:$0x1FFC0]  }
0x236: {  	v16 =	vor.u32 v2, v3  }
0x237: {  	v18 =	vor.u32 v25, v3  }
0x238: {  	v4 =	vor.u32 v9, v3  }
0x239: {  	v5 =	vor.u32 v10, v3  }
0x23a: {  	v6 =	vor.u32 v11, v3  }
0x23b: {  	[tilespmem:v16+s17+$0x0] =	vst.idx.msk $0xffff, v12;
	v12 =	vor.u32 v30, v3  }
0x23c: {  	[tilespmem:v18+s17+$0x0] =	vst.idx.msk $0xffff, v13;
	v13 =	vor.u32 v31, v3  }
0x23d: {  	[tilespmem:v4+s17+$0x0] =	vst.idx.msk $0xffff, v14;
	v14 =	vor.u32 v32, v3  }
0x23e: {  	[tilespmem:v5+s17+$0x0] =	vst.idx.msk $0xffff, v15  }
0x23f: {  	[tilespmem:v6+s17+$0x0] =	vst.idx.msk $0xffff, v17  }
0x240: {  	[tilespmem:v12+s17+$0x0] =	vst.idx.msk $0xffff, v19  }
0x241: {  	[tilespmem:v13+s17+$0x0] =	vst.idx.msk $0xffff, v21  }
0x242: {  	[tilespmem:v14+s17+$0x0] =	vst.idx.msk $0xffff, v23  }
0x243: {  	v4 =	vld [tilespmem:s28+$0x6000]  }
0x244: {  	v5 =	vld [tilespmem:s28+$0x6080]  }
0x245: {  	v6 =	vld [tilespmem:s28+$0x6100]  }
0x246: {  	v7 =	vld [tilespmem:s28+$0x6180]  }
0x247: {  	v8 =	vld [tilespmem:s28+$0x6200]  }
0x248: {  	v9 =	vld [tilespmem:s28+$0x6280]  }
0x249: {  	v10 =	vld [tilespmem:s28+$0x6300]  }
0x24a: {  	v11 =	vld [tilespmem:s28+$0x6380]  }
0x24b: {  	v12 =	vld [tilespmem:s28+$0x7000]  }
0x24c: {  	v13 =	vld [tilespmem:s28+$0x7080]  }
0x24d: {  	v16 =	vor.u32 v0, v3;
	v14 =	vld [tilespmem:s28+$0x7100]  }
0x24e: {  	v18 =	vor.u32 v33, v3;
	v15 =	vld [tilespmem:s28+$0x7180]  }
0x24f: {  	v20 =	vor.u32 v34, v3;
	v17 =	vld [tilespmem:s28+$0x7200]  }
0x250: {  	v22 =	vor.u32 v35, v3;
	v19 =	vld [tilespmem:s28+$0x7280]  }
0x251: {  	v24 =	vor.u32 v36, v3;
	v21 =	vld [tilespmem:s28+$0x7300]  }
0x252: {  	v23 =	vld [tilespmem:s28+$0x7380];
	[tilespmem:v16+s17+$0x0] =	vst.idx.msk $0xffff, v4;
	v4 =	vor.u32 v37, v3  }
0x253: {  	[tilespmem:v18+s17+$0x0] =	vst.idx.msk $0xffff, v5;
	v5 =	vor.u32 v38, v3  }
0x254: {  	[tilespmem:v20+s17+$0x0] =	vst.idx.msk $0xffff, v6;
	v6 =	vor.u32 v39, v3  }
0x255: {  	v16 =	vor.u32 v40, v3;
	[tilespmem:v22+s17+$0x0] =	vst.idx.msk $0xffff, v7  }
0x256: {  	v18 =	vor.u32 v41, v3;
	[tilespmem:v24+s17+$0x0] =	vst.idx.msk $0xffff, v8  }
0x257: {  	[tilespmem:v4+s17+$0x0] =	vst.idx.msk $0xffff, v9;
	v4 =	vor.u32 v42, v3  }
0x258: {  	[tilespmem:v5+s17+$0x0] =	vst.idx.msk $0xffff, v10;
	v5 =	vor.u32 v43, v3  }
0x259: {  	[tilespmem:v6+s17+$0x0] =	vst.idx.msk $0xffff, v11;
	v6 =	vor.u32 v29, v3  }
0x25a: {  	[tilespmem:v16+s17+$0x0] =	vst.idx.msk $0xffff, v12;
	v16 =	vor.u32 v1, v3  }
0x25b: {  	[tilespmem:v18+s17+$0x0] =	vst.idx.msk $0xffff, v13;
	v18 =	vor.u32 v27, v3  }
0x25c: {  	p1 =	sne.s32 s26, $0x1F0;
	v3 =	vor.u32 v26, v3;
	[tilespmem:v4+s17+$0x0] =	vst.idx.msk $0xffff, v14  }
.Ltmp7:
0x25d: {  	[tilespmem:v5+s17+$0x0] =	vst.idx.msk $0xffff, v15;
	(pc) =	sbr.rel @p1 .LBB2_7-.Ltmp7, $4  }
0x25e: {  	[tilespmem:v6+s17+$0x0] =	vst.idx.msk $0xffff, v17  }
0x25f: {  	v22 =	vld [tilespmem:$0x1FEF0];
	[tilespmem:v16+s17+$0x0] =	vst.idx.msk $0xffff, v19  }
0x260: {  	[tilespmem:v18+s17+$0x0] =	vst.idx.msk $0xffff, v21;
	v21 =	vld [tilespmem:$0x1FEE0]  }
0x261: {  	s25 =	sadd.s32 $0x80, s25;
	s26 =	sadd.s32 $0x10, s26;
	[tilespmem:v3+s17+$0x0] =	vst.idx.msk $0xffff, v23;
	v23 =	vld [tilespmem:$0x1FF00]  }
0x262: {  	s25 =	sshll.u32 s23, $0x12  }
0x263: {  	s25 =	sadd.s32 s25, s7  }
0x264: {  	[hbm4b:s25+s2] =	stream.linear.scatter [tilespmem:s17], [sflag:$0x3], $0x8000, $0x38;
	[tilespmem:$0x1A000] =	vst v63  }
0x265: {  	s25 =	sadd.s32 $0x2, s24  }
0x266: {  	p1 =	sge.u32 s25, s4  }
0x267: {  	s25 =	sshll.u32 @!p1 s25, $0xE;
	s26 =	simm.s32 @!p1 $0x1000  }
0x268: {  	s28 =	simm.s32 @!p1 $0x7A1400;
	s29 =	simm.s32 @!p1 $0x0;
	s25 =	sadd.s32 @!p1 s25, s5  }
0x269: {  	[tilespmem:s29], [sflag:$0x1] =	stream.strided.gather @!p1 [hbm4b:s25+s26], $0x8000, s28, s26, $0x38;
	[tilespmem:$0x1A000] =	vst v63  }
0x26a: {  	s25 =	sor.u32 $0x1, s24  }
0x26b: {  	p1 =	sge.u32 s25, s4  }
.Ltmp8:
0x26c: {  	_ = 	snop;
	(pc) =	sbr.rel @p1 .LBB2_12-.Ltmp8, $4  }
0x26d: {  	v27 =	vld [tilespmem:$0x1FFF0]  }
0x26e: {  	v33 =	vld [tilespmem:$0x1FFE0]  }
0x26f: {  	v8 =	vld [tilespmem:$0x1FFC0]  }
0x270: {  	v24 =	vmov v28;
	v6 =	vmov v2;
	v26 =	vmov v25;
	v1 =	vld [tilespmem:$0x1FFD0]  }
0x271: {  	_ =	swait.ge [sflag:s18], $0x8000  }
0x272: {  	[sflag:s18] =	ssyncset.done $0x0  }
0x273: {  	[sflag:s18] =	ssyncadd.s32 $0xFFFF8000  }
0x274: {  	_ =	swait.ge [sflag:s19], $0x8000  }
0x275: {  	v48 =	vld [tilespmem:$0x1FDE0]  }
0x276: {  	v49 =	vld [tilespmem:$0x1FDF0]  }
0x277: {  	v50 =	vld [tilespmem:$0x1FE00]  }
0x278: {  	v51 =	vld [tilespmem:$0x1FE10]  }
0x279: {  	v52 =	vld [tilespmem:$0x1FE20]  }
0x27a: {  	v53 =	vld [tilespmem:$0x1FE30]  }
0x27b: {  	v54 =	vld [tilespmem:$0x1FE40]  }
0x27c: {  	v55 =	vld [tilespmem:$0x1FE50]  }
0x27d: {  	v56 =	vld [tilespmem:$0x1FE60]  }
0x27e: {  	v57 =	vld [tilespmem:$0x1FE70]  }
0x27f: {  	v58 =	vld [tilespmem:$0x1FE80]  }
0x280: {  	v59 =	vld [tilespmem:$0x1FE90]  }
0x281: {  	v60 =	vld [tilespmem:$0x1FEA0]  }
0x282: {  	v61 =	vld [tilespmem:$0x1FEB0]  }
0x283: {  	v62 =	vld [tilespmem:$0x1FEC0]  }
0x284: {  	v29 =	vld [tilespmem:$0x1FED0]  }
0x285: {  	v25 =	vld [tilespmem:$0x1FF10]  }
0x286: {  	v47 =	vmov v1;
	v1 =	vmov v26;
	v26 =	vld [tilespmem:$0x1FF20]  }
0x287: {  	v43 =	vmov v27;
	v27 =	vld [tilespmem:$0x1FF30]  }
0x288: {  	v63 =	vld [tilespmem:$0x1FF40]  }
0x289: {  	v2 =	vld [tilespmem:$0x1FC20]  }
0x28a: {  	v30 =	vld [tilespmem:$0x1FC30]  }
0x28b: {  	v31 =	vld [tilespmem:$0x1FC40]  }
0x28c: {  	v32 =	vld [tilespmem:$0x1FC50]  }
0x28d: {  	v0 =	vld [tilespmem:$0x1FC60]  }
0x28e: {  	v44 =	vmov v33;
	v33 =	vld [tilespmem:$0x1FC70]  }
0x28f: {  	v34 =	vld [tilespmem:$0x1FC80]  }
0x290: {  	v35 =	vld [tilespmem:$0x1FF50]  }
0x291: {  	v36 =	vld [tilespmem:$0x1FC90]  }
0x292: {  	v37 =	vld [tilespmem:$0x1FF60]  }
0x293: {  	v38 =	vld [tilespmem:$0x1FF70]  }
0x294: {  	v39 =	vld [tilespmem:$0x1FF80]  }
0x295: {  	v40 =	vld [tilespmem:$0x1FF90]  }
0x296: {  	[sflag:s19] =	ssyncset.done $0x0;
	v41 =	vld [tilespmem:$0x1FB80]  }
0x297: {  	s26 =	simm.s32 $0x0;
	s28 =	simm.s32 $0x0;
	v46 =	vmov v6;
	v45 =	vmov v8;
	v42 =	vld [tilespmem:$0x1FB70];
	[sflag:s19] =	ssyncadd.s32 $0xFFFF8000  }
.LBB2_10:
0x298: {  	s29 =	sand.u32 $0x70, s28;
	s30 =	sand.u32 $0xC00, s26  }
0x299: {  	v16 =	vld [tilespmem:$0x1FCF0];
	s29 =	sor.u32 s29, s30  }
0x29a: {  	v4 =	vld [tilespmem:s29+$0x8000]  }
0x29b: {  	v5 =	vld [tilespmem:s29+$0x8080]  }
0x29c: {  	v6 =	vld [tilespmem:s29+$0x8100]  }
0x29d: {  	v7 =	vld [tilespmem:s29+$0x8180]  }
0x29e: {  	v8 =	vld [tilespmem:s29+$0x8200]  }
0x29f: {  	v9 =	vld [tilespmem:s29+$0x8280]  }
0x2a0: {  	v10 =	vld [tilespmem:s29+$0x8300]  }
0x2a1: {  	v3 =	vmov s28;
	v11 =	vld [tilespmem:s29+$0x8380]  }
0x2a2: {  	v3 =	vshll.u32 v3, $0x6;
	v12 =	vld [tilespmem:s29+$0x9000]  }
0x2a3: {  	v13 =	vld [tilespmem:s29+$0x9080];
	v3 =	vor.u32 v47, v3  }
0x2a4: {  	v14 =	vld [tilespmem:s29+$0x9100];
	v3 =	vand.u32 $0x7F80, v3  }
0x2a5: {  	v15 =	vld [tilespmem:s29+$0x9180];
	v16 =	vor.u32 v16, v3  }
0x2a6: {  	v17 =	vld [tilespmem:s29+$0x9200]  }
0x2a7: {  	v19 =	vld [tilespmem:s29+$0x9280]  }
0x2a8: {  	v18 =	vor.u32 v21, v3;
	v21 =	vld [tilespmem:s29+$0x9300]  }
0x2a9: {  	v20 =	vor.u32 v22, v3;
	v22 =	vor.u32 v23, v3;
	v23 =	vld [tilespmem:s29+$0x9380]  }
0x2aa: {  	[tilespmem:v16+s17+$0x0] =	vst.idx.msk $0xffff, v4;
	v16 =	vld [tilespmem:$0x1FCA0];
	_ =	sdelay $0x4  }
0x2ab: {  	v4 =	vor.u32 v16, v3;
	v16 =	vld [tilespmem:$0x1FCB0]  }
0x2ac: {  	v24 =	vor.u32 v28, v3;
	[tilespmem:v18+s17+$0x0] =	vst.idx.msk $0xffff, v5;
	v18 =	vld [tilespmem:$0x1FCC0];
	_ =	sdelay $0x2  }
0x2ad: {  	[tilespmem:v20+s17+$0x0] =	vst.idx.msk $0xffff, v6  }
0x2ae: {  	[tilespmem:v22+s17+$0x0] =	vst.idx.msk $0xffff, v7;
	v5 =	vor.u32 v16, v3;
	v16 =	vld [tilespmem:$0x1FCD0]  }
0x2af: {  	[tilespmem:v24+s17+$0x0] =	vst.idx.msk $0xffff, v8;
	v6 =	vor.u32 v18, v3;
	v18 =	vld [tilespmem:$0x1FCE0]  }
0x2b0: {  	[tilespmem:v4+s17+$0x0] =	vst.idx.msk $0xffff, v9;
	v9 =	vld [tilespmem:$0x1FD00];
	_ =	sdelay $0x2  }
0x2b1: {  	v7 =	vor.u32 v16, v3  }
0x2b2: {  	v8 =	vor.u32 v18, v3  }
0x2b3: {  	v4 =	vor.u32 v9, v3  }
0x2b4: {  	[tilespmem:v5+s17+$0x0] =	vst.idx.msk $0xffff, v10;
	v10 =	vld [tilespmem:$0x1FD10]  }
0x2b5: {  	[tilespmem:v6+s17+$0x0] =	vst.idx.msk $0xffff, v11;
	v11 =	vld [tilespmem:$0x1FD20]  }
0x2b6: {  	[tilespmem:v7+s17+$0x0] =	vst.idx.msk $0xffff, v12;
	v12 =	vld [tilespmem:$0x1FD30]  }
0x2b7: {  	[tilespmem:v8+s17+$0x0] =	vst.idx.msk $0xffff, v13;
	v13 =	vld [tilespmem:$0x1FD40]  }
0x2b8: {  	[tilespmem:v4+s17+$0x0] =	vst.idx.msk $0xffff, v14;
	v14 =	vld [tilespmem:$0x1FD50]  }
0x2b9: {  	v5 =	vor.u32 v10, v3  }
0x2ba: {  	v6 =	vor.u32 v11, v3  }
0x2bb: {  	v7 =	vor.u32 v12, v3  }
0x2bc: {  	v8 =	vor.u32 v13, v3  }
0x2bd: {  	v4 =	vor.u32 v14, v3  }
0x2be: {  	[tilespmem:v5+s17+$0x0] =	vst.idx.msk $0xffff, v15  }
0x2bf: {  	[tilespmem:v6+s17+$0x0] =	vst.idx.msk $0xffff, v17  }
0x2c0: {  	[tilespmem:v7+s17+$0x0] =	vst.idx.msk $0xffff, v19  }
0x2c1: {  	v18 =	vld [tilespmem:$0x1FD70];
	[tilespmem:v8+s17+$0x0] =	vst.idx.msk $0xffff, v21  }
0x2c2: {  	v16 =	vld [tilespmem:$0x1FD60];
	[tilespmem:v4+s17+$0x0] =	vst.idx.msk $0xffff, v23  }
0x2c3: {  	v4 =	vld [tilespmem:s29+$0xA000]  }
0x2c4: {  	v5 =	vld [tilespmem:s29+$0xA080]  }
0x2c5: {  	v6 =	vld [tilespmem:s29+$0xA100]  }
0x2c6: {  	v7 =	vld [tilespmem:s29+$0xA180]  }
0x2c7: {  	v8 =	vld [tilespmem:s29+$0xA200]  }
0x2c8: {  	v9 =	vld [tilespmem:s29+$0xA280]  }
0x2c9: {  	v10 =	vld [tilespmem:s29+$0xA300]  }
0x2ca: {  	v11 =	vld [tilespmem:s29+$0xA380]  }
0x2cb: {  	v12 =	vld [tilespmem:s29+$0xB000]  }
0x2cc: {  	v13 =	vld [tilespmem:s29+$0xB080]  }
0x2cd: {  	v14 =	vld [tilespmem:s29+$0xB100]  }
0x2ce: {  	v16 =	vor.u32 v16, v3;
	v15 =	vld [tilespmem:s29+$0xB180]  }
0x2cf: {  	v17 =	vld [tilespmem:s29+$0xB200]  }
0x2d0: {  	v19 =	vld [tilespmem:s29+$0xB280]  }
0x2d1: {  	v21 =	vld [tilespmem:s29+$0xB300]  }
0x2d2: {  	v23 =	vld [tilespmem:s29+$0xB380]  }
0x2d3: {  	[tilespmem:v16+s17+$0x0] =	vst.idx.msk $0xffff, v4;
	v16 =	vld [tilespmem:$0x1FDB0]  }
0x2d4: {  	v20 =	vld [tilespmem:$0x1FD80];
	v18 =	vor.u32 v18, v3  }
0x2d5: {  	v22 =	vld [tilespmem:$0x1FD90]  }
0x2d6: {  	v24 =	vld [tilespmem:$0x1FDA0];
	_ =	sdelay $0x1  }
0x2d7: {  	v4 =	vor.u32 v16, v3;
	v16 =	vld [tilespmem:$0x1FDC0]  }
0x2d8: {  	v20 =	vor.u32 v20, v3;
	[tilespmem:v18+s17+$0x0] =	vst.idx.msk $0xffff, v5;
	v18 =	vld [tilespmem:$0x1FDD0]  }
0x2d9: {  	v22 =	vor.u32 v22, v3  }
0x2da: {  	v24 =	vor.u32 v24, v3;
	_ =	sdelay $0x1  }
0x2db: {  	v5 =	vor.u32 v16, v3  }
0x2dc: {  	[tilespmem:v20+s17+$0x0] =	vst.idx.msk $0xffff, v6;
	v6 =	vor.u32 v18, v3  }
0x2dd: {  	[tilespmem:v22+s17+$0x0] =	vst.idx.msk $0xffff, v7;
	v7 =	vor.u32 v48, v3  }
0x2de: {  	[tilespmem:v24+s17+$0x0] =	vst.idx.msk $0xffff, v8;
	v8 =	vor.u32 v49, v3  }
0x2df: {  	[tilespmem:v4+s17+$0x0] =	vst.idx.msk $0xffff, v9;
	v4 =	vor.u32 v50, v3  }
0x2e0: {  	v16 =	vor.u32 v51, v3;
	[tilespmem:v5+s17+$0x0] =	vst.idx.msk $0xffff, v10  }
0x2e1: {  	v18 =	vor.u32 v52, v3;
	[tilespmem:v6+s17+$0x0] =	vst.idx.msk $0xffff, v11  }
0x2e2: {  	[tilespmem:v7+s17+$0x0] =	vst.idx.msk $0xffff, v12;
	v12 =	vor.u32 v53, v3  }
0x2e3: {  	[tilespmem:v8+s17+$0x0] =	vst.idx.msk $0xffff, v13;
	v13 =	vor.u32 v54, v3  }
0x2e4: {  	[tilespmem:v4+s17+$0x0] =	vst.idx.msk $0xffff, v14;
	v14 =	vor.u32 v55, v3  }
0x2e5: {  	[tilespmem:v16+s17+$0x0] =	vst.idx.msk $0xffff, v15  }
0x2e6: {  	[tilespmem:v18+s17+$0x0] =	vst.idx.msk $0xffff, v17  }
0x2e7: {  	[tilespmem:v12+s17+$0x0] =	vst.idx.msk $0xffff, v19  }
0x2e8: {  	[tilespmem:v13+s17+$0x0] =	vst.idx.msk $0xffff, v21  }
0x2e9: {  	[tilespmem:v14+s17+$0x0] =	vst.idx.msk $0xffff, v23  }
0x2ea: {  	v4 =	vld [tilespmem:s29+$0xC000]  }
0x2eb: {  	v5 =	vld [tilespmem:s29+$0xC080]  }
0x2ec: {  	v6 =	vld [tilespmem:s29+$0xC100]  }
0x2ed: {  	v7 =	vld [tilespmem:s29+$0xC180]  }
0x2ee: {  	v8 =	vld [tilespmem:s29+$0xC200]  }
0x2ef: {  	v9 =	vld [tilespmem:s29+$0xC280]  }
0x2f0: {  	v10 =	vld [tilespmem:s29+$0xC300]  }
0x2f1: {  	v11 =	vld [tilespmem:s29+$0xC380]  }
0x2f2: {  	v12 =	vld [tilespmem:s29+$0xD000]  }
0x2f3: {  	v13 =	vld [tilespmem:s29+$0xD080]  }
0x2f4: {  	v16 =	vor.u32 v56, v3;
	v14 =	vld [tilespmem:s29+$0xD100]  }
0x2f5: {  	v18 =	vor.u32 v57, v3;
	v15 =	vld [tilespmem:s29+$0xD180]  }
0x2f6: {  	v20 =	vor.u32 v58, v3;
	v17 =	vld [tilespmem:s29+$0xD200]  }
0x2f7: {  	v22 =	vor.u32 v59, v3;
	v19 =	vld [tilespmem:s29+$0xD280]  }
0x2f8: {  	v24 =	vor.u32 v60, v3;
	v21 =	vld [tilespmem:s29+$0xD300]  }
0x2f9: {  	v23 =	vld [tilespmem:s29+$0xD380];
	[tilespmem:v16+s17+$0x0] =	vst.idx.msk $0xffff, v4;
	v4 =	vor.u32 v61, v3  }
0x2fa: {  	v16 =	vor.u32 v62, v3;
	[tilespmem:v18+s17+$0x0] =	vst.idx.msk $0xffff, v5  }
0x2fb: {  	v18 =	vor.u32 v29, v3;
	[tilespmem:v20+s17+$0x0] =	vst.idx.msk $0xffff, v6  }
0x2fc: {  	[tilespmem:v22+s17+$0x0] =	vst.idx.msk $0xffff, v7;
	v7 =	vor.u32 v46, v3  }
0x2fd: {  	[tilespmem:v24+s17+$0x0] =	vst.idx.msk $0xffff, v8;
	v8 =	vor.u32 v1, v3  }
0x2fe: {  	[tilespmem:v4+s17+$0x0] =	vst.idx.msk $0xffff, v9;
	v4 =	vor.u32 v43, v3  }
0x2ff: {  	[tilespmem:v16+s17+$0x0] =	vst.idx.msk $0xffff, v10;
	v16 =	vor.u32 v44, v3  }
0x300: {  	[tilespmem:v18+s17+$0x0] =	vst.idx.msk $0xffff, v11;
	v18 =	vor.u32 v45, v3  }
0x301: {  	[tilespmem:v7+s17+$0x0] =	vst.idx.msk $0xffff, v12;
	v12 =	vor.u32 v25, v3  }
0x302: {  	[tilespmem:v8+s17+$0x0] =	vst.idx.msk $0xffff, v13;
	v13 =	vor.u32 v26, v3  }
0x303: {  	[tilespmem:v4+s17+$0x0] =	vst.idx.msk $0xffff, v14;
	v14 =	vor.u32 v27, v3  }
0x304: {  	[tilespmem:v16+s17+$0x0] =	vst.idx.msk $0xffff, v15  }
0x305: {  	[tilespmem:v18+s17+$0x0] =	vst.idx.msk $0xffff, v17  }
0x306: {  	[tilespmem:v12+s17+$0x0] =	vst.idx.msk $0xffff, v19  }
0x307: {  	[tilespmem:v13+s17+$0x0] =	vst.idx.msk $0xffff, v21  }
0x308: {  	[tilespmem:v14+s17+$0x0] =	vst.idx.msk $0xffff, v23  }
0x309: {  	v4 =	vld [tilespmem:s29+$0xE000]  }
0x30a: {  	v5 =	vld [tilespmem:s29+$0xE080]  }
0x30b: {  	v6 =	vld [tilespmem:s29+$0xE100]  }
0x30c: {  	v7 =	vld [tilespmem:s29+$0xE180]  }
0x30d: {  	v8 =	vld [tilespmem:s29+$0xE200]  }
0x30e: {  	v9 =	vld [tilespmem:s29+$0xE280]  }
0x30f: {  	v10 =	vld [tilespmem:s29+$0xE300]  }
0x310: {  	v11 =	vld [tilespmem:s29+$0xE380]  }
0x311: {  	v12 =	vld [tilespmem:s29+$0xF000]  }
0x312: {  	v13 =	vld [tilespmem:s29+$0xF080]  }
0x313: {  	v16 =	vor.u32 v63, v3;
	v14 =	vld [tilespmem:s29+$0xF100]  }
0x314: {  	v18 =	vor.u32 v2, v3;
	v15 =	vld [tilespmem:s29+$0xF180]  }
0x315: {  	v20 =	vor.u32 v30, v3;
	v17 =	vld [tilespmem:s29+$0xF200]  }
0x316: {  	v22 =	vor.u32 v31, v3;
	v19 =	vld [tilespmem:s29+$0xF280]  }
0x317: {  	v24 =	vor.u32 v32, v3;
	v21 =	vld [tilespmem:s29+$0xF300]  }
0x318: {  	v23 =	vld [tilespmem:s29+$0xF380];
	[tilespmem:v16+s17+$0x0] =	vst.idx.msk $0xffff, v4;
	v4 =	vor.u32 v0, v3  }
0x319: {  	[tilespmem:v18+s17+$0x0] =	vst.idx.msk $0xffff, v5;
	v5 =	vor.u32 v33, v3  }
0x31a: {  	[tilespmem:v20+s17+$0x0] =	vst.idx.msk $0xffff, v6;
	v6 =	vor.u32 v34, v3  }
0x31b: {  	v16 =	vor.u32 v35, v3;
	[tilespmem:v22+s17+$0x0] =	vst.idx.msk $0xffff, v7  }
0x31c: {  	v18 =	vor.u32 v36, v3;
	[tilespmem:v24+s17+$0x0] =	vst.idx.msk $0xffff, v8  }
0x31d: {  	[tilespmem:v4+s17+$0x0] =	vst.idx.msk $0xffff, v9;
	v4 =	vor.u32 v37, v3  }
0x31e: {  	[tilespmem:v5+s17+$0x0] =	vst.idx.msk $0xffff, v10;
	v5 =	vor.u32 v38, v3  }
0x31f: {  	[tilespmem:v6+s17+$0x0] =	vst.idx.msk $0xffff, v11;
	v6 =	vor.u32 v39, v3  }
0x320: {  	[tilespmem:v16+s17+$0x0] =	vst.idx.msk $0xffff, v12;
	v16 =	vor.u32 v40, v3  }
0x321: {  	[tilespmem:v18+s17+$0x0] =	vst.idx.msk $0xffff, v13;
	v18 =	vor.u32 v41, v3  }
0x322: {  	p1 =	sne.s32 s28, $0x1F0;
	v3 =	vor.u32 v42, v3;
	[tilespmem:v4+s17+$0x0] =	vst.idx.msk $0xffff, v14  }
.Ltmp9:
0x323: {  	[tilespmem:v5+s17+$0x0] =	vst.idx.msk $0xffff, v15;
	(pc) =	sbr.rel @p1 .LBB2_10-.Ltmp9, $4  }
0x324: {  	[tilespmem:v6+s17+$0x0] =	vst.idx.msk $0xffff, v17  }
0x325: {  	v22 =	vld [tilespmem:$0x1FEF0];
	[tilespmem:v16+s17+$0x0] =	vst.idx.msk $0xffff, v19  }
0x326: {  	[tilespmem:v18+s17+$0x0] =	vst.idx.msk $0xffff, v21;
	v21 =	vld [tilespmem:$0x1FEE0]  }
0x327: {  	s26 =	sadd.s32 $0x80, s26;
	s28 =	sadd.s32 $0x10, s28;
	[tilespmem:v3+s17+$0x0] =	vst.idx.msk $0xffff, v23;
	v23 =	vld [tilespmem:$0x1FF00]  }
0x328: {  	s25 =	sshll.u32 s25, $0x11;
	s24 =	sadd.s32 $0x3, s24  }
.Ltmp10:
0x329: {  	s25 =	sadd.s32 s25, s7;
	p1 =	sge.u32 s24, s4;
	(pc) =	sbr.rel .LBB2_12-.Ltmp10, $4  }
0x32a: {  	[hbm4b:s25+s2] =	stream.linear.scatter [tilespmem:s17], [sflag:$0x3], $0x8000, $0x38;
	[tilespmem:$0x1A000] =	vst v63  }
0x32b: {  	s24 =	sshll.u32 @!p1 s24, $0xE;
	s25 =	simm.s32 @!p1 $0x1000  }
0x32c: {  	v24 =	vmov v28;
	s26 =	simm.s32 @!p1 $0x7A1400;
	s28 =	simm.s32 @!p1 $0x8000;
	s24 =	sadd.s32 @!p1 s24, s5  }
0x32d: {  	v27 =	vmovc v43;
	v33 =	vmovc v44;
	v6 =	vmov v46;
	v26 =	vmov v1;
	v1 =	vmov v47;
	[tilespmem:s28], [sflag:$0x2] =	stream.strided.gather @!p1 [hbm4b:s24+s25], $0x8000, s26, s25, $0x38;
	[tilespmem:$0x1A000] =	vst v63  }
.LBB2_14:
0x32e: {  	s23 =	simm.s32 $0x0  }
0x32f: {  	[tilespmem:s20], [sflag:$0x4] =	stream.linear.gather [hbm4b:s0+s23], $0x2000, $0x38;
	[tilespmem:$0x1A000] =	vst v63  }
0x330: {  	_ =	swait.ge [sflag:s21], $0x2000  }
0x331: {  	[sflag:s21] =	ssyncset.done $0x0  }
0x332: {  	s24 =	simm.s32 $0x18020;
	[sflag:s21] =	ssyncadd.s32 $0xFFFFE000  }
0x333: {  	s25 =	simm.s32 $0x1;
	v5 =	vor.u32 s23, v1;
	v4 =	vld [tilespmem:s24+$0xFFFFFFE0]  }
.LBB2_15:
0x334: {  	p1 =	sne.s32 s25, $0x3F;
	_ =	sdelay $0x3  }
0x335: {  	v2 =	vor.u32 $0x400, v1;
	[tilespmem:v5+s17+$0x0] =	vst.idx.msk $0xffff, v4  }
0x336: {  	v4 =	vor.u32 s23, v2;
	v3 =	vld [tilespmem:s24+$0xFFFFFFF0];
	_ =	sdelay $0x4  }
0x337: {  	[tilespmem:v4+s17+$0x0] =	vst.idx.msk $0xffff, v3;
	v3 =	vor.u32 $0x800, v1  }
0x338: {  	v4 =	vld [tilespmem:s24+$0x0];
	v5 =	vor.u32 s23, v3;
	_ =	sdelay $0x4  }
0x339: {  	v63 =	vor.u32 $0xC00, v1;
	[tilespmem:v5+s17+$0x0] =	vst.idx.msk $0xffff, v4  }
0x33a: {  	v5 =	vor.u32 s23, v63;
	s23 =	smov.u32 s25;
	v4 =	vld [tilespmem:s24+$0x10];
	_ =	sdelay $0x1  }
.Ltmp11:
0x33b: {  	(pc) =	sbr.rel @p1 .LBB2_15-.Ltmp11, $3  }
0x33c: {  	_ =	sdelay $0x1  }
0x33d: {  	s24 =	sadd.s32 $0x80, s24;
	[tilespmem:v5+s17+$0x0] =	vst.idx.msk $0xffff, v4  }
0x33e: {  	s25 =	sadd.s32 $0x1, s25;
	v5 =	vor.u32 s23, v1;
	v4 =	vld [tilespmem:s24+$0xFFFFFFE0]  }
0x33f: {  	_ =	sdelay $0x3  }
0x340: {  	[tilespmem:v5+s17+$0x0] =	vst.idx.msk $0xffff, v4  }
0x341: {  	v2 =	vor.u32 s23, v2;
	v4 =	vld [tilespmem:s24+$0xFFFFFFF0];
	_ =	sdelay $0x4  }
0x342: {  	[tilespmem:v2+s17+$0x0] =	vst.idx.msk $0xffff, v4  }
0x343: {  	v3 =	vor.u32 s23, v3;
	v2 =	vld [tilespmem:s24+$0x0];
	_ =	sdelay $0x4  }
0x344: {  	[tilespmem:v3+s17+$0x0] =	vst.idx.msk $0xffff, v2  }
0x345: {  	v3 =	vor.u32 s23, v63;
	v2 =	vld [tilespmem:s24+$0x10];
	_ =	sdelay $0x4  }
.Ltmp12:
0x346: {  	[tilespmem:v3+s17+$0x0] =	vst.idx.msk $0xffff, v2;
	(pc) =	sbr.rel .LBB2_17-.Ltmp12, $4  }
0x347: {  	[hbm4b:s11+s2] =	stream.linear.scatter [tilespmem:s17], [sflag:$0x4], $0x1000, $0x38;
	[tilespmem:$0x1A000] =	vst v63  }
0x348: {  	_ =	swait.ge [sflag:s21], $0x1000  }
0x349: {  	[sflag:s21] =	ssyncset.done $0x0  }
0x34a: {  	[sflag:s21] =	ssyncadd.s32 $0xFFFFF000  }
.LBB2_18:
0x34b: {  	_ =	sfence.sel $0x180000  }
0x34c: {  	[bflag:$0x0] =	sbarrier.arrive $0xFFFF  }
0x34d: {  	p0 =	sne.s32 s3, $0x0;
	_ =	strace $0x90000047  }
0x34e: {  	s0 =	sadd.s32 @!p0 $0x100000, s1;
	[bflag:$0x2] =	sbarrier.arrive $0xFFFF  }
0x34f: {  	[sflag:s0] =	ssyncadd.tile.s32 @!p0 $0x1;
	_ =	shalt  }
.Lfunc_end2:
_tile_overlayer_lowered:
.L_overlay_start_2:
0x350: {  	(tag) =	ssettag $0x2  }
0x351: {  	s0 =	rddreg [dreg:$0x0];
	s2 =	stileid.u32  }
0x352: {  	s1 =	rddreg [dreg:$0x1];
	p0 =	sne.s32 s2, $0x0  }
0x353: {  	s3 =	rddreg [dreg:$0x2];
	[bflag:$0x3] =	sbarrier.arrive $0xFFFF;
	s2 =	simm.s32 @!p0 $0x1C04  }
0x354: {  	[timem:s3], [sflag:s2] =	dma.local @!p0 [hbm:s0], s1  }
0x355: {  	s0 =	simm.s32 @!p0 $0x4  }
0x356: {  	_ =	swait.ge @!p0 [sflag:s0], s1  }
0x357: {  	s1 =	ssub.s32 @!p0 $0x0, s1;
	[sflag:s0] =	ssyncset.done @!p0 $0x0  }
0x358: {  	[sflag:s0] =	ssyncadd.s32 @!p0 s1  }
0x359: {  	[bflag:$0x3] =	sbarrier.arrive $0xFFFF  }
0x35a: {  	_ =	shalt  }

// kernel: _embed.7.cloned.1.call-start
scs
__scs_entry_jumppad:
0x0: {  	(pc) =	sbr.rel $0x88, $3  }
0x1: {  	(tag) =	ssettag $0x0;
	lr =	simm.s32 $0x1  }
0x2: {  	[smem:$0x3F9E] =	sst lr;
	_ =	strace $0xD0000000  }
0x3: {  	_ = 	snop  }
0x4: {  	_ = 	snop  }
0x5: {  	_ = 	snop  }
0x6: {  	_ = 	snop  }
0x7: {  	_ = 	snop  }
__scs_overlays_trampoline_lowered:
0x8: {  	[smem:$0x3FAD] =	sst s0  }
0x9: {  	[smem:$0x3FAE] =	sst s1  }
0xa: {  	[smem:$0x3FAF] =	sst s2  }
0xb: {  	[smem:$0x3FB0] =	sst s3  }
0xc: {  	[smem:$0x3FB1] =	sst s4  }
0xd: {  	[smem:$0x3FB2] =	sst s5  }
0xe: {  	[smem:$0x3FB3] =	sst s6  }
0xf: {  	[smem:$0x3FB4] =	sst s7  }
0x10: {  	[smem:$0x3FB5] =	sst s8  }
0x11: {  	[smem:$0x3FB6] =	sst s9;
	s0 =	simm.s32 @!p0 $0x0  }
0x12: {  	s1 =	sld [smem:$0x3F9C];
	s0 =	simm.s32 @p0 $0x1  }
0x13: {  	[smem:$0x3FB7] =	sst s0;
	s0 =	simm.s32 @!p1 $0x0  }
0x14: {  	s2 =	sld [smem:$0x3F9B];
	s0 =	simm.s32 @p1 $0x1  }
0x15: {  	[smem:$0x3FB8] =	sst s0;
	s0 =	simm.s32 @!p2 $0x0  }
0x16: {  	s3 =	sld [smem:$0x3FDB];
	s0 =	simm.s32 @p2 $0x1  }
0x17: {  	s4 =	simm.s32 $0x1BF5;
	[smem:$0x3FBA] =	sst s0  }
0x18: {  	s0 =	sld [smem:$0x3F9D];
	_ =	swait.ge [sflag:s4], $0x0  }
0x19: {  	s7 =	sld [smem:$0x3F9E]  }
0x1a: {  	s8 =	sadd.s32 $0xFFFFE003, lr  }
0x1b: {  	s9 =	sadd.s32 $0xFFFFFEF7, lr;
	s5 =	simm.s32 $0xFFFFFFFF;
	p2 =	slt.u32 s8, $0xFFFFF086  }
0x1c: {  	p1 =	slt.u32 s9, $0xF7A;
	s5 =	simm.s32 @!p2 $0x0  }
0x1d: {  	s5 =	simm.s32 @p1 $0x1;
	p0 =	seq.s32 s7, s2  }
0x1e: {  	s7 =	smul.u32 @!p0 $0xF7A, s2;
	p2 =	seq.s32 @!p0 s5, $0x0  }
0x1f: {  	s9 =	smul.u32 $0xF7A, s1;
	s8 =	simm.s32 @!p0 $0x1BF5;
	p2 =	por !p2, p0  }
0x20: {  	[sflag:s8] =	ssyncset.s32 @!p0 $0xFFFFF086;
	s6 =	sadd.s32 @!p0 s3, s7;
	s7 =	simm.s32 @!p0 $0x108  }
0x21: {  	s3 =	sadd.s32 s3, s9;
	s6 =	sadd.s32 @!p0 $0x88, s6;
	s7 =	simm.s32 @p2 $0x1082  }
0x22: {  	[simem:s7], [sflag:s8] =	dma.local @!p0 [hbm:s6], $0xF7A  }
0x23: {  	s9 =	sor.u32 $0xD0000000, s2;
	s6 =	simm.s32 $0x108;
	_ =	swait.ge @!p0 [sflag:s8], $0x0  }
0x24: {  	s3 =	sadd.s32 $0x88, s3;
	s6 =	simm.s32 @!p1 $0x1082;
	[sflag:s4] =	ssyncset.s32 $0xFFFFF086  }
0x25: {  	[simem:s6], [sflag:s4] =	dma.local [hbm:s3], $0xF7A  }
0x26: {  	[smem:$0x3F9E] =	sst s1;
	(tag) =	ssettag s2;
	_ =	strace s9  }
0x27: {  	s1 =	sld [smem:$0x3FAE]  }
0x28: {  	s2 =	sld [smem:$0x3FAF]  }
0x29: {  	s4 =	sld [smem:$0x3FB1]  }
0x2a: {  	p0 =	seq.s32 s5, $0x0;
	s5 =	sld [smem:$0x3FB2]  }
0x2b: {  	s6 =	sld [smem:$0x3FB3]  }
0x2c: {  	s7 =	sld [smem:$0x3FB4]  }
0x2d: {  	s3 =	simm.s32 $0x108;
	s8 =	sld [smem:$0x3FB5]  }
0x2e: {  	s3 =	simm.s32 @!p0 $0x1082;
	s9 =	sld [smem:$0x3FB6]  }
0x2f: {  	lr =	sadd.s32 s0, s3;
	s0 =	sld [smem:$0x3FAD]  }
0x30: {  	s3 =	sld [smem:$0x3FB0]  }
0x31: {  	[smem:$0x3FB9] =	sst s10  }
0x32: {  	s10 =	sld [smem:$0x3FB7];
	_ =	sdelay $0x3  }
0x33: {  	p0 =	seq.s32 s10, $0x1;
	s10 =	sld [smem:$0x3FB9];
	_ =	sdelay $0x3  }
0x34: {  	[smem:$0x3FB9] =	sst s10  }
0x35: {  	s10 =	sld [smem:$0x3FB8];
	_ =	sdelay $0x3  }
0x36: {  	p1 =	seq.s32 s10, $0x1;
	s10 =	sld [smem:$0x3FB9];
	_ =	sdelay $0x3  }
0x37: {  	[smem:$0x3FB9] =	sst s10  }
0x38: {  	s10 =	sld [smem:$0x3FBA]  }
0x39: {  	_ = 	snop;
	(pc) =	sbr.ind lr, $3  }
0x3a: {  	_ = 	snop  }
0x3b: {  	_ = 	snop  }
0x3c: {  	p2 =	seq.s32 s10, $0x1;
	s10 =	sld [smem:$0x3FB9]  }
0x3d: {  	_ =	shalt  }
0x3e: {  	_ =	shalt  }
0x3f: {  	_ =	shalt  }
0x40: {  	_ =	shalt  }
0x41: {  	_ =	shalt  }
0x42: {  	_ =	shalt  }
0x43: {  	_ =	shalt  }
0x44: {  	_ =	shalt  }
0x45: {  	_ =	shalt  }
0x46: {  	_ =	shalt  }
0x47: {  	_ =	shalt  }
0x48: {  	_ =	shalt  }
0x49: {  	_ =	shalt  }
0x4a: {  	_ =	shalt  }
0x4b: {  	_ =	shalt  }
0x4c: {  	_ =	shalt  }
0x4d: {  	_ =	shalt  }
0x4e: {  	_ =	shalt  }
0x4f: {  	_ =	shalt  }
0x50: {  	_ =	shalt  }
0x51: {  	_ =	shalt  }
0x52: {  	_ =	shalt  }
0x53: {  	_ =	shalt  }
0x54: {  	_ =	shalt  }
0x55: {  	_ =	shalt  }
0x56: {  	_ =	shalt  }
0x57: {  	_ =	shalt  }
0x58: {  	_ =	shalt  }
0x59: {  	_ =	shalt  }
0x5a: {  	_ =	shalt  }
0x5b: {  	_ =	shalt  }
0x5c: {  	_ =	shalt  }
0x5d: {  	_ =	shalt  }
0x5e: {  	_ =	shalt  }
0x5f: {  	_ =	shalt  }
0x60: {  	_ =	shalt  }
0x61: {  	_ =	shalt  }
0x62: {  	_ =	shalt  }
0x63: {  	_ =	shalt  }
0x64: {  	_ =	shalt  }
0x65: {  	_ =	shalt  }
0x66: {  	_ =	shalt  }
0x67: {  	_ =	shalt  }
0x68: {  	_ =	shalt  }
0x69: {  	_ =	shalt  }
0x6a: {  	_ =	shalt  }
0x6b: {  	_ =	shalt  }
0x6c: {  	_ =	shalt  }
0x6d: {  	_ =	shalt  }
0x6e: {  	_ =	shalt  }
0x6f: {  	_ =	shalt  }
0x70: {  	_ =	shalt  }
0x71: {  	_ =	shalt  }
0x72: {  	_ =	shalt  }
0x73: {  	_ =	shalt  }
0x74: {  	_ =	shalt  }
0x75: {  	_ =	shalt  }
0x76: {  	_ =	shalt  }
0x77: {  	_ =	shalt  }
0x78: {  	_ =	shalt  }
0x79: {  	_ =	shalt  }
0x7a: {  	_ =	shalt  }
0x7b: {  	_ =	shalt  }
0x7c: {  	_ =	shalt  }
0x7d: {  	_ =	shalt  }
0x7e: {  	_ =	shalt  }
0x7f: {  	_ =	shalt  }
0x80: {  	_ =	shalt  }
0x81: {  	_ =	shalt  }
0x82: {  	_ =	shalt  }
0x83: {  	_ =	shalt  }
0x84: {  	_ =	shalt  }
0x85: {  	_ =	shalt  }
0x86: {  	_ =	shalt  }
0x87: {  	_ =	shalt  }
.Lfunc_end0:
.L_simem_size_0:
called_computation.2_lowered:
.L_overlay_start_0:
0x88: {  	s2 =	sld [smem:$0x3FD9]  }
0x89: {  	s3 =	sld [smem:$0x3FFE];
	_ =	sdelay $0x1  }
0x8a: {  	s1 =	srdreg.scid  }
0x8b: {  	s0 =	sand.u32 $0x1, s1  }
0x8c: {  	s17 =	sshll.u32 s0, $0xA;
	s2 =	sadd.s32 s3, s2  }
0x8d: {  	s2 =	sadd.s32 s2, s17  }
0x8e: {  	[smem:$0x3FC5] =	sst s2  }
0x8f: {  	_ = 	snop  }
0x90: {  	s2 =	sld [smem:$0x3FD0];
	(tm) =	ssettm $0x1  }
0x91: {  	s18 =	sld [smem:$0x3FFB];
	_ =	sdelay $0x3  }
0x92: {  	_ =	strace s18  }
0x93: {  	s3 =	sld [smem:$0x3FFC];
	_ =	sdelay $0x3  }
0x94: {  	_ =	strace s3  }
0x95: {  	s3 =	sld [smem:$0x3FFD];
	_ =	sdelay $0x3  }
0x96: {  	_ =	strace s3  }
0x97: {  	_ =	strace $0x8FFFFFFF  }
0x98: {  	s19 =	sld [smem:$0x3FDB];
	_ =	sdelay $0x1  }
0x99: {  	s4 =	simm.s32 $_scs_section_size  }
0x9a: {  	s5 =	simm.s32 $_size__tile_overlayer_lowered;
	s6 =	simm.s32 $_tile_overlayer_lowered  }
0x9b: {  	s22 =	simm.s32 $0x1BFF;
	s21 =	sshll.u32 s6, $0x1;
	s3 =	sadd.s32 s4, s19  }
0x9c: {  	s7 =	simm.s32 $0x0;
	s20 =	sshll.u32 s5, $0x1;
	s5 =	sadd.s32 s21, s3  }
0x9d: {  	[timem:s7], [sflag:s22] =	dma.local [hbm:s5], s20  }
0x9e: {  	_ =	swait.ge [sflag:s22], s20  }
0x9f: {  	s4 =	ssub.s32 $0x0, s20;
	[sflag:s22] =	ssyncset.done $0x0  }
0xa0: {  	[sflag:s22] =	ssyncadd.s32 s4;
	_ =	sdelay $0x1  }
0xa1: {  	s23 =	simm.s32 $0x1B8B  }
0xa2: {  	_ =	swait.ge [sflag:s23], $0x1  }
0xa3: {  	[sflag:s23] =	ssyncset.done $0x0  }
0xa4: {  	s25 =	simm.s32 $0x1B8E;
	s24 =	sld [smem:$0x3FFE];
	[sflag:s23] =	ssyncadd.s32 $0xFFFFFFFF  }
0xa5: {  	s26 =	simm.s32 $execute0_lowered;
	[smem:$0x3FD2] =	sst s25  }
0xa6: {  	s5 =	sshll.u32 s26, $0x1;
	_ =	strace $0x80000049;
	[dreg:$0x1] =	wrdreg $0xFFFFFFFF  }
0xa7: {  	s28 =	simm.s32 $_size_execute0_lowered;
	s3 =	sadd.s32 s3, s5;
	[dreg:$0x0] =	wrdreg $0x0  }
0xa8: {  	s5 =	sshll.u32 s28, $0x1;
	[dreg:$0x2] =	wrdreg s3  }
0xa9: {  	[dreg:$0x3] =	wrdreg s5  }
0xaa: {  	[dreg:$0x4] =	wrdreg $0xC0  }
0xab: {  	_ =	task [dreg:s7], $0x5FFFF  }
0xac: {  	[dreg:$0x1] =	wrdreg $0xFFFFFFFF  }
0xad: {  	[dreg:$0x0] =	wrdreg $0x60  }
0xae: {  	[dreg:$0x2] =	wrdreg s24  }
0xaf: {  	[dreg:$0x3] =	wrdreg s2  }
0xb0: {  	[dreg:$0x4] =	wrdreg $0x9  }
0xb1: {  	_ =	task.clear_ibuf [dreg:s7], $0x5FFFF;
	_ =	strace $0x90000049  }
0xb2: {  	s29 =	simm.s32 $0x9;
	_ =	strace $0x8000004B  }
0xb3: {  	_ =	swait.ge [sflag:s29], $0x1  }
0xb4: {  	[sflag:s29] =	ssyncadd.s32 $0xFFFFFFFF  }
0xb5: {  	_ =	strace $0x9000004B  }
0xb6: {  	_ =	sfence  }
0xb7: {  	s30 =	sld [smem:$0x0];
	_ =	sdelay $0x2  }
0xb8: {  	s31 =	sshll.u32 s1, $0xD;
	s1 =	sshrl.u32 s1, $0x2  }
0xb9: {  	s3 =	sand.u32 $0x4000, s31;
	s1 =	sadd.s32 s1, s30  }
0xba: {  	s0 =	sor.u32 s3, s0;
	s1 =	sshll.u32 s1, $0x11  }
0xbb: {  	s0 =	sor.u32 s1, s0  }
0xbc: {  	s0 =	sadd.s32 $0x8F2B, s0  }
0xbd: {  	[sflag:s0] =	ssyncadd.remote.s32 $0x1  }
0xbe: {  	_ =	sfence.sel $0xFFFF  }
0xbf: {  	[dreg:$0x0] =	wrdreg $0xFFFFFFFF;
	(pc) =	sbr.abs _section_cstart, $3  }
0xc0: {  	[dreg:$0x1] =	wrdreg $0xFFFFFFFF  }
0xc1: {  	_ =	task.clear_ibuf [dreg:s7], $0x2FFFF;
	_ =	strace $0x9FFFFFFF  }
0xc2: {  	(tm) =	ssettm $0x7FFFFFFF  }
0xc3: {  	_ =	shalt  }
tec
execute0_lowered:
.L_overlay_start_1:
0x0: {  	(tag) =	ssettag $0x1  }
0x1: {  	s0 =	rddreg [dreg:$0x0]  }
0x2: {  	s1 =	rddreg [dreg:$0x1]  }
0x3: {  	s2 =	srdreg.scid;
	s15 =	stileid.u32  }
0x4: {  	s17 =	simm.s32 $0x9;
	s18 =	simm.s32 $0x6400;
	s19 =	simm.s32 $0x8400  }
0x5: {  	s21 =	simm.s32 $0xA400;
	s29 =	simm.s32 $0x3;
	s30 =	simm.s32 $0x6  }
0x6: {  	s20 =	simm.s32 $0x8;
	s28 =	simm.s32 $0x0;
	s13 =	sand.u32 $0x1, s2  }
0x7: {  	s2 =	simm.s32 $0x0;
	s3 =	sshll.u32 s15, $0x8;
	s11 =	sadd.s32 $0x8000, s1  }
0x8: {  	s12 =	sadd.s32 $0x10000, s1;
	s14 =	sadd.s32 $0x18000, s1;
	s15 =	sshll.u32 s15, $0xB  }
0x9: {  	s4 =	sshll.u32 s13, $0x7;
	[smem:$0x7FF] =	sst s2;
	s23 =	ssub.s32 $0x2, s13  }
0xa: {  	s31 =	sshll.u32 s13, $0xA;
	s5 =	sor.u32 s4, s3;
	_ =	strace $0x8000004A  }
0xb: {  	s24 =	sshrl.u32 s23, $0x1;
	s3 =	sshrl.u32 s5, $0x3;
	s10 =	sshll.u32 s5, $0x3  }
0xc: {  	s6 =	sadd.s32 s3, s0;
	s3 =	sadd.s32 $0xE00, s0;
	s0 =	ssub.s32 s23, s24  }
0xd: {  	s7 =	sadd.s32 s10, s11;
	s8 =	sadd.s32 s10, s12;
	s9 =	sadd.s32 s10, s14  }
0xe: {  	s26 =	sor.u32 $0x620000, s10;
	s23 =	simm.s32 $0xC400;
	s24 =	simm.s32 $0x1  }
0xf: {  	s25 =	sadd.s32 $0x7A2000, s6;
	s5 =	smax.u32 s0, $0x1;
	s6 =	sadd.s32 s1, s10  }
0x10: {  	s10 =	sadd.s32 s1, s26;
	s11 =	sadd.s32 s26, s11;
	s12 =	sadd.s32 s26, s12  }
0x11: {  	s1 =	sadd.s32 s15, s1;
	s13 =	sadd.s32 s26, s14;
	s15 =	simm.s32 $0x80  }
0x12: {  	s26 =	simm.s32 $0x5;
	s0 =	simm.s32 $0x4;
	[dreg:$0x3] =	wrdreg s25  }
0x13: {  	s14 =	sadd.s32 s31, s1;
	s25 =	simm.s32 $0x2;
	s1 =	simm.s32 $0x7  }
.LBB2_1:
0x14: {  	s4 =	rddreg [dreg:$0x3];
	s16 =	simm.s32 $0x1000  }
0x15: {  	[tilespmem:s2], [sflag:$0x9] =	stream.strided.gather [hbm4b:s4+s15], $0x6400, s16, s15, $0x38;
	[tilespmem:$0xE400] =	vst v63  }
0x16: {  	_ =	swait.ge [sflag:s17], $0x6400  }
0x17: {  	[sflag:s17] =	ssyncset.done $0x0  }
0x18: {  	[sflag:s17] =	ssyncadd.s32 $0xFFFF9C00  }
0x19: {  	[tilespmem:s18], [sflag:$0x1] =	stream.indirect.gather [hbm4b:s3+s15], $0x40, s2, s15, $0xb8;
	[tilespmem:$0xE400] =	vst v63  }
0x1a: {  	_ = 	snop  }
0x1b: {  	[tilespmem:s19], [sflag:$0x2] =	stream.indirect.gather [hbm4b:s3+s15], $0x40, s15, s15, $0xb8;
	[tilespmem:$0xE400] =	vst v63  }
0x1c: {  	s22 =	simm.s32 $0x100  }
0x1d: {  	[tilespmem:s21], [sflag:$0x3] =	stream.indirect.gather [hbm4b:s3+s15], $0x40, s22, s15, $0xb8;
	[tilespmem:$0xE400] =	vst v63  }
0x1e: {  	s16 =	simm.s32 $0x180  }
0x1f: {  	[tilespmem:s23], [sflag:$0x4] =	stream.indirect.gather [hbm4b:s3+s15], $0x40, s16, s15, $0xb8;
	[tilespmem:$0xE400] =	vst v63  }
0x20: {  	_ =	swait.ge [sflag:s24], $0x2000  }
0x21: {  	[sflag:s24] =	ssyncset.done $0x0  }
0x22: {  	[sflag:s24] =	ssyncadd.s32 $0xFFFFE000  }
0x23: {  	[hbm4b:s6+s2] =	stream.linear.scatter [tilespmem:s18], [sflag:$0x5], $0x2000, $0x38;
	[tilespmem:$0xE400] =	vst v63  }
0x24: {  	_ =	swait.ge [sflag:s25], $0x2000  }
0x25: {  	[sflag:s25] =	ssyncset.done $0x0  }
0x26: {  	[sflag:s25] =	ssyncadd.s32 $0xFFFFE000  }
0x27: {  	_ =	swait.ge [sflag:s26], $0x2000  }
0x28: {  	[sflag:s26] =	ssyncset.done $0x0  }
0x29: {  	s22 =	simm.s32 $0x200;
	[sflag:s26] =	ssyncadd.s32 $0xFFFFE000  }
0x2a: {  	[tilespmem:s18], [sflag:$0x1] =	stream.indirect.gather [hbm4b:s3+s15], $0x40, s22, s15, $0xb8;
	[tilespmem:$0xE400] =	vst v63  }
0x2b: {  	_ = 	snop  }
0x2c: {  	[hbm4b:s7+s2] =	stream.linear.scatter [tilespmem:s19], [sflag:$0x6], $0x2000, $0x38;
	[tilespmem:$0xE400] =	vst v63  }
0x2d: {  	_ =	swait.ge [sflag:s29], $0x2000  }
0x2e: {  	[sflag:s29] =	ssyncset.done $0x0  }
0x2f: {  	[sflag:s29] =	ssyncadd.s32 $0xFFFFE000  }
0x30: {  	_ =	swait.ge [sflag:s30], $0x2000  }
0x31: {  	[sflag:s30] =	ssyncset.done $0x0  }
0x32: {  	s16 =	simm.s32 $0x280;
	[sflag:s30] =	ssyncadd.s32 $0xFFFFE000  }
0x33: {  	[tilespmem:s19], [sflag:$0x2] =	stream.indirect.gather [hbm4b:s3+s15], $0x40, s16, s15, $0xb8;
	[tilespmem:$0xE400] =	vst v63  }
0x34: {  	_ = 	snop  }
0x35: {  	[hbm4b:s8+s2] =	stream.linear.scatter [tilespmem:s21], [sflag:$0x7], $0x2000, $0x38;
	[tilespmem:$0xE400] =	vst v63  }
0x36: {  	_ =	swait.ge [sflag:s0], $0x2000  }
0x37: {  	[sflag:s0] =	ssyncset.done $0x0  }
0x38: {  	[sflag:s0] =	ssyncadd.s32 $0xFFFFE000  }
0x39: {  	_ =	swait.ge [sflag:s1], $0x2000  }
0x3a: {  	[sflag:s1] =	ssyncset.done $0x0  }
0x3b: {  	s22 =	simm.s32 $0x300;
	[sflag:s1] =	ssyncadd.s32 $0xFFFFE000  }
0x3c: {  	[tilespmem:s21], [sflag:$0x3] =	stream.indirect.gather [hbm4b:s3+s15], $0x40, s22, s15, $0xb8;
	[tilespmem:$0xE400] =	vst v63  }
0x3d: {  	_ = 	snop  }
0x3e: {  	[hbm4b:s9+s2] =	stream.linear.scatter [tilespmem:s23], [sflag:$0x8], $0x2000, $0x38;
	[tilespmem:$0xE400] =	vst v63  }
0x3f: {  	_ =	swait.ge [sflag:s24], $0x2000  }
0x40: {  	[sflag:s24] =	ssyncset.done $0x0  }
0x41: {  	[sflag:s24] =	ssyncadd.s32 $0xFFFFE000  }
0x42: {  	_ =	swait.ge [sflag:s20], $0x2000  }
0x43: {  	[sflag:s20] =	ssyncset.done $0x0  }
0x44: {  	s4 =	simm.s32 $0x380;
	s22 =	sadd.s32 $0x0, s14;
	[sflag:s20] =	ssyncadd.s32 $0xFFFFE000  }
0x45: {  	[tilespmem:s23], [sflag:$0x4] =	stream.indirect.gather [hbm4b:s3+s15], $0x40, s4, s15, $0xb8;
	[tilespmem:$0xE400] =	vst v63  }
0x46: {  	s4 =	sadd.s32 $0x20000, s22  }
0x47: {  	[hbm4b:s4+s2] =	stream.linear.scatter [tilespmem:s18], [sflag:$0x5], $0x2000, $0x38;
	[tilespmem:$0xE400] =	vst v63  }
0x48: {  	_ =	swait.ge [sflag:s25], $0x2000  }
0x49: {  	[sflag:s25] =	ssyncset.done $0x0  }
0x4a: {  	[sflag:s25] =	ssyncadd.s32 $0xFFFFE000  }
0x4b: {  	_ =	swait.ge [sflag:s26], $0x2000  }
0x4c: {  	[sflag:s26] =	ssyncset.done $0x0  }
0x4d: {  	s4 =	simm.s32 $0x400;
	[sflag:s26] =	ssyncadd.s32 $0xFFFFE000  }
0x4e: {  	[tilespmem:s18], [sflag:$0x1] =	stream.indirect.gather [hbm4b:s3+s15], $0x40, s4, s15, $0xb8;
	[tilespmem:$0xE400] =	vst v63  }
0x4f: {  	s4 =	sadd.s32 $0x28000, s22  }
0x50: {  	[hbm4b:s4+s2] =	stream.linear.scatter [tilespmem:s19], [sflag:$0x6], $0x2000, $0x38;
	[tilespmem:$0xE400] =	vst v63  }
0x51: {  	_ =	swait.ge [sflag:s29], $0x2000  }
0x52: {  	[sflag:s29] =	ssyncset.done $0x0  }
0x53: {  	[sflag:s29] =	ssyncadd.s32 $0xFFFFE000  }
0x54: {  	_ =	swait.ge [sflag:s30], $0x2000  }
0x55: {  	[sflag:s30] =	ssyncset.done $0x0  }
0x56: {  	s4 =	simm.s32 $0x480;
	[sflag:s30] =	ssyncadd.s32 $0xFFFFE000  }
0x57: {  	[tilespmem:s19], [sflag:$0x2] =	stream.indirect.gather [hbm4b:s3+s15], $0x40, s4, s15, $0xb8;
	[tilespmem:$0xE400] =	vst v63  }
0x58: {  	s4 =	sadd.s32 $0x30000, s22  }
0x59: {  	[hbm4b:s4+s2] =	stream.linear.scatter [tilespmem:s21], [sflag:$0x7], $0x2000, $0x38;
	[tilespmem:$0xE400] =	vst v63  }
0x5a: {  	_ =	swait.ge [sflag:s0], $0x2000  }
0x5b: {  	[sflag:s0] =	ssyncset.done $0x0  }
0x5c: {  	[sflag:s0] =	ssyncadd.s32 $0xFFFFE000  }
0x5d: {  	_ =	swait.ge [sflag:s1], $0x2000  }
0x5e: {  	s31 =	simm.s32 $0x20000;
	s16 =	simm.s32 $0x700;
	[sflag:s1] =	ssyncset.done $0x0  }
0x5f: {  	s22 =	sadd.s32 $0x38000, s22;
	s4 =	simm.s32 $0x500;
	[sflag:s1] =	ssyncadd.s32 $0xFFFFE000  }
0x60: {  	[tilespmem:s21], [sflag:$0x3] =	stream.indirect.gather [hbm4b:s3+s15], $0x40, s4, s15, $0xb8;
	[tilespmem:$0xE400] =	vst v63  }
.LBB2_2:
0x61: {  	[hbm4b:s22+s2] =	stream.linear.scatter [tilespmem:s23], [sflag:$0x8], $0x2000, $0x38;
	[tilespmem:$0xE400] =	vst v63  }
0x62: {  	s22 =	smov.u32 s31  }
0x63: {  	p0 =	sne.s32 s31, $0x5E0000;
	s31 =	sadd.s32 $0x20000, s31;
	_ =	swait.ge [sflag:s24], $0x2000  }
0x64: {  	[sflag:s24] =	ssyncset.done $0x0  }
0x65: {  	[sflag:s24] =	ssyncadd.s32 $0xFFFFE000  }
0x66: {  	_ =	swait.ge [sflag:s20], $0x2000  }
0x67: {  	[sflag:s20] =	ssyncset.done $0x0  }
0x68: {  	s4 =	sadd.s32 $0xFFFFFE80, s16;
	s22 =	sadd.s32 s22, s14;
	[sflag:s20] =	ssyncadd.s32 $0xFFFFE000  }
0x69: {  	[tilespmem:s23], [sflag:$0x4] =	stream.indirect.gather [hbm4b:s3+s15], $0x40, s4, s15, $0xb8;
	[tilespmem:$0xE400] =	vst v63  }
0x6a: {  	s4 =	sadd.s32 $0x20000, s22  }
0x6b: {  	[hbm4b:s4+s2] =	stream.linear.scatter [tilespmem:s18], [sflag:$0x5], $0x2000, $0x38;
	[tilespmem:$0xE400] =	vst v63  }
0x6c: {  	_ =	swait.ge [sflag:s25], $0x2000  }
0x6d: {  	[sflag:s25] =	ssyncset.done $0x0  }
0x6e: {  	[sflag:s25] =	ssyncadd.s32 $0xFFFFE000  }
0x6f: {  	_ =	swait.ge [sflag:s26], $0x2000  }
0x70: {  	[sflag:s26] =	ssyncset.done $0x0  }
0x71: {  	s4 =	sadd.s32 $0xFFFFFF00, s16;
	[sflag:s26] =	ssyncadd.s32 $0xFFFFE000  }
0x72: {  	[tilespmem:s18], [sflag:$0x1] =	stream.indirect.gather [hbm4b:s3+s15], $0x40, s4, s15, $0xb8;
	[tilespmem:$0xE400] =	vst v63  }
0x73: {  	s4 =	sadd.s32 $0x28000, s22  }
0x74: {  	[hbm4b:s4+s2] =	stream.linear.scatter [tilespmem:s19], [sflag:$0x6], $0x2000, $0x38;
	[tilespmem:$0xE400] =	vst v63  }
0x75: {  	_ =	swait.ge [sflag:s29], $0x2000  }
0x76: {  	[sflag:s29] =	ssyncset.done $0x0  }
0x77: {  	[sflag:s29] =	ssyncadd.s32 $0xFFFFE000  }
0x78: {  	_ =	swait.ge [sflag:s30], $0x2000  }
0x79: {  	[sflag:s30] =	ssyncset.done $0x0  }
0x7a: {  	s4 =	sadd.s32 $0xFFFFFF80, s16;
	[sflag:s30] =	ssyncadd.s32 $0xFFFFE000  }
0x7b: {  	[tilespmem:s19], [sflag:$0x2] =	stream.indirect.gather [hbm4b:s3+s15], $0x40, s4, s15, $0xb8;
	[tilespmem:$0xE400] =	vst v63  }
0x7c: {  	s4 =	sadd.s32 $0x30000, s22  }
0x7d: {  	[hbm4b:s4+s2] =	stream.linear.scatter [tilespmem:s21], [sflag:$0x7], $0x2000, $0x38;
	[tilespmem:$0xE400] =	vst v63  }
0x7e: {  	_ =	swait.ge [sflag:s0], $0x2000  }
0x7f: {  	[sflag:s0] =	ssyncset.done $0x0  }
0x80: {  	[sflag:s0] =	ssyncadd.s32 $0xFFFFE000  }
.Ltmp0:
0x81: {  	_ =	swait.ge [sflag:s1], $0x2000;
	(pc) =	sbr.rel @p0 .LBB2_2-.Ltmp0, $4  }
0x82: {  	[sflag:s1] =	ssyncset.done $0x0  }
0x83: {  	[sflag:s1] =	ssyncadd.s32 $0xFFFFE000  }
0x84: {  	[tilespmem:s21], [sflag:$0x3] =	stream.indirect.gather [hbm4b:s3+s15], $0x40, s16, s15, $0xb8;
	[tilespmem:$0xE400] =	vst v63  }
0x85: {  	s22 =	sadd.s32 $0x38000, s22;
	s16 =	sadd.s32 $0x200, s16  }
0x86: {  	[hbm4b:s22+s2] =	stream.linear.scatter [tilespmem:s23], [sflag:$0x8], $0x2000, $0x38;
	[tilespmem:$0xE400] =	vst v63  }
0x87: {  	_ =	swait.ge [sflag:s24], $0x2000  }
0x88: {  	[sflag:s24] =	ssyncset.done $0x0  }
0x89: {  	[sflag:s24] =	ssyncadd.s32 $0xFFFFE000  }
0x8a: {  	_ =	swait.ge [sflag:s20], $0x2000  }
0x8b: {  	[sflag:s20] =	ssyncset.done $0x0  }
0x8c: {  	s4 =	simm.s32 $0x6380;
	[sflag:s20] =	ssyncadd.s32 $0xFFFFE000  }
0x8d: {  	[tilespmem:s23], [sflag:$0x4] =	stream.indirect.gather [hbm4b:s3+s15], $0x40, s4, s15, $0xb8;
	[tilespmem:$0xE400] =	vst v63  }
0x8e: {  	_ = 	snop  }
0x8f: {  	[hbm4b:s10+s2] =	stream.linear.scatter [tilespmem:s18], [sflag:$0x5], $0x2000, $0x38;
	[tilespmem:$0xE400] =	vst v63  }
0x90: {  	_ =	swait.ge [sflag:s25], $0x2000  }
0x91: {  	[sflag:s25] =	ssyncset.done $0x0  }
0x92: {  	[sflag:s25] =	ssyncadd.s32 $0xFFFFE000  }
0x93: {  	_ =	swait.ge [sflag:s26], $0x2000  }
0x94: {  	[sflag:s26] =	ssyncset.done $0x0  }
0x95: {  	[sflag:s26] =	ssyncadd.s32 $0xFFFFE000  }
0x96: {  	[hbm4b:s11+s2] =	stream.linear.scatter [tilespmem:s19], [sflag:$0x6], $0x2000, $0x38;
	[tilespmem:$0xE400] =	vst v63  }
0x97: {  	_ =	swait.ge [sflag:s29], $0x2000  }
0x98: {  	[sflag:s29] =	ssyncset.done $0x0  }
0x99: {  	[sflag:s29] =	ssyncadd.s32 $0xFFFFE000  }
0x9a: {  	_ =	swait.ge [sflag:s30], $0x2000  }
0x9b: {  	[sflag:s30] =	ssyncset.done $0x0  }
0x9c: {  	[sflag:s30] =	ssyncadd.s32 $0xFFFFE000  }
0x9d: {  	[hbm4b:s12+s2] =	stream.linear.scatter [tilespmem:s21], [sflag:$0x7], $0x2000, $0x38;
	[tilespmem:$0xE400] =	vst v63  }
0x9e: {  	_ =	swait.ge [sflag:s0], $0x2000  }
0x9f: {  	[sflag:s0] =	ssyncset.done $0x0  }
0xa0: {  	[sflag:s0] =	ssyncadd.s32 $0xFFFFE000  }
0xa1: {  	s28 =	sadd.s32 $0x1, s28;
	_ =	swait.ge [sflag:s1], $0x2000  }
0xa2: {  	p0 =	sne.s32 s28, s5;
	[sflag:s1] =	ssyncset.done $0x0  }
.Ltmp1:
0xa3: {  	[sflag:s1] =	ssyncadd.s32 $0xFFFFE000;
	(pc) =	sbr.rel @p0 .LBB2_1-.Ltmp1, $4  }
0xa4: {  	[hbm4b:s13+s2] =	stream.linear.scatter [tilespmem:s23], [sflag:$0x8], $0x2000, $0x38;
	[tilespmem:$0xE400] =	vst v63  }
0xa5: {  	_ =	swait.ge [sflag:s20], $0x2000  }
0xa6: {  	[sflag:s20] =	ssyncset.done $0x0  }
0xa7: {  	[sflag:s20] =	ssyncadd.s32 $0xFFFFE000  }
0xa8: {  	_ =	sfence.sel $0x180000  }
0xa9: {  	[bflag:$0x0] =	sbarrier.arrive $0xFFFF  }
0xaa: {  	_ =	strace $0x9000004A  }
0xab: {  	s0 =	stileid.u32;
	[bflag:$0x2] =	sbarrier.arrive $0xFFFF  }
0xac: {  	p0 =	sne.s32 s0, $0x0;
	s0 =	rddreg [dreg:$0x2]  }
0xad: {  	s0 =	sadd.s32 @!p0 $0x100000, s0  }
0xae: {  	[sflag:s0] =	ssyncadd.tile.s32 @!p0 $0x1;
	_ =	shalt  }
.Lfunc_end2:
_tile_overlayer_lowered:
.L_overlay_start_2:
0xaf: {  	(tag) =	ssettag $0x2  }
0xb0: {  	s0 =	rddreg [dreg:$0x0];
	s2 =	stileid.u32  }
0xb1: {  	s1 =	rddreg [dreg:$0x1];
	p0 =	sne.s32 s2, $0x0  }
0xb2: {  	s3 =	rddreg [dreg:$0x2];
	[bflag:$0x3] =	sbarrier.arrive $0xFFFF;
	s2 =	simm.s32 @!p0 $0x1C09  }
0xb3: {  	[timem:s3], [sflag:s2] =	dma.local @!p0 [hbm:s0], s1  }
0xb4: {  	s0 =	simm.s32 @!p0 $0x9  }
0xb5: {  	_ =	swait.ge @!p0 [sflag:s0], s1  }
0xb6: {  	s1 =	ssub.s32 @!p0 $0x0, s1;
	[sflag:s0] =	ssyncset.done @!p0 $0x0  }
0xb7: {  	[sflag:s0] =	ssyncadd.s32 @!p0 s1  }
0xb8: {  	[bflag:$0x3] =	sbarrier.arrive $0xFFFF  }
0xb9: {  	_ =	shalt  }

// kernel: sparse-core-data-format-call.cloned.1.call-start
scs
called_computation_lowered:
.L_overlay_start_0:
0x0: {  	s2 =	sld [smem:$0x3FD9]  }
0x1: {  	s3 =	sld [smem:$0x3FFE];
	_ =	sdelay $0x1  }
0x2: {  	s1 =	srdreg.scid  }
0x3: {  	s0 =	sand.u32 $0x1, s1  }
0x4: {  	s18 =	sshll.u32 s0, $0xA;
	s2 =	sadd.s32 s3, s2  }
0x5: {  	s2 =	sadd.s32 s2, s18  }
0x6: {  	[smem:$0x3FC5] =	sst s2  }
0x7: {  	_ = 	snop  }
0x8: {  	s2 =	sld [smem:$0x3FD0];
	(tm) =	ssettm $0x1  }
0x9: {  	s19 =	sld [smem:$0x3FFB];
	_ =	sdelay $0x3  }
0xa: {  	_ =	strace s19  }
0xb: {  	s3 =	sld [smem:$0x3FFC];
	_ =	sdelay $0x3  }
0xc: {  	_ =	strace s3  }
0xd: {  	s3 =	sld [smem:$0x3FFD];
	_ =	sdelay $0x3  }
0xe: {  	_ =	strace s3  }
0xf: {  	_ =	strace $0x8FFFFFFF  }
0x10: {  	s20 =	sld [smem:$0x3FDB];
	_ =	sdelay $0x1  }
0x11: {  	s4 =	simm.s32 $_scs_section_size  }
0x12: {  	s5 =	simm.s32 $_size__tile_overlayer_lowered;
	s6 =	simm.s32 $_tile_overlayer_lowered  }
0x13: {  	s23 =	simm.s32 $0x1BFF;
	s22 =	sshll.u32 s6, $0x1;
	s3 =	sadd.s32 s4, s20  }
0x14: {  	s7 =	simm.s32 $0x0;
	s21 =	sshll.u32 s5, $0x1;
	s5 =	sadd.s32 s22, s3  }
0x15: {  	[timem:s7], [sflag:s23] =	dma.local [hbm:s5], s21  }
0x16: {  	_ =	swait.ge [sflag:s23], s21  }
0x17: {  	s4 =	ssub.s32 $0x0, s21;
	[sflag:s23] =	ssyncset.done $0x0  }
0x18: {  	[sflag:s23] =	ssyncadd.s32 s4;
	_ =	sdelay $0x1  }
0x19: {  	s24 =	simm.s32 $0x1B8B  }
0x1a: {  	_ =	swait.ge [sflag:s24], $0x1  }
0x1b: {  	[sflag:s24] =	ssyncset.done $0x0  }
0x1c: {  	s26 =	simm.s32 $0x1B8E;
	s25 =	sld [smem:$0x3FFE];
	[sflag:s24] =	ssyncadd.s32 $0xFFFFFFFF  }
0x1d: {  	s27 =	simm.s32 $execute0_lowered;
	[smem:$0x3FD2] =	sst s26  }
0x1e: {  	s5 =	sshll.u32 s27, $0x1;
	_ =	strace $0x8000004C;
	[dreg:$0x1] =	wrdreg $0xFFFFFFFF  }
0x1f: {  	s28 =	simm.s32 $_size_execute0_lowered;
	s3 =	sadd.s32 s3, s5;
	[dreg:$0x0] =	wrdreg $0x0  }
0x20: {  	s5 =	sshll.u32 s28, $0x1;
	[dreg:$0x2] =	wrdreg s3  }
0x21: {  	[dreg:$0x3] =	wrdreg s5  }
0x22: {  	[dreg:$0x4] =	wrdreg $0xC0  }
0x23: {  	_ =	task [dreg:s7], $0x5FFFF  }
0x24: {  	[dreg:$0x1] =	wrdreg $0xFFFFFFFF  }
0x25: {  	[dreg:$0x0] =	wrdreg $0x60  }
0x26: {  	[dreg:$0x2] =	wrdreg s25  }
0x27: {  	[dreg:$0x3] =	wrdreg s2  }
0x28: {  	[dreg:$0x4] =	wrdreg $0x9  }
0x29: {  	_ =	task.clear_ibuf [dreg:s7], $0x5FFFF;
	_ =	strace $0x9000004C  }
0x2a: {  	s29 =	simm.s32 $0x9;
	_ =	strace $0x8000004E  }
0x2b: {  	_ =	swait.ge [sflag:s29], $0x1  }
0x2c: {  	[sflag:s29] =	ssyncadd.s32 $0xFFFFFFFF  }
0x2d: {  	_ =	strace $0x9000004E  }
0x2e: {  	_ =	sfence  }
0x2f: {  	s30 =	sld [smem:$0x0];
	_ =	sdelay $0x2  }
0x30: {  	s31 =	sshll.u32 s1, $0xD;
	s1 =	sshrl.u32 s1, $0x2  }
0x31: {  	s3 =	sand.u32 $0x4000, s31;
	s1 =	sadd.s32 s1, s30  }
0x32: {  	s0 =	sor.u32 s3, s0;
	s1 =	sshll.u32 s1, $0x11  }
0x33: {  	s0 =	sor.u32 s1, s0  }
0x34: {  	s0 =	sadd.s32 $0x8F2B, s0  }
0x35: {  	[sflag:s0] =	ssyncadd.remote.s32 $0x1  }
0x36: {  	_ =	sfence.sel $0xFFFF  }
0x37: {  	[dreg:$0x0] =	wrdreg $0xFFFFFFFF;
	(pc) =	sbr.abs _section_cstart, $3  }
0x38: {  	[dreg:$0x1] =	wrdreg $0xFFFFFFFF  }
0x39: {  	_ =	task.clear_ibuf [dreg:s7], $0x2FFFF;
	_ =	strace $0x9FFFFFFF  }
0x3a: {  	(tm) =	ssettm $0x7FFFFFFF  }
0x3b: {  	_ =	shalt  }
tec
execute0_lowered:
.L_overlay_start_1:
0x0: {  	(tag) =	ssettag $0x1  }
0x1: {  	s0 =	srdreg.scid  }
0x2: {  	s1 =	sshll.u32 s0, $0x4  }
0x3: {  	s5 =	rddreg [dreg:$0x0];
	s0 =	stileid.u32;
	s1 =	sand.u32 $0x10, s1  }
0x4: {  	s3 =	rddreg [dreg:$0x1];
	s31 =	simm.s32 $0x2;
	s4 =	sor.u32 s0, s1  }
0x5: {  	s13 =	simm.s32 $0x0;
	s9 =	simm.s32 $0x400;
	s2 =	sshll.u32 s4, $0x7  }
0x6: {  	s10 =	simm.s32 $0x8000;
	s14 =	simm.s32 $0x0;
	s6 =	ssub.s32 $0x1000, s2  }
0x7: {  	s1 =	rddreg [dreg:$0x2];
	_ =	strace $0x8000004D;
	s7 =	sand.u32 $0xF80, s6  }
0x8: {  	s4 =	sshll.u32 s4, $0xB;
	p0 =	sne.s32 s7, $0x0;
	s7 =	simm.s32 $0x1  }
.Ltmp0:
0x9: {  	s6 =	sshrl.u32 s6, $0xC;
	s7 =	simm.s32 @!p0 $0x0;
	(pc) =	sbr.rel .LBB1_1-.Ltmp0, $4  }
0xa: {  	s8 =	sadd.s32 s4, s5;
	s4 =	simm.s32 $0x1;
	s30 =	sadd.s32 s7, s6  }
0xb: {  	s11 =	simm.s32 $0x0;
	[sflag:s4] =	ssyncpa.u1 $0x0;
	s5 =	smul.u32 $0x64, s30  }
0xc: {  	s12 =	simm.s32 $0x0;
	[sflag:s31] =	ssyncpa.u1 $0x0;
	p0 =	por $0x0, $0x0  }
0xd: {  	s6 =	sadd.s32 $0xE00, s8;
	s7 =	sadd.s32 $0x10E00, s8;
	s8 =	sor.u32 $0x1, s5  }
.LBB1_7:
0xe: {  	s15 =	sadd.s32 $0x2, s11  }
0xf: {  	p2 =	sgt.s32 s15, $0xC7  }
0x10: {  	s15 =	simm.s32 @p2 $0x0;
	p2 =	sne.s32 s12, s8  }
.Ltmp1:
0x11: {  	p1 =	slt.u32 s12, $0x2;
	(pc) =	sbr.rel @!p2 .LBB1_8-.Ltmp1, $4  }
0x12: {  	s13 =	simm.s32 @!p1 $0x2  }
0x13: {  	s16 =	sadd.s32 $0x1, s12;
	s14 =	smov.u32 s11;
	_ =	swait.ge @!p1 [sflag:s13], $0x4000  }
0x14: {  	p0 =	por !p0, !p0;
	s12 =	smov.u32 s16;
	[sflag:s13] =	ssyncset.done @!p1 $0x0  }
0x15: {  	s11 =	smov.u32 s15;
	[sflag:s13] =	ssyncadd.s32 @!p1 $0xFFFFC000;
	s13 =	smov.u32 s2  }
.LBB1_1:
0x16: {  	p1 =	sge.u32 s12, s5  }
0x17: {  	s15 =	sxor.u32 @!p1 $0xFFFFFFFF, s12  }
0x18: {  	s16 =	sshll.u32 @!p1 s11, $0x10;
	s18 =	simm.s32 @!p1 $0x40;
	s15 =	sshll.u32 @!p1 s15, $0xE  }
0x19: {  	s19 =	simm.s32 @!p1 $0x80;
	s17 =	sadd.s32 @!p1 s16, s6;
	s15 =	sand.u32 @!p1 $0x4000, s15  }
0x1a: {  	[tilespmem:s15], [sflag:$0x1] =	stream.strided.gather @!p1 [hbm4b:s17+s18], $0x2000, s19, s18, $0x38;
	[tilespmem:$0x10100] =	vst v63  }
0x1b: {  	s31 =	sadd.s32 $0xFFFFFFFF, s12;
	s16 =	sadd.s32 @!p1 s16, s7;
	s15 =	sor.u32 @!p1 $0x2000, s15  }
0x1c: {  	[tilespmem:s15], [sflag:$0x1] =	stream.strided.gather @!p1 [hbm4b:s16+s18], $0x2000, s19, s18, $0x38;
	[tilespmem:$0x10100] =	vst v63  }
0x1d: {  	p1 =	sge.u32 s31, s5  }
.Ltmp2:
0x1e: {  	_ = 	snop;
	(pc) =	sbr.rel @p1 .LBB1_7-.Ltmp2, $1  }
0x1f: {  	_ =	sdelay $0x3  }
0x20: {  	s15 =	simm.s32 $0x1;
	s17 =	sand.u32 $0x1, s12  }
0x21: {  	_ =	swait.ge [sflag:s4], $0x4000;
	s15 =	simm.s32 @!p0 $0x0;
	s17 =	smul.u32 $0x10200, s17  }
0x22: {  	p2 =	por $0x1, $0x1;
	[sflag:s4] =	ssyncset.done $0x0;
	s16 =	smul.u32 $0x10200, s15  }
0x23: {  	s18 =	sshll.u32 s15, $0x10;
	[sflag:s4] =	ssyncadd.s32 $0xFFFFC000;
	s30 =	sshrl.u32 s17, $0x2  }
0x24: {  	s31 =	sshrl.u32 s18, $0x2;
	s18 =	simm.s32 $0x0;
	s16 =	sshrl.u32 s16, $0x2  }
0x25: {  	s15 =	sor.u32 $0x8000, s30;
	s17 =	sadd.s32 $0x20, s31;
	s16 =	sor.u32 $0x8000, s16  }
.LBB1_3:
0x26: {  	s19 =	sshll.u32 s18, $0xD  }
0x27: {  	s19 =	sand.u32 $0x3FFFE000, s19  }
0x28: {  	s21 =	sadd.s32 s19, s17  }
0x29: {  	s31 =	smul.u32 $0x8100, s18;
	v3 =	vld [tilespmem:s21+$0x10]  }
0x2a: {  	v1 =	vld [tilespmem:s21+$0xFFFFFFF0]  }
0x2b: {  	s18 =	sshra.s32 s31, $0x2;
	v0 =	vld [tilespmem:s21+$0x0]  }
0x2c: {  	s18 =	sadd.s32 s18, s16;
	v2 =	vld [tilespmem:s21+$0xFFFFFFE0]  }
0x2d: {  	s19 =	sadd.s32 $0x0, s18  }
0x2e: {  	p1 =	por p2, p2;
	s20 =	simm.s32 $0x4;
	s21 =	sadd.s32 $0x40, s21;
	[tilespmem:s19+$0x1830 ss:$0x81] =	vst.msk $0xffff, v3  }
.LBB1_4:
0x2f: {  	v3 =	vld [tilespmem:s21+$0x10];
	p2 =	sne.s32 s20, $0x1FC;
	[tilespmem:s19+$0x810 ss:$0x81] =	vst.msk $0xffff, v1;
	s22 =	smov.u32 s20;
	s20 =	sadd.s32 $0x4, s20  }
.Ltmp3:
0x30: {  	v1 =	vld [tilespmem:s21+$0xFFFFFFF0];
	[tilespmem:s19+$0x1020 ss:$0x81] =	vst.msk $0xffff, v0;
	(pc) =	sbr.rel @p2 .LBB1_4-.Ltmp3, $4  }
0x31: {  	v0 =	vld [tilespmem:s21+$0x0];
	[tilespmem:s19+$0x0 ss:$0x81] =	vst.msk $0xffff, v2  }
0x32: {  	s19 =	sshra.s32 s22, $0x2;
	v2 =	vld [tilespmem:s21+$0xFFFFFFE0]  }
0x33: {  	s19 =	sadd.s32 s19, s18  }
0x34: {  	s21 =	sadd.s32 $0x40, s21;
	[tilespmem:s19+$0x1830 ss:$0x81] =	vst.msk $0xffff, v3  }
.Ltmp4:
0x35: {  	(pc) =	sbr.rel @p1 .LBB1_3-.Ltmp4, $4  }
0x36: {  	_ = 	snop  }
0x37: {  	[tilespmem:s19+$0x810 ss:$0x81] =	vst.msk $0xffff, v1  }
0x38: {  	[tilespmem:s19+$0x1020 ss:$0x81] =	vst.msk $0xffff, v0  }
0x39: {  	s18 =	simm.s32 $0x1;
	p2 =	por $0x0, $0x0;
	[tilespmem:s19+$0x0 ss:$0x81] =	vst.msk $0xffff, v2  }
.Ltmp5:
0x3a: {  	(pc) =	sbr.rel .LBB1_7-.Ltmp5, $4  }
0x3b: {  	s14 =	sshll.u32 s14, $0xF  }
0x3c: {  	s14 =	sadd.s32 s3, s14  }
0x3d: {  	s13 =	sadd.s32 s13, s14  }
0x3e: {  	[hbm4b:s13+s9] =	stream.strided.scatter [tilespmem:s15], [sflag:$0x2], $0x4000, s10, s9, $0x20;
	[tilespmem:$0x10100] =	vst v63  }
.LBB1_8:
0x3f: {  	_ =	sfence.sel $0x180000  }
0x40: {  	s2 =	simm.s32 $0x1;
	[bflag:$0x0] =	sbarrier.arrive $0xFFFF  }
0x41: {  	s31 =	simm.s32 $0x2;
	[sflag:s2] =	ssyncpa.u1 $0x1  }
0x42: {  	[sflag:s31] =	ssyncpa.u1 $0x1  }
0x43: {  	p0 =	sne.s32 s0, $0x0;
	_ =	strace $0x9000004D  }
0x44: {  	s0 =	sadd.s32 @!p0 $0x100000, s1;
	[bflag:$0x2] =	sbarrier.arrive $0xFFFF  }
0x45: {  	[sflag:s0] =	ssyncadd.tile.s32 @!p0 $0x1;
	_ =	shalt  }
.Lfunc_end1:
_tile_overlayer_lowered:
.L_overlay_start_2:
0x46: {  	(tag) =	ssettag $0x2  }
0x47: {  	s0 =	rddreg [dreg:$0x0];
	s2 =	stileid.u32  }
0x48: {  	s1 =	rddreg [dreg:$0x1];
	p0 =	sne.s32 s2, $0x0  }
0x49: {  	s3 =	rddreg [dreg:$0x2];
	[bflag:$0x3] =	sbarrier.arrive $0xFFFF;
	s2 =	simm.s32 @!p0 $0x1C01  }
0x4a: {  	[timem:s3], [sflag:s2] =	dma.local @!p0 [hbm:s0], s1  }
0x4b: {  	s0 =	simm.s32 @!p0 $0x1  }
0x4c: {  	_ =	swait.ge @!p0 [sflag:s0], s1  }
0x4d: {  	s1 =	ssub.s32 @!p0 $0x0, s1;
	[sflag:s0] =	ssyncset.done @!p0 $0x0  }
0x4e: {  	[sflag:s0] =	ssyncadd.s32 @!p0 s1  }
0x4f: {  	[bflag:$0x3] =	sbarrier.arrive $0xFFFF  }
0x50: {  	_ =	shalt  }

</sc_bundles>
